<compile_context>
chip_gen: v7x
topology: tpu7x:2x2x1
jax: 0.10.2.dev20260603
libtpu: 0.0.44.dev20260713+nightly
codegen_flags: <defaults>
</compile_context>

<pallas_src>
import functools

import jax
import jax.numpy as jnp
from jax import lax
from jax.experimental import pallas as pl
from jax.experimental.pallas import tpu as pltpu
from jax.experimental.pallas import tpu_sc as plsc

N = 50000
E = 800000
HEADS = 4
HID = 16
OUT_DIM = 6

CHUNK = 12500
NRANGE = 2
ACC_ROWS = 12544
EB = 128
EP = 851968
NTILES = 16
EDGES_PER_TILE = EP // NTILES
NBLK = EDGES_PER_TILE // EB
ROWS_PER_TILE = ACC_ROWS // NTILES
ZROWS = 16
BT = 2000
GRID = N // BT


def _leaky_exp(a, b):
    s = a + b
    return jnp.exp(jnp.where(s > 0, s, 0.2 * s))


def _make_edge_pass(width, nheads, nbuf):
    mesh = plsc.VectorSubcoreMesh(core_axis_name="c", subcore_axis_name="s")
    nsteps = NBLK // nbuf

    slot_scratch = [
        pltpu.VMEM((EB,), jnp.int32),
        pltpu.VMEM((EB,), jnp.int32),
        pltpu.VMEM((EB,), jnp.int32),
        pltpu.VMEM((EB,), jnp.int32),
        pltpu.VMEM((EB,), jnp.int32),
        pltpu.VMEM((EB, width), jnp.float32),
        pltpu.VMEM((EB, 16), jnp.float32),
        pltpu.VMEM((EB, width), jnp.float32),
        pltpu.SemaphoreType.DMA,
        pltpu.SemaphoreType.DMA,
    ]
    nslot = len(slot_scratch)

    @functools.partial(
        pl.kernel,
        mesh=mesh,
        out_type=jax.ShapeDtypeStruct((2 * NRANGE, ACC_ROWS, width),
                                      jnp.float32),
        compiler_params=pltpu.CompilerParams(use_tc_tiling_on_sc=False),
        scratch_types=(slot_scratch * nbuf) + [
            pltpu.VMEM((ZROWS, width), jnp.float32),
            pltpu.VMEM_SHARED((ACC_ROWS, width), jnp.float32),
        ],
    )
    def edge_pass(tabs, tabd, srcs, dsts, out_hbm, *refs):
        slots = [refs[i * nslot:(i + 1) * nslot] for i in range(nbuf)]
        zbuf, acc = refs[nbuf * nslot], refs[nbuf * nslot + 1]
        c = lax.axis_index("c")
        s = lax.axis_index("s")
        z16 = jnp.zeros((16,), jnp.float32)

        def zrow(r, _):
            for k in range(width // 16):
                zbuf[r, pl.ds(16 * k, 16)] = z16
            return _
        lax.fori_loop(0, ZROWS, zrow, None)

        rowbase = s * ROWS_PER_TILE
        ebase = s * EDGES_PER_TILE
        lane = lax.iota(jnp.int32, 16)

        def issue_ids(b, blk):
            ids_s, ids_d, _, _, _, _, _, _, _, isem = slots[b]
            estart = ebase + blk * EB
            pltpu.async_copy(srcs.at[pl.ds(estart, EB)], ids_s, isem)
            pltpu.async_copy(dsts.at[pl.ds(estart, EB)], ids_d, isem)

        def wait_ids(b):
            ids_s, ids_d, _, _, _, _, _, _, _, isem = slots[b]
            pltpu.make_async_copy(srcs.at[pl.ds(0, EB)], ids_s, isem).wait()
            pltpu.make_async_copy(dsts.at[pl.ds(0, EB)], ids_d, isem).wait()

        def issue_gathers(b):
            _, _, gsx, gdx, _, srows, drows, _, gsem, _ = slots[b]
            pltpu.async_copy(tabs.at[gsx], srows, gsem)
            pltpu.async_copy(tabd.at[gdx], drows, gsem)

        def wait_gathers(b):
            _, _, gsx, gdx, _, srows, drows, _, gsem, _ = slots[b]
            pltpu.make_async_copy(tabs.at[gsx], srows, gsem).wait()
            pltpu.make_async_copy(tabd.at[gdx], drows, gsem).wait()

        def unpack(b, base):
            ids_s, ids_d, gsx, gdx, lidx, _, _, _, _, _ = slots[b]
            for g in range(EB // 16):
                s16 = ids_s[pl.ds(16 * g, 16)]
                d16 = ids_d[pl.ds(16 * g, 16)]
                dl = d16 - base
                own = (dl >= 0) & (dl < CHUNK)
                gsx[pl.ds(16 * g, 16)] = s16
                gdx[pl.ds(16 * g, 16)] = jnp.where(own, d16, base + CHUNK)
                lidx[pl.ds(16 * g, 16)] = jnp.where(own, dl, CHUNK)

        def compute_and_scatter(b):
            _, _, _, _, lidx, srows, drows, msg, _, _ = slots[b]

            def edge_body(e, _):
                if nheads == 4:
                    ea = srows[e, pl.ds(64, 16)]
                    eb = drows[e, pl.ds(0, 16)]
                    exv = _leaky_exp(ea, eb)
                    msg[e, pl.ds(64, 16)] = jnp.where(lane < 4, exv, 0.0)
                    for h in range(4):
                        msg[e, pl.ds(16 * h, 16)] = (
                            srows[e, pl.ds(16 * h, 16)] * exv[h])
                else:
                    av = srows[e, pl.ds(0, 16)]
                    bv = drows[e, pl.ds(0, 16)]
                    sc = av[7] + bv[0]
                    sc = jnp.where(sc > 0, sc, 0.2 * sc)
                    exv = jnp.exp(jnp.broadcast_to(sc, (16,)))
                    msg[e, pl.ds(0, 16)] = av * exv
                return _
            lax.fori_loop(0, EB, edge_body, None)
            pltpu.sync_copy(msg, acc.at[lidx], add=True)

        for rng in range(NRANGE):
            slab = c * NRANGE + rng
            base = slab * CHUNK

            def zacc(i, _):
                pltpu.sync_copy(zbuf,
                                acc.at[pl.ds(rowbase + i * ZROWS, ZROWS)])
                return _
            lax.fori_loop(0, ROWS_PER_TILE // ZROWS, zacc, None)

            plsc.subcore_barrier()

            def step(it, _):
                handles = []
                for b in range(nbuf):
                    (ids_s, ids_d, gsx, gdx, lidx, srows, drows, msg,
                     gsem, isem) = slots[b]
                    estart = ebase + (it * nbuf + b) * EB
                    pltpu.sync_copy(srcs.at[pl.ds(estart, EB)], ids_s)
                    pltpu.sync_copy(dsts.at[pl.ds(estart, EB)], ids_d)
                    cp1 = pltpu.async_copy(tabs.at[ids_s], srows, gsem)
                    cp2 = pltpu.async_copy(tabd.at[ids_d], drows, isem)
                    for g in range(EB // 16):
                        d16 = ids_d[pl.ds(16 * g, 16)]
                        dl = d16 - base
                        own = (dl >= 0) & (dl < CHUNK)
                        lidx[pl.ds(16 * g, 16)] = jnp.where(own, dl, CHUNK)
                    handles.append((cp1, cp2))
                for b in range(nbuf):
                    cp1, cp2 = handles[b]
                    cp1.wait()
                    cp2.wait()
                    compute_and_scatter(b)
                return _
            lax.fori_loop(0, nsteps, step, None)

            plsc.subcore_barrier()
            pltpu.sync_copy(acc.at[pl.ds(rowbase, ROWS_PER_TILE)],
                            out_hbm.at[slab, pl.ds(rowbase, ROWS_PER_TILE)])

    return edge_pass


_edge_pass_cache = {}


def _edge_pass(width, nheads, nbuf):
    key = (width, nheads)
    if key not in _edge_pass_cache:
        _edge_pass_cache[key] = _make_edge_pass(width, nheads, nbuf)
    return _edge_pass_cache[key]


def _dense1_body(x_ref, w_ref, as_ref, ad_ref, ts_ref, td_ref):
    h = jnp.dot(x_ref[...], w_ref[...], preferred_element_type=jnp.float32)
    asv = as_ref[0:1, :]
    adv = ad_ref[0:1, :]
    acols = []
    dcols = []
    for hh in range(HEADS):
        sl = slice(16 * hh, 16 * (hh + 1))
        acols.append(jnp.sum(h[:, sl] * asv[:, sl], axis=1, keepdims=True))
        dcols.append(jnp.sum(h[:, sl] * adv[:, sl], axis=1, keepdims=True))
    z12 = jnp.zeros((BT, 12), jnp.float32)
    ts_ref[...] = jnp.concatenate([h] + acols + [z12], axis=1)
    td_ref[...] = jnp.concatenate(dcols + [z12], axis=1)


def _dense2_body(un_ref, den_ref, b1_ref, w2_ref, as_ref, ad_ref,
                 ts_ref, td_ref):
    den = den_ref[...]
    rep = jnp.concatenate(
        [jnp.broadcast_to(den[:, h:h + 1], (BT, 16)) for h in range(HEADS)],
        axis=1)
    hin = un_ref[...] / rep + b1_ref[0:1, :]
    hin = jnp.where(hin > 0, hin, jnp.exp(jnp.minimum(hin, 0.0)) - 1.0)
    h2 = jnp.dot(hin, w2_ref[...], preferred_element_type=jnp.float32)
    a2s = jnp.sum(h2 * as_ref[0:1, :], axis=1, keepdims=True)
    a2d = jnp.sum(h2 * ad_ref[0:1, :], axis=1, keepdims=True)
    ones = jnp.ones((BT, 1), jnp.float32)
    ts_ref[...] = jnp.concatenate(
        [h2[:, 0:6], ones, a2s, jnp.zeros((BT, 8), jnp.float32)], axis=1)
    td_ref[...] = jnp.concatenate(
        [a2d, jnp.zeros((BT, 15), jnp.float32)], axis=1)


def _final_body(y_ref, b2_ref, o_ref):
    y = y_ref[...]
    den = jnp.broadcast_to(y[:, 6:7], (BT, 6))
    r = y[:, 0:6] / den + b2_ref[0:1, 0:6]
    o_ref[...] = 1.0 / (1.0 + jnp.exp(-r))


def kernel(x, edge_index, W1, att_src1, att_dst1, b1, W2, att_src2,
           att_dst2, b2):
    f32 = jnp.float32
    ei = edge_index.astype(jnp.int32)
    loop = jnp.arange(N, dtype=jnp.int32)
    pad = EP - (E + N)
    srcs = jnp.concatenate([ei[0], loop, jnp.zeros((pad,), jnp.int32)])
    dsts = jnp.concatenate([ei[1], loop, jnp.full((pad,), N, jnp.int32)])

    xp = jnp.pad(x.astype(f32), ((0, 0), (0, 2)))
    w1p = jnp.pad(W1.astype(f32), ((0, 2), (0, 0)))
    as1 = jnp.pad(att_src1.astype(f32).reshape(1, 64), ((0, 7), (0, 0)))
    ad1 = jnp.pad(att_dst1.astype(f32).reshape(1, 64), ((0, 7), (0, 0)))

    tabs1, tabd1 = pl.pallas_call(
        _dense1_body,
        grid=(GRID,),
        in_specs=[
            pl.BlockSpec((BT, 8), lambda i: (i, 0)),
            pl.BlockSpec((8, 64), lambda i: (0, 0)),
            pl.BlockSpec((8, 64), lambda i: (0, 0)),
            pl.BlockSpec((8, 64), lambda i: (0, 0)),
        ],
        out_specs=[
            pl.BlockSpec((BT, 80), lambda i: (i, 0)),
            pl.BlockSpec((BT, 16), lambda i: (i, 0)),
        ],
        out_shape=[
            jax.ShapeDtypeStruct((N, 80), f32),
            jax.ShapeDtypeStruct((N, 16), f32),
        ],
    )(xp, w1p, as1, ad1)

    acc1 = _edge_pass(80, 4, 2)(
        tabs1, jnp.pad(tabd1, ((0, 16), (0, 0))), srcs, dsts)
    part1 = jnp.concatenate(
        [acc1[k, :CHUNK] for k in range(2 * NRANGE)], axis=0)
    un1 = part1[:, 0:64]
    den1 = part1[:, 64:68]

    b1p = jnp.pad(b1.astype(f32).reshape(1, 64), ((0, 7), (0, 0)))
    w2p = jnp.pad(W2.astype(f32), ((0, 0), (0, 16 - OUT_DIM)))
    as2 = jnp.pad(att_src2.astype(f32).reshape(1, OUT_DIM),
                  ((0, 7), (0, 16 - OUT_DIM)))
    ad2 = jnp.pad(att_dst2.astype(f32).reshape(1, OUT_DIM),
                  ((0, 7), (0, 16 - OUT_DIM)))

    tabs2, tabd2 = pl.pallas_call(
        _dense2_body,
        grid=(GRID,),
        in_specs=[
            pl.BlockSpec((BT, 64), lambda i: (i, 0)),
            pl.BlockSpec((BT, 4), lambda i: (i, 0)),
            pl.BlockSpec((8, 64), lambda i: (0, 0)),
            pl.BlockSpec((64, 16), lambda i: (0, 0)),
            pl.BlockSpec((8, 16), lambda i: (0, 0)),
            pl.BlockSpec((8, 16), lambda i: (0, 0)),
        ],
        out_specs=[
            pl.BlockSpec((BT, 16), lambda i: (i, 0)),
            pl.BlockSpec((BT, 16), lambda i: (i, 0)),
        ],
        out_shape=[
            jax.ShapeDtypeStruct((N, 16), f32),
            jax.ShapeDtypeStruct((N, 16), f32),
        ],
    )(un1, den1, b1p, w2p, as2, ad2)

    acc2 = _edge_pass(16, 1, 2)(
        tabs2, jnp.pad(tabd2, ((0, 16), (0, 0))), srcs, dsts)
    y = jnp.concatenate(
        [acc2[k, :CHUNK] for k in range(2 * NRANGE)], axis=0)

    b2p = jnp.pad(b2.astype(f32).reshape(1, OUT_DIM),
                  ((0, 7), (0, 16 - OUT_DIM)))
    out = pl.pallas_call(
        _final_body,
        grid=(GRID,),
        in_specs=[
            pl.BlockSpec((BT, 16), lambda i: (i, 0)),
            pl.BlockSpec((8, 16), lambda i: (0, 0)),
        ],
        out_specs=pl.BlockSpec((BT, OUT_DIM), lambda i: (i, 0)),
        out_shape=jax.ShapeDtypeStruct((N, OUT_DIM), f32),
    )(y, b2p)
    return out

# --- scband reference (transcript-rebuilt; emitter-appended) ---
"""Pipeline reference for scband-graph-attention-risk-model-19585050870159 (READ-ONLY COPY).

The authoritative reference and input builder live on the scoring server;
editing this copy changes nothing except your own understanding.
"""

import jax, jax.numpy as jnp
import numpy as np

N = 50000
E = 800000
IN_DIM = 6
HID = 16
OUT_DIM = 6
HEADS = 4


def _gat_conv(x, edge_index, W, att_src, att_dst, bias, heads, out_ch, concat, n_nodes):
    # PyG GATConv semantics (eval mode, add_self_loops=True, negative_slope=0.2)
    loop = jnp.arange(n_nodes, dtype=edge_index.dtype)
    src = jnp.concatenate([edge_index[0], loop])
    dst = jnp.concatenate([edge_index[1], loop])
    h = (x @ W).reshape(n_nodes, heads, out_ch)            # [N, H, C]
    a_src = (h * att_src).sum(-1)                           # [N, H]
    a_dst = (h * att_dst).sum(-1)                           # [N, H]
    alpha = a_src[src] + a_dst[dst]                         # [E', H]
    alpha = jax.nn.leaky_relu(alpha, 0.2)
    amax = jax.ops.segment_max(alpha, dst, num_segments=n_nodes)
    amax = jnp.where(jnp.isfinite(amax), amax, 0.0)
    ex = jnp.exp(alpha - amax[dst])
    denom = jax.ops.segment_sum(ex, dst, num_segments=n_nodes)
    alpha = ex / (denom[dst] + 1e-16)                       # softmax over incoming edges
    msg = h[src] * alpha[..., None]                         # [E', H, C]
    out = jax.ops.segment_sum(msg, dst, num_segments=n_nodes)  # [N, H, C]
    if concat:
        out = out.reshape(n_nodes, heads * out_ch)
    else:
        out = out.mean(axis=1)
    return out + bias


def setup_inputs(seed: int = 0) -> dict:
    key = jax.random.key(seed)
    ks = jax.random.split(key, 12)
    x = jax.random.normal(ks[0], (N, IN_DIM), dtype=jnp.float32)
    edge_index = jax.random.randint(ks[1], (2, E), 0, N, dtype=jnp.int64)
    s1 = 1.0 / np.sqrt(IN_DIM)
    W1 = jax.random.uniform(ks[2], (IN_DIM, HEADS * HID), minval=-s1, maxval=s1, dtype=jnp.float32)
    att_src1 = jax.random.normal(ks[3], (HEADS, HID), dtype=jnp.float32) * 0.1
    att_dst1 = jax.random.normal(ks[4], (HEADS, HID), dtype=jnp.float32) * 0.1
    b1 = jnp.zeros((HEADS * HID,), dtype=jnp.float32)
    s2 = 1.0 / np.sqrt(HEADS * HID)
    W2 = jax.random.uniform(ks[5], (HEADS * HID, OUT_DIM), minval=-s2, maxval=s2, dtype=jnp.float32)
    att_src2 = jax.random.normal(ks[6], (1, OUT_DIM), dtype=jnp.float32) * 0.1
    att_dst2 = jax.random.normal(ks[7], (1, OUT_DIM), dtype=jnp.float32) * 0.1
    b2 = jnp.zeros((OUT_DIM,), dtype=jnp.float32)
    return {"x": x, "edge_index": edge_index, "W1": W1, "att_src1": att_src1,
            "att_dst1": att_dst1, "b1": b1, "W2": W2, "att_src2": att_src2,
            "att_dst2": att_dst2, "b2": b2}


def reference(x, edge_index, W1, att_src1, att_dst1, b1, W2, att_src2, att_dst2, b2):
    h = _gat_conv(x, edge_index, W1, att_src1, att_dst1, b1, HEADS, HID, True, N)
    h = jax.nn.elu(h)
    # dropout is identity in eval mode
    h = _gat_conv(h, edge_index, W2, att_src2, att_dst2, b2, 1, OUT_DIM, False, N)
    return jax.nn.sigmoid(h)

if __name__ == "__main__":
    import jax
    _d = setup_inputs()
    print(jax.jit(kernel)(*tuple(_d.values())))

</pallas_src>

<mosaic_0001>
#map = affine_map<(d0, d1) -> (0, 0)>
#map1 = affine_map<(d0, d1) -> (0)>
#map2 = affine_map<(d0, d1) -> (0, 0, 0)>
module attributes {stable_mosaic.version = 14 : i64} {
  func.func @edge_pass(%arg0: i32, %arg1: i32, %arg2: memref<50000x80xf32, #tpu.memory_space<hbm>>, %arg3: memref<50016x16xf32, #tpu.memory_space<hbm>>, %arg4: memref<851968xi32, #tpu.memory_space<hbm>>, %arg5: memref<851968xi32, #tpu.memory_space<hbm>>, %arg6: memref<4x12544x80xf32, #tpu.memory_space<hbm>>, %arg7: memref<128xi32, #tpu.memory_space<vmem>>, %arg8: memref<128xi32, #tpu.memory_space<vmem>>, %arg9: memref<128xi32, #tpu.memory_space<vmem>>, %arg10: memref<128xi32, #tpu.memory_space<vmem>>, %arg11: memref<128xi32, #tpu.memory_space<vmem>>, %arg12: memref<128x80xf32, #tpu.memory_space<vmem>>, %arg13: memref<128x16xf32, #tpu.memory_space<vmem>>, %arg14: memref<128x80xf32, #tpu.memory_space<vmem>>, %arg15: memref<!tpu.dma_semaphore, #tpu.memory_space<semaphore_mem>>, %arg16: memref<!tpu.dma_semaphore, #tpu.memory_space<semaphore_mem>>, %arg17: memref<128xi32, #tpu.memory_space<vmem>>, %arg18: memref<128xi32, #tpu.memory_space<vmem>>, %arg19: memref<128xi32, #tpu.memory_space<vmem>>, %arg20: memref<128xi32, #tpu.memory_space<vmem>>, %arg21: memref<128xi32, #tpu.memory_space<vmem>>, %arg22: memref<128x80xf32, #tpu.memory_space<vmem>>, %arg23: memref<128x16xf32, #tpu.memory_space<vmem>>, %arg24: memref<128x80xf32, #tpu.memory_space<vmem>>, %arg25: memref<!tpu.dma_semaphore, #tpu.memory_space<semaphore_mem>>, %arg26: memref<!tpu.dma_semaphore, #tpu.memory_space<semaphore_mem>>, %arg27: memref<16x80xf32, #tpu.memory_space<vmem>>, %arg28: memref<12544x80xf32, #tpu.memory_space<vmem_shared>>) attributes {dimension_semantics = [#tpu.dimension_semantics<core_parallel>, #tpu.dimension_semantics<subcore_parallel>], iteration_bounds = array<i64: 2, 16>, scalar_prefetch = 0 : i64, scratch_operands = 22 : i64, tpu.core_type = #tpu.core_type<sc_vector_subcore>, window_params = [{transform_indices = #map}, {transform_indices = #map}, {transform_indices = #map1}, {transform_indices = #map1}, {transform_indices = #map2}]} {
    %broadcast_in_dim3A = arith.constant 0.000000e+00 : f32
    %broadcast_in_dim3A_0 = vector.broadcast %broadcast_in_dim3A : f32 to vector<16xf32>
    %scan3A = arith.constant 0 : i32
    %scan3A_1 = arith.constant 16 : i32
    %scan3A_2 = arith.addi %scan3A, %scan3A_1 : i32
    %scan3A_3 = arith.constant 1 : i32
    scf.for %scan3A_42 = %scan3A to %scan3A_2 step %scan3A_3  : i32 {
      %swap3A = arith.index_cast %scan3A_42 : i32 to index
      %swap3A_43 = arith.constant 0 : index
      %swap3A_44 = tpu.vector_load %arg27[%swap3A, %swap3A_43] {strides = array<i32>} : memref<16x80xf32, #tpu.memory_space<vmem>>, vector<1x16xf32>,
      %swap3A_45 = vector.shape_cast %swap3A_44 : vector<1x16xf32> to vector<16xf32>
      %swap3A_46 = vector.shape_cast %broadcast_in_dim3A_0 : vector<16xf32> to vector<1x16xf32>
      tpu.vector_store %arg27[%swap3A, %swap3A_43], %swap3A_46 {strides = array<i32>} : memref<16x80xf32, #tpu.memory_space<vmem>>, vector<1x16xf32>,
      %swap3A_47 = arith.index_cast %scan3A_42 : i32 to index
      %swap3A_48 = arith.constant 16 : index
      %swap3A_49 = tpu.vector_load %arg27[%swap3A_47, %swap3A_48] {strides = array<i32>} : memref<16x80xf32, #tpu.memory_space<vmem>>, vector<1x16xf32>,
      %swap3A_50 = vector.shape_cast %swap3A_49 : vector<1x16xf32> to vector<16xf32>
      %swap3A_51 = vector.shape_cast %broadcast_in_dim3A_0 : vector<16xf32> to vector<1x16xf32>
      tpu.vector_store %arg27[%swap3A_47, %swap3A_48], %swap3A_51 {strides = array<i32>} : memref<16x80xf32, #tpu.memory_space<vmem>>, vector<1x16xf32>,
      %swap3A_52 = arith.index_cast %scan3A_42 : i32 to index
      %swap3A_53 = arith.constant 32 : index
      %swap3A_54 = tpu.vector_load %arg27[%swap3A_52, %swap3A_53] {strides = array<i32>} : memref<16x80xf32, #tpu.memory_space<vmem>>, vector<1x16xf32>,
      %swap3A_55 = vector.shape_cast %swap3A_54 : vector<1x16xf32> to vector<16xf32>
      %swap3A_56 = vector.shape_cast %broadcast_in_dim3A_0 : vector<16xf32> to vector<1x16xf32>
      tpu.vector_store %arg27[%swap3A_52, %swap3A_53], %swap3A_56 {strides = array<i32>} : memref<16x80xf32, #tpu.memory_space<vmem>>, vector<1x16xf32>,
      %swap3A_57 = arith.index_cast %scan3A_42 : i32 to index
      %swap3A_58 = arith.constant 48 : index
      %swap3A_59 = tpu.vector_load %arg27[%swap3A_57, %swap3A_58] {strides = array<i32>} : memref<16x80xf32, #tpu.memory_space<vmem>>, vector<1x16xf32>,
      %swap3A_60 = vector.shape_cast %swap3A_59 : vector<1x16xf32> to vector<16xf32>
      %swap3A_61 = vector.shape_cast %broadcast_in_dim3A_0 : vector<16xf32> to vector<1x16xf32>
      tpu.vector_store %arg27[%swap3A_57, %swap3A_58], %swap3A_61 {strides = array<i32>} : memref<16x80xf32, #tpu.memory_space<vmem>>, vector<1x16xf32>,
      %swap3A_62 = arith.index_cast %scan3A_42 : i32 to index
      %swap3A_63 = arith.constant 64 : index
      %swap3A_64 = tpu.vector_load %arg27[%swap3A_62, %swap3A_63] {strides = array<i32>} : memref<16x80xf32, #tpu.memory_space<vmem>>, vector<1x16xf32>,
      %swap3A_65 = vector.shape_cast %swap3A_64 : vector<1x16xf32> to vector<16xf32>
      %swap3A_66 = vector.shape_cast %broadcast_in_dim3A_0 : vector<16xf32> to vector<1x16xf32>
      tpu.vector_store %arg27[%swap3A_62, %swap3A_63], %swap3A_66 {strides = array<i32>} : memref<16x80xf32, #tpu.memory_space<vmem>>, vector<1x16xf32>,
    }
    %scan3A_4 = arith.constant 16 : i32
    %mul3A = arith.constant 784 : i32
    %mul3A_5 = arith.muli %arg1, %mul3A : i32
    %mul3A_6 = arith.constant 53248 : i32
    %mul3A_7 = arith.muli %arg1, %mul3A_6 : i32
    %iota3A = tpu.iota {dimensions = array<i32: 0>} : vector<16xi32>
    %mul3A_8 = arith.constant 2 : i32
    %mul3A_9 = arith.muli %arg0, %mul3A_8 : i32
    %add3A = arith.constant 0 : i32
    %add3A_10 = arith.addi %mul3A_9, %add3A : i32
    %mul3A_11 = arith.constant 12500 : i32
    %mul3A_12 = arith.muli %add3A_10, %mul3A_11 : i32
    %scan3A_13 = arith.constant 0 : i32
    %scan3A_14 = arith.constant 49 : i32
    %scan3A_15 = arith.addi %scan3A_13, %scan3A_14 : i32
    %scan3A_16 = arith.constant 1 : i32
    scf.for %scan3A_42 = %scan3A_13 to %scan3A_15 step %scan3A_16  : i32 {
      %mul3A_43 = arith.constant 16 : i32
      %mul3A_44 = arith.muli %scan3A_42, %mul3A_43 : i32
      %add3A_45 = arith.addi %mul3A_5, %mul3A_44 : i32
      "tpu.region"() ({
        %run_scoped3A = tpu.sem_alloc : memref<!tpu.dma_semaphore, #tpu.memory_space<semaphore_mem>>
        %dma_start3A = arith.constant 0 : i32
        %dma_start3A_46 = tpu.memref_slice %arg28[%add3A_45, %dma_start3A] : memref<12544x80xf32, #tpu.memory_space<vmem_shared>> -> memref<16x80xf32, #tpu.memory_space<vmem_shared>>
        %dma_start3A_47 = arith.constant 0 : i32
        %dma_start3A_48 = tpu.memref_slice %arg28[%add3A_45, %dma_start3A_47] : memref<12544x80xf32, #tpu.memory_space<vmem_shared>> -> memref<16x80xf32, #tpu.memory_space<vmem_shared>>
        tpu.enqueue_dma source(%arg27 : memref<16x80xf32, #tpu.memory_space<vmem>>) target(%dma_start3A_48 : memref<16x80xf32, #tpu.memory_space<vmem_shared>>) target_semaphore(%run_scoped3A : memref<!tpu.dma_semaphore, #tpu.memory_space<semaphore_mem>>)
        %dma_wait3A = arith.constant 0 : i32
        %dma_wait3A_49 = tpu.memref_slice %arg28[%add3A_45, %dma_wait3A] : memref<12544x80xf32, #tpu.memory_space<vmem_shared>> -> memref<16x80xf32, #tpu.memory_space<vmem_shared>>
        %dma_wait3A_50 = arith.constant 0 : i32
        %dma_wait3A_51 = tpu.memref_slice %arg28[%add3A_45, %dma_wait3A_50] : memref<12544x80xf32, #tpu.memory_space<vmem_shared>> -> memref<16x80xf32, #tpu.memory_space<vmem_shared>>
        tpu.wait_dma2 semaphore(%run_scoped3A : memref<!tpu.dma_semaphore, #tpu.memory_space<semaphore_mem>>) src(%arg27 : memref<16x80xf32, #tpu.memory_space<vmem>>) dst(%dma_wait3A_51 : memref<16x80xf32, #tpu.memory_space<vmem_shared>>)
        tpu.yield
      }) : () -> ()
    }
    %scan3A_17 = arith.constant 49 : i32
    %barrier3A = arith.constant 0 : index
    tpu.barrier barrier_id(%barrier3A)
    %scan3A_18 = arith.constant 0 : i32
    %scan3A_19 = arith.constant 208 : i32
    %scan3A_20 = arith.addi %scan3A_18, %scan3A_19 : i32
    %scan3A_21 = arith.constant 1 : i32
    scf.for %scan3A_42 = %scan3A_18 to %scan3A_20 step %scan3A_21  : i32 {
      %mul3A_43 = arith.constant 2 : i32
      %mul3A_44 = arith.muli %scan3A_42, %mul3A_43 : i32
      %add3A_45 = arith.constant 0 : i32
      %add3A_46 = arith.addi %mul3A_44, %add3A_45 : i32
      %mul3A_47 = arith.constant 128 : i32
      %mul3A_48 = arith.muli %add3A_46, %mul3A_47 : i32
      %add3A_49 = arith.addi %mul3A_7, %mul3A_48 : i32
      "tpu.region"() ({
        %run_scoped3A = tpu.sem_alloc : memref<!tpu.dma_semaphore, #tpu.memory_space<semaphore_mem>>
        %dma_start3A_385 = tpu.memref_slice %arg4[%add3A_49] : memref<851968xi32, #tpu.memory_space<hbm>> -> memref<128xi32, #tpu.memory_space<hbm>>
        %dma_start3A_386 = tpu.memref_slice %arg4[%add3A_49] : memref<851968xi32, #tpu.memory_space<hbm>> -> memref<128xi32, #tpu.memory_space<hbm>>
        tpu.enqueue_dma source(%dma_start3A_386 : memref<128xi32, #tpu.memory_space<hbm>>) target(%arg7 : memref<128xi32, #tpu.memory_space<vmem>>) target_semaphore(%run_scoped3A : memref<!tpu.dma_semaphore, #tpu.memory_space<semaphore_mem>>)
        %dma_wait3A_387 = tpu.memref_slice %arg4[%add3A_49] : memref<851968xi32, #tpu.memory_space<hbm>> -> memref<128xi32, #tpu.memory_space<hbm>>
        %dma_wait3A_388 = tpu.memref_slice %arg4[%add3A_49] : memref<851968xi32, #tpu.memory_space<hbm>> -> memref<128xi32, #tpu.memory_space<hbm>>
        tpu.wait_dma2 semaphore(%run_scoped3A : memref<!tpu.dma_semaphore, #tpu.memory_space<semaphore_mem>>) src(%dma_wait3A_388 : memref<128xi32, #tpu.memory_space<hbm>>) dst(%arg7 : memref<128xi32, #tpu.memory_space<vmem>>)
        tpu.yield
      }) : () -> ()
      "tpu.region"() ({
        %run_scoped3A = tpu.sem_alloc : memref<!tpu.dma_semaphore, #tpu.memory_space<semaphore_mem>>
        %dma_start3A_385 = tpu.memref_slice %arg5[%add3A_49] : memref<851968xi32, #tpu.memory_space<hbm>> -> memref<128xi32, #tpu.memory_space<hbm>>
        %dma_start3A_386 = tpu.memref_slice %arg5[%add3A_49] : memref<851968xi32, #tpu.memory_space<hbm>> -> memref<128xi32, #tpu.memory_space<hbm>>
        tpu.enqueue_dma source(%dma_start3A_386 : memref<128xi32, #tpu.memory_space<hbm>>) target(%arg8 : memref<128xi32, #tpu.memory_space<vmem>>) target_semaphore(%run_scoped3A : memref<!tpu.dma_semaphore, #tpu.memory_space<semaphore_mem>>)
        %dma_wait3A_387 = tpu.memref_slice %arg5[%add3A_49] : memref<851968xi32, #tpu.memory_space<hbm>> -> memref<128xi32, #tpu.memory_space<hbm>>
        %dma_wait3A_388 = tpu.memref_slice %arg5[%add3A_49] : memref<851968xi32, #tpu.memory_space<hbm>> -> memref<128xi32, #tpu.memory_space<hbm>>
        tpu.wait_dma2 semaphore(%run_scoped3A : memref<!tpu.dma_semaphore, #tpu.memory_space<semaphore_mem>>) src(%dma_wait3A_388 : memref<128xi32, #tpu.memory_space<hbm>>) dst(%arg8 : memref<128xi32, #tpu.memory_space<vmem>>)
        tpu.yield
      }) : () -> ()
      %dma_start3A = arith.constant 0 : i32
      %dma_start3A_50 = arith.constant 0 : i32
      %dma_start3A_51 = tpu.memref_slice %arg2[%dma_start3A, %dma_start3A_50] : memref<50000x80xf32, #tpu.memory_space<hbm>> -> memref<50000x80xf32, #tpu.memory_space<hbm>>
      tpu.enqueue_indirect_dma source(%dma_start3A_51 : memref<50000x80xf32, #tpu.memory_space<hbm>>) target(%arg12 : memref<128x80xf32, #tpu.memory_space<vmem>>) offsets(%arg7 : memref<128xi32, #tpu.memory_space<vmem>>) semaphore(%arg15 : memref<!tpu.dma_semaphore, #tpu.memory_space<semaphore_mem>>)
      %dma_start3A_52 = arith.constant 0 : i32
      %dma_start3A_53 = arith.constant 0 : i32
      %dma_start3A_54 = tpu.memref_slice %arg3[%dma_start3A_52, %dma_start3A_53] : memref<50016x16xf32, #tpu.memory_space<hbm>> -> memref<50016x16xf32, #tpu.memory_space<hbm>>
      tpu.enqueue_indirect_dma source(%dma_start3A_54 : memref<50016x16xf32, #tpu.memory_space<hbm>>) target(%arg13 : memref<128x16xf32, #tpu.memory_space<vmem>>) offsets(%arg8 : memref<128xi32, #tpu.memory_space<vmem>>) semaphore(%arg16 : memref<!tpu.dma_semaphore, #tpu.memory_space<semaphore_mem>>)
      %get3A = arith.constant 0 : index
      %get3A_55 = tpu.vector_load %arg8[%get3A] {strides = array<i32>} : memref<128xi32, #tpu.memory_space<vmem>>, vector<16xi32>,
      %get3A_56 = vector.shape_cast %get3A_55 : vector<16xi32> to vector<16xi32>
      %sub3A = vector.broadcast %mul3A_12 : i32 to vector<16xi32>
      %sub3A_57 = arith.subi %get3A_56, %sub3A : vector<16xi32>
      %ge3A = arith.constant 0 : i32
      %ge3A_58 = vector.broadcast %ge3A : i32 to vector<16xi32>
      %ge3A_59 = arith.cmpi sge, %sub3A_57, %ge3A_58 : vector<16xi32>
      %lt3A = arith.constant 12500 : i32
      %lt3A_60 = vector.broadcast %lt3A : i32 to vector<16xi32>
      %lt3A_61 = arith.cmpi slt, %sub3A_57, %lt3A_60 : vector<16xi32>
      %and3A = arith.andi %ge3A_59, %lt3A_61 : vector<16xi1>
      %jit3A = arith.constant 12500 : i32
      %broadcast_in_dim3A_62 = vector.broadcast %jit3A : i32 to vector<16xi32>
      %select_n3A = arith.select %and3A, %sub3A_57, %broadcast_in_dim3A_62 : vector<16xi1>, vector<16xi32>
      %swap3A = arith.constant 0 : index
      %swap3A_63 = tpu.vector_load %arg11[%swap3A] {strides = array<i32>} : memref<128xi32, #tpu.memory_space<vmem>>, vector<16xi32>,
      %swap3A_64 = vector.shape_cast %swap3A_63 : vector<16xi32> to vector<16xi32>
      %swap3A_65 = vector.shape_cast %select_n3A : vector<16xi32> to vector<16xi32>
      tpu.vector_store %arg11[%swap3A], %swap3A_65 {strides = array<i32>} : memref<128xi32, #tpu.memory_space<vmem>>, vector<16xi32>,
      %get3A_66 = arith.constant 16 : index
      %get3A_67 = tpu.vector_load %arg8[%get3A_66] {strides = array<i32>} : memref<128xi32, #tpu.memory_space<vmem>>, vector<16xi32>,
      %get3A_68 = vector.shape_cast %get3A_67 : vector<16xi32> to vector<16xi32>
      %sub3A_69 = vector.broadcast %mul3A_12 : i32 to vector<16xi32>
      %sub3A_70 = arith.subi %get3A_68, %sub3A_69 : vector<16xi32>
      %ge3A_71 = arith.constant 0 : i32
      %ge3A_72 = vector.broadcast %ge3A_71 : i32 to vector<16xi32>
      %ge3A_73 = arith.cmpi sge, %sub3A_70, %ge3A_72 : vector<16xi32>
      %lt3A_74 = arith.constant 12500 : i32
      %lt3A_75 = vector.broadcast %lt3A_74 : i32 to vector<16xi32>
      %lt3A_76 = arith.cmpi slt, %sub3A_70, %lt3A_75 : vector<16xi32>
      %and3A_77 = arith.andi %ge3A_73, %lt3A_76 : vector<16xi1>
      %jit3A_78 = arith.constant 12500 : i32
      %broadcast_in_dim3A_79 = vector.broadcast %jit3A_78 : i32 to vector<16xi32>
      %select_n3A_80 = arith.select %and3A_77, %sub3A_70, %broadcast_in_dim3A_79 : vector<16xi1>, vector<16xi32>
      %swap3A_81 = arith.constant 16 : index
      %swap3A_82 = tpu.vector_load %arg11[%swap3A_81] {strides = array<i32>} : memref<128xi32, #tpu.memory_space<vmem>>, vector<16xi32>,
      %swap3A_83 = vector.shape_cast %swap3A_82 : vector<16xi32> to vector<16xi32>
      %swap3A_84 = vector.shape_cast %select_n3A_80 : vector<16xi32> to vector<16xi32>
      tpu.vector_store %arg11[%swap3A_81], %swap3A_84 {strides = array<i32>} : memref<128xi32, #tpu.memory_space<vmem>>, vector<16xi32>,
      %get3A_85 = arith.constant 32 : index
      %get3A_86 = tpu.vector_load %arg8[%get3A_85] {strides = array<i32>} : memref<128xi32, #tpu.memory_space<vmem>>, vector<16xi32>,
      %get3A_87 = vector.shape_cast %get3A_86 : vector<16xi32> to vector<16xi32>
      %sub3A_88 = vector.broadcast %mul3A_12 : i32 to vector<16xi32>
      %sub3A_89 = arith.subi %get3A_87, %sub3A_88 : vector<16xi32>
      %ge3A_90 = arith.constant 0 : i32
      %ge3A_91 = vector.broadcast %ge3A_90 : i32 to vector<16xi32>
      %ge3A_92 = arith.cmpi sge, %sub3A_89, %ge3A_91 : vector<16xi32>
      %lt3A_93 = arith.constant 12500 : i32
      %lt3A_94 = vector.broadcast %lt3A_93 : i32 to vector<16xi32>
      %lt3A_95 = arith.cmpi slt, %sub3A_89, %lt3A_94 : vector<16xi32>
      %and3A_96 = arith.andi %ge3A_92, %lt3A_95 : vector<16xi1>
      %jit3A_97 = arith.constant 12500 : i32
      %broadcast_in_dim3A_98 = vector.broadcast %jit3A_97 : i32 to vector<16xi32>
      %select_n3A_99 = arith.select %and3A_96, %sub3A_89, %broadcast_in_dim3A_98 : vector<16xi1>, vector<16xi32>
      %swap3A_100 = arith.constant 32 : index
      %swap3A_101 = tpu.vector_load %arg11[%swap3A_100] {strides = array<i32>} : memref<128xi32, #tpu.memory_space<vmem>>, vector<16xi32>,
      %swap3A_102 = vector.shape_cast %swap3A_101 : vector<16xi32> to vector<16xi32>
      %swap3A_103 = vector.shape_cast %select_n3A_99 : vector<16xi32> to vector<16xi32>
      tpu.vector_store %arg11[%swap3A_100], %swap3A_103 {strides = array<i32>} : memref<128xi32, #tpu.memory_space<vmem>>, vector<16xi32>,
      %get3A_104 = arith.constant 48 : index
      %get3A_105 = tpu.vector_load %arg8[%get3A_104] {strides = array<i32>} : memref<128xi32, #tpu.memory_space<vmem>>, vector<16xi32>,
      %get3A_106 = vector.shape_cast %get3A_105 : vector<16xi32> to vector<16xi32>
      %sub3A_107 = vector.broadcast %mul3A_12 : i32 to vector<16xi32>
      %sub3A_108 = arith.subi %get3A_106, %sub3A_107 : vector<16xi32>
      %ge3A_109 = arith.constant 0 : i32
      %ge3A_110 = vector.broadcast %ge3A_109 : i32 to vector<16xi32>
      %ge3A_111 = arith.cmpi sge, %sub3A_108, %ge3A_110 : vector<16xi32>
      %lt3A_112 = arith.constant 12500 : i32
      %lt3A_113 = vector.broadcast %lt3A_112 : i32 to vector<16xi32>
      %lt3A_114 = arith.cmpi slt, %sub3A_108, %lt3A_113 : vector<16xi32>
      %and3A_115 = arith.andi %ge3A_111, %lt3A_114 : vector<16xi1>
      %jit3A_116 = arith.constant 12500 : i32
      %broadcast_in_dim3A_117 = vector.broadcast %jit3A_116 : i32 to vector<16xi32>
      %select_n3A_118 = arith.select %and3A_115, %sub3A_108, %broadcast_in_dim3A_117 : vector<16xi1>, vector<16xi32>
      %swap3A_119 = arith.constant 48 : index
      %swap3A_120 = tpu.vector_load %arg11[%swap3A_119] {strides = array<i32>} : memref<128xi32, #tpu.memory_space<vmem>>, vector<16xi32>,
      %swap3A_121 = vector.shape_cast %swap3A_120 : vector<16xi32> to vector<16xi32>
      %swap3A_122 = vector.shape_cast %select_n3A_118 : vector<16xi32> to vector<16xi32>
      tpu.vector_store %arg11[%swap3A_119], %swap3A_122 {strides = array<i32>} : memref<128xi32, #tpu.memory_space<vmem>>, vector<16xi32>,
      %get3A_123 = arith.constant 64 : index
      %get3A_124 = tpu.vector_load %arg8[%get3A_123] {strides = array<i32>} : memref<128xi32, #tpu.memory_space<vmem>>, vector<16xi32>,
      %get3A_125 = vector.shape_cast %get3A_124 : vector<16xi32> to vector<16xi32>
      %sub3A_126 = vector.broadcast %mul3A_12 : i32 to vector<16xi32>
      %sub3A_127 = arith.subi %get3A_125, %sub3A_126 : vector<16xi32>
      %ge3A_128 = arith.constant 0 : i32
      %ge3A_129 = vector.broadcast %ge3A_128 : i32 to vector<16xi32>
      %ge3A_130 = arith.cmpi sge, %sub3A_127, %ge3A_129 : vector<16xi32>
      %lt3A_131 = arith.constant 12500 : i32
      %lt3A_132 = vector.broadcast %lt3A_131 : i32 to vector<16xi32>
      %lt3A_133 = arith.cmpi slt, %sub3A_127, %lt3A_132 : vector<16xi32>
      %and3A_134 = arith.andi %ge3A_130, %lt3A_133 : vector<16xi1>
      %jit3A_135 = arith.constant 12500 : i32
      %broadcast_in_dim3A_136 = vector.broadcast %jit3A_135 : i32 to vector<16xi32>
      %select_n3A_137 = arith.select %and3A_134, %sub3A_127, %broadcast_in_dim3A_136 : vector<16xi1>, vector<16xi32>
      %swap3A_138 = arith.constant 64 : index
      %swap3A_139 = tpu.vector_load %arg11[%swap3A_138] {strides = array<i32>} : memref<128xi32, #tpu.memory_space<vmem>>, vector<16xi32>,
      %swap3A_140 = vector.shape_cast %swap3A_139 : vector<16xi32> to vector<16xi32>
      %swap3A_141 = vector.shape_cast %select_n3A_137 : vector<16xi32> to vector<16xi32>
      tpu.vector_store %arg11[%swap3A_138], %swap3A_141 {strides = array<i32>} : memref<128xi32, #tpu.memory_space<vmem>>, vector<16xi32>,
      %get3A_142 = arith.constant 80 : index
      %get3A_143 = tpu.vector_load %arg8[%get3A_142] {strides = array<i32>} : memref<128xi32, #tpu.memory_space<vmem>>, vector<16xi32>,
      %get3A_144 = vector.shape_cast %get3A_143 : vector<16xi32> to vector<16xi32>
      %sub3A_145 = vector.broadcast %mul3A_12 : i32 to vector<16xi32>
      %sub3A_146 = arith.subi %get3A_144, %sub3A_145 : vector<16xi32>
      %ge3A_147 = arith.constant 0 : i32
      %ge3A_148 = vector.broadcast %ge3A_147 : i32 to vector<16xi32>
      %ge3A_149 = arith.cmpi sge, %sub3A_146, %ge3A_148 : vector<16xi32>
      %lt3A_150 = arith.constant 12500 : i32
      %lt3A_151 = vector.broadcast %lt3A_150 : i32 to vector<16xi32>
      %lt3A_152 = arith.cmpi slt, %sub3A_146, %lt3A_151 : vector<16xi32>
      %and3A_153 = arith.andi %ge3A_149, %lt3A_152 : vector<16xi1>
      %jit3A_154 = arith.constant 12500 : i32
      %broadcast_in_dim3A_155 = vector.broadcast %jit3A_154 : i32 to vector<16xi32>
      %select_n3A_156 = arith.select %and3A_153, %sub3A_146, %broadcast_in_dim3A_155 : vector<16xi1>, vector<16xi32>
      %swap3A_157 = arith.constant 80 : index
      %swap3A_158 = tpu.vector_load %arg11[%swap3A_157] {strides = array<i32>} : memref<128xi32, #tpu.memory_space<vmem>>, vector<16xi32>,
      %swap3A_159 = vector.shape_cast %swap3A_158 : vector<16xi32> to vector<16xi32>
      %swap3A_160 = vector.shape_cast %select_n3A_156 : vector<16xi32> to vector<16xi32>
      tpu.vector_store %arg11[%swap3A_157], %swap3A_160 {strides = array<i32>} : memref<128xi32, #tpu.memory_space<vmem>>, vector<16xi32>,
      %get3A_161 = arith.constant 96 : index
      %get3A_162 = tpu.vector_load %arg8[%get3A_161] {strides = array<i32>} : memref<128xi32, #tpu.memory_space<vmem>>, vector<16xi32>,
      %get3A_163 = vector.shape_cast %get3A_162 : vector<16xi32> to vector<16xi32>
      %sub3A_164 = vector.broadcast %mul3A_12 : i32 to vector<16xi32>
      %sub3A_165 = arith.subi %get3A_163, %sub3A_164 : vector<16xi32>
      %ge3A_166 = arith.constant 0 : i32
      %ge3A_167 = vector.broadcast %ge3A_166 : i32 to vector<16xi32>
      %ge3A_168 = arith.cmpi sge, %sub3A_165, %ge3A_167 : vector<16xi32>
      %lt3A_169 = arith.constant 12500 : i32
      %lt3A_170 = vector.broadcast %lt3A_169 : i32 to vector<16xi32>
      %lt3A_171 = arith.cmpi slt, %sub3A_165, %lt3A_170 : vector<16xi32>
      %and3A_172 = arith.andi %ge3A_168, %lt3A_171 : vector<16xi1>
      %jit3A_173 = arith.constant 12500 : i32
      %broadcast_in_dim3A_174 = vector.broadcast %jit3A_173 : i32 to vector<16xi32>
      %select_n3A_175 = arith.select %and3A_172, %sub3A_165, %broadcast_in_dim3A_174 : vector<16xi1>, vector<16xi32>
      %swap3A_176 = arith.constant 96 : index
      %swap3A_177 = tpu.vector_load %arg11[%swap3A_176] {strides = array<i32>} : memref<128xi32, #tpu.memory_space<vmem>>, vector<16xi32>,
      %swap3A_178 = vector.shape_cast %swap3A_177 : vector<16xi32> to vector<16xi32>
      %swap3A_179 = vector.shape_cast %select_n3A_175 : vector<16xi32> to vector<16xi32>
      tpu.vector_store %arg11[%swap3A_176], %swap3A_179 {strides = array<i32>} : memref<128xi32, #tpu.memory_space<vmem>>, vector<16xi32>,
      %get3A_180 = arith.constant 112 : index
      %get3A_181 = tpu.vector_load %arg8[%get3A_180] {strides = array<i32>} : memref<128xi32, #tpu.memory_space<vmem>>, vector<16xi32>,
      %get3A_182 = vector.shape_cast %get3A_181 : vector<16xi32> to vector<16xi32>
      %sub3A_183 = vector.broadcast %mul3A_12 : i32 to vector<16xi32>
      %sub3A_184 = arith.subi %get3A_182, %sub3A_183 : vector<16xi32>
      %ge3A_185 = arith.constant 0 : i32
      %ge3A_186 = vector.broadcast %ge3A_185 : i32 to vector<16xi32>
      %ge3A_187 = arith.cmpi sge, %sub3A_184, %ge3A_186 : vector<16xi32>
      %lt3A_188 = arith.constant 12500 : i32
      %lt3A_189 = vector.broadcast %lt3A_188 : i32 to vector<16xi32>
      %lt3A_190 = arith.cmpi slt, %sub3A_184, %lt3A_189 : vector<16xi32>
      %and3A_191 = arith.andi %ge3A_187, %lt3A_190 : vector<16xi1>
      %jit3A_192 = arith.constant 12500 : i32
      %broadcast_in_dim3A_193 = vector.broadcast %jit3A_192 : i32 to vector<16xi32>
      %select_n3A_194 = arith.select %and3A_191, %sub3A_184, %broadcast_in_dim3A_193 : vector<16xi1>, vector<16xi32>
      %swap3A_195 = arith.constant 112 : index
      %swap3A_196 = tpu.vector_load %arg11[%swap3A_195] {strides = array<i32>} : memref<128xi32, #tpu.memory_space<vmem>>, vector<16xi32>,
      %swap3A_197 = vector.shape_cast %swap3A_196 : vector<16xi32> to vector<16xi32>
      %swap3A_198 = vector.shape_cast %select_n3A_194 : vector<16xi32> to vector<16xi32>
      tpu.vector_store %arg11[%swap3A_195], %swap3A_198 {strides = array<i32>} : memref<128xi32, #tpu.memory_space<vmem>>, vector<16xi32>,
      %mul3A_199 = arith.constant 2 : i32
      %mul3A_200 = arith.muli %scan3A_42, %mul3A_199 : i32
      %add3A_201 = arith.constant 1 : i32
      %add3A_202 = arith.addi %mul3A_200, %add3A_201 : i32
      %mul3A_203 = arith.constant 128 : i32
      %mul3A_204 = arith.muli %add3A_202, %mul3A_203 : i32
      %add3A_205 = arith.addi %mul3A_7, %mul3A_204 : i32
      "tpu.region"() ({
        %run_scoped3A = tpu.sem_alloc : memref<!tpu.dma_semaphore, #tpu.memory_space<semaphore_mem>>
        %dma_start3A_385 = tpu.memref_slice %arg4[%add3A_205] : memref<851968xi32, #tpu.memory_space<hbm>> -> memref<128xi32, #tpu.memory_space<hbm>>
        %dma_start3A_386 = tpu.memref_slice %arg4[%add3A_205] : memref<851968xi32, #tpu.memory_space<hbm>> -> memref<128xi32, #tpu.memory_space<hbm>>
        tpu.enqueue_dma source(%dma_start3A_386 : memref<128xi32, #tpu.memory_space<hbm>>) target(%arg17 : memref<128xi32, #tpu.memory_space<vmem>>) target_semaphore(%run_scoped3A : memref<!tpu.dma_semaphore, #tpu.memory_space<semaphore_mem>>)
        %dma_wait3A_387 = tpu.memref_slice %arg4[%add3A_205] : memref<851968xi32, #tpu.memory_space<hbm>> -> memref<128xi32, #tpu.memory_space<hbm>>
        %dma_wait3A_388 = tpu.memref_slice %arg4[%add3A_205] : memref<851968xi32, #tpu.memory_space<hbm>> -> memref<128xi32, #tpu.memory_space<hbm>>
        tpu.wait_dma2 semaphore(%run_scoped3A : memref<!tpu.dma_semaphore, #tpu.memory_space<semaphore_mem>>) src(%dma_wait3A_388 : memref<128xi32, #tpu.memory_space<hbm>>) dst(%arg17 : memref<128xi32, #tpu.memory_space<vmem>>)
        tpu.yield
      }) : () -> ()
      "tpu.region"() ({
        %run_scoped3A = tpu.sem_alloc : memref<!tpu.dma_semaphore, #tpu.memory_space<semaphore_mem>>
        %dma_start3A_385 = tpu.memref_slice %arg5[%add3A_205] : memref<851968xi32, #tpu.memory_space<hbm>> -> memref<128xi32, #tpu.memory_space<hbm>>
        %dma_start3A_386 = tpu.memref_slice %arg5[%add3A_205] : memref<851968xi32, #tpu.memory_space<hbm>> -> memref<128xi32, #tpu.memory_space<hbm>>
        tpu.enqueue_dma source(%dma_start3A_386 : memref<128xi32, #tpu.memory_space<hbm>>) target(%arg18 : memref<128xi32, #tpu.memory_space<vmem>>) target_semaphore(%run_scoped3A : memref<!tpu.dma_semaphore, #tpu.memory_space<semaphore_mem>>)
        %dma_wait3A_387 = tpu.memref_slice %arg5[%add3A_205] : memref<851968xi32, #tpu.memory_space<hbm>> -> memref<128xi32, #tpu.memory_space<hbm>>
        %dma_wait3A_388 = tpu.memref_slice %arg5[%add3A_205] : memref<851968xi32, #tpu.memory_space<hbm>> -> memref<128xi32, #tpu.memory_space<hbm>>
        tpu.wait_dma2 semaphore(%run_scoped3A : memref<!tpu.dma_semaphore, #tpu.memory_space<semaphore_mem>>) src(%dma_wait3A_388 : memref<128xi32, #tpu.memory_space<hbm>>) dst(%arg18 : memref<128xi32, #tpu.memory_space<vmem>>)
        tpu.yield
      }) : () -> ()
      %dma_start3A_206 = arith.constant 0 : i32
      %dma_start3A_207 = arith.constant 0 : i32
      %dma_start3A_208 = tpu.memref_slice %arg2[%dma_start3A_206, %dma_start3A_207] : memref<50000x80xf32, #tpu.memory_space<hbm>> -> memref<50000x80xf32, #tpu.memory_space<hbm>>
      tpu.enqueue_indirect_dma source(%dma_start3A_208 : memref<50000x80xf32, #tpu.memory_space<hbm>>) target(%arg22 : memref<128x80xf32, #tpu.memory_space<vmem>>) offsets(%arg17 : memref<128xi32, #tpu.memory_space<vmem>>) semaphore(%arg25 : memref<!tpu.dma_semaphore, #tpu.memory_space<semaphore_mem>>)
      %dma_start3A_209 = arith.constant 0 : i32
      %dma_start3A_210 = arith.constant 0 : i32
      %dma_start3A_211 = tpu.memref_slice %arg3[%dma_start3A_209, %dma_start3A_210] : memref<50016x16xf32, #tpu.memory_space<hbm>> -> memref<50016x16xf32, #tpu.memory_space<hbm>>
      tpu.enqueue_indirect_dma source(%dma_start3A_211 : memref<50016x16xf32, #tpu.memory_space<hbm>>) target(%arg23 : memref<128x16xf32, #tpu.memory_space<vmem>>) offsets(%arg18 : memref<128xi32, #tpu.memory_space<vmem>>) semaphore(%arg26 : memref<!tpu.dma_semaphore, #tpu.memory_space<semaphore_mem>>)
      %get3A_212 = arith.constant 0 : index
      %get3A_213 = tpu.vector_load %arg18[%get3A_212] {strides = array<i32>} : memref<128xi32, #tpu.memory_space<vmem>>, vector<16xi32>,
      %get3A_214 = vector.shape_cast %get3A_213 : vector<16xi32> to vector<16xi32>
      %sub3A_215 = vector.broadcast %mul3A_12 : i32 to vector<16xi32>
      %sub3A_216 = arith.subi %get3A_214, %sub3A_215 : vector<16xi32>
      %ge3A_217 = arith.constant 0 : i32
      %ge3A_218 = vector.broadcast %ge3A_217 : i32 to vector<16xi32>
      %ge3A_219 = arith.cmpi sge, %sub3A_216, %ge3A_218 : vector<16xi32>
      %lt3A_220 = arith.constant 12500 : i32
      %lt3A_221 = vector.broadcast %lt3A_220 : i32 to vector<16xi32>
      %lt3A_222 = arith.cmpi slt, %sub3A_216, %lt3A_221 : vector<16xi32>
      %and3A_223 = arith.andi %ge3A_219, %lt3A_222 : vector<16xi1>
      %jit3A_224 = arith.constant 12500 : i32
      %broadcast_in_dim3A_225 = vector.broadcast %jit3A_224 : i32 to vector<16xi32>
      %select_n3A_226 = arith.select %and3A_223, %sub3A_216, %broadcast_in_dim3A_225 : vector<16xi1>, vector<16xi32>
      %swap3A_227 = arith.constant 0 : index
      %swap3A_228 = tpu.vector_load %arg21[%swap3A_227] {strides = array<i32>} : memref<128xi32, #tpu.memory_space<vmem>>, vector<16xi32>,
      %swap3A_229 = vector.shape_cast %swap3A_228 : vector<16xi32> to vector<16xi32>
      %swap3A_230 = vector.shape_cast %select_n3A_226 : vector<16xi32> to vector<16xi32>
      tpu.vector_store %arg21[%swap3A_227], %swap3A_230 {strides = array<i32>} : memref<128xi32, #tpu.memory_space<vmem>>, vector<16xi32>,
      %get3A_231 = arith.constant 16 : index
      %get3A_232 = tpu.vector_load %arg18[%get3A_231] {strides = array<i32>} : memref<128xi32, #tpu.memory_space<vmem>>, vector<16xi32>,
      %get3A_233 = vector.shape_cast %get3A_232 : vector<16xi32> to vector<16xi32>
      %sub3A_234 = vector.broadcast %mul3A_12 : i32 to vector<16xi32>
      %sub3A_235 = arith.subi %get3A_233, %sub3A_234 : vector<16xi32>
      %ge3A_236 = arith.constant 0 : i32
      %ge3A_237 = vector.broadcast %ge3A_236 : i32 to vector<16xi32>
      %ge3A_238 = arith.cmpi sge, %sub3A_235, %ge3A_237 : vector<16xi32>
      %lt3A_239 = arith.constant 12500 : i32
      %lt3A_240 = vector.broadcast %lt3A_239 : i32 to vector<16xi32>
      %lt3A_241 = arith.cmpi slt, %sub3A_235, %lt3A_240 : vector<16xi32>
      %and3A_242 = arith.andi %ge3A_238, %lt3A_241 : vector<16xi1>
      %jit3A_243 = arith.constant 12500 : i32
      %broadcast_in_dim3A_244 = vector.broadcast %jit3A_243 : i32 to vector<16xi32>
      %select_n3A_245 = arith.select %and3A_242, %sub3A_235, %broadcast_in_dim3A_244 : vector<16xi1>, vector<16xi32>
      %swap3A_246 = arith.constant 16 : index
      %swap3A_247 = tpu.vector_load %arg21[%swap3A_246] {strides = array<i32>} : memref<128xi32, #tpu.memory_space<vmem>>, vector<16xi32>,
      %swap3A_248 = vector.shape_cast %swap3A_247 : vector<16xi32> to vector<16xi32>
      %swap3A_249 = vector.shape_cast %select_n3A_245 : vector<16xi32> to vector<16xi32>
      tpu.vector_store %arg21[%swap3A_246], %swap3A_249 {strides = array<i32>} : memref<128xi32, #tpu.memory_space<vmem>>, vector<16xi32>,
      %get3A_250 = arith.constant 32 : index
      %get3A_251 = tpu.vector_load %arg18[%get3A_250] {strides = array<i32>} : memref<128xi32, #tpu.memory_space<vmem>>, vector<16xi32>,
      %get3A_252 = vector.shape_cast %get3A_251 : vector<16xi32> to vector<16xi32>
      %sub3A_253 = vector.broadcast %mul3A_12 : i32 to vector<16xi32>
      %sub3A_254 = arith.subi %get3A_252, %sub3A_253 : vector<16xi32>
      %ge3A_255 = arith.constant 0 : i32
      %ge3A_256 = vector.broadcast %ge3A_255 : i32 to vector<16xi32>
      %ge3A_257 = arith.cmpi sge, %sub3A_254, %ge3A_256 : vector<16xi32>
      %lt3A_258 = arith.constant 12500 : i32
      %lt3A_259 = vector.broadcast %lt3A_258 : i32 to vector<16xi32>
      %lt3A_260 = arith.cmpi slt, %sub3A_254, %lt3A_259 : vector<16xi32>
      %and3A_261 = arith.andi %ge3A_257, %lt3A_260 : vector<16xi1>
      %jit3A_262 = arith.constant 12500 : i32
      %broadcast_in_dim3A_263 = vector.broadcast %jit3A_262 : i32 to vector<16xi32>
      %select_n3A_264 = arith.select %and3A_261, %sub3A_254, %broadcast_in_dim3A_263 : vector<16xi1>, vector<16xi32>
      %swap3A_265 = arith.constant 32 : index
      %swap3A_266 = tpu.vector_load %arg21[%swap3A_265] {strides = array<i32>} : memref<128xi32, #tpu.memory_space<vmem>>, vector<16xi32>,
      %swap3A_267 = vector.shape_cast %swap3A_266 : vector<16xi32> to vector<16xi32>
      %swap3A_268 = vector.shape_cast %select_n3A_264 : vector<16xi32> to vector<16xi32>
      tpu.vector_store %arg21[%swap3A_265], %swap3A_268 {strides = array<i32>} : memref<128xi32, #tpu.memory_space<vmem>>, vector<16xi32>,
      %get3A_269 = arith.constant 48 : index
      %get3A_270 = tpu.vector_load %arg18[%get3A_269] {strides = array<i32>} : memref<128xi32, #tpu.memory_space<vmem>>, vector<16xi32>,
      %get3A_271 = vector.shape_cast %get3A_270 : vector<16xi32> to vector<16xi32>
      %sub3A_272 = vector.broadcast %mul3A_12 : i32 to vector<16xi32>
      %sub3A_273 = arith.subi %get3A_271, %sub3A_272 : vector<16xi32>
      %ge3A_274 = arith.constant 0 : i32
      %ge3A_275 = vector.broadcast %ge3A_274 : i32 to vector<16xi32>
      %ge3A_276 = arith.cmpi sge, %sub3A_273, %ge3A_275 : vector<16xi32>
      %lt3A_277 = arith.constant 12500 : i32
      %lt3A_278 = vector.broadcast %lt3A_277 : i32 to vector<16xi32>
      %lt3A_279 = arith.cmpi slt, %sub3A_273, %lt3A_278 : vector<16xi32>
      %and3A_280 = arith.andi %ge3A_276, %lt3A_279 : vector<16xi1>
      %jit3A_281 = arith.constant 12500 : i32
      %broadcast_in_dim3A_282 = vector.broadcast %jit3A_281 : i32 to vector<16xi32>
      %select_n3A_283 = arith.select %and3A_280, %sub3A_273, %broadcast_in_dim3A_282 : vector<16xi1>, vector<16xi32>
      %swap3A_284 = arith.constant 48 : index
      %swap3A_285 = tpu.vector_load %arg21[%swap3A_284] {strides = array<i32>} : memref<128xi32, #tpu.memory_space<vmem>>, vector<16xi32>,
      %swap3A_286 = vector.shape_cast %swap3A_285 : vector<16xi32> to vector<16xi32>
      %swap3A_287 = vector.shape_cast %select_n3A_283 : vector<16xi32> to vector<16xi32>
      tpu.vector_store %arg21[%swap3A_284], %swap3A_287 {strides = array<i32>} : memref<128xi32, #tpu.memory_space<vmem>>, vector<16xi32>,
      %get3A_288 = arith.constant 64 : index
      %get3A_289 = tpu.vector_load %arg18[%get3A_288] {strides = array<i32>} : memref<128xi32, #tpu.memory_space<vmem>>, vector<16xi32>,
      %get3A_290 = vector.shape_cast %get3A_289 : vector<16xi32> to vector<16xi32>
      %sub3A_291 = vector.broadcast %mul3A_12 : i32 to vector<16xi32>
      %sub3A_292 = arith.subi %get3A_290, %sub3A_291 : vector<16xi32>
      %ge3A_293 = arith.constant 0 : i32
      %ge3A_294 = vector.broadcast %ge3A_293 : i32 to vector<16xi32>
      %ge3A_295 = arith.cmpi sge, %sub3A_292, %ge3A_294 : vector<16xi32>
      %lt3A_296 = arith.constant 12500 : i32
      %lt3A_297 = vector.broadcast %lt3A_296 : i32 to vector<16xi32>
      %lt3A_298 = arith.cmpi slt, %sub3A_292, %lt3A_297 : vector<16xi32>
      %and3A_299 = arith.andi %ge3A_295, %lt3A_298 : vector<16xi1>
      %jit3A_300 = arith.constant 12500 : i32
      %broadcast_in_dim3A_301 = vector.broadcast %jit3A_300 : i32 to vector<16xi32>
      %select_n3A_302 = arith.select %and3A_299, %sub3A_292, %broadcast_in_dim3A_301 : vector<16xi1>, vector<16xi32>
      %swap3A_303 = arith.constant 64 : index
      %swap3A_304 = tpu.vector_load %arg21[%swap3A_303] {strides = array<i32>} : memref<128xi32, #tpu.memory_space<vmem>>, vector<16xi32>,
      %swap3A_305 = vector.shape_cast %swap3A_304 : vector<16xi32> to vector<16xi32>
      %swap3A_306 = vector.shape_cast %select_n3A_302 : vector<16xi32> to vector<16xi32>
      tpu.vector_store %arg21[%swap3A_303], %swap3A_306 {strides = array<i32>} : memref<128xi32, #tpu.memory_space<vmem>>, vector<16xi32>,
      %get3A_307 = arith.constant 80 : index
      %get3A_308 = tpu.vector_load %arg18[%get3A_307] {strides = array<i32>} : memref<128xi32, #tpu.memory_space<vmem>>, vector<16xi32>,
      %get3A_309 = vector.shape_cast %get3A_308 : vector<16xi32> to vector<16xi32>
      %sub3A_310 = vector.broadcast %mul3A_12 : i32 to vector<16xi32>
      %sub3A_311 = arith.subi %get3A_309, %sub3A_310 : vector<16xi32>
      %ge3A_312 = arith.constant 0 : i32
      %ge3A_313 = vector.broadcast %ge3A_312 : i32 to vector<16xi32>
      %ge3A_314 = arith.cmpi sge, %sub3A_311, %ge3A_313 : vector<16xi32>
      %lt3A_315 = arith.constant 12500 : i32
      %lt3A_316 = vector.broadcast %lt3A_315 : i32 to vector<16xi32>
      %lt3A_317 = arith.cmpi slt, %sub3A_311, %lt3A_316 : vector<16xi32>
      %and3A_318 = arith.andi %ge3A_314, %lt3A_317 : vector<16xi1>
      %jit3A_319 = arith.constant 12500 : i32
      %broadcast_in_dim3A_320 = vector.broadcast %jit3A_319 : i32 to vector<16xi32>
      %select_n3A_321 = arith.select %and3A_318, %sub3A_311, %broadcast_in_dim3A_320 : vector<16xi1>, vector<16xi32>
      %swap3A_322 = arith.constant 80 : index
      %swap3A_323 = tpu.vector_load %arg21[%swap3A_322] {strides = array<i32>} : memref<128xi32, #tpu.memory_space<vmem>>, vector<16xi32>,
      %swap3A_324 = vector.shape_cast %swap3A_323 : vector<16xi32> to vector<16xi32>
      %swap3A_325 = vector.shape_cast %select_n3A_321 : vector<16xi32> to vector<16xi32>
      tpu.vector_store %arg21[%swap3A_322], %swap3A_325 {strides = array<i32>} : memref<128xi32, #tpu.memory_space<vmem>>, vector<16xi32>,
      %get3A_326 = arith.constant 96 : index
      %get3A_327 = tpu.vector_load %arg18[%get3A_326] {strides = array<i32>} : memref<128xi32, #tpu.memory_space<vmem>>, vector<16xi32>,
      %get3A_328 = vector.shape_cast %get3A_327 : vector<16xi32> to vector<16xi32>
      %sub3A_329 = vector.broadcast %mul3A_12 : i32 to vector<16xi32>
      %sub3A_330 = arith.subi %get3A_328, %sub3A_329 : vector<16xi32>
      %ge3A_331 = arith.constant 0 : i32
      %ge3A_332 = vector.broadcast %ge3A_331 : i32 to vector<16xi32>
      %ge3A_333 = arith.cmpi sge, %sub3A_330, %ge3A_332 : vector<16xi32>
      %lt3A_334 = arith.constant 12500 : i32
      %lt3A_335 = vector.broadcast %lt3A_334 : i32 to vector<16xi32>
      %lt3A_336 = arith.cmpi slt, %sub3A_330, %lt3A_335 : vector<16xi32>
      %and3A_337 = arith.andi %ge3A_333, %lt3A_336 : vector<16xi1>
      %jit3A_338 = arith.constant 12500 : i32
      %broadcast_in_dim3A_339 = vector.broadcast %jit3A_338 : i32 to vector<16xi32>
      %select_n3A_340 = arith.select %and3A_337, %sub3A_330, %broadcast_in_dim3A_339 : vector<16xi1>, vector<16xi32>
      %swap3A_341 = arith.constant 96 : index
      %swap3A_342 = tpu.vector_load %arg21[%swap3A_341] {strides = array<i32>} : memref<128xi32, #tpu.memory_space<vmem>>, vector<16xi32>,
      %swap3A_343 = vector.shape_cast %swap3A_342 : vector<16xi32> to vector<16xi32>
      %swap3A_344 = vector.shape_cast %select_n3A_340 : vector<16xi32> to vector<16xi32>
      tpu.vector_store %arg21[%swap3A_341], %swap3A_344 {strides = array<i32>} : memref<128xi32, #tpu.memory_space<vmem>>, vector<16xi32>,
      %get3A_345 = arith.constant 112 : index
      %get3A_346 = tpu.vector_load %arg18[%get3A_345] {strides = array<i32>} : memref<128xi32, #tpu.memory_space<vmem>>, vector<16xi32>,
      %get3A_347 = vector.shape_cast %get3A_346 : vector<16xi32> to vector<16xi32>
      %sub3A_348 = vector.broadcast %mul3A_12 : i32 to vector<16xi32>
      %sub3A_349 = arith.subi %get3A_347, %sub3A_348 : vector<16xi32>
      %ge3A_350 = arith.constant 0 : i32
      %ge3A_351 = vector.broadcast %ge3A_350 : i32 to vector<16xi32>
      %ge3A_352 = arith.cmpi sge, %sub3A_349, %ge3A_351 : vector<16xi32>
      %lt3A_353 = arith.constant 12500 : i32
      %lt3A_354 = vector.broadcast %lt3A_353 : i32 to vector<16xi32>
      %lt3A_355 = arith.cmpi slt, %sub3A_349, %lt3A_354 : vector<16xi32>
      %and3A_356 = arith.andi %ge3A_352, %lt3A_355 : vector<16xi1>
      %jit3A_357 = arith.constant 12500 : i32
      %broadcast_in_dim3A_358 = vector.broadcast %jit3A_357 : i32 to vector<16xi32>
      %select_n3A_359 = arith.select %and3A_356, %sub3A_349, %broadcast_in_dim3A_358 : vector<16xi1>, vector<16xi32>
      %swap3A_360 = arith.constant 112 : index
      %swap3A_361 = tpu.vector_load %arg21[%swap3A_360] {strides = array<i32>} : memref<128xi32, #tpu.memory_space<vmem>>, vector<16xi32>,
      %swap3A_362 = vector.shape_cast %swap3A_361 : vector<16xi32> to vector<16xi32>
      %swap3A_363 = vector.shape_cast %select_n3A_359 : vector<16xi32> to vector<16xi32>
      tpu.vector_store %arg21[%swap3A_360], %swap3A_363 {strides = array<i32>} : memref<128xi32, #tpu.memory_space<vmem>>, vector<16xi32>,
      %dma_wait3A = arith.constant 0 : i32
      %dma_wait3A_364 = arith.constant 0 : i32
      %dma_wait3A_365 = tpu.memref_slice %arg2[%dma_wait3A, %dma_wait3A_364] : memref<50000x80xf32, #tpu.memory_space<hbm>> -> memref<50000x80xf32, #tpu.memory_space<hbm>>
      tpu.wait_indirect_dma semaphore(%arg15 : memref<!tpu.dma_semaphore, #tpu.memory_space<semaphore_mem>>) src(%dma_wait3A_365 : memref<50000x80xf32, #tpu.memory_space<hbm>>) dst(%arg12 : memref<128x80xf32, #tpu.memory_space<vmem>>)
      %dma_wait3A_366 = arith.constant 0 : i32
      %dma_wait3A_367 = arith.constant 0 : i32
      %dma_wait3A_368 = tpu.memref_slice %arg3[%dma_wait3A_366, %dma_wait3A_367] : memref<50016x16xf32, #tpu.memory_space<hbm>> -> memref<50016x16xf32, #tpu.memory_space<hbm>>
      tpu.wait_indirect_dma semaphore(%arg16 : memref<!tpu.dma_semaphore, #tpu.memory_space<semaphore_mem>>) src(%dma_wait3A_368 : memref<50016x16xf32, #tpu.memory_space<hbm>>) dst(%arg13 : memref<128x16xf32, #tpu.memory_space<vmem>>)
      %scan3A_369 = arith.constant 0 : i32
      %scan3A_370 = arith.constant 128 : i32
      %scan3A_371 = arith.addi %scan3A_369, %scan3A_370 : i32
      %scan3A_372 = arith.constant 1 : i32
      scf.for %scan3A_385 = %scan3A_369 to %scan3A_371 step %scan3A_372  : i32 {
        %get3A_386 = arith.index_cast %scan3A_385 : i32 to index
        %get3A_387 = arith.constant 64 : index
        %get3A_388 = tpu.vector_load %arg12[%get3A_386, %get3A_387] {strides = array<i32>} : memref<128x80xf32, #tpu.memory_space<vmem>>, vector<1x16xf32>,
        %get3A_389 = vector.shape_cast %get3A_388 : vector<1x16xf32> to vector<16xf32>
        %get3A_390 = arith.index_cast %scan3A_385 : i32 to index
        %get3A_391 = arith.constant 0 : index
        %get3A_392 = tpu.vector_load %arg13[%get3A_390, %get3A_391] {strides = array<i32>} : memref<128x16xf32, #tpu.memory_space<vmem>>, vector<1x16xf32>,
        %get3A_393 = vector.shape_cast %get3A_392 : vector<1x16xf32> to vector<16xf32>
        %add3A_394 = arith.addf %get3A_389, %get3A_393 : vector<16xf32>
        %gt3A = arith.constant 0.000000e+00 : f32
        %gt3A_395 = vector.broadcast %gt3A : f32 to vector<16xf32>
        %gt3A_396 = arith.cmpf ogt, %add3A_394, %gt3A_395 : vector<16xf32>
        %mul3A_397 = arith.constant 2.000000e-01 : f32
        %mul3A_398 = vector.broadcast %mul3A_397 : f32 to vector<16xf32>
        %mul3A_399 = arith.mulf %mul3A_398, %add3A_394 : vector<16xf32>
        %select_n3A_400 = arith.select %gt3A_396, %add3A_394, %mul3A_399 : vector<16xi1>, vector<16xf32>
        %exp3A = math.exp %select_n3A_400 : vector<16xf32>
        %lt3A_401 = arith.constant 4 : i32
        %lt3A_402 = vector.broadcast %lt3A_401 : i32 to vector<16xi32>
        %lt3A_403 = arith.cmpi slt, %iota3A, %lt3A_402 : vector<16xi32>
        %jit3A_404 = arith.constant 0.000000e+00 : f32
        %broadcast_in_dim3A_405 = vector.broadcast %jit3A_404 : f32 to vector<16xf32>
        %select_n3A_406 = arith.select %lt3A_403, %exp3A, %broadcast_in_dim3A_405 : vector<16xi1>, vector<16xf32>
        %swap3A_407 = arith.index_cast %scan3A_385 : i32 to index
        %swap3A_408 = arith.constant 64 : index
        %swap3A_409 = tpu.vector_load %arg14[%swap3A_407, %swap3A_408] {strides = array<i32>} : memref<128x80xf32, #tpu.memory_space<vmem>>, vector<1x16xf32>,
        %swap3A_410 = vector.shape_cast %swap3A_409 : vector<1x16xf32> to vector<16xf32>
        %swap3A_411 = vector.shape_cast %select_n3A_406 : vector<16xf32> to vector<1x16xf32>
        tpu.vector_store %arg14[%swap3A_407, %swap3A_408], %swap3A_411 {strides = array<i32>} : memref<128x80xf32, #tpu.memory_space<vmem>>, vector<1x16xf32>,
        %get3A_412 = arith.index_cast %scan3A_385 : i32 to index
        %get3A_413 = arith.constant 0 : index
        %get3A_414 = tpu.vector_load %arg12[%get3A_412, %get3A_413] {strides = array<i32>} : memref<128x80xf32, #tpu.memory_space<vmem>>, vector<1x16xf32>,
        %get3A_415 = vector.shape_cast %get3A_414 : vector<1x16xf32> to vector<16xf32>
        %slice3A = vector.extract_strided_slice %exp3A {offsets = [0], sizes = [1], strides = [1]} : vector<16xf32> to vector<1xf32>
        %squeeze3A = vector.extract %slice3A[0] : f32 from vector<1xf32>
        %mul3A_416 = vector.broadcast %squeeze3A : f32 to vector<16xf32>
        %mul3A_417 = arith.mulf %get3A_415, %mul3A_416 : vector<16xf32>
        %swap3A_418 = arith.index_cast %scan3A_385 : i32 to index
        %swap3A_419 = arith.constant 0 : index
        %swap3A_420 = tpu.vector_load %arg14[%swap3A_418, %swap3A_419] {strides = array<i32>} : memref<128x80xf32, #tpu.memory_space<vmem>>, vector<1x16xf32>,
        %swap3A_421 = vector.shape_cast %swap3A_420 : vector<1x16xf32> to vector<16xf32>
        %swap3A_422 = vector.shape_cast %mul3A_417 : vector<16xf32> to vector<1x16xf32>
        tpu.vector_store %arg14[%swap3A_418, %swap3A_419], %swap3A_422 {strides = array<i32>} : memref<128x80xf32, #tpu.memory_space<vmem>>, vector<1x16xf32>,
        %get3A_423 = arith.index_cast %scan3A_385 : i32 to index
        %get3A_424 = arith.constant 16 : index
        %get3A_425 = tpu.vector_load %arg12[%get3A_423, %get3A_424] {strides = array<i32>} : memref<128x80xf32, #tpu.memory_space<vmem>>, vector<1x16xf32>,
        %get3A_426 = vector.shape_cast %get3A_425 : vector<1x16xf32> to vector<16xf32>
        %slice3A_427 = vector.extract_strided_slice %exp3A {offsets = [1], sizes = [1], strides = [1]} : vector<16xf32> to vector<1xf32>
        %squeeze3A_428 = vector.extract %slice3A_427[0] : f32 from vector<1xf32>
        %mul3A_429 = vector.broadcast %squeeze3A_428 : f32 to vector<16xf32>
        %mul3A_430 = arith.mulf %get3A_426, %mul3A_429 : vector<16xf32>
        %swap3A_431 = arith.index_cast %scan3A_385 : i32 to index
        %swap3A_432 = arith.constant 16 : index
        %swap3A_433 = tpu.vector_load %arg14[%swap3A_431, %swap3A_432] {strides = array<i32>} : memref<128x80xf32, #tpu.memory_space<vmem>>, vector<1x16xf32>,
        %swap3A_434 = vector.shape_cast %swap3A_433 : vector<1x16xf32> to vector<16xf32>
        %swap3A_435 = vector.shape_cast %mul3A_430 : vector<16xf32> to vector<1x16xf32>
        tpu.vector_store %arg14[%swap3A_431, %swap3A_432], %swap3A_435 {strides = array<i32>} : memref<128x80xf32, #tpu.memory_space<vmem>>, vector<1x16xf32>,
        %get3A_436 = arith.index_cast %scan3A_385 : i32 to index
        %get3A_437 = arith.constant 32 : index
        %get3A_438 = tpu.vector_load %arg12[%get3A_436, %get3A_437] {strides = array<i32>} : memref<128x80xf32, #tpu.memory_space<vmem>>, vector<1x16xf32>,
        %get3A_439 = vector.shape_cast %get3A_438 : vector<1x16xf32> to vector<16xf32>
        %slice3A_440 = vector.extract_strided_slice %exp3A {offsets = [2], sizes = [1], strides = [1]} : vector<16xf32> to vector<1xf32>
        %squeeze3A_441 = vector.extract %slice3A_440[0] : f32 from vector<1xf32>
        %mul3A_442 = vector.broadcast %squeeze3A_441 : f32 to vector<16xf32>
        %mul3A_443 = arith.mulf %get3A_439, %mul3A_442 : vector<16xf32>
        %swap3A_444 = arith.index_cast %scan3A_385 : i32 to index
        %swap3A_445 = arith.constant 32 : index
        %swap3A_446 = tpu.vector_load %arg14[%swap3A_444, %swap3A_445] {strides = array<i32>} : memref<128x80xf32, #tpu.memory_space<vmem>>, vector<1x16xf32>,
        %swap3A_447 = vector.shape_cast %swap3A_446 : vector<1x16xf32> to vector<16xf32>
        %swap3A_448 = vector.shape_cast %mul3A_443 : vector<16xf32> to vector<1x16xf32>
        tpu.vector_store %arg14[%swap3A_444, %swap3A_445], %swap3A_448 {strides = array<i32>} : memref<128x80xf32, #tpu.memory_space<vmem>>, vector<1x16xf32>,
        %get3A_449 = arith.index_cast %scan3A_385 : i32 to index
        %get3A_450 = arith.constant 48 : index
        %get3A_451 = tpu.vector_load %arg12[%get3A_449, %get3A_450] {strides = array<i32>} : memref<128x80xf32, #tpu.memory_space<vmem>>, vector<1x16xf32>,
        %get3A_452 = vector.shape_cast %get3A_451 : vector<1x16xf32> to vector<16xf32>
        %slice3A_453 = vector.extract_strided_slice %exp3A {offsets = [3], sizes = [1], strides = [1]} : vector<16xf32> to vector<1xf32>
        %squeeze3A_454 = vector.extract %slice3A_453[0] : f32 from vector<1xf32>
        %mul3A_455 = vector.broadcast %squeeze3A_454 : f32 to vector<16xf32>
        %mul3A_456 = arith.mulf %get3A_452, %mul3A_455 : vector<16xf32>
        %swap3A_457 = arith.index_cast %scan3A_385 : i32 to index
        %swap3A_458 = arith.constant 48 : index
        %swap3A_459 = tpu.vector_load %arg14[%swap3A_457, %swap3A_458] {strides = array<i32>} : memref<128x80xf32, #tpu.memory_space<vmem>>, vector<1x16xf32>,
        %swap3A_460 = vector.shape_cast %swap3A_459 : vector<1x16xf32> to vector<16xf32>
        %swap3A_461 = vector.shape_cast %mul3A_456 : vector<16xf32> to vector<1x16xf32>
        tpu.vector_store %arg14[%swap3A_457, %swap3A_458], %swap3A_461 {strides = array<i32>} : memref<128x80xf32, #tpu.memory_space<vmem>>, vector<1x16xf32>,
      }
      %scan3A_373 = arith.constant 128 : i32
      "tpu.region"() ({
        %run_scoped3A = tpu.sem_alloc : memref<!tpu.dma_semaphore, #tpu.memory_space<semaphore_mem>>
        %dma_start3A_385 = arith.constant 0 : i32
        %dma_start3A_386 = arith.constant 0 : i32
        %dma_start3A_387 = tpu.memref_slice %arg28[%dma_start3A_385, %dma_start3A_386] : memref<12544x80xf32, #tpu.memory_space<vmem_shared>> -> memref<12544x80xf32, #tpu.memory_space<vmem_shared>>
        tpu.enqueue_indirect_dma source(%arg14 : memref<128x80xf32, #tpu.memory_space<vmem>>) target(%dma_start3A_387 : memref<12544x80xf32, #tpu.memory_space<vmem_shared>>) offsets(%arg11 : memref<128xi32, #tpu.memory_space<vmem>>) semaphore(%run_scoped3A : memref<!tpu.dma_semaphore, #tpu.memory_space<semaphore_mem>>) {add = true}
        %dma_wait3A_388 = arith.constant 0 : i32
        %dma_wait3A_389 = arith.constant 0 : i32
        %dma_wait3A_390 = tpu.memref_slice %arg28[%dma_wait3A_388, %dma_wait3A_389] : memref<12544x80xf32, #tpu.memory_space<vmem_shared>> -> memref<12544x80xf32, #tpu.memory_space<vmem_shared>>
        tpu.wait_indirect_dma semaphore(%run_scoped3A : memref<!tpu.dma_semaphore, #tpu.memory_space<semaphore_mem>>) src(%arg14 : memref<128x80xf32, #tpu.memory_space<vmem>>) dst(%dma_wait3A_390 : memref<12544x80xf32, #tpu.memory_space<vmem_shared>>)
        tpu.yield
      }) : () -> ()
      %dma_wait3A_374 = arith.constant 0 : i32
      %dma_wait3A_375 = arith.constant 0 : i32
      %dma_wait3A_376 = tpu.memref_slice %arg2[%dma_wait3A_374, %dma_wait3A_375] : memref<50000x80xf32, #tpu.memory_space<hbm>> -> memref<50000x80xf32, #tpu.memory_space<hbm>>
      tpu.wait_indirect_dma semaphore(%arg25 : memref<!tpu.dma_semaphore, #tpu.memory_space<semaphore_mem>>) src(%dma_wait3A_376 : memref<50000x80xf32, #tpu.memory_space<hbm>>) dst(%arg22 : memref<128x80xf32, #tpu.memory_space<vmem>>)
      %dma_wait3A_377 = arith.constant 0 : i32
      %dma_wait3A_378 = arith.constant 0 : i32
      %dma_wait3A_379 = tpu.memref_slice %arg3[%dma_wait3A_377, %dma_wait3A_378] : memref<50016x16xf32, #tpu.memory_space<hbm>> -> memref<50016x16xf32, #tpu.memory_space<hbm>>
      tpu.wait_indirect_dma semaphore(%arg26 : memref<!tpu.dma_semaphore, #tpu.memory_space<semaphore_mem>>) src(%dma_wait3A_379 : memref<50016x16xf32, #tpu.memory_space<hbm>>) dst(%arg23 : memref<128x16xf32, #tpu.memory_space<vmem>>)
      %scan3A_380 = arith.constant 0 : i32
      %scan3A_381 = arith.constant 128 : i32
      %scan3A_382 = arith.addi %scan3A_380, %scan3A_381 : i32
      %scan3A_383 = arith.constant 1 : i32
      scf.for %scan3A_385 = %scan3A_380 to %scan3A_382 step %scan3A_383  : i32 {
        %get3A_386 = arith.index_cast %scan3A_385 : i32 to index
        %get3A_387 = arith.constant 64 : index
        %get3A_388 = tpu.vector_load %arg22[%get3A_386, %get3A_387] {strides = array<i32>} : memref<128x80xf32, #tpu.memory_space<vmem>>, vector<1x16xf32>,
        %get3A_389 = vector.shape_cast %get3A_388 : vector<1x16xf32> to vector<16xf32>
        %get3A_390 = arith.index_cast %scan3A_385 : i32 to index
        %get3A_391 = arith.constant 0 : index
        %get3A_392 = tpu.vector_load %arg23[%get3A_390, %get3A_391] {strides = array<i32>} : memref<128x16xf32, #tpu.memory_space<vmem>>, vector<1x16xf32>,
        %get3A_393 = vector.shape_cast %get3A_392 : vector<1x16xf32> to vector<16xf32>
        %add3A_394 = arith.addf %get3A_389, %get3A_393 : vector<16xf32>
        %gt3A = arith.constant 0.000000e+00 : f32
        %gt3A_395 = vector.broadcast %gt3A : f32 to vector<16xf32>
        %gt3A_396 = arith.cmpf ogt, %add3A_394, %gt3A_395 : vector<16xf32>
        %mul3A_397 = arith.constant 2.000000e-01 : f32
        %mul3A_398 = vector.broadcast %mul3A_397 : f32 to vector<16xf32>
        %mul3A_399 = arith.mulf %mul3A_398, %add3A_394 : vector<16xf32>
        %select_n3A_400 = arith.select %gt3A_396, %add3A_394, %mul3A_399 : vector<16xi1>, vector<16xf32>
        %exp3A = math.exp %select_n3A_400 : vector<16xf32>
        %lt3A_401 = arith.constant 4 : i32
        %lt3A_402 = vector.broadcast %lt3A_401 : i32 to vector<16xi32>
        %lt3A_403 = arith.cmpi slt, %iota3A, %lt3A_402 : vector<16xi32>
        %jit3A_404 = arith.constant 0.000000e+00 : f32
        %broadcast_in_dim3A_405 = vector.broadcast %jit3A_404 : f32 to vector<16xf32>
        %select_n3A_406 = arith.select %lt3A_403, %exp3A, %broadcast_in_dim3A_405 : vector<16xi1>, vector<16xf32>
        %swap3A_407 = arith.index_cast %scan3A_385 : i32 to index
        %swap3A_408 = arith.constant 64 : index
        %swap3A_409 = tpu.vector_load %arg24[%swap3A_407, %swap3A_408] {strides = array<i32>} : memref<128x80xf32, #tpu.memory_space<vmem>>, vector<1x16xf32>,
        %swap3A_410 = vector.shape_cast %swap3A_409 : vector<1x16xf32> to vector<16xf32>
        %swap3A_411 = vector.shape_cast %select_n3A_406 : vector<16xf32> to vector<1x16xf32>
        tpu.vector_store %arg24[%swap3A_407, %swap3A_408], %swap3A_411 {strides = array<i32>} : memref<128x80xf32, #tpu.memory_space<vmem>>, vector<1x16xf32>,
        %get3A_412 = arith.index_cast %scan3A_385 : i32 to index
        %get3A_413 = arith.constant 0 : index
        %get3A_414 = tpu.vector_load %arg22[%get3A_412, %get3A_413] {strides = array<i32>} : memref<128x80xf32, #tpu.memory_space<vmem>>, vector<1x16xf32>,
        %get3A_415 = vector.shape_cast %get3A_414 : vector<1x16xf32> to vector<16xf32>
        %slice3A = vector.extract_strided_slice %exp3A {offsets = [0], sizes = [1], strides = [1]} : vector<16xf32> to vector<1xf32>
        %squeeze3A = vector.extract %slice3A[0] : f32 from vector<1xf32>
        %mul3A_416 = vector.broadcast %squeeze3A : f32 to vector<16xf32>
        %mul3A_417 = arith.mulf %get3A_415, %mul3A_416 : vector<16xf32>
        %swap3A_418 = arith.index_cast %scan3A_385 : i32 to index
        %swap3A_419 = arith.constant 0 : index
        %swap3A_420 = tpu.vector_load %arg24[%swap3A_418, %swap3A_419] {strides = array<i32>} : memref<128x80xf32, #tpu.memory_space<vmem>>, vector<1x16xf32>,
        %swap3A_421 = vector.shape_cast %swap3A_420 : vector<1x16xf32> to vector<16xf32>
        %swap3A_422 = vector.shape_cast %mul3A_417 : vector<16xf32> to vector<1x16xf32>
        tpu.vector_store %arg24[%swap3A_418, %swap3A_419], %swap3A_422 {strides = array<i32>} : memref<128x80xf32, #tpu.memory_space<vmem>>, vector<1x16xf32>,
        %get3A_423 = arith.index_cast %scan3A_385 : i32 to index
        %get3A_424 = arith.constant 16 : index
        %get3A_425 = tpu.vector_load %arg22[%get3A_423, %get3A_424] {strides = array<i32>} : memref<128x80xf32, #tpu.memory_space<vmem>>, vector<1x16xf32>,
        %get3A_426 = vector.shape_cast %get3A_425 : vector<1x16xf32> to vector<16xf32>
        %slice3A_427 = vector.extract_strided_slice %exp3A {offsets = [1], sizes = [1], strides = [1]} : vector<16xf32> to vector<1xf32>
        %squeeze3A_428 = vector.extract %slice3A_427[0] : f32 from vector<1xf32>
        %mul3A_429 = vector.broadcast %squeeze3A_428 : f32 to vector<16xf32>
        %mul3A_430 = arith.mulf %get3A_426, %mul3A_429 : vector<16xf32>
        %swap3A_431 = arith.index_cast %scan3A_385 : i32 to index
        %swap3A_432 = arith.constant 16 : index
        %swap3A_433 = tpu.vector_load %arg24[%swap3A_431, %swap3A_432] {strides = array<i32>} : memref<128x80xf32, #tpu.memory_space<vmem>>, vector<1x16xf32>,
        %swap3A_434 = vector.shape_cast %swap3A_433 : vector<1x16xf32> to vector<16xf32>
        %swap3A_435 = vector.shape_cast %mul3A_430 : vector<16xf32> to vector<1x16xf32>
        tpu.vector_store %arg24[%swap3A_431, %swap3A_432], %swap3A_435 {strides = array<i32>} : memref<128x80xf32, #tpu.memory_space<vmem>>, vector<1x16xf32>,
        %get3A_436 = arith.index_cast %scan3A_385 : i32 to index
        %get3A_437 = arith.constant 32 : index
        %get3A_438 = tpu.vector_load %arg22[%get3A_436, %get3A_437] {strides = array<i32>} : memref<128x80xf32, #tpu.memory_space<vmem>>, vector<1x16xf32>,
        %get3A_439 = vector.shape_cast %get3A_438 : vector<1x16xf32> to vector<16xf32>
        %slice3A_440 = vector.extract_strided_slice %exp3A {offsets = [2], sizes = [1], strides = [1]} : vector<16xf32> to vector<1xf32>
        %squeeze3A_441 = vector.extract %slice3A_440[0] : f32 from vector<1xf32>
        %mul3A_442 = vector.broadcast %squeeze3A_441 : f32 to vector<16xf32>
        %mul3A_443 = arith.mulf %get3A_439, %mul3A_442 : vector<16xf32>
        %swap3A_444 = arith.index_cast %scan3A_385 : i32 to index
        %swap3A_445 = arith.constant 32 : index
        %swap3A_446 = tpu.vector_load %arg24[%swap3A_444, %swap3A_445] {strides = array<i32>} : memref<128x80xf32, #tpu.memory_space<vmem>>, vector<1x16xf32>,
        %swap3A_447 = vector.shape_cast %swap3A_446 : vector<1x16xf32> to vector<16xf32>
        %swap3A_448 = vector.shape_cast %mul3A_443 : vector<16xf32> to vector<1x16xf32>
        tpu.vector_store %arg24[%swap3A_444, %swap3A_445], %swap3A_448 {strides = array<i32>} : memref<128x80xf32, #tpu.memory_space<vmem>>, vector<1x16xf32>,
        %get3A_449 = arith.index_cast %scan3A_385 : i32 to index
        %get3A_450 = arith.constant 48 : index
        %get3A_451 = tpu.vector_load %arg22[%get3A_449, %get3A_450] {strides = array<i32>} : memref<128x80xf32, #tpu.memory_space<vmem>>, vector<1x16xf32>,
        %get3A_452 = vector.shape_cast %get3A_451 : vector<1x16xf32> to vector<16xf32>
        %slice3A_453 = vector.extract_strided_slice %exp3A {offsets = [3], sizes = [1], strides = [1]} : vector<16xf32> to vector<1xf32>
        %squeeze3A_454 = vector.extract %slice3A_453[0] : f32 from vector<1xf32>
        %mul3A_455 = vector.broadcast %squeeze3A_454 : f32 to vector<16xf32>
        %mul3A_456 = arith.mulf %get3A_452, %mul3A_455 : vector<16xf32>
        %swap3A_457 = arith.index_cast %scan3A_385 : i32 to index
        %swap3A_458 = arith.constant 48 : index
        %swap3A_459 = tpu.vector_load %arg24[%swap3A_457, %swap3A_458] {strides = array<i32>} : memref<128x80xf32, #tpu.memory_space<vmem>>, vector<1x16xf32>,
        %swap3A_460 = vector.shape_cast %swap3A_459 : vector<1x16xf32> to vector<16xf32>
        %swap3A_461 = vector.shape_cast %mul3A_456 : vector<16xf32> to vector<1x16xf32>
        tpu.vector_store %arg24[%swap3A_457, %swap3A_458], %swap3A_461 {strides = array<i32>} : memref<128x80xf32, #tpu.memory_space<vmem>>, vector<1x16xf32>,
      }
      %scan3A_384 = arith.constant 128 : i32
      "tpu.region"() ({
        %run_scoped3A = tpu.sem_alloc : memref<!tpu.dma_semaphore, #tpu.memory_space<semaphore_mem>>
        %dma_start3A_385 = arith.constant 0 : i32
        %dma_start3A_386 = arith.constant 0 : i32
        %dma_start3A_387 = tpu.memref_slice %arg28[%dma_start3A_385, %dma_start3A_386] : memref<12544x80xf32, #tpu.memory_space<vmem_shared>> -> memref<12544x80xf32, #tpu.memory_space<vmem_shared>>
        tpu.enqueue_indirect_dma source(%arg24 : memref<128x80xf32, #tpu.memory_space<vmem>>) target(%dma_start3A_387 : memref<12544x80xf32, #tpu.memory_space<vmem_shared>>) offsets(%arg21 : memref<128xi32, #tpu.memory_space<vmem>>) semaphore(%run_scoped3A : memref<!tpu.dma_semaphore, #tpu.memory_space<semaphore_mem>>) {add = true}
        %dma_wait3A_388 = arith.constant 0 : i32
        %dma_wait3A_389 = arith.constant 0 : i32
        %dma_wait3A_390 = tpu.memref_slice %arg28[%dma_wait3A_388, %dma_wait3A_389] : memref<12544x80xf32, #tpu.memory_space<vmem_shared>> -> memref<12544x80xf32, #tpu.memory_space<vmem_shared>>
        tpu.wait_indirect_dma semaphore(%run_scoped3A : memref<!tpu.dma_semaphore, #tpu.memory_space<semaphore_mem>>) src(%arg24 : memref<128x80xf32, #tpu.memory_space<vmem>>) dst(%dma_wait3A_390 : memref<12544x80xf32, #tpu.memory_space<vmem_shared>>)
        tpu.yield
      }) : () -> ()
    }
    %scan3A_22 = arith.constant 208 : i32
    %barrier3A_23 = arith.constant 0 : index
    tpu.barrier barrier_id(%barrier3A_23)
    "tpu.region"() ({
      %run_scoped3A = tpu.sem_alloc : memref<!tpu.dma_semaphore, #tpu.memory_space<semaphore_mem>>
      %dma_start3A = arith.constant 0 : i32
      %dma_start3A_42 = tpu.memref_slice %arg6[%add3A_10, %mul3A_5, %dma_start3A] : memref<4x12544x80xf32, #tpu.memory_space<hbm>> -> memref<1x784x80xf32, #tpu.memory_space<hbm>>
      %dma_start3A_43 = tpu.memref_squeeze %dma_start3A_42 : memref<1x784x80xf32, #tpu.memory_space<hbm>> -> memref<784x80xf32, #tpu.memory_space<hbm>>
      %dma_start3A_44 = arith.constant 0 : i32
      %dma_start3A_45 = tpu.memref_slice %arg28[%mul3A_5, %dma_start3A_44] : memref<12544x80xf32, #tpu.memory_space<vmem_shared>> -> memref<784x80xf32, #tpu.memory_space<vmem_shared>>
      tpu.enqueue_dma source(%dma_start3A_45 : memref<784x80xf32, #tpu.memory_space<vmem_shared>>) target(%dma_start3A_43 : memref<784x80xf32, #tpu.memory_space<hbm>>) target_semaphore(%run_scoped3A : memref<!tpu.dma_semaphore, #tpu.memory_space<semaphore_mem>>)
      %dma_wait3A = arith.constant 0 : i32
      %dma_wait3A_46 = tpu.memref_slice %arg6[%add3A_10, %mul3A_5, %dma_wait3A] : memref<4x12544x80xf32, #tpu.memory_space<hbm>> -> memref<1x784x80xf32, #tpu.memory_space<hbm>>
      %dma_wait3A_47 = tpu.memref_squeeze %dma_wait3A_46 : memref<1x784x80xf32, #tpu.memory_space<hbm>> -> memref<784x80xf32, #tpu.memory_space<hbm>>
      %dma_wait3A_48 = arith.constant 0 : i32
      %dma_wait3A_49 = tpu.memref_slice %arg28[%mul3A_5, %dma_wait3A_48] : memref<12544x80xf32, #tpu.memory_space<vmem_shared>> -> memref<784x80xf32, #tpu.memory_space<vmem_shared>>
      tpu.wait_dma2 semaphore(%run_scoped3A : memref<!tpu.dma_semaphore, #tpu.memory_space<semaphore_mem>>) src(%dma_wait3A_49 : memref<784x80xf32, #tpu.memory_space<vmem_shared>>) dst(%dma_wait3A_47 : memref<784x80xf32, #tpu.memory_space<hbm>>)
      tpu.yield
    }) : () -> ()
    %mul3A_24 = arith.constant 2 : i32
    %mul3A_25 = arith.muli %arg0, %mul3A_24 : i32
    %add3A_26 = arith.constant 1 : i32
    %add3A_27 = arith.addi %mul3A_25, %add3A_26 : i32
    %mul3A_28 = arith.constant 12500 : i32
    %mul3A_29 = arith.muli %add3A_27, %mul3A_28 : i32
    %scan3A_30 = arith.constant 0 : i32
    %scan3A_31 = arith.constant 49 : i32
    %scan3A_32 = arith.addi %scan3A_30, %scan3A_31 : i32
    %scan3A_33 = arith.constant 1 : i32
    scf.for %scan3A_42 = %scan3A_30 to %scan3A_32 step %scan3A_33  : i32 {
      %mul3A_43 = arith.constant 16 : i32
      %mul3A_44 = arith.muli %scan3A_42, %mul3A_43 : i32
      %add3A_45 = arith.addi %mul3A_5, %mul3A_44 : i32
      "tpu.region"() ({
        %run_scoped3A = tpu.sem_alloc : memref<!tpu.dma_semaphore, #tpu.memory_space<semaphore_mem>>
        %dma_start3A = arith.constant 0 : i32
        %dma_start3A_46 = tpu.memref_slice %arg28[%add3A_45, %dma_start3A] : memref<12544x80xf32, #tpu.memory_space<vmem_shared>> -> memref<16x80xf32, #tpu.memory_space<vmem_shared>>
        %dma_start3A_47 = arith.constant 0 : i32
        %dma_start3A_48 = tpu.memref_slice %arg28[%add3A_45, %dma_start3A_47] : memref<12544x80xf32, #tpu.memory_space<vmem_shared>> -> memref<16x80xf32, #tpu.memory_space<vmem_shared>>
        tpu.enqueue_dma source(%arg27 : memref<16x80xf32, #tpu.memory_space<vmem>>) target(%dma_start3A_48 : memref<16x80xf32, #tpu.memory_space<vmem_shared>>) target_semaphore(%run_scoped3A : memref<!tpu.dma_semaphore, #tpu.memory_space<semaphore_mem>>)
        %dma_wait3A = arith.constant 0 : i32
        %dma_wait3A_49 = tpu.memref_slice %arg28[%add3A_45, %dma_wait3A] : memref<12544x80xf32, #tpu.memory_space<vmem_shared>> -> memref<16x80xf32, #tpu.memory_space<vmem_shared>>
        %dma_wait3A_50 = arith.constant 0 : i32
        %dma_wait3A_51 = tpu.memref_slice %arg28[%add3A_45, %dma_wait3A_50] : memref<12544x80xf32, #tpu.memory_space<vmem_shared>> -> memref<16x80xf32, #tpu.memory_space<vmem_shared>>
        tpu.wait_dma2 semaphore(%run_scoped3A : memref<!tpu.dma_semaphore, #tpu.memory_space<semaphore_mem>>) src(%arg27 : memref<16x80xf32, #tpu.memory_space<vmem>>) dst(%dma_wait3A_51 : memref<16x80xf32, #tpu.memory_space<vmem_shared>>)
        tpu.yield
      }) : () -> ()
    }
    %scan3A_34 = arith.constant 49 : i32
    %barrier3A_35 = arith.constant 0 : index
    tpu.barrier barrier_id(%barrier3A_35)
    %scan3A_36 = arith.constant 0 : i32
    %scan3A_37 = arith.constant 208 : i32
    %scan3A_38 = arith.addi %scan3A_36, %scan3A_37 : i32
    %scan3A_39 = arith.constant 1 : i32
    scf.for %scan3A_42 = %scan3A_36 to %scan3A_38 step %scan3A_39  : i32 {
      %mul3A_43 = arith.constant 2 : i32
      %mul3A_44 = arith.muli %scan3A_42, %mul3A_43 : i32
      %add3A_45 = arith.constant 0 : i32
      %add3A_46 = arith.addi %mul3A_44, %add3A_45 : i32
      %mul3A_47 = arith.constant 128 : i32
      %mul3A_48 = arith.muli %add3A_46, %mul3A_47 : i32
      %add3A_49 = arith.addi %mul3A_7, %mul3A_48 : i32
      "tpu.region"() ({
        %run_scoped3A = tpu.sem_alloc : memref<!tpu.dma_semaphore, #tpu.memory_space<semaphore_mem>>
        %dma_start3A_385 = tpu.memref_slice %arg4[%add3A_49] : memref<851968xi32, #tpu.memory_space<hbm>> -> memref<128xi32, #tpu.memory_space<hbm>>
        %dma_start3A_386 = tpu.memref_slice %arg4[%add3A_49] : memref<851968xi32, #tpu.memory_space<hbm>> -> memref<128xi32, #tpu.memory_space<hbm>>
        tpu.enqueue_dma source(%dma_start3A_386 : memref<128xi32, #tpu.memory_space<hbm>>) target(%arg7 : memref<128xi32, #tpu.memory_space<vmem>>) target_semaphore(%run_scoped3A : memref<!tpu.dma_semaphore, #tpu.memory_space<semaphore_mem>>)
        %dma_wait3A_387 = tpu.memref_slice %arg4[%add3A_49] : memref<851968xi32, #tpu.memory_space<hbm>> -> memref<128xi32, #tpu.memory_space<hbm>>
        %dma_wait3A_388 = tpu.memref_slice %arg4[%add3A_49] : memref<851968xi32, #tpu.memory_space<hbm>> -> memref<128xi32, #tpu.memory_space<hbm>>
        tpu.wait_dma2 semaphore(%run_scoped3A : memref<!tpu.dma_semaphore, #tpu.memory_space<semaphore_mem>>) src(%dma_wait3A_388 : memref<128xi32, #tpu.memory_space<hbm>>) dst(%arg7 : memref<128xi32, #tpu.memory_space<vmem>>)
        tpu.yield
      }) : () -> ()
      "tpu.region"() ({
        %run_scoped3A = tpu.sem_alloc : memref<!tpu.dma_semaphore, #tpu.memory_space<semaphore_mem>>
        %dma_start3A_385 = tpu.memref_slice %arg5[%add3A_49] : memref<851968xi32, #tpu.memory_space<hbm>> -> memref<128xi32, #tpu.memory_space<hbm>>
        %dma_start3A_386 = tpu.memref_slice %arg5[%add3A_49] : memref<851968xi32, #tpu.memory_space<hbm>> -> memref<128xi32, #tpu.memory_space<hbm>>
        tpu.enqueue_dma source(%dma_start3A_386 : memref<128xi32, #tpu.memory_space<hbm>>) target(%arg8 : memref<128xi32, #tpu.memory_space<vmem>>) target_semaphore(%run_scoped3A : memref<!tpu.dma_semaphore, #tpu.memory_space<semaphore_mem>>)
        %dma_wait3A_387 = tpu.memref_slice %arg5[%add3A_49] : memref<851968xi32, #tpu.memory_space<hbm>> -> memref<128xi32, #tpu.memory_space<hbm>>
        %dma_wait3A_388 = tpu.memref_slice %arg5[%add3A_49] : memref<851968xi32, #tpu.memory_space<hbm>> -> memref<128xi32, #tpu.memory_space<hbm>>
        tpu.wait_dma2 semaphore(%run_scoped3A : memref<!tpu.dma_semaphore, #tpu.memory_space<semaphore_mem>>) src(%dma_wait3A_388 : memref<128xi32, #tpu.memory_space<hbm>>) dst(%arg8 : memref<128xi32, #tpu.memory_space<vmem>>)
        tpu.yield
      }) : () -> ()
      %dma_start3A = arith.constant 0 : i32
      %dma_start3A_50 = arith.constant 0 : i32
      %dma_start3A_51 = tpu.memref_slice %arg2[%dma_start3A, %dma_start3A_50] : memref<50000x80xf32, #tpu.memory_space<hbm>> -> memref<50000x80xf32, #tpu.memory_space<hbm>>
      tpu.enqueue_indirect_dma source(%dma_start3A_51 : memref<50000x80xf32, #tpu.memory_space<hbm>>) target(%arg12 : memref<128x80xf32, #tpu.memory_space<vmem>>) offsets(%arg7 : memref<128xi32, #tpu.memory_space<vmem>>) semaphore(%arg15 : memref<!tpu.dma_semaphore, #tpu.memory_space<semaphore_mem>>)
      %dma_start3A_52 = arith.constant 0 : i32
      %dma_start3A_53 = arith.constant 0 : i32
      %dma_start3A_54 = tpu.memref_slice %arg3[%dma_start3A_52, %dma_start3A_53] : memref<50016x16xf32, #tpu.memory_space<hbm>> -> memref<50016x16xf32, #tpu.memory_space<hbm>>
      tpu.enqueue_indirect_dma source(%dma_start3A_54 : memref<50016x16xf32, #tpu.memory_space<hbm>>) target(%arg13 : memref<128x16xf32, #tpu.memory_space<vmem>>) offsets(%arg8 : memref<128xi32, #tpu.memory_space<vmem>>) semaphore(%arg16 : memref<!tpu.dma_semaphore, #tpu.memory_space<semaphore_mem>>)
      %get3A = arith.constant 0 : index
      %get3A_55 = tpu.vector_load %arg8[%get3A] {strides = array<i32>} : memref<128xi32, #tpu.memory_space<vmem>>, vector<16xi32>,
      %get3A_56 = vector.shape_cast %get3A_55 : vector<16xi32> to vector<16xi32>
      %sub3A = vector.broadcast %mul3A_29 : i32 to vector<16xi32>
      %sub3A_57 = arith.subi %get3A_56, %sub3A : vector<16xi32>
      %ge3A = arith.constant 0 : i32
      %ge3A_58 = vector.broadcast %ge3A : i32 to vector<16xi32>
      %ge3A_59 = arith.cmpi sge, %sub3A_57, %ge3A_58 : vector<16xi32>
      %lt3A = arith.constant 12500 : i32
      %lt3A_60 = vector.broadcast %lt3A : i32 to vector<16xi32>
      %lt3A_61 = arith.cmpi slt, %sub3A_57, %lt3A_60 : vector<16xi32>
      %and3A = arith.andi %ge3A_59, %lt3A_61 : vector<16xi1>
      %jit3A = arith.constant 12500 : i32
      %broadcast_in_dim3A_62 = vector.broadcast %jit3A : i32 to vector<16xi32>
      %select_n3A = arith.select %and3A, %sub3A_57, %broadcast_in_dim3A_62 : vector<16xi1>, vector<16xi32>
      %swap3A = arith.constant 0 : index
      %swap3A_63 = tpu.vector_load %arg11[%swap3A] {strides = array<i32>} : memref<128xi32, #tpu.memory_space<vmem>>, vector<16xi32>,
      %swap3A_64 = vector.shape_cast %swap3A_63 : vector<16xi32> to vector<16xi32>
      %swap3A_65 = vector.shape_cast %select_n3A : vector<16xi32> to vector<16xi32>
      tpu.vector_store %arg11[%swap3A], %swap3A_65 {strides = array<i32>} : memref<128xi32, #tpu.memory_space<vmem>>, vector<16xi32>,
      %get3A_66 = arith.constant 16 : index
      %get3A_67 = tpu.vector_load %arg8[%get3A_66] {strides = array<i32>} : memref<128xi32, #tpu.memory_space<vmem>>, vector<16xi32>,
      %get3A_68 = vector.shape_cast %get3A_67 : vector<16xi32> to vector<16xi32>
      %sub3A_69 = vector.broadcast %mul3A_29 : i32 to vector<16xi32>
      %sub3A_70 = arith.subi %get3A_68, %sub3A_69 : vector<16xi32>
      %ge3A_71 = arith.constant 0 : i32
      %ge3A_72 = vector.broadcast %ge3A_71 : i32 to vector<16xi32>
      %ge3A_73 = arith.cmpi sge, %sub3A_70, %ge3A_72 : vector<16xi32>
      %lt3A_74 = arith.constant 12500 : i32
      %lt3A_75 = vector.broadcast %lt3A_74 : i32 to vector<16xi32>
      %lt3A_76 = arith.cmpi slt, %sub3A_70, %lt3A_75 : vector<16xi32>
      %and3A_77 = arith.andi %ge3A_73, %lt3A_76 : vector<16xi1>
      %jit3A_78 = arith.constant 12500 : i32
      %broadcast_in_dim3A_79 = vector.broadcast %jit3A_78 : i32 to vector<16xi32>
      %select_n3A_80 = arith.select %and3A_77, %sub3A_70, %broadcast_in_dim3A_79 : vector<16xi1>, vector<16xi32>
      %swap3A_81 = arith.constant 16 : index
      %swap3A_82 = tpu.vector_load %arg11[%swap3A_81] {strides = array<i32>} : memref<128xi32, #tpu.memory_space<vmem>>, vector<16xi32>,
      %swap3A_83 = vector.shape_cast %swap3A_82 : vector<16xi32> to vector<16xi32>
      %swap3A_84 = vector.shape_cast %select_n3A_80 : vector<16xi32> to vector<16xi32>
      tpu.vector_store %arg11[%swap3A_81], %swap3A_84 {strides = array<i32>} : memref<128xi32, #tpu.memory_space<vmem>>, vector<16xi32>,
      %get3A_85 = arith.constant 32 : index
      %get3A_86 = tpu.vector_load %arg8[%get3A_85] {strides = array<i32>} : memref<128xi32, #tpu.memory_space<vmem>>, vector<16xi32>,
      %get3A_87 = vector.shape_cast %get3A_86 : vector<16xi32> to vector<16xi32>
      %sub3A_88 = vector.broadcast %mul3A_29 : i32 to vector<16xi32>
      %sub3A_89 = arith.subi %get3A_87, %sub3A_88 : vector<16xi32>
      %ge3A_90 = arith.constant 0 : i32
      %ge3A_91 = vector.broadcast %ge3A_90 : i32 to vector<16xi32>
      %ge3A_92 = arith.cmpi sge, %sub3A_89, %ge3A_91 : vector<16xi32>
      %lt3A_93 = arith.constant 12500 : i32
      %lt3A_94 = vector.broadcast %lt3A_93 : i32 to vector<16xi32>
      %lt3A_95 = arith.cmpi slt, %sub3A_89, %lt3A_94 : vector<16xi32>
      %and3A_96 = arith.andi %ge3A_92, %lt3A_95 : vector<16xi1>
      %jit3A_97 = arith.constant 12500 : i32
      %broadcast_in_dim3A_98 = vector.broadcast %jit3A_97 : i32 to vector<16xi32>
      %select_n3A_99 = arith.select %and3A_96, %sub3A_89, %broadcast_in_dim3A_98 : vector<16xi1>, vector<16xi32>
      %swap3A_100 = arith.constant 32 : index
      %swap3A_101 = tpu.vector_load %arg11[%swap3A_100] {strides = array<i32>} : memref<128xi32, #tpu.memory_space<vmem>>, vector<16xi32>,
      %swap3A_102 = vector.shape_cast %swap3A_101 : vector<16xi32> to vector<16xi32>
      %swap3A_103 = vector.shape_cast %select_n3A_99 : vector<16xi32> to vector<16xi32>
      tpu.vector_store %arg11[%swap3A_100], %swap3A_103 {strides = array<i32>} : memref<128xi32, #tpu.memory_space<vmem>>, vector<16xi32>,
      %get3A_104 = arith.constant 48 : index
      %get3A_105 = tpu.vector_load %arg8[%get3A_104] {strides = array<i32>} : memref<128xi32, #tpu.memory_space<vmem>>, vector<16xi32>,
      %get3A_106 = vector.shape_cast %get3A_105 : vector<16xi32> to vector<16xi32>
      %sub3A_107 = vector.broadcast %mul3A_29 : i32 to vector<16xi32>
      %sub3A_108 = arith.subi %get3A_106, %sub3A_107 : vector<16xi32>
      %ge3A_109 = arith.constant 0 : i32
      %ge3A_110 = vector.broadcast %ge3A_109 : i32 to vector<16xi32>
      %ge3A_111 = arith.cmpi sge, %sub3A_108, %ge3A_110 : vector<16xi32>
      %lt3A_112 = arith.constant 12500 : i32
      %lt3A_113 = vector.broadcast %lt3A_112 : i32 to vector<16xi32>
      %lt3A_114 = arith.cmpi slt, %sub3A_108, %lt3A_113 : vector<16xi32>
      %and3A_115 = arith.andi %ge3A_111, %lt3A_114 : vector<16xi1>
      %jit3A_116 = arith.constant 12500 : i32
      %broadcast_in_dim3A_117 = vector.broadcast %jit3A_116 : i32 to vector<16xi32>
      %select_n3A_118 = arith.select %and3A_115, %sub3A_108, %broadcast_in_dim3A_117 : vector<16xi1>, vector<16xi32>
      %swap3A_119 = arith.constant 48 : index
      %swap3A_120 = tpu.vector_load %arg11[%swap3A_119] {strides = array<i32>} : memref<128xi32, #tpu.memory_space<vmem>>, vector<16xi32>,
      %swap3A_121 = vector.shape_cast %swap3A_120 : vector<16xi32> to vector<16xi32>
      %swap3A_122 = vector.shape_cast %select_n3A_118 : vector<16xi32> to vector<16xi32>
      tpu.vector_store %arg11[%swap3A_119], %swap3A_122 {strides = array<i32>} : memref<128xi32, #tpu.memory_space<vmem>>, vector<16xi32>,
      %get3A_123 = arith.constant 64 : index
      %get3A_124 = tpu.vector_load %arg8[%get3A_123] {strides = array<i32>} : memref<128xi32, #tpu.memory_space<vmem>>, vector<16xi32>,
      %get3A_125 = vector.shape_cast %get3A_124 : vector<16xi32> to vector<16xi32>
      %sub3A_126 = vector.broadcast %mul3A_29 : i32 to vector<16xi32>
      %sub3A_127 = arith.subi %get3A_125, %sub3A_126 : vector<16xi32>
      %ge3A_128 = arith.constant 0 : i32
      %ge3A_129 = vector.broadcast %ge3A_128 : i32 to vector<16xi32>
      %ge3A_130 = arith.cmpi sge, %sub3A_127, %ge3A_129 : vector<16xi32>
      %lt3A_131 = arith.constant 12500 : i32
      %lt3A_132 = vector.broadcast %lt3A_131 : i32 to vector<16xi32>
      %lt3A_133 = arith.cmpi slt, %sub3A_127, %lt3A_132 : vector<16xi32>
      %and3A_134 = arith.andi %ge3A_130, %lt3A_133 : vector<16xi1>
      %jit3A_135 = arith.constant 12500 : i32
      %broadcast_in_dim3A_136 = vector.broadcast %jit3A_135 : i32 to vector<16xi32>
      %select_n3A_137 = arith.select %and3A_134, %sub3A_127, %broadcast_in_dim3A_136 : vector<16xi1>, vector<16xi32>
      %swap3A_138 = arith.constant 64 : index
      %swap3A_139 = tpu.vector_load %arg11[%swap3A_138] {strides = array<i32>} : memref<128xi32, #tpu.memory_space<vmem>>, vector<16xi32>,
      %swap3A_140 = vector.shape_cast %swap3A_139 : vector<16xi32> to vector<16xi32>
      %swap3A_141 = vector.shape_cast %select_n3A_137 : vector<16xi32> to vector<16xi32>
      tpu.vector_store %arg11[%swap3A_138], %swap3A_141 {strides = array<i32>} : memref<128xi32, #tpu.memory_space<vmem>>, vector<16xi32>,
      %get3A_142 = arith.constant 80 : index
      %get3A_143 = tpu.vector_load %arg8[%get3A_142] {strides = array<i32>} : memref<128xi32, #tpu.memory_space<vmem>>, vector<16xi32>,
      %get3A_144 = vector.shape_cast %get3A_143 : vector<16xi32> to vector<16xi32>
      %sub3A_145 = vector.broadcast %mul3A_29 : i32 to vector<16xi32>
      %sub3A_146 = arith.subi %get3A_144, %sub3A_145 : vector<16xi32>
      %ge3A_147 = arith.constant 0 : i32
      %ge3A_148 = vector.broadcast %ge3A_147 : i32 to vector<16xi32>
      %ge3A_149 = arith.cmpi sge, %sub3A_146, %ge3A_148 : vector<16xi32>
      %lt3A_150 = arith.constant 12500 : i32
      %lt3A_151 = vector.broadcast %lt3A_150 : i32 to vector<16xi32>
      %lt3A_152 = arith.cmpi slt, %sub3A_146, %lt3A_151 : vector<16xi32>
      %and3A_153 = arith.andi %ge3A_149, %lt3A_152 : vector<16xi1>
      %jit3A_154 = arith.constant 12500 : i32
      %broadcast_in_dim3A_155 = vector.broadcast %jit3A_154 : i32 to vector<16xi32>
      %select_n3A_156 = arith.select %and3A_153, %sub3A_146, %broadcast_in_dim3A_155 : vector<16xi1>, vector<16xi32>
      %swap3A_157 = arith.constant 80 : index
      %swap3A_158 = tpu.vector_load %arg11[%swap3A_157] {strides = array<i32>} : memref<128xi32, #tpu.memory_space<vmem>>, vector<16xi32>,
      %swap3A_159 = vector.shape_cast %swap3A_158 : vector<16xi32> to vector<16xi32>
      %swap3A_160 = vector.shape_cast %select_n3A_156 : vector<16xi32> to vector<16xi32>
      tpu.vector_store %arg11[%swap3A_157], %swap3A_160 {strides = array<i32>} : memref<128xi32, #tpu.memory_space<vmem>>, vector<16xi32>,
      %get3A_161 = arith.constant 96 : index
      %get3A_162 = tpu.vector_load %arg8[%get3A_161] {strides = array<i32>} : memref<128xi32, #tpu.memory_space<vmem>>, vector<16xi32>,
      %get3A_163 = vector.shape_cast %get3A_162 : vector<16xi32> to vector<16xi32>
      %sub3A_164 = vector.broadcast %mul3A_29 : i32 to vector<16xi32>
      %sub3A_165 = arith.subi %get3A_163, %sub3A_164 : vector<16xi32>
      %ge3A_166 = arith.constant 0 : i32
      %ge3A_167 = vector.broadcast %ge3A_166 : i32 to vector<16xi32>
      %ge3A_168 = arith.cmpi sge, %sub3A_165, %ge3A_167 : vector<16xi32>
      %lt3A_169 = arith.constant 12500 : i32
      %lt3A_170 = vector.broadcast %lt3A_169 : i32 to vector<16xi32>
      %lt3A_171 = arith.cmpi slt, %sub3A_165, %lt3A_170 : vector<16xi32>
      %and3A_172 = arith.andi %ge3A_168, %lt3A_171 : vector<16xi1>
      %jit3A_173 = arith.constant 12500 : i32
      %broadcast_in_dim3A_174 = vector.broadcast %jit3A_173 : i32 to vector<16xi32>
      %select_n3A_175 = arith.select %and3A_172, %sub3A_165, %broadcast_in_dim3A_174 : vector<16xi1>, vector<16xi32>
      %swap3A_176 = arith.constant 96 : index
      %swap3A_177 = tpu.vector_load %arg11[%swap3A_176] {strides = array<i32>} : memref<128xi32, #tpu.memory_space<vmem>>, vector<16xi32>,
      %swap3A_178 = vector.shape_cast %swap3A_177 : vector<16xi32> to vector<16xi32>
      %swap3A_179 = vector.shape_cast %select_n3A_175 : vector<16xi32> to vector<16xi32>
      tpu.vector_store %arg11[%swap3A_176], %swap3A_179 {strides = array<i32>} : memref<128xi32, #tpu.memory_space<vmem>>, vector<16xi32>,
      %get3A_180 = arith.constant 112 : index
      %get3A_181 = tpu.vector_load %arg8[%get3A_180] {strides = array<i32>} : memref<128xi32, #tpu.memory_space<vmem>>, vector<16xi32>,
      %get3A_182 = vector.shape_cast %get3A_181 : vector<16xi32> to vector<16xi32>
      %sub3A_183 = vector.broadcast %mul3A_29 : i32 to vector<16xi32>
      %sub3A_184 = arith.subi %get3A_182, %sub3A_183 : vector<16xi32>
      %ge3A_185 = arith.constant 0 : i32
      %ge3A_186 = vector.broadcast %ge3A_185 : i32 to vector<16xi32>
      %ge3A_187 = arith.cmpi sge, %sub3A_184, %ge3A_186 : vector<16xi32>
      %lt3A_188 = arith.constant 12500 : i32
      %lt3A_189 = vector.broadcast %lt3A_188 : i32 to vector<16xi32>
      %lt3A_190 = arith.cmpi slt, %sub3A_184, %lt3A_189 : vector<16xi32>
      %and3A_191 = arith.andi %ge3A_187, %lt3A_190 : vector<16xi1>
      %jit3A_192 = arith.constant 12500 : i32
      %broadcast_in_dim3A_193 = vector.broadcast %jit3A_192 : i32 to vector<16xi32>
      %select_n3A_194 = arith.select %and3A_191, %sub3A_184, %broadcast_in_dim3A_193 : vector<16xi1>, vector<16xi32>
      %swap3A_195 = arith.constant 112 : index
      %swap3A_196 = tpu.vector_load %arg11[%swap3A_195] {strides = array<i32>} : memref<128xi32, #tpu.memory_space<vmem>>, vector<16xi32>,
      %swap3A_197 = vector.shape_cast %swap3A_196 : vector<16xi32> to vector<16xi32>
      %swap3A_198 = vector.shape_cast %select_n3A_194 : vector<16xi32> to vector<16xi32>
      tpu.vector_store %arg11[%swap3A_195], %swap3A_198 {strides = array<i32>} : memref<128xi32, #tpu.memory_space<vmem>>, vector<16xi32>,
      %mul3A_199 = arith.constant 2 : i32
      %mul3A_200 = arith.muli %scan3A_42, %mul3A_199 : i32
      %add3A_201 = arith.constant 1 : i32
      %add3A_202 = arith.addi %mul3A_200, %add3A_201 : i32
      %mul3A_203 = arith.constant 128 : i32
      %mul3A_204 = arith.muli %add3A_202, %mul3A_203 : i32
      %add3A_205 = arith.addi %mul3A_7, %mul3A_204 : i32
      "tpu.region"() ({
        %run_scoped3A = tpu.sem_alloc : memref<!tpu.dma_semaphore, #tpu.memory_space<semaphore_mem>>
        %dma_start3A_385 = tpu.memref_slice %arg4[%add3A_205] : memref<851968xi32, #tpu.memory_space<hbm>> -> memref<128xi32, #tpu.memory_space<hbm>>
        %dma_start3A_386 = tpu.memref_slice %arg4[%add3A_205] : memref<851968xi32, #tpu.memory_space<hbm>> -> memref<128xi32, #tpu.memory_space<hbm>>
        tpu.enqueue_dma source(%dma_start3A_386 : memref<128xi32, #tpu.memory_space<hbm>>) target(%arg17 : memref<128xi32, #tpu.memory_space<vmem>>) target_semaphore(%run_scoped3A : memref<!tpu.dma_semaphore, #tpu.memory_space<semaphore_mem>>)
        %dma_wait3A_387 = tpu.memref_slice %arg4[%add3A_205] : memref<851968xi32, #tpu.memory_space<hbm>> -> memref<128xi32, #tpu.memory_space<hbm>>
        %dma_wait3A_388 = tpu.memref_slice %arg4[%add3A_205] : memref<851968xi32, #tpu.memory_space<hbm>> -> memref<128xi32, #tpu.memory_space<hbm>>
        tpu.wait_dma2 semaphore(%run_scoped3A : memref<!tpu.dma_semaphore, #tpu.memory_space<semaphore_mem>>) src(%dma_wait3A_388 : memref<128xi32, #tpu.memory_space<hbm>>) dst(%arg17 : memref<128xi32, #tpu.memory_space<vmem>>)
        tpu.yield
      }) : () -> ()
      "tpu.region"() ({
        %run_scoped3A = tpu.sem_alloc : memref<!tpu.dma_semaphore, #tpu.memory_space<semaphore_mem>>
        %dma_start3A_385 = tpu.memref_slice %arg5[%add3A_205] : memref<851968xi32, #tpu.memory_space<hbm>> -> memref<128xi32, #tpu.memory_space<hbm>>
        %dma_start3A_386 = tpu.memref_slice %arg5[%add3A_205] : memref<851968xi32, #tpu.memory_space<hbm>> -> memref<128xi32, #tpu.memory_space<hbm>>
        tpu.enqueue_dma source(%dma_start3A_386 : memref<128xi32, #tpu.memory_space<hbm>>) target(%arg18 : memref<128xi32, #tpu.memory_space<vmem>>) target_semaphore(%run_scoped3A : memref<!tpu.dma_semaphore, #tpu.memory_space<semaphore_mem>>)
        %dma_wait3A_387 = tpu.memref_slice %arg5[%add3A_205] : memref<851968xi32, #tpu.memory_space<hbm>> -> memref<128xi32, #tpu.memory_space<hbm>>
        %dma_wait3A_388 = tpu.memref_slice %arg5[%add3A_205] : memref<851968xi32, #tpu.memory_space<hbm>> -> memref<128xi32, #tpu.memory_space<hbm>>
        tpu.wait_dma2 semaphore(%run_scoped3A : memref<!tpu.dma_semaphore, #tpu.memory_space<semaphore_mem>>) src(%dma_wait3A_388 : memref<128xi32, #tpu.memory_space<hbm>>) dst(%arg18 : memref<128xi32, #tpu.memory_space<vmem>>)
        tpu.yield
      }) : () -> ()
      %dma_start3A_206 = arith.constant 0 : i32
      %dma_start3A_207 = arith.constant 0 : i32
      %dma_start3A_208 = tpu.memref_slice %arg2[%dma_start3A_206, %dma_start3A_207] : memref<50000x80xf32, #tpu.memory_space<hbm>> -> memref<50000x80xf32, #tpu.memory_space<hbm>>
      tpu.enqueue_indirect_dma source(%dma_start3A_208 : memref<50000x80xf32, #tpu.memory_space<hbm>>) target(%arg22 : memref<128x80xf32, #tpu.memory_space<vmem>>) offsets(%arg17 : memref<128xi32, #tpu.memory_space<vmem>>) semaphore(%arg25 : memref<!tpu.dma_semaphore, #tpu.memory_space<semaphore_mem>>)
      %dma_start3A_209 = arith.constant 0 : i32
      %dma_start3A_210 = arith.constant 0 : i32
      %dma_start3A_211 = tpu.memref_slice %arg3[%dma_start3A_209, %dma_start3A_210] : memref<50016x16xf32, #tpu.memory_space<hbm>> -> memref<50016x16xf32, #tpu.memory_space<hbm>>
      tpu.enqueue_indirect_dma source(%dma_start3A_211 : memref<50016x16xf32, #tpu.memory_space<hbm>>) target(%arg23 : memref<128x16xf32, #tpu.memory_space<vmem>>) offsets(%arg18 : memref<128xi32, #tpu.memory_space<vmem>>) semaphore(%arg26 : memref<!tpu.dma_semaphore, #tpu.memory_space<semaphore_mem>>)
      %get3A_212 = arith.constant 0 : index
      %get3A_213 = tpu.vector_load %arg18[%get3A_212] {strides = array<i32>} : memref<128xi32, #tpu.memory_space<vmem>>, vector<16xi32>,
      %get3A_214 = vector.shape_cast %get3A_213 : vector<16xi32> to vector<16xi32>
      %sub3A_215 = vector.broadcast %mul3A_29 : i32 to vector<16xi32>
      %sub3A_216 = arith.subi %get3A_214, %sub3A_215 : vector<16xi32>
      %ge3A_217 = arith.constant 0 : i32
      %ge3A_218 = vector.broadcast %ge3A_217 : i32 to vector<16xi32>
      %ge3A_219 = arith.cmpi sge, %sub3A_216, %ge3A_218 : vector<16xi32>
      %lt3A_220 = arith.constant 12500 : i32
      %lt3A_221 = vector.broadcast %lt3A_220 : i32 to vector<16xi32>
      %lt3A_222 = arith.cmpi slt, %sub3A_216, %lt3A_221 : vector<16xi32>
      %and3A_223 = arith.andi %ge3A_219, %lt3A_222 : vector<16xi1>
      %jit3A_224 = arith.constant 12500 : i32
      %broadcast_in_dim3A_225 = vector.broadcast %jit3A_224 : i32 to vector<16xi32>
      %select_n3A_226 = arith.select %and3A_223, %sub3A_216, %broadcast_in_dim3A_225 : vector<16xi1>, vector<16xi32>
      %swap3A_227 = arith.constant 0 : index
      %swap3A_228 = tpu.vector_load %arg21[%swap3A_227] {strides = array<i32>} : memref<128xi32, #tpu.memory_space<vmem>>, vector<16xi32>,
      %swap3A_229 = vector.shape_cast %swap3A_228 : vector<16xi32> to vector<16xi32>
      %swap3A_230 = vector.shape_cast %select_n3A_226 : vector<16xi32> to vector<16xi32>
      tpu.vector_store %arg21[%swap3A_227], %swap3A_230 {strides = array<i32>} : memref<128xi32, #tpu.memory_space<vmem>>, vector<16xi32>,
      %get3A_231 = arith.constant 16 : index
      %get3A_232 = tpu.vector_load %arg18[%get3A_231] {strides = array<i32>} : memref<128xi32, #tpu.memory_space<vmem>>, vector<16xi32>,
      %get3A_233 = vector.shape_cast %get3A_232 : vector<16xi32> to vector<16xi32>
      %sub3A_234 = vector.broadcast %mul3A_29 : i32 to vector<16xi32>
      %sub3A_235 = arith.subi %get3A_233, %sub3A_234 : vector<16xi32>
      %ge3A_236 = arith.constant 0 : i32
      %ge3A_237 = vector.broadcast %ge3A_236 : i32 to vector<16xi32>
      %ge3A_238 = arith.cmpi sge, %sub3A_235, %ge3A_237 : vector<16xi32>
      %lt3A_239 = arith.constant 12500 : i32
      %lt3A_240 = vector.broadcast %lt3A_239 : i32 to vector<16xi32>
      %lt3A_241 = arith.cmpi slt, %sub3A_235, %lt3A_240 : vector<16xi32>
      %and3A_242 = arith.andi %ge3A_238, %lt3A_241 : vector<16xi1>
      %jit3A_243 = arith.constant 12500 : i32
      %broadcast_in_dim3A_244 = vector.broadcast %jit3A_243 : i32 to vector<16xi32>
      %select_n3A_245 = arith.select %and3A_242, %sub3A_235, %broadcast_in_dim3A_244 : vector<16xi1>, vector<16xi32>
      %swap3A_246 = arith.constant 16 : index
      %swap3A_247 = tpu.vector_load %arg21[%swap3A_246] {strides = array<i32>} : memref<128xi32, #tpu.memory_space<vmem>>, vector<16xi32>,
      %swap3A_248 = vector.shape_cast %swap3A_247 : vector<16xi32> to vector<16xi32>
      %swap3A_249 = vector.shape_cast %select_n3A_245 : vector<16xi32> to vector<16xi32>
      tpu.vector_store %arg21[%swap3A_246], %swap3A_249 {strides = array<i32>} : memref<128xi32, #tpu.memory_space<vmem>>, vector<16xi32>,
      %get3A_250 = arith.constant 32 : index
      %get3A_251 = tpu.vector_load %arg18[%get3A_250] {strides = array<i32>} : memref<128xi32, #tpu.memory_space<vmem>>, vector<16xi32>,
      %get3A_252 = vector.shape_cast %get3A_251 : vector<16xi32> to vector<16xi32>
      %sub3A_253 = vector.broadcast %mul3A_29 : i32 to vector<16xi32>
      %sub3A_254 = arith.subi %get3A_252, %sub3A_253 : vector<16xi32>
      %ge3A_255 = arith.constant 0 : i32
      %ge3A_256 = vector.broadcast %ge3A_255 : i32 to vector<16xi32>
      %ge3A_257 = arith.cmpi sge, %sub3A_254, %ge3A_256 : vector<16xi32>
      %lt3A_258 = arith.constant 12500 : i32
      %lt3A_259 = vector.broadcast %lt3A_258 : i32 to vector<16xi32>
      %lt3A_260 = arith.cmpi slt, %sub3A_254, %lt3A_259 : vector<16xi32>
      %and3A_261 = arith.andi %ge3A_257, %lt3A_260 : vector<16xi1>
      %jit3A_262 = arith.constant 12500 : i32
      %broadcast_in_dim3A_263 = vector.broadcast %jit3A_262 : i32 to vector<16xi32>
      %select_n3A_264 = arith.select %and3A_261, %sub3A_254, %broadcast_in_dim3A_263 : vector<16xi1>, vector<16xi32>
      %swap3A_265 = arith.constant 32 : index
      %swap3A_266 = tpu.vector_load %arg21[%swap3A_265] {strides = array<i32>} : memref<128xi32, #tpu.memory_space<vmem>>, vector<16xi32>,
      %swap3A_267 = vector.shape_cast %swap3A_266 : vector<16xi32> to vector<16xi32>
      %swap3A_268 = vector.shape_cast %select_n3A_264 : vector<16xi32> to vector<16xi32>
      tpu.vector_store %arg21[%swap3A_265], %swap3A_268 {strides = array<i32>} : memref<128xi32, #tpu.memory_space<vmem>>, vector<16xi32>,
      %get3A_269 = arith.constant 48 : index
      %get3A_270 = tpu.vector_load %arg18[%get3A_269] {strides = array<i32>} : memref<128xi32, #tpu.memory_space<vmem>>, vector<16xi32>,
      %get3A_271 = vector.shape_cast %get3A_270 : vector<16xi32> to vector<16xi32>
      %sub3A_272 = vector.broadcast %mul3A_29 : i32 to vector<16xi32>
      %sub3A_273 = arith.subi %get3A_271, %sub3A_272 : vector<16xi32>
      %ge3A_274 = arith.constant 0 : i32
      %ge3A_275 = vector.broadcast %ge3A_274 : i32 to vector<16xi32>
      %ge3A_276 = arith.cmpi sge, %sub3A_273, %ge3A_275 : vector<16xi32>
      %lt3A_277 = arith.constant 12500 : i32
      %lt3A_278 = vector.broadcast %lt3A_277 : i32 to vector<16xi32>
      %lt3A_279 = arith.cmpi slt, %sub3A_273, %lt3A_278 : vector<16xi32>
      %and3A_280 = arith.andi %ge3A_276, %lt3A_279 : vector<16xi1>
      %jit3A_281 = arith.constant 12500 : i32
      %broadcast_in_dim3A_282 = vector.broadcast %jit3A_281 : i32 to vector<16xi32>
      %select_n3A_283 = arith.select %and3A_280, %sub3A_273, %broadcast_in_dim3A_282 : vector<16xi1>, vector<16xi32>
      %swap3A_284 = arith.constant 48 : index
      %swap3A_285 = tpu.vector_load %arg21[%swap3A_284] {strides = array<i32>} : memref<128xi32, #tpu.memory_space<vmem>>, vector<16xi32>,
      %swap3A_286 = vector.shape_cast %swap3A_285 : vector<16xi32> to vector<16xi32>
      %swap3A_287 = vector.shape_cast %select_n3A_283 : vector<16xi32> to vector<16xi32>
      tpu.vector_store %arg21[%swap3A_284], %swap3A_287 {strides = array<i32>} : memref<128xi32, #tpu.memory_space<vmem>>, vector<16xi32>,
      %get3A_288 = arith.constant 64 : index
      %get3A_289 = tpu.vector_load %arg18[%get3A_288] {strides = array<i32>} : memref<128xi32, #tpu.memory_space<vmem>>, vector<16xi32>,
      %get3A_290 = vector.shape_cast %get3A_289 : vector<16xi32> to vector<16xi32>
      %sub3A_291 = vector.broadcast %mul3A_29 : i32 to vector<16xi32>
      %sub3A_292 = arith.subi %get3A_290, %sub3A_291 : vector<16xi32>
      %ge3A_293 = arith.constant 0 : i32
      %ge3A_294 = vector.broadcast %ge3A_293 : i32 to vector<16xi32>
      %ge3A_295 = arith.cmpi sge, %sub3A_292, %ge3A_294 : vector<16xi32>
      %lt3A_296 = arith.constant 12500 : i32
      %lt3A_297 = vector.broadcast %lt3A_296 : i32 to vector<16xi32>
      %lt3A_298 = arith.cmpi slt, %sub3A_292, %lt3A_297 : vector<16xi32>
      %and3A_299 = arith.andi %ge3A_295, %lt3A_298 : vector<16xi1>
      %jit3A_300 = arith.constant 12500 : i32
      %broadcast_in_dim3A_301 = vector.broadcast %jit3A_300 : i32 to vector<16xi32>
      %select_n3A_302 = arith.select %and3A_299, %sub3A_292, %broadcast_in_dim3A_301 : vector<16xi1>, vector<16xi32>
      %swap3A_303 = arith.constant 64 : index
      %swap3A_304 = tpu.vector_load %arg21[%swap3A_303] {strides = array<i32>} : memref<128xi32, #tpu.memory_space<vmem>>, vector<16xi32>,
      %swap3A_305 = vector.shape_cast %swap3A_304 : vector<16xi32> to vector<16xi32>
      %swap3A_306 = vector.shape_cast %select_n3A_302 : vector<16xi32> to vector<16xi32>
      tpu.vector_store %arg21[%swap3A_303], %swap3A_306 {strides = array<i32>} : memref<128xi32, #tpu.memory_space<vmem>>, vector<16xi32>,
      %get3A_307 = arith.constant 80 : index
      %get3A_308 = tpu.vector_load %arg18[%get3A_307] {strides = array<i32>} : memref<128xi32, #tpu.memory_space<vmem>>, vector<16xi32>,
      %get3A_309 = vector.shape_cast %get3A_308 : vector<16xi32> to vector<16xi32>
      %sub3A_310 = vector.broadcast %mul3A_29 : i32 to vector<16xi32>
      %sub3A_311 = arith.subi %get3A_309, %sub3A_310 : vector<16xi32>
      %ge3A_312 = arith.constant 0 : i32
      %ge3A_313 = vector.broadcast %ge3A_312 : i32 to vector<16xi32>
      %ge3A_314 = arith.cmpi sge, %sub3A_311, %ge3A_313 : vector<16xi32>
      %lt3A_315 = arith.constant 12500 : i32
      %lt3A_316 = vector.broadcast %lt3A_315 : i32 to vector<16xi32>
      %lt3A_317 = arith.cmpi slt, %sub3A_311, %lt3A_316 : vector<16xi32>
      %and3A_318 = arith.andi %ge3A_314, %lt3A_317 : vector<16xi1>
      %jit3A_319 = arith.constant 12500 : i32
      %broadcast_in_dim3A_320 = vector.broadcast %jit3A_319 : i32 to vector<16xi32>
      %select_n3A_321 = arith.select %and3A_318, %sub3A_311, %broadcast_in_dim3A_320 : vector<16xi1>, vector<16xi32>
      %swap3A_322 = arith.constant 80 : index
      %swap3A_323 = tpu.vector_load %arg21[%swap3A_322] {strides = array<i32>} : memref<128xi32, #tpu.memory_space<vmem>>, vector<16xi32>,
      %swap3A_324 = vector.shape_cast %swap3A_323 : vector<16xi32> to vector<16xi32>
      %swap3A_325 = vector.shape_cast %select_n3A_321 : vector<16xi32> to vector<16xi32>
      tpu.vector_store %arg21[%swap3A_322], %swap3A_325 {strides = array<i32>} : memref<128xi32, #tpu.memory_space<vmem>>, vector<16xi32>,
      %get3A_326 = arith.constant 96 : index
      %get3A_327 = tpu.vector_load %arg18[%get3A_326] {strides = array<i32>} : memref<128xi32, #tpu.memory_space<vmem>>, vector<16xi32>,
      %get3A_328 = vector.shape_cast %get3A_327 : vector<16xi32> to vector<16xi32>
      %sub3A_329 = vector.broadcast %mul3A_29 : i32 to vector<16xi32>
      %sub3A_330 = arith.subi %get3A_328, %sub3A_329 : vector<16xi32>
      %ge3A_331 = arith.constant 0 : i32
      %ge3A_332 = vector.broadcast %ge3A_331 : i32 to vector<16xi32>
      %ge3A_333 = arith.cmpi sge, %sub3A_330, %ge3A_332 : vector<16xi32>
      %lt3A_334 = arith.constant 12500 : i32
      %lt3A_335 = vector.broadcast %lt3A_334 : i32 to vector<16xi32>
      %lt3A_336 = arith.cmpi slt, %sub3A_330, %lt3A_335 : vector<16xi32>
      %and3A_337 = arith.andi %ge3A_333, %lt3A_336 : vector<16xi1>
      %jit3A_338 = arith.constant 12500 : i32
      %broadcast_in_dim3A_339 = vector.broadcast %jit3A_338 : i32 to vector<16xi32>
      %select_n3A_340 = arith.select %and3A_337, %sub3A_330, %broadcast_in_dim3A_339 : vector<16xi1>, vector<16xi32>
      %swap3A_341 = arith.constant 96 : index
      %swap3A_342 = tpu.vector_load %arg21[%swap3A_341] {strides = array<i32>} : memref<128xi32, #tpu.memory_space<vmem>>, vector<16xi32>,
      %swap3A_343 = vector.shape_cast %swap3A_342 : vector<16xi32> to vector<16xi32>
      %swap3A_344 = vector.shape_cast %select_n3A_340 : vector<16xi32> to vector<16xi32>
      tpu.vector_store %arg21[%swap3A_341], %swap3A_344 {strides = array<i32>} : memref<128xi32, #tpu.memory_space<vmem>>, vector<16xi32>,
      %get3A_345 = arith.constant 112 : index
      %get3A_346 = tpu.vector_load %arg18[%get3A_345] {strides = array<i32>} : memref<128xi32, #tpu.memory_space<vmem>>, vector<16xi32>,
      %get3A_347 = vector.shape_cast %get3A_346 : vector<16xi32> to vector<16xi32>
      %sub3A_348 = vector.broadcast %mul3A_29 : i32 to vector<16xi32>
      %sub3A_349 = arith.subi %get3A_347, %sub3A_348 : vector<16xi32>
      %ge3A_350 = arith.constant 0 : i32
      %ge3A_351 = vector.broadcast %ge3A_350 : i32 to vector<16xi32>
      %ge3A_352 = arith.cmpi sge, %sub3A_349, %ge3A_351 : vector<16xi32>
      %lt3A_353 = arith.constant 12500 : i32
      %lt3A_354 = vector.broadcast %lt3A_353 : i32 to vector<16xi32>
      %lt3A_355 = arith.cmpi slt, %sub3A_349, %lt3A_354 : vector<16xi32>
      %and3A_356 = arith.andi %ge3A_352, %lt3A_355 : vector<16xi1>
      %jit3A_357 = arith.constant 12500 : i32
      %broadcast_in_dim3A_358 = vector.broadcast %jit3A_357 : i32 to vector<16xi32>
      %select_n3A_359 = arith.select %and3A_356, %sub3A_349, %broadcast_in_dim3A_358 : vector<16xi1>, vector<16xi32>
      %swap3A_360 = arith.constant 112 : index
      %swap3A_361 = tpu.vector_load %arg21[%swap3A_360] {strides = array<i32>} : memref<128xi32, #tpu.memory_space<vmem>>, vector<16xi32>,
      %swap3A_362 = vector.shape_cast %swap3A_361 : vector<16xi32> to vector<16xi32>
      %swap3A_363 = vector.shape_cast %select_n3A_359 : vector<16xi32> to vector<16xi32>
      tpu.vector_store %arg21[%swap3A_360], %swap3A_363 {strides = array<i32>} : memref<128xi32, #tpu.memory_space<vmem>>, vector<16xi32>,
      %dma_wait3A = arith.constant 0 : i32
      %dma_wait3A_364 = arith.constant 0 : i32
      %dma_wait3A_365 = tpu.memref_slice %arg2[%dma_wait3A, %dma_wait3A_364] : memref<50000x80xf32, #tpu.memory_space<hbm>> -> memref<50000x80xf32, #tpu.memory_space<hbm>>
      tpu.wait_indirect_dma semaphore(%arg15 : memref<!tpu.dma_semaphore, #tpu.memory_space<semaphore_mem>>) src(%dma_wait3A_365 : memref<50000x80xf32, #tpu.memory_space<hbm>>) dst(%arg12 : memref<128x80xf32, #tpu.memory_space<vmem>>)
      %dma_wait3A_366 = arith.constant 0 : i32
      %dma_wait3A_367 = arith.constant 0 : i32
      %dma_wait3A_368 = tpu.memref_slice %arg3[%dma_wait3A_366, %dma_wait3A_367] : memref<50016x16xf32, #tpu.memory_space<hbm>> -> memref<50016x16xf32, #tpu.memory_space<hbm>>
      tpu.wait_indirect_dma semaphore(%arg16 : memref<!tpu.dma_semaphore, #tpu.memory_space<semaphore_mem>>) src(%dma_wait3A_368 : memref<50016x16xf32, #tpu.memory_space<hbm>>) dst(%arg13 : memref<128x16xf32, #tpu.memory_space<vmem>>)
      %scan3A_369 = arith.constant 0 : i32
      %scan3A_370 = arith.constant 128 : i32
      %scan3A_371 = arith.addi %scan3A_369, %scan3A_370 : i32
      %scan3A_372 = arith.constant 1 : i32
      scf.for %scan3A_385 = %scan3A_369 to %scan3A_371 step %scan3A_372  : i32 {
        %get3A_386 = arith.index_cast %scan3A_385 : i32 to index
        %get3A_387 = arith.constant 64 : index
        %get3A_388 = tpu.vector_load %arg12[%get3A_386, %get3A_387] {strides = array<i32>} : memref<128x80xf32, #tpu.memory_space<vmem>>, vector<1x16xf32>,
        %get3A_389 = vector.shape_cast %get3A_388 : vector<1x16xf32> to vector<16xf32>
        %get3A_390 = arith.index_cast %scan3A_385 : i32 to index
        %get3A_391 = arith.constant 0 : index
        %get3A_392 = tpu.vector_load %arg13[%get3A_390, %get3A_391] {strides = array<i32>} : memref<128x16xf32, #tpu.memory_space<vmem>>, vector<1x16xf32>,
        %get3A_393 = vector.shape_cast %get3A_392 : vector<1x16xf32> to vector<16xf32>
        %add3A_394 = arith.addf %get3A_389, %get3A_393 : vector<16xf32>
        %gt3A = arith.constant 0.000000e+00 : f32
        %gt3A_395 = vector.broadcast %gt3A : f32 to vector<16xf32>
        %gt3A_396 = arith.cmpf ogt, %add3A_394, %gt3A_395 : vector<16xf32>
        %mul3A_397 = arith.constant 2.000000e-01 : f32
        %mul3A_398 = vector.broadcast %mul3A_397 : f32 to vector<16xf32>
        %mul3A_399 = arith.mulf %mul3A_398, %add3A_394 : vector<16xf32>
        %select_n3A_400 = arith.select %gt3A_396, %add3A_394, %mul3A_399 : vector<16xi1>, vector<16xf32>
        %exp3A = math.exp %select_n3A_400 : vector<16xf32>
        %lt3A_401 = arith.constant 4 : i32
        %lt3A_402 = vector.broadcast %lt3A_401 : i32 to vector<16xi32>
        %lt3A_403 = arith.cmpi slt, %iota3A, %lt3A_402 : vector<16xi32>
        %jit3A_404 = arith.constant 0.000000e+00 : f32
        %broadcast_in_dim3A_405 = vector.broadcast %jit3A_404 : f32 to vector<16xf32>
        %select_n3A_406 = arith.select %lt3A_403, %exp3A, %broadcast_in_dim3A_405 : vector<16xi1>, vector<16xf32>
        %swap3A_407 = arith.index_cast %scan3A_385 : i32 to index
        %swap3A_408 = arith.constant 64 : index
        %swap3A_409 = tpu.vector_load %arg14[%swap3A_407, %swap3A_408] {strides = array<i32>} : memref<128x80xf32, #tpu.memory_space<vmem>>, vector<1x16xf32>,
        %swap3A_410 = vector.shape_cast %swap3A_409 : vector<1x16xf32> to vector<16xf32>
        %swap3A_411 = vector.shape_cast %select_n3A_406 : vector<16xf32> to vector<1x16xf32>
        tpu.vector_store %arg14[%swap3A_407, %swap3A_408], %swap3A_411 {strides = array<i32>} : memref<128x80xf32, #tpu.memory_space<vmem>>, vector<1x16xf32>,
        %get3A_412 = arith.index_cast %scan3A_385 : i32 to index
        %get3A_413 = arith.constant 0 : index
        %get3A_414 = tpu.vector_load %arg12[%get3A_412, %get3A_413] {strides = array<i32>} : memref<128x80xf32, #tpu.memory_space<vmem>>, vector<1x16xf32>,
        %get3A_415 = vector.shape_cast %get3A_414 : vector<1x16xf32> to vector<16xf32>
        %slice3A = vector.extract_strided_slice %exp3A {offsets = [0], sizes = [1], strides = [1]} : vector<16xf32> to vector<1xf32>
        %squeeze3A = vector.extract %slice3A[0] : f32 from vector<1xf32>
        %mul3A_416 = vector.broadcast %squeeze3A : f32 to vector<16xf32>
        %mul3A_417 = arith.mulf %get3A_415, %mul3A_416 : vector<16xf32>
        %swap3A_418 = arith.index_cast %scan3A_385 : i32 to index
        %swap3A_419 = arith.constant 0 : index
        %swap3A_420 = tpu.vector_load %arg14[%swap3A_418, %swap3A_419] {strides = array<i32>} : memref<128x80xf32, #tpu.memory_space<vmem>>, vector<1x16xf32>,
        %swap3A_421 = vector.shape_cast %swap3A_420 : vector<1x16xf32> to vector<16xf32>
        %swap3A_422 = vector.shape_cast %mul3A_417 : vector<16xf32> to vector<1x16xf32>
        tpu.vector_store %arg14[%swap3A_418, %swap3A_419], %swap3A_422 {strides = array<i32>} : memref<128x80xf32, #tpu.memory_space<vmem>>, vector<1x16xf32>,
        %get3A_423 = arith.index_cast %scan3A_385 : i32 to index
        %get3A_424 = arith.constant 16 : index
        %get3A_425 = tpu.vector_load %arg12[%get3A_423, %get3A_424] {strides = array<i32>} : memref<128x80xf32, #tpu.memory_space<vmem>>, vector<1x16xf32>,
        %get3A_426 = vector.shape_cast %get3A_425 : vector<1x16xf32> to vector<16xf32>
        %slice3A_427 = vector.extract_strided_slice %exp3A {offsets = [1], sizes = [1], strides = [1]} : vector<16xf32> to vector<1xf32>
        %squeeze3A_428 = vector.extract %slice3A_427[0] : f32 from vector<1xf32>
        %mul3A_429 = vector.broadcast %squeeze3A_428 : f32 to vector<16xf32>
        %mul3A_430 = arith.mulf %get3A_426, %mul3A_429 : vector<16xf32>
        %swap3A_431 = arith.index_cast %scan3A_385 : i32 to index
        %swap3A_432 = arith.constant 16 : index
        %swap3A_433 = tpu.vector_load %arg14[%swap3A_431, %swap3A_432] {strides = array<i32>} : memref<128x80xf32, #tpu.memory_space<vmem>>, vector<1x16xf32>,
        %swap3A_434 = vector.shape_cast %swap3A_433 : vector<1x16xf32> to vector<16xf32>
        %swap3A_435 = vector.shape_cast %mul3A_430 : vector<16xf32> to vector<1x16xf32>
        tpu.vector_store %arg14[%swap3A_431, %swap3A_432], %swap3A_435 {strides = array<i32>} : memref<128x80xf32, #tpu.memory_space<vmem>>, vector<1x16xf32>,
        %get3A_436 = arith.index_cast %scan3A_385 : i32 to index
        %get3A_437 = arith.constant 32 : index
        %get3A_438 = tpu.vector_load %arg12[%get3A_436, %get3A_437] {strides = array<i32>} : memref<128x80xf32, #tpu.memory_space<vmem>>, vector<1x16xf32>,
        %get3A_439 = vector.shape_cast %get3A_438 : vector<1x16xf32> to vector<16xf32>
        %slice3A_440 = vector.extract_strided_slice %exp3A {offsets = [2], sizes = [1], strides = [1]} : vector<16xf32> to vector<1xf32>
        %squeeze3A_441 = vector.extract %slice3A_440[0] : f32 from vector<1xf32>
        %mul3A_442 = vector.broadcast %squeeze3A_441 : f32 to vector<16xf32>
        %mul3A_443 = arith.mulf %get3A_439, %mul3A_442 : vector<16xf32>
        %swap3A_444 = arith.index_cast %scan3A_385 : i32 to index
        %swap3A_445 = arith.constant 32 : index
        %swap3A_446 = tpu.vector_load %arg14[%swap3A_444, %swap3A_445] {strides = array<i32>} : memref<128x80xf32, #tpu.memory_space<vmem>>, vector<1x16xf32>,
        %swap3A_447 = vector.shape_cast %swap3A_446 : vector<1x16xf32> to vector<16xf32>
        %swap3A_448 = vector.shape_cast %mul3A_443 : vector<16xf32> to vector<1x16xf32>
        tpu.vector_store %arg14[%swap3A_444, %swap3A_445], %swap3A_448 {strides = array<i32>} : memref<128x80xf32, #tpu.memory_space<vmem>>, vector<1x16xf32>,
        %get3A_449 = arith.index_cast %scan3A_385 : i32 to index
        %get3A_450 = arith.constant 48 : index
        %get3A_451 = tpu.vector_load %arg12[%get3A_449, %get3A_450] {strides = array<i32>} : memref<128x80xf32, #tpu.memory_space<vmem>>, vector<1x16xf32>,
        %get3A_452 = vector.shape_cast %get3A_451 : vector<1x16xf32> to vector<16xf32>
        %slice3A_453 = vector.extract_strided_slice %exp3A {offsets = [3], sizes = [1], strides = [1]} : vector<16xf32> to vector<1xf32>
        %squeeze3A_454 = vector.extract %slice3A_453[0] : f32 from vector<1xf32>
        %mul3A_455 = vector.broadcast %squeeze3A_454 : f32 to vector<16xf32>
        %mul3A_456 = arith.mulf %get3A_452, %mul3A_455 : vector<16xf32>
        %swap3A_457 = arith.index_cast %scan3A_385 : i32 to index
        %swap3A_458 = arith.constant 48 : index
        %swap3A_459 = tpu.vector_load %arg14[%swap3A_457, %swap3A_458] {strides = array<i32>} : memref<128x80xf32, #tpu.memory_space<vmem>>, vector<1x16xf32>,
        %swap3A_460 = vector.shape_cast %swap3A_459 : vector<1x16xf32> to vector<16xf32>
        %swap3A_461 = vector.shape_cast %mul3A_456 : vector<16xf32> to vector<1x16xf32>
        tpu.vector_store %arg14[%swap3A_457, %swap3A_458], %swap3A_461 {strides = array<i32>} : memref<128x80xf32, #tpu.memory_space<vmem>>, vector<1x16xf32>,
      }
      %scan3A_373 = arith.constant 128 : i32
      "tpu.region"() ({
        %run_scoped3A = tpu.sem_alloc : memref<!tpu.dma_semaphore, #tpu.memory_space<semaphore_mem>>
        %dma_start3A_385 = arith.constant 0 : i32
        %dma_start3A_386 = arith.constant 0 : i32
        %dma_start3A_387 = tpu.memref_slice %arg28[%dma_start3A_385, %dma_start3A_386] : memref<12544x80xf32, #tpu.memory_space<vmem_shared>> -> memref<12544x80xf32, #tpu.memory_space<vmem_shared>>
        tpu.enqueue_indirect_dma source(%arg14 : memref<128x80xf32, #tpu.memory_space<vmem>>) target(%dma_start3A_387 : memref<12544x80xf32, #tpu.memory_space<vmem_shared>>) offsets(%arg11 : memref<128xi32, #tpu.memory_space<vmem>>) semaphore(%run_scoped3A : memref<!tpu.dma_semaphore, #tpu.memory_space<semaphore_mem>>) {add = true}
        %dma_wait3A_388 = arith.constant 0 : i32
        %dma_wait3A_389 = arith.constant 0 : i32
        %dma_wait3A_390 = tpu.memref_slice %arg28[%dma_wait3A_388, %dma_wait3A_389] : memref<12544x80xf32, #tpu.memory_space<vmem_shared>> -> memref<12544x80xf32, #tpu.memory_space<vmem_shared>>
        tpu.wait_indirect_dma semaphore(%run_scoped3A : memref<!tpu.dma_semaphore, #tpu.memory_space<semaphore_mem>>) src(%arg14 : memref<128x80xf32, #tpu.memory_space<vmem>>) dst(%dma_wait3A_390 : memref<12544x80xf32, #tpu.memory_space<vmem_shared>>)
        tpu.yield
      }) : () -> ()
      %dma_wait3A_374 = arith.constant 0 : i32
      %dma_wait3A_375 = arith.constant 0 : i32
      %dma_wait3A_376 = tpu.memref_slice %arg2[%dma_wait3A_374, %dma_wait3A_375] : memref<50000x80xf32, #tpu.memory_space<hbm>> -> memref<50000x80xf32, #tpu.memory_space<hbm>>
      tpu.wait_indirect_dma semaphore(%arg25 : memref<!tpu.dma_semaphore, #tpu.memory_space<semaphore_mem>>) src(%dma_wait3A_376 : memref<50000x80xf32, #tpu.memory_space<hbm>>) dst(%arg22 : memref<128x80xf32, #tpu.memory_space<vmem>>)
      %dma_wait3A_377 = arith.constant 0 : i32
      %dma_wait3A_378 = arith.constant 0 : i32
      %dma_wait3A_379 = tpu.memref_slice %arg3[%dma_wait3A_377, %dma_wait3A_378] : memref<50016x16xf32, #tpu.memory_space<hbm>> -> memref<50016x16xf32, #tpu.memory_space<hbm>>
      tpu.wait_indirect_dma semaphore(%arg26 : memref<!tpu.dma_semaphore, #tpu.memory_space<semaphore_mem>>) src(%dma_wait3A_379 : memref<50016x16xf32, #tpu.memory_space<hbm>>) dst(%arg23 : memref<128x16xf32, #tpu.memory_space<vmem>>)
      %scan3A_380 = arith.constant 0 : i32
      %scan3A_381 = arith.constant 128 : i32
      %scan3A_382 = arith.addi %scan3A_380, %scan3A_381 : i32
      %scan3A_383 = arith.constant 1 : i32
      scf.for %scan3A_385 = %scan3A_380 to %scan3A_382 step %scan3A_383  : i32 {
        %get3A_386 = arith.index_cast %scan3A_385 : i32 to index
        %get3A_387 = arith.constant 64 : index
        %get3A_388 = tpu.vector_load %arg22[%get3A_386, %get3A_387] {strides = array<i32>} : memref<128x80xf32, #tpu.memory_space<vmem>>, vector<1x16xf32>,
        %get3A_389 = vector.shape_cast %get3A_388 : vector<1x16xf32> to vector<16xf32>
        %get3A_390 = arith.index_cast %scan3A_385 : i32 to index
        %get3A_391 = arith.constant 0 : index
        %get3A_392 = tpu.vector_load %arg23[%get3A_390, %get3A_391] {strides = array<i32>} : memref<128x16xf32, #tpu.memory_space<vmem>>, vector<1x16xf32>,
        %get3A_393 = vector.shape_cast %get3A_392 : vector<1x16xf32> to vector<16xf32>
        %add3A_394 = arith.addf %get3A_389, %get3A_393 : vector<16xf32>
        %gt3A = arith.constant 0.000000e+00 : f32
        %gt3A_395 = vector.broadcast %gt3A : f32 to vector<16xf32>
        %gt3A_396 = arith.cmpf ogt, %add3A_394, %gt3A_395 : vector<16xf32>
        %mul3A_397 = arith.constant 2.000000e-01 : f32
        %mul3A_398 = vector.broadcast %mul3A_397 : f32 to vector<16xf32>
        %mul3A_399 = arith.mulf %mul3A_398, %add3A_394 : vector<16xf32>
        %select_n3A_400 = arith.select %gt3A_396, %add3A_394, %mul3A_399 : vector<16xi1>, vector<16xf32>
        %exp3A = math.exp %select_n3A_400 : vector<16xf32>
        %lt3A_401 = arith.constant 4 : i32
        %lt3A_402 = vector.broadcast %lt3A_401 : i32 to vector<16xi32>
        %lt3A_403 = arith.cmpi slt, %iota3A, %lt3A_402 : vector<16xi32>
        %jit3A_404 = arith.constant 0.000000e+00 : f32
        %broadcast_in_dim3A_405 = vector.broadcast %jit3A_404 : f32 to vector<16xf32>
        %select_n3A_406 = arith.select %lt3A_403, %exp3A, %broadcast_in_dim3A_405 : vector<16xi1>, vector<16xf32>
        %swap3A_407 = arith.index_cast %scan3A_385 : i32 to index
        %swap3A_408 = arith.constant 64 : index
        %swap3A_409 = tpu.vector_load %arg24[%swap3A_407, %swap3A_408] {strides = array<i32>} : memref<128x80xf32, #tpu.memory_space<vmem>>, vector<1x16xf32>,
        %swap3A_410 = vector.shape_cast %swap3A_409 : vector<1x16xf32> to vector<16xf32>
        %swap3A_411 = vector.shape_cast %select_n3A_406 : vector<16xf32> to vector<1x16xf32>
        tpu.vector_store %arg24[%swap3A_407, %swap3A_408], %swap3A_411 {strides = array<i32>} : memref<128x80xf32, #tpu.memory_space<vmem>>, vector<1x16xf32>,
        %get3A_412 = arith.index_cast %scan3A_385 : i32 to index
        %get3A_413 = arith.constant 0 : index
        %get3A_414 = tpu.vector_load %arg22[%get3A_412, %get3A_413] {strides = array<i32>} : memref<128x80xf32, #tpu.memory_space<vmem>>, vector<1x16xf32>,
        %get3A_415 = vector.shape_cast %get3A_414 : vector<1x16xf32> to vector<16xf32>
        %slice3A = vector.extract_strided_slice %exp3A {offsets = [0], sizes = [1], strides = [1]} : vector<16xf32> to vector<1xf32>
        %squeeze3A = vector.extract %slice3A[0] : f32 from vector<1xf32>
        %mul3A_416 = vector.broadcast %squeeze3A : f32 to vector<16xf32>
        %mul3A_417 = arith.mulf %get3A_415, %mul3A_416 : vector<16xf32>
        %swap3A_418 = arith.index_cast %scan3A_385 : i32 to index
        %swap3A_419 = arith.constant 0 : index
        %swap3A_420 = tpu.vector_load %arg24[%swap3A_418, %swap3A_419] {strides = array<i32>} : memref<128x80xf32, #tpu.memory_space<vmem>>, vector<1x16xf32>,
        %swap3A_421 = vector.shape_cast %swap3A_420 : vector<1x16xf32> to vector<16xf32>
        %swap3A_422 = vector.shape_cast %mul3A_417 : vector<16xf32> to vector<1x16xf32>
        tpu.vector_store %arg24[%swap3A_418, %swap3A_419], %swap3A_422 {strides = array<i32>} : memref<128x80xf32, #tpu.memory_space<vmem>>, vector<1x16xf32>,
        %get3A_423 = arith.index_cast %scan3A_385 : i32 to index
        %get3A_424 = arith.constant 16 : index
        %get3A_425 = tpu.vector_load %arg22[%get3A_423, %get3A_424] {strides = array<i32>} : memref<128x80xf32, #tpu.memory_space<vmem>>, vector<1x16xf32>,
        %get3A_426 = vector.shape_cast %get3A_425 : vector<1x16xf32> to vector<16xf32>
        %slice3A_427 = vector.extract_strided_slice %exp3A {offsets = [1], sizes = [1], strides = [1]} : vector<16xf32> to vector<1xf32>
        %squeeze3A_428 = vector.extract %slice3A_427[0] : f32 from vector<1xf32>
        %mul3A_429 = vector.broadcast %squeeze3A_428 : f32 to vector<16xf32>
        %mul3A_430 = arith.mulf %get3A_426, %mul3A_429 : vector<16xf32>
        %swap3A_431 = arith.index_cast %scan3A_385 : i32 to index
        %swap3A_432 = arith.constant 16 : index
        %swap3A_433 = tpu.vector_load %arg24[%swap3A_431, %swap3A_432] {strides = array<i32>} : memref<128x80xf32, #tpu.memory_space<vmem>>, vector<1x16xf32>,
        %swap3A_434 = vector.shape_cast %swap3A_433 : vector<1x16xf32> to vector<16xf32>
        %swap3A_435 = vector.shape_cast %mul3A_430 : vector<16xf32> to vector<1x16xf32>
        tpu.vector_store %arg24[%swap3A_431, %swap3A_432], %swap3A_435 {strides = array<i32>} : memref<128x80xf32, #tpu.memory_space<vmem>>, vector<1x16xf32>,
        %get3A_436 = arith.index_cast %scan3A_385 : i32 to index
        %get3A_437 = arith.constant 32 : index
        %get3A_438 = tpu.vector_load %arg22[%get3A_436, %get3A_437] {strides = array<i32>} : memref<128x80xf32, #tpu.memory_space<vmem>>, vector<1x16xf32>,
        %get3A_439 = vector.shape_cast %get3A_438 : vector<1x16xf32> to vector<16xf32>
        %slice3A_440 = vector.extract_strided_slice %exp3A {offsets = [2], sizes = [1], strides = [1]} : vector<16xf32> to vector<1xf32>
        %squeeze3A_441 = vector.extract %slice3A_440[0] : f32 from vector<1xf32>
        %mul3A_442 = vector.broadcast %squeeze3A_441 : f32 to vector<16xf32>
        %mul3A_443 = arith.mulf %get3A_439, %mul3A_442 : vector<16xf32>
        %swap3A_444 = arith.index_cast %scan3A_385 : i32 to index
        %swap3A_445 = arith.constant 32 : index
        %swap3A_446 = tpu.vector_load %arg24[%swap3A_444, %swap3A_445] {strides = array<i32>} : memref<128x80xf32, #tpu.memory_space<vmem>>, vector<1x16xf32>,
        %swap3A_447 = vector.shape_cast %swap3A_446 : vector<1x16xf32> to vector<16xf32>
        %swap3A_448 = vector.shape_cast %mul3A_443 : vector<16xf32> to vector<1x16xf32>
        tpu.vector_store %arg24[%swap3A_444, %swap3A_445], %swap3A_448 {strides = array<i32>} : memref<128x80xf32, #tpu.memory_space<vmem>>, vector<1x16xf32>,
        %get3A_449 = arith.index_cast %scan3A_385 : i32 to index
        %get3A_450 = arith.constant 48 : index
        %get3A_451 = tpu.vector_load %arg22[%get3A_449, %get3A_450] {strides = array<i32>} : memref<128x80xf32, #tpu.memory_space<vmem>>, vector<1x16xf32>,
        %get3A_452 = vector.shape_cast %get3A_451 : vector<1x16xf32> to vector<16xf32>
        %slice3A_453 = vector.extract_strided_slice %exp3A {offsets = [3], sizes = [1], strides = [1]} : vector<16xf32> to vector<1xf32>
        %squeeze3A_454 = vector.extract %slice3A_453[0] : f32 from vector<1xf32>
        %mul3A_455 = vector.broadcast %squeeze3A_454 : f32 to vector<16xf32>
        %mul3A_456 = arith.mulf %get3A_452, %mul3A_455 : vector<16xf32>
        %swap3A_457 = arith.index_cast %scan3A_385 : i32 to index
        %swap3A_458 = arith.constant 48 : index
        %swap3A_459 = tpu.vector_load %arg24[%swap3A_457, %swap3A_458] {strides = array<i32>} : memref<128x80xf32, #tpu.memory_space<vmem>>, vector<1x16xf32>,
        %swap3A_460 = vector.shape_cast %swap3A_459 : vector<1x16xf32> to vector<16xf32>
        %swap3A_461 = vector.shape_cast %mul3A_456 : vector<16xf32> to vector<1x16xf32>
        tpu.vector_store %arg24[%swap3A_457, %swap3A_458], %swap3A_461 {strides = array<i32>} : memref<128x80xf32, #tpu.memory_space<vmem>>, vector<1x16xf32>,
      }
      %scan3A_384 = arith.constant 128 : i32
      "tpu.region"() ({
        %run_scoped3A = tpu.sem_alloc : memref<!tpu.dma_semaphore, #tpu.memory_space<semaphore_mem>>
        %dma_start3A_385 = arith.constant 0 : i32
        %dma_start3A_386 = arith.constant 0 : i32
        %dma_start3A_387 = tpu.memref_slice %arg28[%dma_start3A_385, %dma_start3A_386] : memref<12544x80xf32, #tpu.memory_space<vmem_shared>> -> memref<12544x80xf32, #tpu.memory_space<vmem_shared>>
        tpu.enqueue_indirect_dma source(%arg24 : memref<128x80xf32, #tpu.memory_space<vmem>>) target(%dma_start3A_387 : memref<12544x80xf32, #tpu.memory_space<vmem_shared>>) offsets(%arg21 : memref<128xi32, #tpu.memory_space<vmem>>) semaphore(%run_scoped3A : memref<!tpu.dma_semaphore, #tpu.memory_space<semaphore_mem>>) {add = true}
        %dma_wait3A_388 = arith.constant 0 : i32
        %dma_wait3A_389 = arith.constant 0 : i32
        %dma_wait3A_390 = tpu.memref_slice %arg28[%dma_wait3A_388, %dma_wait3A_389] : memref<12544x80xf32, #tpu.memory_space<vmem_shared>> -> memref<12544x80xf32, #tpu.memory_space<vmem_shared>>
        tpu.wait_indirect_dma semaphore(%run_scoped3A : memref<!tpu.dma_semaphore, #tpu.memory_space<semaphore_mem>>) src(%arg24 : memref<128x80xf32, #tpu.memory_space<vmem>>) dst(%dma_wait3A_390 : memref<12544x80xf32, #tpu.memory_space<vmem_shared>>)
        tpu.yield
      }) : () -> ()
    }
    %scan3A_40 = arith.constant 208 : i32
    %barrier3A_41 = arith.constant 0 : index
    tpu.barrier barrier_id(%barrier3A_41)
    "tpu.region"() ({
      %run_scoped3A = tpu.sem_alloc : memref<!tpu.dma_semaphore, #tpu.memory_space<semaphore_mem>>
      %dma_start3A = arith.constant 0 : i32
      %dma_start3A_42 = tpu.memref_slice %arg6[%add3A_27, %mul3A_5, %dma_start3A] : memref<4x12544x80xf32, #tpu.memory_space<hbm>> -> memref<1x784x80xf32, #tpu.memory_space<hbm>>
      %dma_start3A_43 = tpu.memref_squeeze %dma_start3A_42 : memref<1x784x80xf32, #tpu.memory_space<hbm>> -> memref<784x80xf32, #tpu.memory_space<hbm>>
      %dma_start3A_44 = arith.constant 0 : i32
      %dma_start3A_45 = tpu.memref_slice %arg28[%mul3A_5, %dma_start3A_44] : memref<12544x80xf32, #tpu.memory_space<vmem_shared>> -> memref<784x80xf32, #tpu.memory_space<vmem_shared>>
      tpu.enqueue_dma source(%dma_start3A_45 : memref<784x80xf32, #tpu.memory_space<vmem_shared>>) target(%dma_start3A_43 : memref<784x80xf32, #tpu.memory_space<hbm>>) target_semaphore(%run_scoped3A : memref<!tpu.dma_semaphore, #tpu.memory_space<semaphore_mem>>)
      %dma_wait3A = arith.constant 0 : i32
      %dma_wait3A_46 = tpu.memref_slice %arg6[%add3A_27, %mul3A_5, %dma_wait3A] : memref<4x12544x80xf32, #tpu.memory_space<hbm>> -> memref<1x784x80xf32, #tpu.memory_space<hbm>>
      %dma_wait3A_47 = tpu.memref_squeeze %dma_wait3A_46 : memref<1x784x80xf32, #tpu.memory_space<hbm>> -> memref<784x80xf32, #tpu.memory_space<hbm>>
      %dma_wait3A_48 = arith.constant 0 : i32
      %dma_wait3A_49 = tpu.memref_slice %arg28[%mul3A_5, %dma_wait3A_48] : memref<12544x80xf32, #tpu.memory_space<vmem_shared>> -> memref<784x80xf32, #tpu.memory_space<vmem_shared>>
      tpu.wait_dma2 semaphore(%run_scoped3A : memref<!tpu.dma_semaphore, #tpu.memory_space<semaphore_mem>>) src(%dma_wait3A_49 : memref<784x80xf32, #tpu.memory_space<vmem_shared>>) dst(%dma_wait3A_47 : memref<784x80xf32, #tpu.memory_space<hbm>>)
      tpu.yield
    }) : () -> ()
    return
  }
}

#map = affine_map<(d0, d1) -> (0, 0)>
#map1 = affine_map<(d0, d1) -> (0)>
#map2 = affine_map<(d0, d1) -> (0, 0, 0)>
module attributes {stable_mosaic.version = 14 : i64} {
  func.func @edge_pass(%arg0: i32, %arg1: i32, %arg2: memref<50000x16xf32, #tpu.memory_space<hbm>>, %arg3: memref<50016x16xf32, #tpu.memory_space<hbm>>, %arg4: memref<851968xi32, #tpu.memory_space<hbm>>, %arg5: memref<851968xi32, #tpu.memory_space<hbm>>, %arg6: memref<4x12544x16xf32, #tpu.memory_space<hbm>>, %arg7: memref<128xi32, #tpu.memory_space<vmem>>, %arg8: memref<128xi32, #tpu.memory_space<vmem>>, %arg9: memref<128xi32, #tpu.memory_space<vmem>>, %arg10: memref<128xi32, #tpu.memory_space<vmem>>, %arg11: memref<128xi32, #tpu.memory_space<vmem>>, %arg12: memref<128x16xf32, #tpu.memory_space<vmem>>, %arg13: memref<128x16xf32, #tpu.memory_space<vmem>>, %arg14: memref<128x16xf32, #tpu.memory_space<vmem>>, %arg15: memref<!tpu.dma_semaphore, #tpu.memory_space<semaphore_mem>>, %arg16: memref<!tpu.dma_semaphore, #tpu.memory_space<semaphore_mem>>, %arg17: memref<128xi32, #tpu.memory_space<vmem>>, %arg18: memref<128xi32, #tpu.memory_space<vmem>>, %arg19: memref<128xi32, #tpu.memory_space<vmem>>, %arg20: memref<128xi32, #tpu.memory_space<vmem>>, %arg21: memref<128xi32, #tpu.memory_space<vmem>>, %arg22: memref<128x16xf32, #tpu.memory_space<vmem>>, %arg23: memref<128x16xf32, #tpu.memory_space<vmem>>, %arg24: memref<128x16xf32, #tpu.memory_space<vmem>>, %arg25: memref<!tpu.dma_semaphore, #tpu.memory_space<semaphore_mem>>, %arg26: memref<!tpu.dma_semaphore, #tpu.memory_space<semaphore_mem>>, %arg27: memref<16x16xf32, #tpu.memory_space<vmem>>, %arg28: memref<12544x16xf32, #tpu.memory_space<vmem_shared>>) attributes {dimension_semantics = [#tpu.dimension_semantics<core_parallel>, #tpu.dimension_semantics<subcore_parallel>], iteration_bounds = array<i64: 2, 16>, scalar_prefetch = 0 : i64, scratch_operands = 22 : i64, tpu.core_type = #tpu.core_type<sc_vector_subcore>, window_params = [{transform_indices = #map}, {transform_indices = #map}, {transform_indices = #map1}, {transform_indices = #map1}, {transform_indices = #map2}]} {
    %broadcast_in_dim3A = arith.constant 0.000000e+00 : f32
    %broadcast_in_dim3A_0 = vector.broadcast %broadcast_in_dim3A : f32 to vector<16xf32>
    %scan3A = arith.constant 0 : i32
    %scan3A_1 = arith.constant 16 : i32
    %scan3A_2 = arith.addi %scan3A, %scan3A_1 : i32
    %scan3A_3 = arith.constant 1 : i32
    scf.for %scan3A_42 = %scan3A to %scan3A_2 step %scan3A_3  : i32 {
      %swap3A = arith.index_cast %scan3A_42 : i32 to index
      %swap3A_43 = arith.constant 0 : index
      %swap3A_44 = tpu.vector_load %arg27[%swap3A, %swap3A_43] {strides = array<i32>} : memref<16x16xf32, #tpu.memory_space<vmem>>, vector<1x16xf32>,
      %swap3A_45 = vector.shape_cast %swap3A_44 : vector<1x16xf32> to vector<16xf32>
      %swap3A_46 = vector.shape_cast %broadcast_in_dim3A_0 : vector<16xf32> to vector<1x16xf32>
      tpu.vector_store %arg27[%swap3A, %swap3A_43], %swap3A_46 {strides = array<i32>} : memref<16x16xf32, #tpu.memory_space<vmem>>, vector<1x16xf32>,
    }
    %scan3A_4 = arith.constant 16 : i32
    %mul3A = arith.constant 784 : i32
    %mul3A_5 = arith.muli %arg1, %mul3A : i32
    %mul3A_6 = arith.constant 53248 : i32
    %mul3A_7 = arith.muli %arg1, %mul3A_6 : i32
    %iota3A = tpu.iota {dimensions = array<i32: 0>} : vector<16xi32>
    %mul3A_8 = arith.constant 2 : i32
    %mul3A_9 = arith.muli %arg0, %mul3A_8 : i32
    %add3A = arith.constant 0 : i32
    %add3A_10 = arith.addi %mul3A_9, %add3A : i32
    %mul3A_11 = arith.constant 12500 : i32
    %mul3A_12 = arith.muli %add3A_10, %mul3A_11 : i32
    %scan3A_13 = arith.constant 0 : i32
    %scan3A_14 = arith.constant 49 : i32
    %scan3A_15 = arith.addi %scan3A_13, %scan3A_14 : i32
    %scan3A_16 = arith.constant 1 : i32
    scf.for %scan3A_42 = %scan3A_13 to %scan3A_15 step %scan3A_16  : i32 {
      %mul3A_43 = arith.constant 16 : i32
      %mul3A_44 = arith.muli %scan3A_42, %mul3A_43 : i32
      %add3A_45 = arith.addi %mul3A_5, %mul3A_44 : i32
      "tpu.region"() ({
        %run_scoped3A = tpu.sem_alloc : memref<!tpu.dma_semaphore, #tpu.memory_space<semaphore_mem>>
        %dma_start3A = arith.constant 0 : i32
        %dma_start3A_46 = tpu.memref_slice %arg28[%add3A_45, %dma_start3A] : memref<12544x16xf32, #tpu.memory_space<vmem_shared>> -> memref<16x16xf32, #tpu.memory_space<vmem_shared>>
        %dma_start3A_47 = arith.constant 0 : i32
        %dma_start3A_48 = tpu.memref_slice %arg28[%add3A_45, %dma_start3A_47] : memref<12544x16xf32, #tpu.memory_space<vmem_shared>> -> memref<16x16xf32, #tpu.memory_space<vmem_shared>>
        tpu.enqueue_dma source(%arg27 : memref<16x16xf32, #tpu.memory_space<vmem>>) target(%dma_start3A_48 : memref<16x16xf32, #tpu.memory_space<vmem_shared>>) target_semaphore(%run_scoped3A : memref<!tpu.dma_semaphore, #tpu.memory_space<semaphore_mem>>)
        %dma_wait3A = arith.constant 0 : i32
        %dma_wait3A_49 = tpu.memref_slice %arg28[%add3A_45, %dma_wait3A] : memref<12544x16xf32, #tpu.memory_space<vmem_shared>> -> memref<16x16xf32, #tpu.memory_space<vmem_shared>>
        %dma_wait3A_50 = arith.constant 0 : i32
        %dma_wait3A_51 = tpu.memref_slice %arg28[%add3A_45, %dma_wait3A_50] : memref<12544x16xf32, #tpu.memory_space<vmem_shared>> -> memref<16x16xf32, #tpu.memory_space<vmem_shared>>
        tpu.wait_dma2 semaphore(%run_scoped3A : memref<!tpu.dma_semaphore, #tpu.memory_space<semaphore_mem>>) src(%arg27 : memref<16x16xf32, #tpu.memory_space<vmem>>) dst(%dma_wait3A_51 : memref<16x16xf32, #tpu.memory_space<vmem_shared>>)
        tpu.yield
      }) : () -> ()
    }
    %scan3A_17 = arith.constant 49 : i32
    %barrier3A = arith.constant 0 : index
    tpu.barrier barrier_id(%barrier3A)
    %scan3A_18 = arith.constant 0 : i32
    %scan3A_19 = arith.constant 208 : i32
    %scan3A_20 = arith.addi %scan3A_18, %scan3A_19 : i32
    %scan3A_21 = arith.constant 1 : i32
    scf.for %scan3A_42 = %scan3A_18 to %scan3A_20 step %scan3A_21  : i32 {
      %mul3A_43 = arith.constant 2 : i32
      %mul3A_44 = arith.muli %scan3A_42, %mul3A_43 : i32
      %add3A_45 = arith.constant 0 : i32
      %add3A_46 = arith.addi %mul3A_44, %add3A_45 : i32
      %mul3A_47 = arith.constant 128 : i32
      %mul3A_48 = arith.muli %add3A_46, %mul3A_47 : i32
      %add3A_49 = arith.addi %mul3A_7, %mul3A_48 : i32
      "tpu.region"() ({
        %run_scoped3A = tpu.sem_alloc : memref<!tpu.dma_semaphore, #tpu.memory_space<semaphore_mem>>
        %dma_start3A_385 = tpu.memref_slice %arg4[%add3A_49] : memref<851968xi32, #tpu.memory_space<hbm>> -> memref<128xi32, #tpu.memory_space<hbm>>
        %dma_start3A_386 = tpu.memref_slice %arg4[%add3A_49] : memref<851968xi32, #tpu.memory_space<hbm>> -> memref<128xi32, #tpu.memory_space<hbm>>
        tpu.enqueue_dma source(%dma_start3A_386 : memref<128xi32, #tpu.memory_space<hbm>>) target(%arg7 : memref<128xi32, #tpu.memory_space<vmem>>) target_semaphore(%run_scoped3A : memref<!tpu.dma_semaphore, #tpu.memory_space<semaphore_mem>>)
        %dma_wait3A_387 = tpu.memref_slice %arg4[%add3A_49] : memref<851968xi32, #tpu.memory_space<hbm>> -> memref<128xi32, #tpu.memory_space<hbm>>
        %dma_wait3A_388 = tpu.memref_slice %arg4[%add3A_49] : memref<851968xi32, #tpu.memory_space<hbm>> -> memref<128xi32, #tpu.memory_space<hbm>>
        tpu.wait_dma2 semaphore(%run_scoped3A : memref<!tpu.dma_semaphore, #tpu.memory_space<semaphore_mem>>) src(%dma_wait3A_388 : memref<128xi32, #tpu.memory_space<hbm>>) dst(%arg7 : memref<128xi32, #tpu.memory_space<vmem>>)
        tpu.yield
      }) : () -> ()
      "tpu.region"() ({
        %run_scoped3A = tpu.sem_alloc : memref<!tpu.dma_semaphore, #tpu.memory_space<semaphore_mem>>
        %dma_start3A_385 = tpu.memref_slice %arg5[%add3A_49] : memref<851968xi32, #tpu.memory_space<hbm>> -> memref<128xi32, #tpu.memory_space<hbm>>
        %dma_start3A_386 = tpu.memref_slice %arg5[%add3A_49] : memref<851968xi32, #tpu.memory_space<hbm>> -> memref<128xi32, #tpu.memory_space<hbm>>
        tpu.enqueue_dma source(%dma_start3A_386 : memref<128xi32, #tpu.memory_space<hbm>>) target(%arg8 : memref<128xi32, #tpu.memory_space<vmem>>) target_semaphore(%run_scoped3A : memref<!tpu.dma_semaphore, #tpu.memory_space<semaphore_mem>>)
        %dma_wait3A_387 = tpu.memref_slice %arg5[%add3A_49] : memref<851968xi32, #tpu.memory_space<hbm>> -> memref<128xi32, #tpu.memory_space<hbm>>
        %dma_wait3A_388 = tpu.memref_slice %arg5[%add3A_49] : memref<851968xi32, #tpu.memory_space<hbm>> -> memref<128xi32, #tpu.memory_space<hbm>>
        tpu.wait_dma2 semaphore(%run_scoped3A : memref<!tpu.dma_semaphore, #tpu.memory_space<semaphore_mem>>) src(%dma_wait3A_388 : memref<128xi32, #tpu.memory_space<hbm>>) dst(%arg8 : memref<128xi32, #tpu.memory_space<vmem>>)
        tpu.yield
      }) : () -> ()
      %dma_start3A = arith.constant 0 : i32
      %dma_start3A_50 = arith.constant 0 : i32
      %dma_start3A_51 = tpu.memref_slice %arg2[%dma_start3A, %dma_start3A_50] : memref<50000x16xf32, #tpu.memory_space<hbm>> -> memref<50000x16xf32, #tpu.memory_space<hbm>>
      tpu.enqueue_indirect_dma source(%dma_start3A_51 : memref<50000x16xf32, #tpu.memory_space<hbm>>) target(%arg12 : memref<128x16xf32, #tpu.memory_space<vmem>>) offsets(%arg7 : memref<128xi32, #tpu.memory_space<vmem>>) semaphore(%arg15 : memref<!tpu.dma_semaphore, #tpu.memory_space<semaphore_mem>>)
      %dma_start3A_52 = arith.constant 0 : i32
      %dma_start3A_53 = arith.constant 0 : i32
      %dma_start3A_54 = tpu.memref_slice %arg3[%dma_start3A_52, %dma_start3A_53] : memref<50016x16xf32, #tpu.memory_space<hbm>> -> memref<50016x16xf32, #tpu.memory_space<hbm>>
      tpu.enqueue_indirect_dma source(%dma_start3A_54 : memref<50016x16xf32, #tpu.memory_space<hbm>>) target(%arg13 : memref<128x16xf32, #tpu.memory_space<vmem>>) offsets(%arg8 : memref<128xi32, #tpu.memory_space<vmem>>) semaphore(%arg16 : memref<!tpu.dma_semaphore, #tpu.memory_space<semaphore_mem>>)
      %get3A = arith.constant 0 : index
      %get3A_55 = tpu.vector_load %arg8[%get3A] {strides = array<i32>} : memref<128xi32, #tpu.memory_space<vmem>>, vector<16xi32>,
      %get3A_56 = vector.shape_cast %get3A_55 : vector<16xi32> to vector<16xi32>
      %sub3A = vector.broadcast %mul3A_12 : i32 to vector<16xi32>
      %sub3A_57 = arith.subi %get3A_56, %sub3A : vector<16xi32>
      %ge3A = arith.constant 0 : i32
      %ge3A_58 = vector.broadcast %ge3A : i32 to vector<16xi32>
      %ge3A_59 = arith.cmpi sge, %sub3A_57, %ge3A_58 : vector<16xi32>
      %lt3A = arith.constant 12500 : i32
      %lt3A_60 = vector.broadcast %lt3A : i32 to vector<16xi32>
      %lt3A_61 = arith.cmpi slt, %sub3A_57, %lt3A_60 : vector<16xi32>
      %and3A = arith.andi %ge3A_59, %lt3A_61 : vector<16xi1>
      %jit3A = arith.constant 12500 : i32
      %broadcast_in_dim3A_62 = vector.broadcast %jit3A : i32 to vector<16xi32>
      %select_n3A = arith.select %and3A, %sub3A_57, %broadcast_in_dim3A_62 : vector<16xi1>, vector<16xi32>
      %swap3A = arith.constant 0 : index
      %swap3A_63 = tpu.vector_load %arg11[%swap3A] {strides = array<i32>} : memref<128xi32, #tpu.memory_space<vmem>>, vector<16xi32>,
      %swap3A_64 = vector.shape_cast %swap3A_63 : vector<16xi32> to vector<16xi32>
      %swap3A_65 = vector.shape_cast %select_n3A : vector<16xi32> to vector<16xi32>
      tpu.vector_store %arg11[%swap3A], %swap3A_65 {strides = array<i32>} : memref<128xi32, #tpu.memory_space<vmem>>, vector<16xi32>,
      %get3A_66 = arith.constant 16 : index
      %get3A_67 = tpu.vector_load %arg8[%get3A_66] {strides = array<i32>} : memref<128xi32, #tpu.memory_space<vmem>>, vector<16xi32>,
      %get3A_68 = vector.shape_cast %get3A_67 : vector<16xi32> to vector<16xi32>
      %sub3A_69 = vector.broadcast %mul3A_12 : i32 to vector<16xi32>
      %sub3A_70 = arith.subi %get3A_68, %sub3A_69 : vector<16xi32>
      %ge3A_71 = arith.constant 0 : i32
      %ge3A_72 = vector.broadcast %ge3A_71 : i32 to vector<16xi32>
      %ge3A_73 = arith.cmpi sge, %sub3A_70, %ge3A_72 : vector<16xi32>
      %lt3A_74 = arith.constant 12500 : i32
      %lt3A_75 = vector.broadcast %lt3A_74 : i32 to vector<16xi32>
      %lt3A_76 = arith.cmpi slt, %sub3A_70, %lt3A_75 : vector<16xi32>
      %and3A_77 = arith.andi %ge3A_73, %lt3A_76 : vector<16xi1>
      %jit3A_78 = arith.constant 12500 : i32
      %broadcast_in_dim3A_79 = vector.broadcast %jit3A_78 : i32 to vector<16xi32>
      %select_n3A_80 = arith.select %and3A_77, %sub3A_70, %broadcast_in_dim3A_79 : vector<16xi1>, vector<16xi32>
      %swap3A_81 = arith.constant 16 : index
      %swap3A_82 = tpu.vector_load %arg11[%swap3A_81] {strides = array<i32>} : memref<128xi32, #tpu.memory_space<vmem>>, vector<16xi32>,
      %swap3A_83 = vector.shape_cast %swap3A_82 : vector<16xi32> to vector<16xi32>
      %swap3A_84 = vector.shape_cast %select_n3A_80 : vector<16xi32> to vector<16xi32>
      tpu.vector_store %arg11[%swap3A_81], %swap3A_84 {strides = array<i32>} : memref<128xi32, #tpu.memory_space<vmem>>, vector<16xi32>,
      %get3A_85 = arith.constant 32 : index
      %get3A_86 = tpu.vector_load %arg8[%get3A_85] {strides = array<i32>} : memref<128xi32, #tpu.memory_space<vmem>>, vector<16xi32>,
      %get3A_87 = vector.shape_cast %get3A_86 : vector<16xi32> to vector<16xi32>
      %sub3A_88 = vector.broadcast %mul3A_12 : i32 to vector<16xi32>
      %sub3A_89 = arith.subi %get3A_87, %sub3A_88 : vector<16xi32>
      %ge3A_90 = arith.constant 0 : i32
      %ge3A_91 = vector.broadcast %ge3A_90 : i32 to vector<16xi32>
      %ge3A_92 = arith.cmpi sge, %sub3A_89, %ge3A_91 : vector<16xi32>
      %lt3A_93 = arith.constant 12500 : i32
      %lt3A_94 = vector.broadcast %lt3A_93 : i32 to vector<16xi32>
      %lt3A_95 = arith.cmpi slt, %sub3A_89, %lt3A_94 : vector<16xi32>
      %and3A_96 = arith.andi %ge3A_92, %lt3A_95 : vector<16xi1>
      %jit3A_97 = arith.constant 12500 : i32
      %broadcast_in_dim3A_98 = vector.broadcast %jit3A_97 : i32 to vector<16xi32>
      %select_n3A_99 = arith.select %and3A_96, %sub3A_89, %broadcast_in_dim3A_98 : vector<16xi1>, vector<16xi32>
      %swap3A_100 = arith.constant 32 : index
      %swap3A_101 = tpu.vector_load %arg11[%swap3A_100] {strides = array<i32>} : memref<128xi32, #tpu.memory_space<vmem>>, vector<16xi32>,
      %swap3A_102 = vector.shape_cast %swap3A_101 : vector<16xi32> to vector<16xi32>
      %swap3A_103 = vector.shape_cast %select_n3A_99 : vector<16xi32> to vector<16xi32>
      tpu.vector_store %arg11[%swap3A_100], %swap3A_103 {strides = array<i32>} : memref<128xi32, #tpu.memory_space<vmem>>, vector<16xi32>,
      %get3A_104 = arith.constant 48 : index
      %get3A_105 = tpu.vector_load %arg8[%get3A_104] {strides = array<i32>} : memref<128xi32, #tpu.memory_space<vmem>>, vector<16xi32>,
      %get3A_106 = vector.shape_cast %get3A_105 : vector<16xi32> to vector<16xi32>
      %sub3A_107 = vector.broadcast %mul3A_12 : i32 to vector<16xi32>
      %sub3A_108 = arith.subi %get3A_106, %sub3A_107 : vector<16xi32>
      %ge3A_109 = arith.constant 0 : i32
      %ge3A_110 = vector.broadcast %ge3A_109 : i32 to vector<16xi32>
      %ge3A_111 = arith.cmpi sge, %sub3A_108, %ge3A_110 : vector<16xi32>
      %lt3A_112 = arith.constant 12500 : i32
      %lt3A_113 = vector.broadcast %lt3A_112 : i32 to vector<16xi32>
      %lt3A_114 = arith.cmpi slt, %sub3A_108, %lt3A_113 : vector<16xi32>
      %and3A_115 = arith.andi %ge3A_111, %lt3A_114 : vector<16xi1>
      %jit3A_116 = arith.constant 12500 : i32
      %broadcast_in_dim3A_117 = vector.broadcast %jit3A_116 : i32 to vector<16xi32>
      %select_n3A_118 = arith.select %and3A_115, %sub3A_108, %broadcast_in_dim3A_117 : vector<16xi1>, vector<16xi32>
      %swap3A_119 = arith.constant 48 : index
      %swap3A_120 = tpu.vector_load %arg11[%swap3A_119] {strides = array<i32>} : memref<128xi32, #tpu.memory_space<vmem>>, vector<16xi32>,
      %swap3A_121 = vector.shape_cast %swap3A_120 : vector<16xi32> to vector<16xi32>
      %swap3A_122 = vector.shape_cast %select_n3A_118 : vector<16xi32> to vector<16xi32>
      tpu.vector_store %arg11[%swap3A_119], %swap3A_122 {strides = array<i32>} : memref<128xi32, #tpu.memory_space<vmem>>, vector<16xi32>,
      %get3A_123 = arith.constant 64 : index
      %get3A_124 = tpu.vector_load %arg8[%get3A_123] {strides = array<i32>} : memref<128xi32, #tpu.memory_space<vmem>>, vector<16xi32>,
      %get3A_125 = vector.shape_cast %get3A_124 : vector<16xi32> to vector<16xi32>
      %sub3A_126 = vector.broadcast %mul3A_12 : i32 to vector<16xi32>
      %sub3A_127 = arith.subi %get3A_125, %sub3A_126 : vector<16xi32>
      %ge3A_128 = arith.constant 0 : i32
      %ge3A_129 = vector.broadcast %ge3A_128 : i32 to vector<16xi32>
      %ge3A_130 = arith.cmpi sge, %sub3A_127, %ge3A_129 : vector<16xi32>
      %lt3A_131 = arith.constant 12500 : i32
      %lt3A_132 = vector.broadcast %lt3A_131 : i32 to vector<16xi32>
      %lt3A_133 = arith.cmpi slt, %sub3A_127, %lt3A_132 : vector<16xi32>
      %and3A_134 = arith.andi %ge3A_130, %lt3A_133 : vector<16xi1>
      %jit3A_135 = arith.constant 12500 : i32
      %broadcast_in_dim3A_136 = vector.broadcast %jit3A_135 : i32 to vector<16xi32>
      %select_n3A_137 = arith.select %and3A_134, %sub3A_127, %broadcast_in_dim3A_136 : vector<16xi1>, vector<16xi32>
      %swap3A_138 = arith.constant 64 : index
      %swap3A_139 = tpu.vector_load %arg11[%swap3A_138] {strides = array<i32>} : memref<128xi32, #tpu.memory_space<vmem>>, vector<16xi32>,
      %swap3A_140 = vector.shape_cast %swap3A_139 : vector<16xi32> to vector<16xi32>
      %swap3A_141 = vector.shape_cast %select_n3A_137 : vector<16xi32> to vector<16xi32>
      tpu.vector_store %arg11[%swap3A_138], %swap3A_141 {strides = array<i32>} : memref<128xi32, #tpu.memory_space<vmem>>, vector<16xi32>,
      %get3A_142 = arith.constant 80 : index
      %get3A_143 = tpu.vector_load %arg8[%get3A_142] {strides = array<i32>} : memref<128xi32, #tpu.memory_space<vmem>>, vector<16xi32>,
      %get3A_144 = vector.shape_cast %get3A_143 : vector<16xi32> to vector<16xi32>
      %sub3A_145 = vector.broadcast %mul3A_12 : i32 to vector<16xi32>
      %sub3A_146 = arith.subi %get3A_144, %sub3A_145 : vector<16xi32>
      %ge3A_147 = arith.constant 0 : i32
      %ge3A_148 = vector.broadcast %ge3A_147 : i32 to vector<16xi32>
      %ge3A_149 = arith.cmpi sge, %sub3A_146, %ge3A_148 : vector<16xi32>
      %lt3A_150 = arith.constant 12500 : i32
      %lt3A_151 = vector.broadcast %lt3A_150 : i32 to vector<16xi32>
      %lt3A_152 = arith.cmpi slt, %sub3A_146, %lt3A_151 : vector<16xi32>
      %and3A_153 = arith.andi %ge3A_149, %lt3A_152 : vector<16xi1>
      %jit3A_154 = arith.constant 12500 : i32
      %broadcast_in_dim3A_155 = vector.broadcast %jit3A_154 : i32 to vector<16xi32>
      %select_n3A_156 = arith.select %and3A_153, %sub3A_146, %broadcast_in_dim3A_155 : vector<16xi1>, vector<16xi32>
      %swap3A_157 = arith.constant 80 : index
      %swap3A_158 = tpu.vector_load %arg11[%swap3A_157] {strides = array<i32>} : memref<128xi32, #tpu.memory_space<vmem>>, vector<16xi32>,
      %swap3A_159 = vector.shape_cast %swap3A_158 : vector<16xi32> to vector<16xi32>
      %swap3A_160 = vector.shape_cast %select_n3A_156 : vector<16xi32> to vector<16xi32>
      tpu.vector_store %arg11[%swap3A_157], %swap3A_160 {strides = array<i32>} : memref<128xi32, #tpu.memory_space<vmem>>, vector<16xi32>,
      %get3A_161 = arith.constant 96 : index
      %get3A_162 = tpu.vector_load %arg8[%get3A_161] {strides = array<i32>} : memref<128xi32, #tpu.memory_space<vmem>>, vector<16xi32>,
      %get3A_163 = vector.shape_cast %get3A_162 : vector<16xi32> to vector<16xi32>
      %sub3A_164 = vector.broadcast %mul3A_12 : i32 to vector<16xi32>
      %sub3A_165 = arith.subi %get3A_163, %sub3A_164 : vector<16xi32>
      %ge3A_166 = arith.constant 0 : i32
      %ge3A_167 = vector.broadcast %ge3A_166 : i32 to vector<16xi32>
      %ge3A_168 = arith.cmpi sge, %sub3A_165, %ge3A_167 : vector<16xi32>
      %lt3A_169 = arith.constant 12500 : i32
      %lt3A_170 = vector.broadcast %lt3A_169 : i32 to vector<16xi32>
      %lt3A_171 = arith.cmpi slt, %sub3A_165, %lt3A_170 : vector<16xi32>
      %and3A_172 = arith.andi %ge3A_168, %lt3A_171 : vector<16xi1>
      %jit3A_173 = arith.constant 12500 : i32
      %broadcast_in_dim3A_174 = vector.broadcast %jit3A_173 : i32 to vector<16xi32>
      %select_n3A_175 = arith.select %and3A_172, %sub3A_165, %broadcast_in_dim3A_174 : vector<16xi1>, vector<16xi32>
      %swap3A_176 = arith.constant 96 : index
      %swap3A_177 = tpu.vector_load %arg11[%swap3A_176] {strides = array<i32>} : memref<128xi32, #tpu.memory_space<vmem>>, vector<16xi32>,
      %swap3A_178 = vector.shape_cast %swap3A_177 : vector<16xi32> to vector<16xi32>
      %swap3A_179 = vector.shape_cast %select_n3A_175 : vector<16xi32> to vector<16xi32>
      tpu.vector_store %arg11[%swap3A_176], %swap3A_179 {strides = array<i32>} : memref<128xi32, #tpu.memory_space<vmem>>, vector<16xi32>,
      %get3A_180 = arith.constant 112 : index
      %get3A_181 = tpu.vector_load %arg8[%get3A_180] {strides = array<i32>} : memref<128xi32, #tpu.memory_space<vmem>>, vector<16xi32>,
      %get3A_182 = vector.shape_cast %get3A_181 : vector<16xi32> to vector<16xi32>
      %sub3A_183 = vector.broadcast %mul3A_12 : i32 to vector<16xi32>
      %sub3A_184 = arith.subi %get3A_182, %sub3A_183 : vector<16xi32>
      %ge3A_185 = arith.constant 0 : i32
      %ge3A_186 = vector.broadcast %ge3A_185 : i32 to vector<16xi32>
      %ge3A_187 = arith.cmpi sge, %sub3A_184, %ge3A_186 : vector<16xi32>
      %lt3A_188 = arith.constant 12500 : i32
      %lt3A_189 = vector.broadcast %lt3A_188 : i32 to vector<16xi32>
      %lt3A_190 = arith.cmpi slt, %sub3A_184, %lt3A_189 : vector<16xi32>
      %and3A_191 = arith.andi %ge3A_187, %lt3A_190 : vector<16xi1>
      %jit3A_192 = arith.constant 12500 : i32
      %broadcast_in_dim3A_193 = vector.broadcast %jit3A_192 : i32 to vector<16xi32>
      %select_n3A_194 = arith.select %and3A_191, %sub3A_184, %broadcast_in_dim3A_193 : vector<16xi1>, vector<16xi32>
      %swap3A_195 = arith.constant 112 : index
      %swap3A_196 = tpu.vector_load %arg11[%swap3A_195] {strides = array<i32>} : memref<128xi32, #tpu.memory_space<vmem>>, vector<16xi32>,
      %swap3A_197 = vector.shape_cast %swap3A_196 : vector<16xi32> to vector<16xi32>
      %swap3A_198 = vector.shape_cast %select_n3A_194 : vector<16xi32> to vector<16xi32>
      tpu.vector_store %arg11[%swap3A_195], %swap3A_198 {strides = array<i32>} : memref<128xi32, #tpu.memory_space<vmem>>, vector<16xi32>,
      %mul3A_199 = arith.constant 2 : i32
      %mul3A_200 = arith.muli %scan3A_42, %mul3A_199 : i32
      %add3A_201 = arith.constant 1 : i32
      %add3A_202 = arith.addi %mul3A_200, %add3A_201 : i32
      %mul3A_203 = arith.constant 128 : i32
      %mul3A_204 = arith.muli %add3A_202, %mul3A_203 : i32
      %add3A_205 = arith.addi %mul3A_7, %mul3A_204 : i32
      "tpu.region"() ({
        %run_scoped3A = tpu.sem_alloc : memref<!tpu.dma_semaphore, #tpu.memory_space<semaphore_mem>>
        %dma_start3A_385 = tpu.memref_slice %arg4[%add3A_205] : memref<851968xi32, #tpu.memory_space<hbm>> -> memref<128xi32, #tpu.memory_space<hbm>>
        %dma_start3A_386 = tpu.memref_slice %arg4[%add3A_205] : memref<851968xi32, #tpu.memory_space<hbm>> -> memref<128xi32, #tpu.memory_space<hbm>>
        tpu.enqueue_dma source(%dma_start3A_386 : memref<128xi32, #tpu.memory_space<hbm>>) target(%arg17 : memref<128xi32, #tpu.memory_space<vmem>>) target_semaphore(%run_scoped3A : memref<!tpu.dma_semaphore, #tpu.memory_space<semaphore_mem>>)
        %dma_wait3A_387 = tpu.memref_slice %arg4[%add3A_205] : memref<851968xi32, #tpu.memory_space<hbm>> -> memref<128xi32, #tpu.memory_space<hbm>>
        %dma_wait3A_388 = tpu.memref_slice %arg4[%add3A_205] : memref<851968xi32, #tpu.memory_space<hbm>> -> memref<128xi32, #tpu.memory_space<hbm>>
        tpu.wait_dma2 semaphore(%run_scoped3A : memref<!tpu.dma_semaphore, #tpu.memory_space<semaphore_mem>>) src(%dma_wait3A_388 : memref<128xi32, #tpu.memory_space<hbm>>) dst(%arg17 : memref<128xi32, #tpu.memory_space<vmem>>)
        tpu.yield
      }) : () -> ()
      "tpu.region"() ({
        %run_scoped3A = tpu.sem_alloc : memref<!tpu.dma_semaphore, #tpu.memory_space<semaphore_mem>>
        %dma_start3A_385 = tpu.memref_slice %arg5[%add3A_205] : memref<851968xi32, #tpu.memory_space<hbm>> -> memref<128xi32, #tpu.memory_space<hbm>>
        %dma_start3A_386 = tpu.memref_slice %arg5[%add3A_205] : memref<851968xi32, #tpu.memory_space<hbm>> -> memref<128xi32, #tpu.memory_space<hbm>>
        tpu.enqueue_dma source(%dma_start3A_386 : memref<128xi32, #tpu.memory_space<hbm>>) target(%arg18 : memref<128xi32, #tpu.memory_space<vmem>>) target_semaphore(%run_scoped3A : memref<!tpu.dma_semaphore, #tpu.memory_space<semaphore_mem>>)
        %dma_wait3A_387 = tpu.memref_slice %arg5[%add3A_205] : memref<851968xi32, #tpu.memory_space<hbm>> -> memref<128xi32, #tpu.memory_space<hbm>>
        %dma_wait3A_388 = tpu.memref_slice %arg5[%add3A_205] : memref<851968xi32, #tpu.memory_space<hbm>> -> memref<128xi32, #tpu.memory_space<hbm>>
        tpu.wait_dma2 semaphore(%run_scoped3A : memref<!tpu.dma_semaphore, #tpu.memory_space<semaphore_mem>>) src(%dma_wait3A_388 : memref<128xi32, #tpu.memory_space<hbm>>) dst(%arg18 : memref<128xi32, #tpu.memory_space<vmem>>)
        tpu.yield
      }) : () -> ()
      %dma_start3A_206 = arith.constant 0 : i32
      %dma_start3A_207 = arith.constant 0 : i32
      %dma_start3A_208 = tpu.memref_slice %arg2[%dma_start3A_206, %dma_start3A_207] : memref<50000x16xf32, #tpu.memory_space<hbm>> -> memref<50000x16xf32, #tpu.memory_space<hbm>>
      tpu.enqueue_indirect_dma source(%dma_start3A_208 : memref<50000x16xf32, #tpu.memory_space<hbm>>) target(%arg22 : memref<128x16xf32, #tpu.memory_space<vmem>>) offsets(%arg17 : memref<128xi32, #tpu.memory_space<vmem>>) semaphore(%arg25 : memref<!tpu.dma_semaphore, #tpu.memory_space<semaphore_mem>>)
      %dma_start3A_209 = arith.constant 0 : i32
      %dma_start3A_210 = arith.constant 0 : i32
      %dma_start3A_211 = tpu.memref_slice %arg3[%dma_start3A_209, %dma_start3A_210] : memref<50016x16xf32, #tpu.memory_space<hbm>> -> memref<50016x16xf32, #tpu.memory_space<hbm>>
      tpu.enqueue_indirect_dma source(%dma_start3A_211 : memref<50016x16xf32, #tpu.memory_space<hbm>>) target(%arg23 : memref<128x16xf32, #tpu.memory_space<vmem>>) offsets(%arg18 : memref<128xi32, #tpu.memory_space<vmem>>) semaphore(%arg26 : memref<!tpu.dma_semaphore, #tpu.memory_space<semaphore_mem>>)
      %get3A_212 = arith.constant 0 : index
      %get3A_213 = tpu.vector_load %arg18[%get3A_212] {strides = array<i32>} : memref<128xi32, #tpu.memory_space<vmem>>, vector<16xi32>,
      %get3A_214 = vector.shape_cast %get3A_213 : vector<16xi32> to vector<16xi32>
      %sub3A_215 = vector.broadcast %mul3A_12 : i32 to vector<16xi32>
      %sub3A_216 = arith.subi %get3A_214, %sub3A_215 : vector<16xi32>
      %ge3A_217 = arith.constant 0 : i32
      %ge3A_218 = vector.broadcast %ge3A_217 : i32 to vector<16xi32>
      %ge3A_219 = arith.cmpi sge, %sub3A_216, %ge3A_218 : vector<16xi32>
      %lt3A_220 = arith.constant 12500 : i32
      %lt3A_221 = vector.broadcast %lt3A_220 : i32 to vector<16xi32>
      %lt3A_222 = arith.cmpi slt, %sub3A_216, %lt3A_221 : vector<16xi32>
      %and3A_223 = arith.andi %ge3A_219, %lt3A_222 : vector<16xi1>
      %jit3A_224 = arith.constant 12500 : i32
      %broadcast_in_dim3A_225 = vector.broadcast %jit3A_224 : i32 to vector<16xi32>
      %select_n3A_226 = arith.select %and3A_223, %sub3A_216, %broadcast_in_dim3A_225 : vector<16xi1>, vector<16xi32>
      %swap3A_227 = arith.constant 0 : index
      %swap3A_228 = tpu.vector_load %arg21[%swap3A_227] {strides = array<i32>} : memref<128xi32, #tpu.memory_space<vmem>>, vector<16xi32>,
      %swap3A_229 = vector.shape_cast %swap3A_228 : vector<16xi32> to vector<16xi32>
      %swap3A_230 = vector.shape_cast %select_n3A_226 : vector<16xi32> to vector<16xi32>
      tpu.vector_store %arg21[%swap3A_227], %swap3A_230 {strides = array<i32>} : memref<128xi32, #tpu.memory_space<vmem>>, vector<16xi32>,
      %get3A_231 = arith.constant 16 : index
      %get3A_232 = tpu.vector_load %arg18[%get3A_231] {strides = array<i32>} : memref<128xi32, #tpu.memory_space<vmem>>, vector<16xi32>,
      %get3A_233 = vector.shape_cast %get3A_232 : vector<16xi32> to vector<16xi32>
      %sub3A_234 = vector.broadcast %mul3A_12 : i32 to vector<16xi32>
      %sub3A_235 = arith.subi %get3A_233, %sub3A_234 : vector<16xi32>
      %ge3A_236 = arith.constant 0 : i32
      %ge3A_237 = vector.broadcast %ge3A_236 : i32 to vector<16xi32>
      %ge3A_238 = arith.cmpi sge, %sub3A_235, %ge3A_237 : vector<16xi32>
      %lt3A_239 = arith.constant 12500 : i32
      %lt3A_240 = vector.broadcast %lt3A_239 : i32 to vector<16xi32>
      %lt3A_241 = arith.cmpi slt, %sub3A_235, %lt3A_240 : vector<16xi32>
      %and3A_242 = arith.andi %ge3A_238, %lt3A_241 : vector<16xi1>
      %jit3A_243 = arith.constant 12500 : i32
      %broadcast_in_dim3A_244 = vector.broadcast %jit3A_243 : i32 to vector<16xi32>
      %select_n3A_245 = arith.select %and3A_242, %sub3A_235, %broadcast_in_dim3A_244 : vector<16xi1>, vector<16xi32>
      %swap3A_246 = arith.constant 16 : index
      %swap3A_247 = tpu.vector_load %arg21[%swap3A_246] {strides = array<i32>} : memref<128xi32, #tpu.memory_space<vmem>>, vector<16xi32>,
      %swap3A_248 = vector.shape_cast %swap3A_247 : vector<16xi32> to vector<16xi32>
      %swap3A_249 = vector.shape_cast %select_n3A_245 : vector<16xi32> to vector<16xi32>
      tpu.vector_store %arg21[%swap3A_246], %swap3A_249 {strides = array<i32>} : memref<128xi32, #tpu.memory_space<vmem>>, vector<16xi32>,
      %get3A_250 = arith.constant 32 : index
      %get3A_251 = tpu.vector_load %arg18[%get3A_250] {strides = array<i32>} : memref<128xi32, #tpu.memory_space<vmem>>, vector<16xi32>,
      %get3A_252 = vector.shape_cast %get3A_251 : vector<16xi32> to vector<16xi32>
      %sub3A_253 = vector.broadcast %mul3A_12 : i32 to vector<16xi32>
      %sub3A_254 = arith.subi %get3A_252, %sub3A_253 : vector<16xi32>
      %ge3A_255 = arith.constant 0 : i32
      %ge3A_256 = vector.broadcast %ge3A_255 : i32 to vector<16xi32>
      %ge3A_257 = arith.cmpi sge, %sub3A_254, %ge3A_256 : vector<16xi32>
      %lt3A_258 = arith.constant 12500 : i32
      %lt3A_259 = vector.broadcast %lt3A_258 : i32 to vector<16xi32>
      %lt3A_260 = arith.cmpi slt, %sub3A_254, %lt3A_259 : vector<16xi32>
      %and3A_261 = arith.andi %ge3A_257, %lt3A_260 : vector<16xi1>
      %jit3A_262 = arith.constant 12500 : i32
      %broadcast_in_dim3A_263 = vector.broadcast %jit3A_262 : i32 to vector<16xi32>
      %select_n3A_264 = arith.select %and3A_261, %sub3A_254, %broadcast_in_dim3A_263 : vector<16xi1>, vector<16xi32>
      %swap3A_265 = arith.constant 32 : index
      %swap3A_266 = tpu.vector_load %arg21[%swap3A_265] {strides = array<i32>} : memref<128xi32, #tpu.memory_space<vmem>>, vector<16xi32>,
      %swap3A_267 = vector.shape_cast %swap3A_266 : vector<16xi32> to vector<16xi32>
      %swap3A_268 = vector.shape_cast %select_n3A_264 : vector<16xi32> to vector<16xi32>
      tpu.vector_store %arg21[%swap3A_265], %swap3A_268 {strides = array<i32>} : memref<128xi32, #tpu.memory_space<vmem>>, vector<16xi32>,
      %get3A_269 = arith.constant 48 : index
      %get3A_270 = tpu.vector_load %arg18[%get3A_269] {strides = array<i32>} : memref<128xi32, #tpu.memory_space<vmem>>, vector<16xi32>,
      %get3A_271 = vector.shape_cast %get3A_270 : vector<16xi32> to vector<16xi32>
      %sub3A_272 = vector.broadcast %mul3A_12 : i32 to vector<16xi32>
      %sub3A_273 = arith.subi %get3A_271, %sub3A_272 : vector<16xi32>
      %ge3A_274 = arith.constant 0 : i32
      %ge3A_275 = vector.broadcast %ge3A_274 : i32 to vector<16xi32>
      %ge3A_276 = arith.cmpi sge, %sub3A_273, %ge3A_275 : vector<16xi32>
      %lt3A_277 = arith.constant 12500 : i32
      %lt3A_278 = vector.broadcast %lt3A_277 : i32 to vector<16xi32>
      %lt3A_279 = arith.cmpi slt, %sub3A_273, %lt3A_278 : vector<16xi32>
      %and3A_280 = arith.andi %ge3A_276, %lt3A_279 : vector<16xi1>
      %jit3A_281 = arith.constant 12500 : i32
      %broadcast_in_dim3A_282 = vector.broadcast %jit3A_281 : i32 to vector<16xi32>
      %select_n3A_283 = arith.select %and3A_280, %sub3A_273, %broadcast_in_dim3A_282 : vector<16xi1>, vector<16xi32>
      %swap3A_284 = arith.constant 48 : index
      %swap3A_285 = tpu.vector_load %arg21[%swap3A_284] {strides = array<i32>} : memref<128xi32, #tpu.memory_space<vmem>>, vector<16xi32>,
      %swap3A_286 = vector.shape_cast %swap3A_285 : vector<16xi32> to vector<16xi32>
      %swap3A_287 = vector.shape_cast %select_n3A_283 : vector<16xi32> to vector<16xi32>
      tpu.vector_store %arg21[%swap3A_284], %swap3A_287 {strides = array<i32>} : memref<128xi32, #tpu.memory_space<vmem>>, vector<16xi32>,
      %get3A_288 = arith.constant 64 : index
      %get3A_289 = tpu.vector_load %arg18[%get3A_288] {strides = array<i32>} : memref<128xi32, #tpu.memory_space<vmem>>, vector<16xi32>,
      %get3A_290 = vector.shape_cast %get3A_289 : vector<16xi32> to vector<16xi32>
      %sub3A_291 = vector.broadcast %mul3A_12 : i32 to vector<16xi32>
      %sub3A_292 = arith.subi %get3A_290, %sub3A_291 : vector<16xi32>
      %ge3A_293 = arith.constant 0 : i32
      %ge3A_294 = vector.broadcast %ge3A_293 : i32 to vector<16xi32>
      %ge3A_295 = arith.cmpi sge, %sub3A_292, %ge3A_294 : vector<16xi32>
      %lt3A_296 = arith.constant 12500 : i32
      %lt3A_297 = vector.broadcast %lt3A_296 : i32 to vector<16xi32>
      %lt3A_298 = arith.cmpi slt, %sub3A_292, %lt3A_297 : vector<16xi32>
      %and3A_299 = arith.andi %ge3A_295, %lt3A_298 : vector<16xi1>
      %jit3A_300 = arith.constant 12500 : i32
      %broadcast_in_dim3A_301 = vector.broadcast %jit3A_300 : i32 to vector<16xi32>
      %select_n3A_302 = arith.select %and3A_299, %sub3A_292, %broadcast_in_dim3A_301 : vector<16xi1>, vector<16xi32>
      %swap3A_303 = arith.constant 64 : index
      %swap3A_304 = tpu.vector_load %arg21[%swap3A_303] {strides = array<i32>} : memref<128xi32, #tpu.memory_space<vmem>>, vector<16xi32>,
      %swap3A_305 = vector.shape_cast %swap3A_304 : vector<16xi32> to vector<16xi32>
      %swap3A_306 = vector.shape_cast %select_n3A_302 : vector<16xi32> to vector<16xi32>
      tpu.vector_store %arg21[%swap3A_303], %swap3A_306 {strides = array<i32>} : memref<128xi32, #tpu.memory_space<vmem>>, vector<16xi32>,
      %get3A_307 = arith.constant 80 : index
      %get3A_308 = tpu.vector_load %arg18[%get3A_307] {strides = array<i32>} : memref<128xi32, #tpu.memory_space<vmem>>, vector<16xi32>,
      %get3A_309 = vector.shape_cast %get3A_308 : vector<16xi32> to vector<16xi32>
      %sub3A_310 = vector.broadcast %mul3A_12 : i32 to vector<16xi32>
      %sub3A_311 = arith.subi %get3A_309, %sub3A_310 : vector<16xi32>
      %ge3A_312 = arith.constant 0 : i32
      %ge3A_313 = vector.broadcast %ge3A_312 : i32 to vector<16xi32>
      %ge3A_314 = arith.cmpi sge, %sub3A_311, %ge3A_313 : vector<16xi32>
      %lt3A_315 = arith.constant 12500 : i32
      %lt3A_316 = vector.broadcast %lt3A_315 : i32 to vector<16xi32>
      %lt3A_317 = arith.cmpi slt, %sub3A_311, %lt3A_316 : vector<16xi32>
      %and3A_318 = arith.andi %ge3A_314, %lt3A_317 : vector<16xi1>
      %jit3A_319 = arith.constant 12500 : i32
      %broadcast_in_dim3A_320 = vector.broadcast %jit3A_319 : i32 to vector<16xi32>
      %select_n3A_321 = arith.select %and3A_318, %sub3A_311, %broadcast_in_dim3A_320 : vector<16xi1>, vector<16xi32>
      %swap3A_322 = arith.constant 80 : index
      %swap3A_323 = tpu.vector_load %arg21[%swap3A_322] {strides = array<i32>} : memref<128xi32, #tpu.memory_space<vmem>>, vector<16xi32>,
      %swap3A_324 = vector.shape_cast %swap3A_323 : vector<16xi32> to vector<16xi32>
      %swap3A_325 = vector.shape_cast %select_n3A_321 : vector<16xi32> to vector<16xi32>
      tpu.vector_store %arg21[%swap3A_322], %swap3A_325 {strides = array<i32>} : memref<128xi32, #tpu.memory_space<vmem>>, vector<16xi32>,
      %get3A_326 = arith.constant 96 : index
      %get3A_327 = tpu.vector_load %arg18[%get3A_326] {strides = array<i32>} : memref<128xi32, #tpu.memory_space<vmem>>, vector<16xi32>,
      %get3A_328 = vector.shape_cast %get3A_327 : vector<16xi32> to vector<16xi32>
      %sub3A_329 = vector.broadcast %mul3A_12 : i32 to vector<16xi32>
      %sub3A_330 = arith.subi %get3A_328, %sub3A_329 : vector<16xi32>
      %ge3A_331 = arith.constant 0 : i32
      %ge3A_332 = vector.broadcast %ge3A_331 : i32 to vector<16xi32>
      %ge3A_333 = arith.cmpi sge, %sub3A_330, %ge3A_332 : vector<16xi32>
      %lt3A_334 = arith.constant 12500 : i32
      %lt3A_335 = vector.broadcast %lt3A_334 : i32 to vector<16xi32>
      %lt3A_336 = arith.cmpi slt, %sub3A_330, %lt3A_335 : vector<16xi32>
      %and3A_337 = arith.andi %ge3A_333, %lt3A_336 : vector<16xi1>
      %jit3A_338 = arith.constant 12500 : i32
      %broadcast_in_dim3A_339 = vector.broadcast %jit3A_338 : i32 to vector<16xi32>
      %select_n3A_340 = arith.select %and3A_337, %sub3A_330, %broadcast_in_dim3A_339 : vector<16xi1>, vector<16xi32>
      %swap3A_341 = arith.constant 96 : index
      %swap3A_342 = tpu.vector_load %arg21[%swap3A_341] {strides = array<i32>} : memref<128xi32, #tpu.memory_space<vmem>>, vector<16xi32>,
      %swap3A_343 = vector.shape_cast %swap3A_342 : vector<16xi32> to vector<16xi32>
      %swap3A_344 = vector.shape_cast %select_n3A_340 : vector<16xi32> to vector<16xi32>
      tpu.vector_store %arg21[%swap3A_341], %swap3A_344 {strides = array<i32>} : memref<128xi32, #tpu.memory_space<vmem>>, vector<16xi32>,
      %get3A_345 = arith.constant 112 : index
      %get3A_346 = tpu.vector_load %arg18[%get3A_345] {strides = array<i32>} : memref<128xi32, #tpu.memory_space<vmem>>, vector<16xi32>,
      %get3A_347 = vector.shape_cast %get3A_346 : vector<16xi32> to vector<16xi32>
      %sub3A_348 = vector.broadcast %mul3A_12 : i32 to vector<16xi32>
      %sub3A_349 = arith.subi %get3A_347, %sub3A_348 : vector<16xi32>
      %ge3A_350 = arith.constant 0 : i32
      %ge3A_351 = vector.broadcast %ge3A_350 : i32 to vector<16xi32>
      %ge3A_352 = arith.cmpi sge, %sub3A_349, %ge3A_351 : vector<16xi32>
      %lt3A_353 = arith.constant 12500 : i32
      %lt3A_354 = vector.broadcast %lt3A_353 : i32 to vector<16xi32>
      %lt3A_355 = arith.cmpi slt, %sub3A_349, %lt3A_354 : vector<16xi32>
      %and3A_356 = arith.andi %ge3A_352, %lt3A_355 : vector<16xi1>
      %jit3A_357 = arith.constant 12500 : i32
      %broadcast_in_dim3A_358 = vector.broadcast %jit3A_357 : i32 to vector<16xi32>
      %select_n3A_359 = arith.select %and3A_356, %sub3A_349, %broadcast_in_dim3A_358 : vector<16xi1>, vector<16xi32>
      %swap3A_360 = arith.constant 112 : index
      %swap3A_361 = tpu.vector_load %arg21[%swap3A_360] {strides = array<i32>} : memref<128xi32, #tpu.memory_space<vmem>>, vector<16xi32>,
      %swap3A_362 = vector.shape_cast %swap3A_361 : vector<16xi32> to vector<16xi32>
      %swap3A_363 = vector.shape_cast %select_n3A_359 : vector<16xi32> to vector<16xi32>
      tpu.vector_store %arg21[%swap3A_360], %swap3A_363 {strides = array<i32>} : memref<128xi32, #tpu.memory_space<vmem>>, vector<16xi32>,
      %dma_wait3A = arith.constant 0 : i32
      %dma_wait3A_364 = arith.constant 0 : i32
      %dma_wait3A_365 = tpu.memref_slice %arg2[%dma_wait3A, %dma_wait3A_364] : memref<50000x16xf32, #tpu.memory_space<hbm>> -> memref<50000x16xf32, #tpu.memory_space<hbm>>
      tpu.wait_indirect_dma semaphore(%arg15 : memref<!tpu.dma_semaphore, #tpu.memory_space<semaphore_mem>>) src(%dma_wait3A_365 : memref<50000x16xf32, #tpu.memory_space<hbm>>) dst(%arg12 : memref<128x16xf32, #tpu.memory_space<vmem>>)
      %dma_wait3A_366 = arith.constant 0 : i32
      %dma_wait3A_367 = arith.constant 0 : i32
      %dma_wait3A_368 = tpu.memref_slice %arg3[%dma_wait3A_366, %dma_wait3A_367] : memref<50016x16xf32, #tpu.memory_space<hbm>> -> memref<50016x16xf32, #tpu.memory_space<hbm>>
      tpu.wait_indirect_dma semaphore(%arg16 : memref<!tpu.dma_semaphore, #tpu.memory_space<semaphore_mem>>) src(%dma_wait3A_368 : memref<50016x16xf32, #tpu.memory_space<hbm>>) dst(%arg13 : memref<128x16xf32, #tpu.memory_space<vmem>>)
      %scan3A_369 = arith.constant 0 : i32
      %scan3A_370 = arith.constant 128 : i32
      %scan3A_371 = arith.addi %scan3A_369, %scan3A_370 : i32
      %scan3A_372 = arith.constant 1 : i32
      scf.for %scan3A_385 = %scan3A_369 to %scan3A_371 step %scan3A_372  : i32 {
        %get3A_386 = arith.index_cast %scan3A_385 : i32 to index
        %get3A_387 = arith.constant 0 : index
        %get3A_388 = tpu.vector_load %arg12[%get3A_386, %get3A_387] {strides = array<i32>} : memref<128x16xf32, #tpu.memory_space<vmem>>, vector<1x16xf32>,
        %get3A_389 = vector.shape_cast %get3A_388 : vector<1x16xf32> to vector<16xf32>
        %get3A_390 = arith.index_cast %scan3A_385 : i32 to index
        %get3A_391 = arith.constant 0 : index
        %get3A_392 = tpu.vector_load %arg13[%get3A_390, %get3A_391] {strides = array<i32>} : memref<128x16xf32, #tpu.memory_space<vmem>>, vector<1x16xf32>,
        %get3A_393 = vector.shape_cast %get3A_392 : vector<1x16xf32> to vector<16xf32>
        %slice3A = vector.extract_strided_slice %get3A_389 {offsets = [7], sizes = [1], strides = [1]} : vector<16xf32> to vector<1xf32>
        %squeeze3A = vector.extract %slice3A[0] : f32 from vector<1xf32>
        %slice3A_394 = vector.extract_strided_slice %get3A_393 {offsets = [0], sizes = [1], strides = [1]} : vector<16xf32> to vector<1xf32>
        %squeeze3A_395 = vector.extract %slice3A_394[0] : f32 from vector<1xf32>
        %add3A_396 = arith.addf %squeeze3A, %squeeze3A_395 : f32
        %gt3A = arith.constant 0.000000e+00 : f32
        %gt3A_397 = arith.cmpf ogt, %add3A_396, %gt3A : f32
        %mul3A_398 = arith.constant 2.000000e-01 : f32
        %mul3A_399 = arith.mulf %mul3A_398, %add3A_396 : f32
        %select_n3A_400 = arith.select %gt3A_397, %add3A_396, %mul3A_399 : f32
        %broadcast_in_dim3A_401 = vector.broadcast %select_n3A_400 : f32 to vector<16xf32>
        %exp3A = math.exp %broadcast_in_dim3A_401 : vector<16xf32>
        %mul3A_402 = arith.mulf %get3A_389, %exp3A : vector<16xf32>
        %swap3A_403 = arith.index_cast %scan3A_385 : i32 to index
        %swap3A_404 = arith.constant 0 : index
        %swap3A_405 = tpu.vector_load %arg14[%swap3A_403, %swap3A_404] {strides = array<i32>} : memref<128x16xf32, #tpu.memory_space<vmem>>, vector<1x16xf32>,
        %swap3A_406 = vector.shape_cast %swap3A_405 : vector<1x16xf32> to vector<16xf32>
        %swap3A_407 = vector.shape_cast %mul3A_402 : vector<16xf32> to vector<1x16xf32>
        tpu.vector_store %arg14[%swap3A_403, %swap3A_404], %swap3A_407 {strides = array<i32>} : memref<128x16xf32, #tpu.memory_space<vmem>>, vector<1x16xf32>,
      }
      %scan3A_373 = arith.constant 128 : i32
      "tpu.region"() ({
        %run_scoped3A = tpu.sem_alloc : memref<!tpu.dma_semaphore, #tpu.memory_space<semaphore_mem>>
        %dma_start3A_385 = arith.constant 0 : i32
        %dma_start3A_386 = arith.constant 0 : i32
        %dma_start3A_387 = tpu.memref_slice %arg28[%dma_start3A_385, %dma_start3A_386] : memref<12544x16xf32, #tpu.memory_space<vmem_shared>> -> memref<12544x16xf32, #tpu.memory_space<vmem_shared>>
        tpu.enqueue_indirect_dma source(%arg14 : memref<128x16xf32, #tpu.memory_space<vmem>>) target(%dma_start3A_387 : memref<12544x16xf32, #tpu.memory_space<vmem_shared>>) offsets(%arg11 : memref<128xi32, #tpu.memory_space<vmem>>) semaphore(%run_scoped3A : memref<!tpu.dma_semaphore, #tpu.memory_space<semaphore_mem>>) {add = true}
        %dma_wait3A_388 = arith.constant 0 : i32
        %dma_wait3A_389 = arith.constant 0 : i32
        %dma_wait3A_390 = tpu.memref_slice %arg28[%dma_wait3A_388, %dma_wait3A_389] : memref<12544x16xf32, #tpu.memory_space<vmem_shared>> -> memref<12544x16xf32, #tpu.memory_space<vmem_shared>>
        tpu.wait_indirect_dma semaphore(%run_scoped3A : memref<!tpu.dma_semaphore, #tpu.memory_space<semaphore_mem>>) src(%arg14 : memref<128x16xf32, #tpu.memory_space<vmem>>) dst(%dma_wait3A_390 : memref<12544x16xf32, #tpu.memory_space<vmem_shared>>)
        tpu.yield
      }) : () -> ()
      %dma_wait3A_374 = arith.constant 0 : i32
      %dma_wait3A_375 = arith.constant 0 : i32
      %dma_wait3A_376 = tpu.memref_slice %arg2[%dma_wait3A_374, %dma_wait3A_375] : memref<50000x16xf32, #tpu.memory_space<hbm>> -> memref<50000x16xf32, #tpu.memory_space<hbm>>
      tpu.wait_indirect_dma semaphore(%arg25 : memref<!tpu.dma_semaphore, #tpu.memory_space<semaphore_mem>>) src(%dma_wait3A_376 : memref<50000x16xf32, #tpu.memory_space<hbm>>) dst(%arg22 : memref<128x16xf32, #tpu.memory_space<vmem>>)
      %dma_wait3A_377 = arith.constant 0 : i32
      %dma_wait3A_378 = arith.constant 0 : i32
      %dma_wait3A_379 = tpu.memref_slice %arg3[%dma_wait3A_377, %dma_wait3A_378] : memref<50016x16xf32, #tpu.memory_space<hbm>> -> memref<50016x16xf32, #tpu.memory_space<hbm>>
      tpu.wait_indirect_dma semaphore(%arg26 : memref<!tpu.dma_semaphore, #tpu.memory_space<semaphore_mem>>) src(%dma_wait3A_379 : memref<50016x16xf32, #tpu.memory_space<hbm>>) dst(%arg23 : memref<128x16xf32, #tpu.memory_space<vmem>>)
      %scan3A_380 = arith.constant 0 : i32
      %scan3A_381 = arith.constant 128 : i32
      %scan3A_382 = arith.addi %scan3A_380, %scan3A_381 : i32
      %scan3A_383 = arith.constant 1 : i32
      scf.for %scan3A_385 = %scan3A_380 to %scan3A_382 step %scan3A_383  : i32 {
        %get3A_386 = arith.index_cast %scan3A_385 : i32 to index
        %get3A_387 = arith.constant 0 : index
        %get3A_388 = tpu.vector_load %arg22[%get3A_386, %get3A_387] {strides = array<i32>} : memref<128x16xf32, #tpu.memory_space<vmem>>, vector<1x16xf32>,
        %get3A_389 = vector.shape_cast %get3A_388 : vector<1x16xf32> to vector<16xf32>
        %get3A_390 = arith.index_cast %scan3A_385 : i32 to index
        %get3A_391 = arith.constant 0 : index
        %get3A_392 = tpu.vector_load %arg23[%get3A_390, %get3A_391] {strides = array<i32>} : memref<128x16xf32, #tpu.memory_space<vmem>>, vector<1x16xf32>,
        %get3A_393 = vector.shape_cast %get3A_392 : vector<1x16xf32> to vector<16xf32>
        %slice3A = vector.extract_strided_slice %get3A_389 {offsets = [7], sizes = [1], strides = [1]} : vector<16xf32> to vector<1xf32>
        %squeeze3A = vector.extract %slice3A[0] : f32 from vector<1xf32>
        %slice3A_394 = vector.extract_strided_slice %get3A_393 {offsets = [0], sizes = [1], strides = [1]} : vector<16xf32> to vector<1xf32>
        %squeeze3A_395 = vector.extract %slice3A_394[0] : f32 from vector<1xf32>
        %add3A_396 = arith.addf %squeeze3A, %squeeze3A_395 : f32
        %gt3A = arith.constant 0.000000e+00 : f32
        %gt3A_397 = arith.cmpf ogt, %add3A_396, %gt3A : f32
        %mul3A_398 = arith.constant 2.000000e-01 : f32
        %mul3A_399 = arith.mulf %mul3A_398, %add3A_396 : f32
        %select_n3A_400 = arith.select %gt3A_397, %add3A_396, %mul3A_399 : f32
        %broadcast_in_dim3A_401 = vector.broadcast %select_n3A_400 : f32 to vector<16xf32>
        %exp3A = math.exp %broadcast_in_dim3A_401 : vector<16xf32>
        %mul3A_402 = arith.mulf %get3A_389, %exp3A : vector<16xf32>
        %swap3A_403 = arith.index_cast %scan3A_385 : i32 to index
        %swap3A_404 = arith.constant 0 : index
        %swap3A_405 = tpu.vector_load %arg24[%swap3A_403, %swap3A_404] {strides = array<i32>} : memref<128x16xf32, #tpu.memory_space<vmem>>, vector<1x16xf32>,
        %swap3A_406 = vector.shape_cast %swap3A_405 : vector<1x16xf32> to vector<16xf32>
        %swap3A_407 = vector.shape_cast %mul3A_402 : vector<16xf32> to vector<1x16xf32>
        tpu.vector_store %arg24[%swap3A_403, %swap3A_404], %swap3A_407 {strides = array<i32>} : memref<128x16xf32, #tpu.memory_space<vmem>>, vector<1x16xf32>,
      }
      %scan3A_384 = arith.constant 128 : i32
      "tpu.region"() ({
        %run_scoped3A = tpu.sem_alloc : memref<!tpu.dma_semaphore, #tpu.memory_space<semaphore_mem>>
        %dma_start3A_385 = arith.constant 0 : i32
        %dma_start3A_386 = arith.constant 0 : i32
        %dma_start3A_387 = tpu.memref_slice %arg28[%dma_start3A_385, %dma_start3A_386] : memref<12544x16xf32, #tpu.memory_space<vmem_shared>> -> memref<12544x16xf32, #tpu.memory_space<vmem_shared>>
        tpu.enqueue_indirect_dma source(%arg24 : memref<128x16xf32, #tpu.memory_space<vmem>>) target(%dma_start3A_387 : memref<12544x16xf32, #tpu.memory_space<vmem_shared>>) offsets(%arg21 : memref<128xi32, #tpu.memory_space<vmem>>) semaphore(%run_scoped3A : memref<!tpu.dma_semaphore, #tpu.memory_space<semaphore_mem>>) {add = true}
        %dma_wait3A_388 = arith.constant 0 : i32
        %dma_wait3A_389 = arith.constant 0 : i32
        %dma_wait3A_390 = tpu.memref_slice %arg28[%dma_wait3A_388, %dma_wait3A_389] : memref<12544x16xf32, #tpu.memory_space<vmem_shared>> -> memref<12544x16xf32, #tpu.memory_space<vmem_shared>>
        tpu.wait_indirect_dma semaphore(%run_scoped3A : memref<!tpu.dma_semaphore, #tpu.memory_space<semaphore_mem>>) src(%arg24 : memref<128x16xf32, #tpu.memory_space<vmem>>) dst(%dma_wait3A_390 : memref<12544x16xf32, #tpu.memory_space<vmem_shared>>)
        tpu.yield
      }) : () -> ()
    }
    %scan3A_22 = arith.constant 208 : i32
    %barrier3A_23 = arith.constant 0 : index
    tpu.barrier barrier_id(%barrier3A_23)
    "tpu.region"() ({
      %run_scoped3A = tpu.sem_alloc : memref<!tpu.dma_semaphore, #tpu.memory_space<semaphore_mem>>
      %dma_start3A = arith.constant 0 : i32
      %dma_start3A_42 = tpu.memref_slice %arg6[%add3A_10, %mul3A_5, %dma_start3A] : memref<4x12544x16xf32, #tpu.memory_space<hbm>> -> memref<1x784x16xf32, #tpu.memory_space<hbm>>
      %dma_start3A_43 = tpu.memref_squeeze %dma_start3A_42 : memref<1x784x16xf32, #tpu.memory_space<hbm>> -> memref<784x16xf32, #tpu.memory_space<hbm>>
      %dma_start3A_44 = arith.constant 0 : i32
      %dma_start3A_45 = tpu.memref_slice %arg28[%mul3A_5, %dma_start3A_44] : memref<12544x16xf32, #tpu.memory_space<vmem_shared>> -> memref<784x16xf32, #tpu.memory_space<vmem_shared>>
      tpu.enqueue_dma source(%dma_start3A_45 : memref<784x16xf32, #tpu.memory_space<vmem_shared>>) target(%dma_start3A_43 : memref<784x16xf32, #tpu.memory_space<hbm>>) target_semaphore(%run_scoped3A : memref<!tpu.dma_semaphore, #tpu.memory_space<semaphore_mem>>)
      %dma_wait3A = arith.constant 0 : i32
      %dma_wait3A_46 = tpu.memref_slice %arg6[%add3A_10, %mul3A_5, %dma_wait3A] : memref<4x12544x16xf32, #tpu.memory_space<hbm>> -> memref<1x784x16xf32, #tpu.memory_space<hbm>>
      %dma_wait3A_47 = tpu.memref_squeeze %dma_wait3A_46 : memref<1x784x16xf32, #tpu.memory_space<hbm>> -> memref<784x16xf32, #tpu.memory_space<hbm>>
      %dma_wait3A_48 = arith.constant 0 : i32
      %dma_wait3A_49 = tpu.memref_slice %arg28[%mul3A_5, %dma_wait3A_48] : memref<12544x16xf32, #tpu.memory_space<vmem_shared>> -> memref<784x16xf32, #tpu.memory_space<vmem_shared>>
      tpu.wait_dma2 semaphore(%run_scoped3A : memref<!tpu.dma_semaphore, #tpu.memory_space<semaphore_mem>>) src(%dma_wait3A_49 : memref<784x16xf32, #tpu.memory_space<vmem_shared>>) dst(%dma_wait3A_47 : memref<784x16xf32, #tpu.memory_space<hbm>>)
      tpu.yield
    }) : () -> ()
    %mul3A_24 = arith.constant 2 : i32
    %mul3A_25 = arith.muli %arg0, %mul3A_24 : i32
    %add3A_26 = arith.constant 1 : i32
    %add3A_27 = arith.addi %mul3A_25, %add3A_26 : i32
    %mul3A_28 = arith.constant 12500 : i32
    %mul3A_29 = arith.muli %add3A_27, %mul3A_28 : i32
    %scan3A_30 = arith.constant 0 : i32
    %scan3A_31 = arith.constant 49 : i32
    %scan3A_32 = arith.addi %scan3A_30, %scan3A_31 : i32
    %scan3A_33 = arith.constant 1 : i32
    scf.for %scan3A_42 = %scan3A_30 to %scan3A_32 step %scan3A_33  : i32 {
      %mul3A_43 = arith.constant 16 : i32
      %mul3A_44 = arith.muli %scan3A_42, %mul3A_43 : i32
      %add3A_45 = arith.addi %mul3A_5, %mul3A_44 : i32
      "tpu.region"() ({
        %run_scoped3A = tpu.sem_alloc : memref<!tpu.dma_semaphore, #tpu.memory_space<semaphore_mem>>
        %dma_start3A = arith.constant 0 : i32
        %dma_start3A_46 = tpu.memref_slice %arg28[%add3A_45, %dma_start3A] : memref<12544x16xf32, #tpu.memory_space<vmem_shared>> -> memref<16x16xf32, #tpu.memory_space<vmem_shared>>
        %dma_start3A_47 = arith.constant 0 : i32
        %dma_start3A_48 = tpu.memref_slice %arg28[%add3A_45, %dma_start3A_47] : memref<12544x16xf32, #tpu.memory_space<vmem_shared>> -> memref<16x16xf32, #tpu.memory_space<vmem_shared>>
        tpu.enqueue_dma source(%arg27 : memref<16x16xf32, #tpu.memory_space<vmem>>) target(%dma_start3A_48 : memref<16x16xf32, #tpu.memory_space<vmem_shared>>) target_semaphore(%run_scoped3A : memref<!tpu.dma_semaphore, #tpu.memory_space<semaphore_mem>>)
        %dma_wait3A = arith.constant 0 : i32
        %dma_wait3A_49 = tpu.memref_slice %arg28[%add3A_45, %dma_wait3A] : memref<12544x16xf32, #tpu.memory_space<vmem_shared>> -> memref<16x16xf32, #tpu.memory_space<vmem_shared>>
        %dma_wait3A_50 = arith.constant 0 : i32
        %dma_wait3A_51 = tpu.memref_slice %arg28[%add3A_45, %dma_wait3A_50] : memref<12544x16xf32, #tpu.memory_space<vmem_shared>> -> memref<16x16xf32, #tpu.memory_space<vmem_shared>>
        tpu.wait_dma2 semaphore(%run_scoped3A : memref<!tpu.dma_semaphore, #tpu.memory_space<semaphore_mem>>) src(%arg27 : memref<16x16xf32, #tpu.memory_space<vmem>>) dst(%dma_wait3A_51 : memref<16x16xf32, #tpu.memory_space<vmem_shared>>)
        tpu.yield
      }) : () -> ()
    }
    %scan3A_34 = arith.constant 49 : i32
    %barrier3A_35 = arith.constant 0 : index
    tpu.barrier barrier_id(%barrier3A_35)
    %scan3A_36 = arith.constant 0 : i32
    %scan3A_37 = arith.constant 208 : i32
    %scan3A_38 = arith.addi %scan3A_36, %scan3A_37 : i32
    %scan3A_39 = arith.constant 1 : i32
    scf.for %scan3A_42 = %scan3A_36 to %scan3A_38 step %scan3A_39  : i32 {
      %mul3A_43 = arith.constant 2 : i32
      %mul3A_44 = arith.muli %scan3A_42, %mul3A_43 : i32
      %add3A_45 = arith.constant 0 : i32
      %add3A_46 = arith.addi %mul3A_44, %add3A_45 : i32
      %mul3A_47 = arith.constant 128 : i32
      %mul3A_48 = arith.muli %add3A_46, %mul3A_47 : i32
      %add3A_49 = arith.addi %mul3A_7, %mul3A_48 : i32
      "tpu.region"() ({
        %run_scoped3A = tpu.sem_alloc : memref<!tpu.dma_semaphore, #tpu.memory_space<semaphore_mem>>
        %dma_start3A_385 = tpu.memref_slice %arg4[%add3A_49] : memref<851968xi32, #tpu.memory_space<hbm>> -> memref<128xi32, #tpu.memory_space<hbm>>
        %dma_start3A_386 = tpu.memref_slice %arg4[%add3A_49] : memref<851968xi32, #tpu.memory_space<hbm>> -> memref<128xi32, #tpu.memory_space<hbm>>
        tpu.enqueue_dma source(%dma_start3A_386 : memref<128xi32, #tpu.memory_space<hbm>>) target(%arg7 : memref<128xi32, #tpu.memory_space<vmem>>) target_semaphore(%run_scoped3A : memref<!tpu.dma_semaphore, #tpu.memory_space<semaphore_mem>>)
        %dma_wait3A_387 = tpu.memref_slice %arg4[%add3A_49] : memref<851968xi32, #tpu.memory_space<hbm>> -> memref<128xi32, #tpu.memory_space<hbm>>
        %dma_wait3A_388 = tpu.memref_slice %arg4[%add3A_49] : memref<851968xi32, #tpu.memory_space<hbm>> -> memref<128xi32, #tpu.memory_space<hbm>>
        tpu.wait_dma2 semaphore(%run_scoped3A : memref<!tpu.dma_semaphore, #tpu.memory_space<semaphore_mem>>) src(%dma_wait3A_388 : memref<128xi32, #tpu.memory_space<hbm>>) dst(%arg7 : memref<128xi32, #tpu.memory_space<vmem>>)
        tpu.yield
      }) : () -> ()
      "tpu.region"() ({
        %run_scoped3A = tpu.sem_alloc : memref<!tpu.dma_semaphore, #tpu.memory_space<semaphore_mem>>
        %dma_start3A_385 = tpu.memref_slice %arg5[%add3A_49] : memref<851968xi32, #tpu.memory_space<hbm>> -> memref<128xi32, #tpu.memory_space<hbm>>
        %dma_start3A_386 = tpu.memref_slice %arg5[%add3A_49] : memref<851968xi32, #tpu.memory_space<hbm>> -> memref<128xi32, #tpu.memory_space<hbm>>
        tpu.enqueue_dma source(%dma_start3A_386 : memref<128xi32, #tpu.memory_space<hbm>>) target(%arg8 : memref<128xi32, #tpu.memory_space<vmem>>) target_semaphore(%run_scoped3A : memref<!tpu.dma_semaphore, #tpu.memory_space<semaphore_mem>>)
        %dma_wait3A_387 = tpu.memref_slice %arg5[%add3A_49] : memref<851968xi32, #tpu.memory_space<hbm>> -> memref<128xi32, #tpu.memory_space<hbm>>
        %dma_wait3A_388 = tpu.memref_slice %arg5[%add3A_49] : memref<851968xi32, #tpu.memory_space<hbm>> -> memref<128xi32, #tpu.memory_space<hbm>>
        tpu.wait_dma2 semaphore(%run_scoped3A : memref<!tpu.dma_semaphore, #tpu.memory_space<semaphore_mem>>) src(%dma_wait3A_388 : memref<128xi32, #tpu.memory_space<hbm>>) dst(%arg8 : memref<128xi32, #tpu.memory_space<vmem>>)
        tpu.yield
      }) : () -> ()
      %dma_start3A = arith.constant 0 : i32
      %dma_start3A_50 = arith.constant 0 : i32
      %dma_start3A_51 = tpu.memref_slice %arg2[%dma_start3A, %dma_start3A_50] : memref<50000x16xf32, #tpu.memory_space<hbm>> -> memref<50000x16xf32, #tpu.memory_space<hbm>>
      tpu.enqueue_indirect_dma source(%dma_start3A_51 : memref<50000x16xf32, #tpu.memory_space<hbm>>) target(%arg12 : memref<128x16xf32, #tpu.memory_space<vmem>>) offsets(%arg7 : memref<128xi32, #tpu.memory_space<vmem>>) semaphore(%arg15 : memref<!tpu.dma_semaphore, #tpu.memory_space<semaphore_mem>>)
      %dma_start3A_52 = arith.constant 0 : i32
      %dma_start3A_53 = arith.constant 0 : i32
      %dma_start3A_54 = tpu.memref_slice %arg3[%dma_start3A_52, %dma_start3A_53] : memref<50016x16xf32, #tpu.memory_space<hbm>> -> memref<50016x16xf32, #tpu.memory_space<hbm>>
      tpu.enqueue_indirect_dma source(%dma_start3A_54 : memref<50016x16xf32, #tpu.memory_space<hbm>>) target(%arg13 : memref<128x16xf32, #tpu.memory_space<vmem>>) offsets(%arg8 : memref<128xi32, #tpu.memory_space<vmem>>) semaphore(%arg16 : memref<!tpu.dma_semaphore, #tpu.memory_space<semaphore_mem>>)
      %get3A = arith.constant 0 : index
      %get3A_55 = tpu.vector_load %arg8[%get3A] {strides = array<i32>} : memref<128xi32, #tpu.memory_space<vmem>>, vector<16xi32>,
      %get3A_56 = vector.shape_cast %get3A_55 : vector<16xi32> to vector<16xi32>
      %sub3A = vector.broadcast %mul3A_29 : i32 to vector<16xi32>
      %sub3A_57 = arith.subi %get3A_56, %sub3A : vector<16xi32>
      %ge3A = arith.constant 0 : i32
      %ge3A_58 = vector.broadcast %ge3A : i32 to vector<16xi32>
      %ge3A_59 = arith.cmpi sge, %sub3A_57, %ge3A_58 : vector<16xi32>
      %lt3A = arith.constant 12500 : i32
      %lt3A_60 = vector.broadcast %lt3A : i32 to vector<16xi32>
      %lt3A_61 = arith.cmpi slt, %sub3A_57, %lt3A_60 : vector<16xi32>
      %and3A = arith.andi %ge3A_59, %lt3A_61 : vector<16xi1>
      %jit3A = arith.constant 12500 : i32
      %broadcast_in_dim3A_62 = vector.broadcast %jit3A : i32 to vector<16xi32>
      %select_n3A = arith.select %and3A, %sub3A_57, %broadcast_in_dim3A_62 : vector<16xi1>, vector<16xi32>
      %swap3A = arith.constant 0 : index
      %swap3A_63 = tpu.vector_load %arg11[%swap3A] {strides = array<i32>} : memref<128xi32, #tpu.memory_space<vmem>>, vector<16xi32>,
      %swap3A_64 = vector.shape_cast %swap3A_63 : vector<16xi32> to vector<16xi32>
      %swap3A_65 = vector.shape_cast %select_n3A : vector<16xi32> to vector<16xi32>
      tpu.vector_store %arg11[%swap3A], %swap3A_65 {strides = array<i32>} : memref<128xi32, #tpu.memory_space<vmem>>, vector<16xi32>,
      %get3A_66 = arith.constant 16 : index
      %get3A_67 = tpu.vector_load %arg8[%get3A_66] {strides = array<i32>} : memref<128xi32, #tpu.memory_space<vmem>>, vector<16xi32>,
      %get3A_68 = vector.shape_cast %get3A_67 : vector<16xi32> to vector<16xi32>
      %sub3A_69 = vector.broadcast %mul3A_29 : i32 to vector<16xi32>
      %sub3A_70 = arith.subi %get3A_68, %sub3A_69 : vector<16xi32>
      %ge3A_71 = arith.constant 0 : i32
      %ge3A_72 = vector.broadcast %ge3A_71 : i32 to vector<16xi32>
      %ge3A_73 = arith.cmpi sge, %sub3A_70, %ge3A_72 : vector<16xi32>
      %lt3A_74 = arith.constant 12500 : i32
      %lt3A_75 = vector.broadcast %lt3A_74 : i32 to vector<16xi32>
      %lt3A_76 = arith.cmpi slt, %sub3A_70, %lt3A_75 : vector<16xi32>
      %and3A_77 = arith.andi %ge3A_73, %lt3A_76 : vector<16xi1>
      %jit3A_78 = arith.constant 12500 : i32
      %broadcast_in_dim3A_79 = vector.broadcast %jit3A_78 : i32 to vector<16xi32>
      %select_n3A_80 = arith.select %and3A_77, %sub3A_70, %broadcast_in_dim3A_79 : vector<16xi1>, vector<16xi32>
      %swap3A_81 = arith.constant 16 : index
      %swap3A_82 = tpu.vector_load %arg11[%swap3A_81] {strides = array<i32>} : memref<128xi32, #tpu.memory_space<vmem>>, vector<16xi32>,
      %swap3A_83 = vector.shape_cast %swap3A_82 : vector<16xi32> to vector<16xi32>
      %swap3A_84 = vector.shape_cast %select_n3A_80 : vector<16xi32> to vector<16xi32>
      tpu.vector_store %arg11[%swap3A_81], %swap3A_84 {strides = array<i32>} : memref<128xi32, #tpu.memory_space<vmem>>, vector<16xi32>,
      %get3A_85 = arith.constant 32 : index
      %get3A_86 = tpu.vector_load %arg8[%get3A_85] {strides = array<i32>} : memref<128xi32, #tpu.memory_space<vmem>>, vector<16xi32>,
      %get3A_87 = vector.shape_cast %get3A_86 : vector<16xi32> to vector<16xi32>
      %sub3A_88 = vector.broadcast %mul3A_29 : i32 to vector<16xi32>
      %sub3A_89 = arith.subi %get3A_87, %sub3A_88 : vector<16xi32>
      %ge3A_90 = arith.constant 0 : i32
      %ge3A_91 = vector.broadcast %ge3A_90 : i32 to vector<16xi32>
      %ge3A_92 = arith.cmpi sge, %sub3A_89, %ge3A_91 : vector<16xi32>
      %lt3A_93 = arith.constant 12500 : i32
      %lt3A_94 = vector.broadcast %lt3A_93 : i32 to vector<16xi32>
      %lt3A_95 = arith.cmpi slt, %sub3A_89, %lt3A_94 : vector<16xi32>
      %and3A_96 = arith.andi %ge3A_92, %lt3A_95 : vector<16xi1>
      %jit3A_97 = arith.constant 12500 : i32
      %broadcast_in_dim3A_98 = vector.broadcast %jit3A_97 : i32 to vector<16xi32>
      %select_n3A_99 = arith.select %and3A_96, %sub3A_89, %broadcast_in_dim3A_98 : vector<16xi1>, vector<16xi32>
      %swap3A_100 = arith.constant 32 : index
      %swap3A_101 = tpu.vector_load %arg11[%swap3A_100] {strides = array<i32>} : memref<128xi32, #tpu.memory_space<vmem>>, vector<16xi32>,
      %swap3A_102 = vector.shape_cast %swap3A_101 : vector<16xi32> to vector<16xi32>
      %swap3A_103 = vector.shape_cast %select_n3A_99 : vector<16xi32> to vector<16xi32>
      tpu.vector_store %arg11[%swap3A_100], %swap3A_103 {strides = array<i32>} : memref<128xi32, #tpu.memory_space<vmem>>, vector<16xi32>,
      %get3A_104 = arith.constant 48 : index
      %get3A_105 = tpu.vector_load %arg8[%get3A_104] {strides = array<i32>} : memref<128xi32, #tpu.memory_space<vmem>>, vector<16xi32>,
      %get3A_106 = vector.shape_cast %get3A_105 : vector<16xi32> to vector<16xi32>
      %sub3A_107 = vector.broadcast %mul3A_29 : i32 to vector<16xi32>
      %sub3A_108 = arith.subi %get3A_106, %sub3A_107 : vector<16xi32>
      %ge3A_109 = arith.constant 0 : i32
      %ge3A_110 = vector.broadcast %ge3A_109 : i32 to vector<16xi32>
      %ge3A_111 = arith.cmpi sge, %sub3A_108, %ge3A_110 : vector<16xi32>
      %lt3A_112 = arith.constant 12500 : i32
      %lt3A_113 = vector.broadcast %lt3A_112 : i32 to vector<16xi32>
      %lt3A_114 = arith.cmpi slt, %sub3A_108, %lt3A_113 : vector<16xi32>
      %and3A_115 = arith.andi %ge3A_111, %lt3A_114 : vector<16xi1>
      %jit3A_116 = arith.constant 12500 : i32
      %broadcast_in_dim3A_117 = vector.broadcast %jit3A_116 : i32 to vector<16xi32>
      %select_n3A_118 = arith.select %and3A_115, %sub3A_108, %broadcast_in_dim3A_117 : vector<16xi1>, vector<16xi32>
      %swap3A_119 = arith.constant 48 : index
      %swap3A_120 = tpu.vector_load %arg11[%swap3A_119] {strides = array<i32>} : memref<128xi32, #tpu.memory_space<vmem>>, vector<16xi32>,
      %swap3A_121 = vector.shape_cast %swap3A_120 : vector<16xi32> to vector<16xi32>
      %swap3A_122 = vector.shape_cast %select_n3A_118 : vector<16xi32> to vector<16xi32>
      tpu.vector_store %arg11[%swap3A_119], %swap3A_122 {strides = array<i32>} : memref<128xi32, #tpu.memory_space<vmem>>, vector<16xi32>,
      %get3A_123 = arith.constant 64 : index
      %get3A_124 = tpu.vector_load %arg8[%get3A_123] {strides = array<i32>} : memref<128xi32, #tpu.memory_space<vmem>>, vector<16xi32>,
      %get3A_125 = vector.shape_cast %get3A_124 : vector<16xi32> to vector<16xi32>
      %sub3A_126 = vector.broadcast %mul3A_29 : i32 to vector<16xi32>
      %sub3A_127 = arith.subi %get3A_125, %sub3A_126 : vector<16xi32>
      %ge3A_128 = arith.constant 0 : i32
      %ge3A_129 = vector.broadcast %ge3A_128 : i32 to vector<16xi32>
      %ge3A_130 = arith.cmpi sge, %sub3A_127, %ge3A_129 : vector<16xi32>
      %lt3A_131 = arith.constant 12500 : i32
      %lt3A_132 = vector.broadcast %lt3A_131 : i32 to vector<16xi32>
      %lt3A_133 = arith.cmpi slt, %sub3A_127, %lt3A_132 : vector<16xi32>
      %and3A_134 = arith.andi %ge3A_130, %lt3A_133 : vector<16xi1>
      %jit3A_135 = arith.constant 12500 : i32
      %broadcast_in_dim3A_136 = vector.broadcast %jit3A_135 : i32 to vector<16xi32>
      %select_n3A_137 = arith.select %and3A_134, %sub3A_127, %broadcast_in_dim3A_136 : vector<16xi1>, vector<16xi32>
      %swap3A_138 = arith.constant 64 : index
      %swap3A_139 = tpu.vector_load %arg11[%swap3A_138] {strides = array<i32>} : memref<128xi32, #tpu.memory_space<vmem>>, vector<16xi32>,
      %swap3A_140 = vector.shape_cast %swap3A_139 : vector<16xi32> to vector<16xi32>
      %swap3A_141 = vector.shape_cast %select_n3A_137 : vector<16xi32> to vector<16xi32>
      tpu.vector_store %arg11[%swap3A_138], %swap3A_141 {strides = array<i32>} : memref<128xi32, #tpu.memory_space<vmem>>, vector<16xi32>,
      %get3A_142 = arith.constant 80 : index
      %get3A_143 = tpu.vector_load %arg8[%get3A_142] {strides = array<i32>} : memref<128xi32, #tpu.memory_space<vmem>>, vector<16xi32>,
      %get3A_144 = vector.shape_cast %get3A_143 : vector<16xi32> to vector<16xi32>
      %sub3A_145 = vector.broadcast %mul3A_29 : i32 to vector<16xi32>
      %sub3A_146 = arith.subi %get3A_144, %sub3A_145 : vector<16xi32>
      %ge3A_147 = arith.constant 0 : i32
      %ge3A_148 = vector.broadcast %ge3A_147 : i32 to vector<16xi32>
      %ge3A_149 = arith.cmpi sge, %sub3A_146, %ge3A_148 : vector<16xi32>
      %lt3A_150 = arith.constant 12500 : i32
      %lt3A_151 = vector.broadcast %lt3A_150 : i32 to vector<16xi32>
      %lt3A_152 = arith.cmpi slt, %sub3A_146, %lt3A_151 : vector<16xi32>
      %and3A_153 = arith.andi %ge3A_149, %lt3A_152 : vector<16xi1>
      %jit3A_154 = arith.constant 12500 : i32
      %broadcast_in_dim3A_155 = vector.broadcast %jit3A_154 : i32 to vector<16xi32>
      %select_n3A_156 = arith.select %and3A_153, %sub3A_146, %broadcast_in_dim3A_155 : vector<16xi1>, vector<16xi32>
      %swap3A_157 = arith.constant 80 : index
      %swap3A_158 = tpu.vector_load %arg11[%swap3A_157] {strides = array<i32>} : memref<128xi32, #tpu.memory_space<vmem>>, vector<16xi32>,
      %swap3A_159 = vector.shape_cast %swap3A_158 : vector<16xi32> to vector<16xi32>
      %swap3A_160 = vector.shape_cast %select_n3A_156 : vector<16xi32> to vector<16xi32>
      tpu.vector_store %arg11[%swap3A_157], %swap3A_160 {strides = array<i32>} : memref<128xi32, #tpu.memory_space<vmem>>, vector<16xi32>,
      %get3A_161 = arith.constant 96 : index
      %get3A_162 = tpu.vector_load %arg8[%get3A_161] {strides = array<i32>} : memref<128xi32, #tpu.memory_space<vmem>>, vector<16xi32>,
      %get3A_163 = vector.shape_cast %get3A_162 : vector<16xi32> to vector<16xi32>
      %sub3A_164 = vector.broadcast %mul3A_29 : i32 to vector<16xi32>
      %sub3A_165 = arith.subi %get3A_163, %sub3A_164 : vector<16xi32>
      %ge3A_166 = arith.constant 0 : i32
      %ge3A_167 = vector.broadcast %ge3A_166 : i32 to vector<16xi32>
      %ge3A_168 = arith.cmpi sge, %sub3A_165, %ge3A_167 : vector<16xi32>
      %lt3A_169 = arith.constant 12500 : i32
      %lt3A_170 = vector.broadcast %lt3A_169 : i32 to vector<16xi32>
      %lt3A_171 = arith.cmpi slt, %sub3A_165, %lt3A_170 : vector<16xi32>
      %and3A_172 = arith.andi %ge3A_168, %lt3A_171 : vector<16xi1>
      %jit3A_173 = arith.constant 12500 : i32
      %broadcast_in_dim3A_174 = vector.broadcast %jit3A_173 : i32 to vector<16xi32>
      %select_n3A_175 = arith.select %and3A_172, %sub3A_165, %broadcast_in_dim3A_174 : vector<16xi1>, vector<16xi32>
      %swap3A_176 = arith.constant 96 : index
      %swap3A_177 = tpu.vector_load %arg11[%swap3A_176] {strides = array<i32>} : memref<128xi32, #tpu.memory_space<vmem>>, vector<16xi32>,
      %swap3A_178 = vector.shape_cast %swap3A_177 : vector<16xi32> to vector<16xi32>
      %swap3A_179 = vector.shape_cast %select_n3A_175 : vector<16xi32> to vector<16xi32>
      tpu.vector_store %arg11[%swap3A_176], %swap3A_179 {strides = array<i32>} : memref<128xi32, #tpu.memory_space<vmem>>, vector<16xi32>,
      %get3A_180 = arith.constant 112 : index
      %get3A_181 = tpu.vector_load %arg8[%get3A_180] {strides = array<i32>} : memref<128xi32, #tpu.memory_space<vmem>>, vector<16xi32>,
      %get3A_182 = vector.shape_cast %get3A_181 : vector<16xi32> to vector<16xi32>
      %sub3A_183 = vector.broadcast %mul3A_29 : i32 to vector<16xi32>
      %sub3A_184 = arith.subi %get3A_182, %sub3A_183 : vector<16xi32>
      %ge3A_185 = arith.constant 0 : i32
      %ge3A_186 = vector.broadcast %ge3A_185 : i32 to vector<16xi32>
      %ge3A_187 = arith.cmpi sge, %sub3A_184, %ge3A_186 : vector<16xi32>
      %lt3A_188 = arith.constant 12500 : i32
      %lt3A_189 = vector.broadcast %lt3A_188 : i32 to vector<16xi32>
      %lt3A_190 = arith.cmpi slt, %sub3A_184, %lt3A_189 : vector<16xi32>
      %and3A_191 = arith.andi %ge3A_187, %lt3A_190 : vector<16xi1>
      %jit3A_192 = arith.constant 12500 : i32
      %broadcast_in_dim3A_193 = vector.broadcast %jit3A_192 : i32 to vector<16xi32>
      %select_n3A_194 = arith.select %and3A_191, %sub3A_184, %broadcast_in_dim3A_193 : vector<16xi1>, vector<16xi32>
      %swap3A_195 = arith.constant 112 : index
      %swap3A_196 = tpu.vector_load %arg11[%swap3A_195] {strides = array<i32>} : memref<128xi32, #tpu.memory_space<vmem>>, vector<16xi32>,
      %swap3A_197 = vector.shape_cast %swap3A_196 : vector<16xi32> to vector<16xi32>
      %swap3A_198 = vector.shape_cast %select_n3A_194 : vector<16xi32> to vector<16xi32>
      tpu.vector_store %arg11[%swap3A_195], %swap3A_198 {strides = array<i32>} : memref<128xi32, #tpu.memory_space<vmem>>, vector<16xi32>,
      %mul3A_199 = arith.constant 2 : i32
      %mul3A_200 = arith.muli %scan3A_42, %mul3A_199 : i32
      %add3A_201 = arith.constant 1 : i32
      %add3A_202 = arith.addi %mul3A_200, %add3A_201 : i32
      %mul3A_203 = arith.constant 128 : i32
      %mul3A_204 = arith.muli %add3A_202, %mul3A_203 : i32
      %add3A_205 = arith.addi %mul3A_7, %mul3A_204 : i32
      "tpu.region"() ({
        %run_scoped3A = tpu.sem_alloc : memref<!tpu.dma_semaphore, #tpu.memory_space<semaphore_mem>>
        %dma_start3A_385 = tpu.memref_slice %arg4[%add3A_205] : memref<851968xi32, #tpu.memory_space<hbm>> -> memref<128xi32, #tpu.memory_space<hbm>>
        %dma_start3A_386 = tpu.memref_slice %arg4[%add3A_205] : memref<851968xi32, #tpu.memory_space<hbm>> -> memref<128xi32, #tpu.memory_space<hbm>>
        tpu.enqueue_dma source(%dma_start3A_386 : memref<128xi32, #tpu.memory_space<hbm>>) target(%arg17 : memref<128xi32, #tpu.memory_space<vmem>>) target_semaphore(%run_scoped3A : memref<!tpu.dma_semaphore, #tpu.memory_space<semaphore_mem>>)
        %dma_wait3A_387 = tpu.memref_slice %arg4[%add3A_205] : memref<851968xi32, #tpu.memory_space<hbm>> -> memref<128xi32, #tpu.memory_space<hbm>>
        %dma_wait3A_388 = tpu.memref_slice %arg4[%add3A_205] : memref<851968xi32, #tpu.memory_space<hbm>> -> memref<128xi32, #tpu.memory_space<hbm>>
        tpu.wait_dma2 semaphore(%run_scoped3A : memref<!tpu.dma_semaphore, #tpu.memory_space<semaphore_mem>>) src(%dma_wait3A_388 : memref<128xi32, #tpu.memory_space<hbm>>) dst(%arg17 : memref<128xi32, #tpu.memory_space<vmem>>)
        tpu.yield
      }) : () -> ()
      "tpu.region"() ({
        %run_scoped3A = tpu.sem_alloc : memref<!tpu.dma_semaphore, #tpu.memory_space<semaphore_mem>>
        %dma_start3A_385 = tpu.memref_slice %arg5[%add3A_205] : memref<851968xi32, #tpu.memory_space<hbm>> -> memref<128xi32, #tpu.memory_space<hbm>>
        %dma_start3A_386 = tpu.memref_slice %arg5[%add3A_205] : memref<851968xi32, #tpu.memory_space<hbm>> -> memref<128xi32, #tpu.memory_space<hbm>>
        tpu.enqueue_dma source(%dma_start3A_386 : memref<128xi32, #tpu.memory_space<hbm>>) target(%arg18 : memref<128xi32, #tpu.memory_space<vmem>>) target_semaphore(%run_scoped3A : memref<!tpu.dma_semaphore, #tpu.memory_space<semaphore_mem>>)
        %dma_wait3A_387 = tpu.memref_slice %arg5[%add3A_205] : memref<851968xi32, #tpu.memory_space<hbm>> -> memref<128xi32, #tpu.memory_space<hbm>>
        %dma_wait3A_388 = tpu.memref_slice %arg5[%add3A_205] : memref<851968xi32, #tpu.memory_space<hbm>> -> memref<128xi32, #tpu.memory_space<hbm>>
        tpu.wait_dma2 semaphore(%run_scoped3A : memref<!tpu.dma_semaphore, #tpu.memory_space<semaphore_mem>>) src(%dma_wait3A_388 : memref<128xi32, #tpu.memory_space<hbm>>) dst(%arg18 : memref<128xi32, #tpu.memory_space<vmem>>)
        tpu.yield
      }) : () -> ()
      %dma_start3A_206 = arith.constant 0 : i32
      %dma_start3A_207 = arith.constant 0 : i32
      %dma_start3A_208 = tpu.memref_slice %arg2[%dma_start3A_206, %dma_start3A_207] : memref<50000x16xf32, #tpu.memory_space<hbm>> -> memref<50000x16xf32, #tpu.memory_space<hbm>>
      tpu.enqueue_indirect_dma source(%dma_start3A_208 : memref<50000x16xf32, #tpu.memory_space<hbm>>) target(%arg22 : memref<128x16xf32, #tpu.memory_space<vmem>>) offsets(%arg17 : memref<128xi32, #tpu.memory_space<vmem>>) semaphore(%arg25 : memref<!tpu.dma_semaphore, #tpu.memory_space<semaphore_mem>>)
      %dma_start3A_209 = arith.constant 0 : i32
      %dma_start3A_210 = arith.constant 0 : i32
      %dma_start3A_211 = tpu.memref_slice %arg3[%dma_start3A_209, %dma_start3A_210] : memref<50016x16xf32, #tpu.memory_space<hbm>> -> memref<50016x16xf32, #tpu.memory_space<hbm>>
      tpu.enqueue_indirect_dma source(%dma_start3A_211 : memref<50016x16xf32, #tpu.memory_space<hbm>>) target(%arg23 : memref<128x16xf32, #tpu.memory_space<vmem>>) offsets(%arg18 : memref<128xi32, #tpu.memory_space<vmem>>) semaphore(%arg26 : memref<!tpu.dma_semaphore, #tpu.memory_space<semaphore_mem>>)
      %get3A_212 = arith.constant 0 : index
      %get3A_213 = tpu.vector_load %arg18[%get3A_212] {strides = array<i32>} : memref<128xi32, #tpu.memory_space<vmem>>, vector<16xi32>,
      %get3A_214 = vector.shape_cast %get3A_213 : vector<16xi32> to vector<16xi32>
      %sub3A_215 = vector.broadcast %mul3A_29 : i32 to vector<16xi32>
      %sub3A_216 = arith.subi %get3A_214, %sub3A_215 : vector<16xi32>
      %ge3A_217 = arith.constant 0 : i32
      %ge3A_218 = vector.broadcast %ge3A_217 : i32 to vector<16xi32>
      %ge3A_219 = arith.cmpi sge, %sub3A_216, %ge3A_218 : vector<16xi32>
      %lt3A_220 = arith.constant 12500 : i32
      %lt3A_221 = vector.broadcast %lt3A_220 : i32 to vector<16xi32>
      %lt3A_222 = arith.cmpi slt, %sub3A_216, %lt3A_221 : vector<16xi32>
      %and3A_223 = arith.andi %ge3A_219, %lt3A_222 : vector<16xi1>
      %jit3A_224 = arith.constant 12500 : i32
      %broadcast_in_dim3A_225 = vector.broadcast %jit3A_224 : i32 to vector<16xi32>
      %select_n3A_226 = arith.select %and3A_223, %sub3A_216, %broadcast_in_dim3A_225 : vector<16xi1>, vector<16xi32>
      %swap3A_227 = arith.constant 0 : index
      %swap3A_228 = tpu.vector_load %arg21[%swap3A_227] {strides = array<i32>} : memref<128xi32, #tpu.memory_space<vmem>>, vector<16xi32>,
      %swap3A_229 = vector.shape_cast %swap3A_228 : vector<16xi32> to vector<16xi32>
      %swap3A_230 = vector.shape_cast %select_n3A_226 : vector<16xi32> to vector<16xi32>
      tpu.vector_store %arg21[%swap3A_227], %swap3A_230 {strides = array<i32>} : memref<128xi32, #tpu.memory_space<vmem>>, vector<16xi32>,
      %get3A_231 = arith.constant 16 : index
      %get3A_232 = tpu.vector_load %arg18[%get3A_231] {strides = array<i32>} : memref<128xi32, #tpu.memory_space<vmem>>, vector<16xi32>,
      %get3A_233 = vector.shape_cast %get3A_232 : vector<16xi32> to vector<16xi32>
      %sub3A_234 = vector.broadcast %mul3A_29 : i32 to vector<16xi32>
      %sub3A_235 = arith.subi %get3A_233, %sub3A_234 : vector<16xi32>
      %ge3A_236 = arith.constant 0 : i32
      %ge3A_237 = vector.broadcast %ge3A_236 : i32 to vector<16xi32>
      %ge3A_238 = arith.cmpi sge, %sub3A_235, %ge3A_237 : vector<16xi32>
      %lt3A_239 = arith.constant 12500 : i32
      %lt3A_240 = vector.broadcast %lt3A_239 : i32 to vector<16xi32>
      %lt3A_241 = arith.cmpi slt, %sub3A_235, %lt3A_240 : vector<16xi32>
      %and3A_242 = arith.andi %ge3A_238, %lt3A_241 : vector<16xi1>
      %jit3A_243 = arith.constant 12500 : i32
      %broadcast_in_dim3A_244 = vector.broadcast %jit3A_243 : i32 to vector<16xi32>
      %select_n3A_245 = arith.select %and3A_242, %sub3A_235, %broadcast_in_dim3A_244 : vector<16xi1>, vector<16xi32>
      %swap3A_246 = arith.constant 16 : index
      %swap3A_247 = tpu.vector_load %arg21[%swap3A_246] {strides = array<i32>} : memref<128xi32, #tpu.memory_space<vmem>>, vector<16xi32>,
      %swap3A_248 = vector.shape_cast %swap3A_247 : vector<16xi32> to vector<16xi32>
      %swap3A_249 = vector.shape_cast %select_n3A_245 : vector<16xi32> to vector<16xi32>
      tpu.vector_store %arg21[%swap3A_246], %swap3A_249 {strides = array<i32>} : memref<128xi32, #tpu.memory_space<vmem>>, vector<16xi32>,
      %get3A_250 = arith.constant 32 : index
      %get3A_251 = tpu.vector_load %arg18[%get3A_250] {strides = array<i32>} : memref<128xi32, #tpu.memory_space<vmem>>, vector<16xi32>,
      %get3A_252 = vector.shape_cast %get3A_251 : vector<16xi32> to vector<16xi32>
      %sub3A_253 = vector.broadcast %mul3A_29 : i32 to vector<16xi32>
      %sub3A_254 = arith.subi %get3A_252, %sub3A_253 : vector<16xi32>
      %ge3A_255 = arith.constant 0 : i32
      %ge3A_256 = vector.broadcast %ge3A_255 : i32 to vector<16xi32>
      %ge3A_257 = arith.cmpi sge, %sub3A_254, %ge3A_256 : vector<16xi32>
      %lt3A_258 = arith.constant 12500 : i32
      %lt3A_259 = vector.broadcast %lt3A_258 : i32 to vector<16xi32>
      %lt3A_260 = arith.cmpi slt, %sub3A_254, %lt3A_259 : vector<16xi32>
      %and3A_261 = arith.andi %ge3A_257, %lt3A_260 : vector<16xi1>
      %jit3A_262 = arith.constant 12500 : i32
      %broadcast_in_dim3A_263 = vector.broadcast %jit3A_262 : i32 to vector<16xi32>
      %select_n3A_264 = arith.select %and3A_261, %sub3A_254, %broadcast_in_dim3A_263 : vector<16xi1>, vector<16xi32>
      %swap3A_265 = arith.constant 32 : index
      %swap3A_266 = tpu.vector_load %arg21[%swap3A_265] {strides = array<i32>} : memref<128xi32, #tpu.memory_space<vmem>>, vector<16xi32>,
      %swap3A_267 = vector.shape_cast %swap3A_266 : vector<16xi32> to vector<16xi32>
      %swap3A_268 = vector.shape_cast %select_n3A_264 : vector<16xi32> to vector<16xi32>
      tpu.vector_store %arg21[%swap3A_265], %swap3A_268 {strides = array<i32>} : memref<128xi32, #tpu.memory_space<vmem>>, vector<16xi32>,
      %get3A_269 = arith.constant 48 : index
      %get3A_270 = tpu.vector_load %arg18[%get3A_269] {strides = array<i32>} : memref<128xi32, #tpu.memory_space<vmem>>, vector<16xi32>,
      %get3A_271 = vector.shape_cast %get3A_270 : vector<16xi32> to vector<16xi32>
      %sub3A_272 = vector.broadcast %mul3A_29 : i32 to vector<16xi32>
      %sub3A_273 = arith.subi %get3A_271, %sub3A_272 : vector<16xi32>
      %ge3A_274 = arith.constant 0 : i32
      %ge3A_275 = vector.broadcast %ge3A_274 : i32 to vector<16xi32>
      %ge3A_276 = arith.cmpi sge, %sub3A_273, %ge3A_275 : vector<16xi32>
      %lt3A_277 = arith.constant 12500 : i32
      %lt3A_278 = vector.broadcast %lt3A_277 : i32 to vector<16xi32>
      %lt3A_279 = arith.cmpi slt, %sub3A_273, %lt3A_278 : vector<16xi32>
      %and3A_280 = arith.andi %ge3A_276, %lt3A_279 : vector<16xi1>
      %jit3A_281 = arith.constant 12500 : i32
      %broadcast_in_dim3A_282 = vector.broadcast %jit3A_281 : i32 to vector<16xi32>
      %select_n3A_283 = arith.select %and3A_280, %sub3A_273, %broadcast_in_dim3A_282 : vector<16xi1>, vector<16xi32>
      %swap3A_284 = arith.constant 48 : index
      %swap3A_285 = tpu.vector_load %arg21[%swap3A_284] {strides = array<i32>} : memref<128xi32, #tpu.memory_space<vmem>>, vector<16xi32>,
      %swap3A_286 = vector.shape_cast %swap3A_285 : vector<16xi32> to vector<16xi32>
      %swap3A_287 = vector.shape_cast %select_n3A_283 : vector<16xi32> to vector<16xi32>
      tpu.vector_store %arg21[%swap3A_284], %swap3A_287 {strides = array<i32>} : memref<128xi32, #tpu.memory_space<vmem>>, vector<16xi32>,
      %get3A_288 = arith.constant 64 : index
      %get3A_289 = tpu.vector_load %arg18[%get3A_288] {strides = array<i32>} : memref<128xi32, #tpu.memory_space<vmem>>, vector<16xi32>,
      %get3A_290 = vector.shape_cast %get3A_289 : vector<16xi32> to vector<16xi32>
      %sub3A_291 = vector.broadcast %mul3A_29 : i32 to vector<16xi32>
      %sub3A_292 = arith.subi %get3A_290, %sub3A_291 : vector<16xi32>
      %ge3A_293 = arith.constant 0 : i32
      %ge3A_294 = vector.broadcast %ge3A_293 : i32 to vector<16xi32>
      %ge3A_295 = arith.cmpi sge, %sub3A_292, %ge3A_294 : vector<16xi32>
      %lt3A_296 = arith.constant 12500 : i32
      %lt3A_297 = vector.broadcast %lt3A_296 : i32 to vector<16xi32>
      %lt3A_298 = arith.cmpi slt, %sub3A_292, %lt3A_297 : vector<16xi32>
      %and3A_299 = arith.andi %ge3A_295, %lt3A_298 : vector<16xi1>
      %jit3A_300 = arith.constant 12500 : i32
      %broadcast_in_dim3A_301 = vector.broadcast %jit3A_300 : i32 to vector<16xi32>
      %select_n3A_302 = arith.select %and3A_299, %sub3A_292, %broadcast_in_dim3A_301 : vector<16xi1>, vector<16xi32>
      %swap3A_303 = arith.constant 64 : index
      %swap3A_304 = tpu.vector_load %arg21[%swap3A_303] {strides = array<i32>} : memref<128xi32, #tpu.memory_space<vmem>>, vector<16xi32>,
      %swap3A_305 = vector.shape_cast %swap3A_304 : vector<16xi32> to vector<16xi32>
      %swap3A_306 = vector.shape_cast %select_n3A_302 : vector<16xi32> to vector<16xi32>
      tpu.vector_store %arg21[%swap3A_303], %swap3A_306 {strides = array<i32>} : memref<128xi32, #tpu.memory_space<vmem>>, vector<16xi32>,
      %get3A_307 = arith.constant 80 : index
      %get3A_308 = tpu.vector_load %arg18[%get3A_307] {strides = array<i32>} : memref<128xi32, #tpu.memory_space<vmem>>, vector<16xi32>,
      %get3A_309 = vector.shape_cast %get3A_308 : vector<16xi32> to vector<16xi32>
      %sub3A_310 = vector.broadcast %mul3A_29 : i32 to vector<16xi32>
      %sub3A_311 = arith.subi %get3A_309, %sub3A_310 : vector<16xi32>
      %ge3A_312 = arith.constant 0 : i32
      %ge3A_313 = vector.broadcast %ge3A_312 : i32 to vector<16xi32>
      %ge3A_314 = arith.cmpi sge, %sub3A_311, %ge3A_313 : vector<16xi32>
      %lt3A_315 = arith.constant 12500 : i32
      %lt3A_316 = vector.broadcast %lt3A_315 : i32 to vector<16xi32>
      %lt3A_317 = arith.cmpi slt, %sub3A_311, %lt3A_316 : vector<16xi32>
      %and3A_318 = arith.andi %ge3A_314, %lt3A_317 : vector<16xi1>
      %jit3A_319 = arith.constant 12500 : i32
      %broadcast_in_dim3A_320 = vector.broadcast %jit3A_319 : i32 to vector<16xi32>
      %select_n3A_321 = arith.select %and3A_318, %sub3A_311, %broadcast_in_dim3A_320 : vector<16xi1>, vector<16xi32>
      %swap3A_322 = arith.constant 80 : index
      %swap3A_323 = tpu.vector_load %arg21[%swap3A_322] {strides = array<i32>} : memref<128xi32, #tpu.memory_space<vmem>>, vector<16xi32>,
      %swap3A_324 = vector.shape_cast %swap3A_323 : vector<16xi32> to vector<16xi32>
      %swap3A_325 = vector.shape_cast %select_n3A_321 : vector<16xi32> to vector<16xi32>
      tpu.vector_store %arg21[%swap3A_322], %swap3A_325 {strides = array<i32>} : memref<128xi32, #tpu.memory_space<vmem>>, vector<16xi32>,
      %get3A_326 = arith.constant 96 : index
      %get3A_327 = tpu.vector_load %arg18[%get3A_326] {strides = array<i32>} : memref<128xi32, #tpu.memory_space<vmem>>, vector<16xi32>,
      %get3A_328 = vector.shape_cast %get3A_327 : vector<16xi32> to vector<16xi32>
      %sub3A_329 = vector.broadcast %mul3A_29 : i32 to vector<16xi32>
      %sub3A_330 = arith.subi %get3A_328, %sub3A_329 : vector<16xi32>
      %ge3A_331 = arith.constant 0 : i32
      %ge3A_332 = vector.broadcast %ge3A_331 : i32 to vector<16xi32>
      %ge3A_333 = arith.cmpi sge, %sub3A_330, %ge3A_332 : vector<16xi32>
      %lt3A_334 = arith.constant 12500 : i32
      %lt3A_335 = vector.broadcast %lt3A_334 : i32 to vector<16xi32>
      %lt3A_336 = arith.cmpi slt, %sub3A_330, %lt3A_335 : vector<16xi32>
      %and3A_337 = arith.andi %ge3A_333, %lt3A_336 : vector<16xi1>
      %jit3A_338 = arith.constant 12500 : i32
      %broadcast_in_dim3A_339 = vector.broadcast %jit3A_338 : i32 to vector<16xi32>
      %select_n3A_340 = arith.select %and3A_337, %sub3A_330, %broadcast_in_dim3A_339 : vector<16xi1>, vector<16xi32>
      %swap3A_341 = arith.constant 96 : index
      %swap3A_342 = tpu.vector_load %arg21[%swap3A_341] {strides = array<i32>} : memref<128xi32, #tpu.memory_space<vmem>>, vector<16xi32>,
      %swap3A_343 = vector.shape_cast %swap3A_342 : vector<16xi32> to vector<16xi32>
      %swap3A_344 = vector.shape_cast %select_n3A_340 : vector<16xi32> to vector<16xi32>
      tpu.vector_store %arg21[%swap3A_341], %swap3A_344 {strides = array<i32>} : memref<128xi32, #tpu.memory_space<vmem>>, vector<16xi32>,
      %get3A_345 = arith.constant 112 : index
      %get3A_346 = tpu.vector_load %arg18[%get3A_345] {strides = array<i32>} : memref<128xi32, #tpu.memory_space<vmem>>, vector<16xi32>,
      %get3A_347 = vector.shape_cast %get3A_346 : vector<16xi32> to vector<16xi32>
      %sub3A_348 = vector.broadcast %mul3A_29 : i32 to vector<16xi32>
      %sub3A_349 = arith.subi %get3A_347, %sub3A_348 : vector<16xi32>
      %ge3A_350 = arith.constant 0 : i32
      %ge3A_351 = vector.broadcast %ge3A_350 : i32 to vector<16xi32>
      %ge3A_352 = arith.cmpi sge, %sub3A_349, %ge3A_351 : vector<16xi32>
      %lt3A_353 = arith.constant 12500 : i32
      %lt3A_354 = vector.broadcast %lt3A_353 : i32 to vector<16xi32>
      %lt3A_355 = arith.cmpi slt, %sub3A_349, %lt3A_354 : vector<16xi32>
      %and3A_356 = arith.andi %ge3A_352, %lt3A_355 : vector<16xi1>
      %jit3A_357 = arith.constant 12500 : i32
      %broadcast_in_dim3A_358 = vector.broadcast %jit3A_357 : i32 to vector<16xi32>
      %select_n3A_359 = arith.select %and3A_356, %sub3A_349, %broadcast_in_dim3A_358 : vector<16xi1>, vector<16xi32>
      %swap3A_360 = arith.constant 112 : index
      %swap3A_361 = tpu.vector_load %arg21[%swap3A_360] {strides = array<i32>} : memref<128xi32, #tpu.memory_space<vmem>>, vector<16xi32>,
      %swap3A_362 = vector.shape_cast %swap3A_361 : vector<16xi32> to vector<16xi32>
      %swap3A_363 = vector.shape_cast %select_n3A_359 : vector<16xi32> to vector<16xi32>
      tpu.vector_store %arg21[%swap3A_360], %swap3A_363 {strides = array<i32>} : memref<128xi32, #tpu.memory_space<vmem>>, vector<16xi32>,
      %dma_wait3A = arith.constant 0 : i32
      %dma_wait3A_364 = arith.constant 0 : i32
      %dma_wait3A_365 = tpu.memref_slice %arg2[%dma_wait3A, %dma_wait3A_364] : memref<50000x16xf32, #tpu.memory_space<hbm>> -> memref<50000x16xf32, #tpu.memory_space<hbm>>
      tpu.wait_indirect_dma semaphore(%arg15 : memref<!tpu.dma_semaphore, #tpu.memory_space<semaphore_mem>>) src(%dma_wait3A_365 : memref<50000x16xf32, #tpu.memory_space<hbm>>) dst(%arg12 : memref<128x16xf32, #tpu.memory_space<vmem>>)
      %dma_wait3A_366 = arith.constant 0 : i32
      %dma_wait3A_367 = arith.constant 0 : i32
      %dma_wait3A_368 = tpu.memref_slice %arg3[%dma_wait3A_366, %dma_wait3A_367] : memref<50016x16xf32, #tpu.memory_space<hbm>> -> memref<50016x16xf32, #tpu.memory_space<hbm>>
      tpu.wait_indirect_dma semaphore(%arg16 : memref<!tpu.dma_semaphore, #tpu.memory_space<semaphore_mem>>) src(%dma_wait3A_368 : memref<50016x16xf32, #tpu.memory_space<hbm>>) dst(%arg13 : memref<128x16xf32, #tpu.memory_space<vmem>>)
      %scan3A_369 = arith.constant 0 : i32
      %scan3A_370 = arith.constant 128 : i32
      %scan3A_371 = arith.addi %scan3A_369, %scan3A_370 : i32
      %scan3A_372 = arith.constant 1 : i32
      scf.for %scan3A_385 = %scan3A_369 to %scan3A_371 step %scan3A_372  : i32 {
        %get3A_386 = arith.index_cast %scan3A_385 : i32 to index
        %get3A_387 = arith.constant 0 : index
        %get3A_388 = tpu.vector_load %arg12[%get3A_386, %get3A_387] {strides = array<i32>} : memref<128x16xf32, #tpu.memory_space<vmem>>, vector<1x16xf32>,
        %get3A_389 = vector.shape_cast %get3A_388 : vector<1x16xf32> to vector<16xf32>
        %get3A_390 = arith.index_cast %scan3A_385 : i32 to index
        %get3A_391 = arith.constant 0 : index
        %get3A_392 = tpu.vector_load %arg13[%get3A_390, %get3A_391] {strides = array<i32>} : memref<128x16xf32, #tpu.memory_space<vmem>>, vector<1x16xf32>,
        %get3A_393 = vector.shape_cast %get3A_392 : vector<1x16xf32> to vector<16xf32>
        %slice3A = vector.extract_strided_slice %get3A_389 {offsets = [7], sizes = [1], strides = [1]} : vector<16xf32> to vector<1xf32>
        %squeeze3A = vector.extract %slice3A[0] : f32 from vector<1xf32>
        %slice3A_394 = vector.extract_strided_slice %get3A_393 {offsets = [0], sizes = [1], strides = [1]} : vector<16xf32> to vector<1xf32>
        %squeeze3A_395 = vector.extract %slice3A_394[0] : f32 from vector<1xf32>
        %add3A_396 = arith.addf %squeeze3A, %squeeze3A_395 : f32
        %gt3A = arith.constant 0.000000e+00 : f32
        %gt3A_397 = arith.cmpf ogt, %add3A_396, %gt3A : f32
        %mul3A_398 = arith.constant 2.000000e-01 : f32
        %mul3A_399 = arith.mulf %mul3A_398, %add3A_396 : f32
        %select_n3A_400 = arith.select %gt3A_397, %add3A_396, %mul3A_399 : f32
        %broadcast_in_dim3A_401 = vector.broadcast %select_n3A_400 : f32 to vector<16xf32>
        %exp3A = math.exp %broadcast_in_dim3A_401 : vector<16xf32>
        %mul3A_402 = arith.mulf %get3A_389, %exp3A : vector<16xf32>
        %swap3A_403 = arith.index_cast %scan3A_385 : i32 to index
        %swap3A_404 = arith.constant 0 : index
        %swap3A_405 = tpu.vector_load %arg14[%swap3A_403, %swap3A_404] {strides = array<i32>} : memref<128x16xf32, #tpu.memory_space<vmem>>, vector<1x16xf32>,
        %swap3A_406 = vector.shape_cast %swap3A_405 : vector<1x16xf32> to vector<16xf32>
        %swap3A_407 = vector.shape_cast %mul3A_402 : vector<16xf32> to vector<1x16xf32>
        tpu.vector_store %arg14[%swap3A_403, %swap3A_404], %swap3A_407 {strides = array<i32>} : memref<128x16xf32, #tpu.memory_space<vmem>>, vector<1x16xf32>,
      }
      %scan3A_373 = arith.constant 128 : i32
      "tpu.region"() ({
        %run_scoped3A = tpu.sem_alloc : memref<!tpu.dma_semaphore, #tpu.memory_space<semaphore_mem>>
        %dma_start3A_385 = arith.constant 0 : i32
        %dma_start3A_386 = arith.constant 0 : i32
        %dma_start3A_387 = tpu.memref_slice %arg28[%dma_start3A_385, %dma_start3A_386] : memref<12544x16xf32, #tpu.memory_space<vmem_shared>> -> memref<12544x16xf32, #tpu.memory_space<vmem_shared>>
        tpu.enqueue_indirect_dma source(%arg14 : memref<128x16xf32, #tpu.memory_space<vmem>>) target(%dma_start3A_387 : memref<12544x16xf32, #tpu.memory_space<vmem_shared>>) offsets(%arg11 : memref<128xi32, #tpu.memory_space<vmem>>) semaphore(%run_scoped3A : memref<!tpu.dma_semaphore, #tpu.memory_space<semaphore_mem>>) {add = true}
        %dma_wait3A_388 = arith.constant 0 : i32
        %dma_wait3A_389 = arith.constant 0 : i32
        %dma_wait3A_390 = tpu.memref_slice %arg28[%dma_wait3A_388, %dma_wait3A_389] : memref<12544x16xf32, #tpu.memory_space<vmem_shared>> -> memref<12544x16xf32, #tpu.memory_space<vmem_shared>>
        tpu.wait_indirect_dma semaphore(%run_scoped3A : memref<!tpu.dma_semaphore, #tpu.memory_space<semaphore_mem>>) src(%arg14 : memref<128x16xf32, #tpu.memory_space<vmem>>) dst(%dma_wait3A_390 : memref<12544x16xf32, #tpu.memory_space<vmem_shared>>)
        tpu.yield
      }) : () -> ()
      %dma_wait3A_374 = arith.constant 0 : i32
      %dma_wait3A_375 = arith.constant 0 : i32
      %dma_wait3A_376 = tpu.memref_slice %arg2[%dma_wait3A_374, %dma_wait3A_375] : memref<50000x16xf32, #tpu.memory_space<hbm>> -> memref<50000x16xf32, #tpu.memory_space<hbm>>
      tpu.wait_indirect_dma semaphore(%arg25 : memref<!tpu.dma_semaphore, #tpu.memory_space<semaphore_mem>>) src(%dma_wait3A_376 : memref<50000x16xf32, #tpu.memory_space<hbm>>) dst(%arg22 : memref<128x16xf32, #tpu.memory_space<vmem>>)
      %dma_wait3A_377 = arith.constant 0 : i32
      %dma_wait3A_378 = arith.constant 0 : i32
      %dma_wait3A_379 = tpu.memref_slice %arg3[%dma_wait3A_377, %dma_wait3A_378] : memref<50016x16xf32, #tpu.memory_space<hbm>> -> memref<50016x16xf32, #tpu.memory_space<hbm>>
      tpu.wait_indirect_dma semaphore(%arg26 : memref<!tpu.dma_semaphore, #tpu.memory_space<semaphore_mem>>) src(%dma_wait3A_379 : memref<50016x16xf32, #tpu.memory_space<hbm>>) dst(%arg23 : memref<128x16xf32, #tpu.memory_space<vmem>>)
      %scan3A_380 = arith.constant 0 : i32
      %scan3A_381 = arith.constant 128 : i32
      %scan3A_382 = arith.addi %scan3A_380, %scan3A_381 : i32
      %scan3A_383 = arith.constant 1 : i32
      scf.for %scan3A_385 = %scan3A_380 to %scan3A_382 step %scan3A_383  : i32 {
        %get3A_386 = arith.index_cast %scan3A_385 : i32 to index
        %get3A_387 = arith.constant 0 : index
        %get3A_388 = tpu.vector_load %arg22[%get3A_386, %get3A_387] {strides = array<i32>} : memref<128x16xf32, #tpu.memory_space<vmem>>, vector<1x16xf32>,
        %get3A_389 = vector.shape_cast %get3A_388 : vector<1x16xf32> to vector<16xf32>
        %get3A_390 = arith.index_cast %scan3A_385 : i32 to index
        %get3A_391 = arith.constant 0 : index
        %get3A_392 = tpu.vector_load %arg23[%get3A_390, %get3A_391] {strides = array<i32>} : memref<128x16xf32, #tpu.memory_space<vmem>>, vector<1x16xf32>,
        %get3A_393 = vector.shape_cast %get3A_392 : vector<1x16xf32> to vector<16xf32>
        %slice3A = vector.extract_strided_slice %get3A_389 {offsets = [7], sizes = [1], strides = [1]} : vector<16xf32> to vector<1xf32>
        %squeeze3A = vector.extract %slice3A[0] : f32 from vector<1xf32>
        %slice3A_394 = vector.extract_strided_slice %get3A_393 {offsets = [0], sizes = [1], strides = [1]} : vector<16xf32> to vector<1xf32>
        %squeeze3A_395 = vector.extract %slice3A_394[0] : f32 from vector<1xf32>
        %add3A_396 = arith.addf %squeeze3A, %squeeze3A_395 : f32
        %gt3A = arith.constant 0.000000e+00 : f32
        %gt3A_397 = arith.cmpf ogt, %add3A_396, %gt3A : f32
        %mul3A_398 = arith.constant 2.000000e-01 : f32
        %mul3A_399 = arith.mulf %mul3A_398, %add3A_396 : f32
        %select_n3A_400 = arith.select %gt3A_397, %add3A_396, %mul3A_399 : f32
        %broadcast_in_dim3A_401 = vector.broadcast %select_n3A_400 : f32 to vector<16xf32>
        %exp3A = math.exp %broadcast_in_dim3A_401 : vector<16xf32>
        %mul3A_402 = arith.mulf %get3A_389, %exp3A : vector<16xf32>
        %swap3A_403 = arith.index_cast %scan3A_385 : i32 to index
        %swap3A_404 = arith.constant 0 : index
        %swap3A_405 = tpu.vector_load %arg24[%swap3A_403, %swap3A_404] {strides = array<i32>} : memref<128x16xf32, #tpu.memory_space<vmem>>, vector<1x16xf32>,
        %swap3A_406 = vector.shape_cast %swap3A_405 : vector<1x16xf32> to vector<16xf32>
        %swap3A_407 = vector.shape_cast %mul3A_402 : vector<16xf32> to vector<1x16xf32>
        tpu.vector_store %arg24[%swap3A_403, %swap3A_404], %swap3A_407 {strides = array<i32>} : memref<128x16xf32, #tpu.memory_space<vmem>>, vector<1x16xf32>,
      }
      %scan3A_384 = arith.constant 128 : i32
      "tpu.region"() ({
        %run_scoped3A = tpu.sem_alloc : memref<!tpu.dma_semaphore, #tpu.memory_space<semaphore_mem>>
        %dma_start3A_385 = arith.constant 0 : i32
        %dma_start3A_386 = arith.constant 0 : i32
        %dma_start3A_387 = tpu.memref_slice %arg28[%dma_start3A_385, %dma_start3A_386] : memref<12544x16xf32, #tpu.memory_space<vmem_shared>> -> memref<12544x16xf32, #tpu.memory_space<vmem_shared>>
        tpu.enqueue_indirect_dma source(%arg24 : memref<128x16xf32, #tpu.memory_space<vmem>>) target(%dma_start3A_387 : memref<12544x16xf32, #tpu.memory_space<vmem_shared>>) offsets(%arg21 : memref<128xi32, #tpu.memory_space<vmem>>) semaphore(%run_scoped3A : memref<!tpu.dma_semaphore, #tpu.memory_space<semaphore_mem>>) {add = true}
        %dma_wait3A_388 = arith.constant 0 : i32
        %dma_wait3A_389 = arith.constant 0 : i32
        %dma_wait3A_390 = tpu.memref_slice %arg28[%dma_wait3A_388, %dma_wait3A_389] : memref<12544x16xf32, #tpu.memory_space<vmem_shared>> -> memref<12544x16xf32, #tpu.memory_space<vmem_shared>>
        tpu.wait_indirect_dma semaphore(%run_scoped3A : memref<!tpu.dma_semaphore, #tpu.memory_space<semaphore_mem>>) src(%arg24 : memref<128x16xf32, #tpu.memory_space<vmem>>) dst(%dma_wait3A_390 : memref<12544x16xf32, #tpu.memory_space<vmem_shared>>)
        tpu.yield
      }) : () -> ()
    }
    %scan3A_40 = arith.constant 208 : i32
    %barrier3A_41 = arith.constant 0 : index
    tpu.barrier barrier_id(%barrier3A_41)
    "tpu.region"() ({
      %run_scoped3A = tpu.sem_alloc : memref<!tpu.dma_semaphore, #tpu.memory_space<semaphore_mem>>
      %dma_start3A = arith.constant 0 : i32
      %dma_start3A_42 = tpu.memref_slice %arg6[%add3A_27, %mul3A_5, %dma_start3A] : memref<4x12544x16xf32, #tpu.memory_space<hbm>> -> memref<1x784x16xf32, #tpu.memory_space<hbm>>
      %dma_start3A_43 = tpu.memref_squeeze %dma_start3A_42 : memref<1x784x16xf32, #tpu.memory_space<hbm>> -> memref<784x16xf32, #tpu.memory_space<hbm>>
      %dma_start3A_44 = arith.constant 0 : i32
      %dma_start3A_45 = tpu.memref_slice %arg28[%mul3A_5, %dma_start3A_44] : memref<12544x16xf32, #tpu.memory_space<vmem_shared>> -> memref<784x16xf32, #tpu.memory_space<vmem_shared>>
      tpu.enqueue_dma source(%dma_start3A_45 : memref<784x16xf32, #tpu.memory_space<vmem_shared>>) target(%dma_start3A_43 : memref<784x16xf32, #tpu.memory_space<hbm>>) target_semaphore(%run_scoped3A : memref<!tpu.dma_semaphore, #tpu.memory_space<semaphore_mem>>)
      %dma_wait3A = arith.constant 0 : i32
      %dma_wait3A_46 = tpu.memref_slice %arg6[%add3A_27, %mul3A_5, %dma_wait3A] : memref<4x12544x16xf32, #tpu.memory_space<hbm>> -> memref<1x784x16xf32, #tpu.memory_space<hbm>>
      %dma_wait3A_47 = tpu.memref_squeeze %dma_wait3A_46 : memref<1x784x16xf32, #tpu.memory_space<hbm>> -> memref<784x16xf32, #tpu.memory_space<hbm>>
      %dma_wait3A_48 = arith.constant 0 : i32
      %dma_wait3A_49 = tpu.memref_slice %arg28[%mul3A_5, %dma_wait3A_48] : memref<12544x16xf32, #tpu.memory_space<vmem_shared>> -> memref<784x16xf32, #tpu.memory_space<vmem_shared>>
      tpu.wait_dma2 semaphore(%run_scoped3A : memref<!tpu.dma_semaphore, #tpu.memory_space<semaphore_mem>>) src(%dma_wait3A_49 : memref<784x16xf32, #tpu.memory_space<vmem_shared>>) dst(%dma_wait3A_47 : memref<784x16xf32, #tpu.memory_space<hbm>>)
      tpu.yield
    }) : () -> ()
    return
  }
}

module attributes {stable_mosaic.version = 14 : i64} {
  func.func @_dense1_body(%arg0: i32, %arg1: memref<2000x8xf32, #tpu.memory_space<vmem>>, %arg2: memref<8x64xf32, #tpu.memory_space<vmem>>, %arg3: memref<8x64xf32, #tpu.memory_space<vmem>>, %arg4: memref<8x64xf32, #tpu.memory_space<vmem>>, %arg5: memref<2000x80xf32, #tpu.memory_space<vmem>>, %arg6: memref<2000x16xf32, #tpu.memory_space<vmem>>) attributes {dimension_semantics = [#tpu.dimension_semantics<arbitrary>], iteration_bounds = array<i64: 25>, scalar_prefetch = 0 : i64, scratch_operands = 0 : i64, tpu.core_type = #tpu.core_type<tc>, window_params = [{transform_indices = @transform_0, window_bounds = array<i64: 2000, 8>}, {pipeline_mode = #tpu.pipeline_mode<synchronous>, transform_indices = @transform_1, window_bounds = array<i64: 8, 64>}, {pipeline_mode = #tpu.pipeline_mode<synchronous>, transform_indices = @transform_2, window_bounds = array<i64: 8, 64>}, {pipeline_mode = #tpu.pipeline_mode<synchronous>, transform_indices = @transform_3, window_bounds = array<i64: 8, 64>}, {transform_indices = @transform_4, window_bounds = array<i64: 2000, 80>}, {transform_indices = @transform_5, window_bounds = array<i64: 2000, 16>}]} {
    %get3A = arith.constant 0 : index
    %get3A_0 = arith.constant 0 : index
    %get3A_1 = vector.load %arg1[%get3A, %get3A_0] : memref<2000x8xf32, #tpu.memory_space<vmem>>, vector<2000x8xf32>
    %get3A_2 = arith.constant 0 : index
    %get3A_3 = arith.constant 0 : index
    %get3A_4 = vector.load %arg2[%get3A_2, %get3A_3] : memref<8x64xf32, #tpu.memory_space<vmem>>, vector<8x64xf32>
    %dot_general3A = arith.constant dense<0.000000e+00> : vector<2000x64xf32>
    %dot_general3A_5 = tpu.matmul %get3A_1, %get3A_4, %dot_general3A {dimension_numbers = #tpu.dot_dimension_numbers<[1], [0], [0], [1], [0, 0, 1, 1], [], []>, transpose_lhs_hint = false} : vector<2000x8xf32>, vector<8x64xf32>, vector<2000x64xf32> -> vector<2000x64xf32>
    %get3A_6 = arith.constant 0 : index
    %get3A_7 = arith.constant 0 : index
    %get3A_8 = vector.load %arg3[%get3A_6, %get3A_7] : memref<8x64xf32, #tpu.memory_space<vmem>>, vector<1x64xf32>
    %get3A_9 = arith.constant 0 : index
    %get3A_10 = arith.constant 0 : index
    %get3A_11 = vector.load %arg4[%get3A_9, %get3A_10] : memref<8x64xf32, #tpu.memory_space<vmem>>, vector<1x64xf32>
    %slice3A = vector.extract_strided_slice %dot_general3A_5 {offsets = [0, 0], sizes = [2000, 16], strides = [1, 1]} : vector<2000x64xf32> to vector<2000x16xf32>
    %slice3A_12 = vector.extract_strided_slice %get3A_8 {offsets = [0, 0], sizes = [1, 16], strides = [1, 1]} : vector<1x64xf32> to vector<1x16xf32>
    %mul3A = vector.broadcast %slice3A_12 : vector<1x16xf32> to vector<2000x16xf32>
    %mul3A_13 = arith.mulf %slice3A, %mul3A : vector<2000x16xf32>
    %reduce_sum3A = arith.constant dense<0.000000e+00> : vector<2000xf32>
    %reduce_sum3A_14 = vector.multi_reduction <add>, %mul3A_13, %reduce_sum3A [1] : vector<2000x16xf32> to vector<2000xf32>
    %broadcast_in_dim3A = vector.shape_cast %reduce_sum3A_14 : vector<2000xf32> to vector<2000x1xf32>
    %slice3A_15 = vector.extract_strided_slice %dot_general3A_5 {offsets = [0, 0], sizes = [2000, 16], strides = [1, 1]} : vector<2000x64xf32> to vector<2000x16xf32>
    %slice3A_16 = vector.extract_strided_slice %get3A_11 {offsets = [0, 0], sizes = [1, 16], strides = [1, 1]} : vector<1x64xf32> to vector<1x16xf32>
    %mul3A_17 = vector.broadcast %slice3A_16 : vector<1x16xf32> to vector<2000x16xf32>
    %mul3A_18 = arith.mulf %slice3A_15, %mul3A_17 : vector<2000x16xf32>
    %reduce_sum3A_19 = arith.constant dense<0.000000e+00> : vector<2000xf32>
    %reduce_sum3A_20 = vector.multi_reduction <add>, %mul3A_18, %reduce_sum3A_19 [1] : vector<2000x16xf32> to vector<2000xf32>
    %broadcast_in_dim3A_21 = vector.shape_cast %reduce_sum3A_20 : vector<2000xf32> to vector<2000x1xf32>
    %slice3A_22 = vector.extract_strided_slice %dot_general3A_5 {offsets = [0, 16], sizes = [2000, 16], strides = [1, 1]} : vector<2000x64xf32> to vector<2000x16xf32>
    %slice3A_23 = vector.extract_strided_slice %get3A_8 {offsets = [0, 16], sizes = [1, 16], strides = [1, 1]} : vector<1x64xf32> to vector<1x16xf32>
    %mul3A_24 = vector.broadcast %slice3A_23 : vector<1x16xf32> to vector<2000x16xf32>
    %mul3A_25 = arith.mulf %slice3A_22, %mul3A_24 : vector<2000x16xf32>
    %reduce_sum3A_26 = arith.constant dense<0.000000e+00> : vector<2000xf32>
    %reduce_sum3A_27 = vector.multi_reduction <add>, %mul3A_25, %reduce_sum3A_26 [1] : vector<2000x16xf32> to vector<2000xf32>
    %broadcast_in_dim3A_28 = vector.shape_cast %reduce_sum3A_27 : vector<2000xf32> to vector<2000x1xf32>
    %slice3A_29 = vector.extract_strided_slice %dot_general3A_5 {offsets = [0, 16], sizes = [2000, 16], strides = [1, 1]} : vector<2000x64xf32> to vector<2000x16xf32>
    %slice3A_30 = vector.extract_strided_slice %get3A_11 {offsets = [0, 16], sizes = [1, 16], strides = [1, 1]} : vector<1x64xf32> to vector<1x16xf32>
    %mul3A_31 = vector.broadcast %slice3A_30 : vector<1x16xf32> to vector<2000x16xf32>
    %mul3A_32 = arith.mulf %slice3A_29, %mul3A_31 : vector<2000x16xf32>
    %reduce_sum3A_33 = arith.constant dense<0.000000e+00> : vector<2000xf32>
    %reduce_sum3A_34 = vector.multi_reduction <add>, %mul3A_32, %reduce_sum3A_33 [1] : vector<2000x16xf32> to vector<2000xf32>
    %broadcast_in_dim3A_35 = vector.shape_cast %reduce_sum3A_34 : vector<2000xf32> to vector<2000x1xf32>
    %slice3A_36 = vector.extract_strided_slice %dot_general3A_5 {offsets = [0, 32], sizes = [2000, 16], strides = [1, 1]} : vector<2000x64xf32> to vector<2000x16xf32>
    %slice3A_37 = vector.extract_strided_slice %get3A_8 {offsets = [0, 32], sizes = [1, 16], strides = [1, 1]} : vector<1x64xf32> to vector<1x16xf32>
    %mul3A_38 = vector.broadcast %slice3A_37 : vector<1x16xf32> to vector<2000x16xf32>
    %mul3A_39 = arith.mulf %slice3A_36, %mul3A_38 : vector<2000x16xf32>
    %reduce_sum3A_40 = arith.constant dense<0.000000e+00> : vector<2000xf32>
    %reduce_sum3A_41 = vector.multi_reduction <add>, %mul3A_39, %reduce_sum3A_40 [1] : vector<2000x16xf32> to vector<2000xf32>
    %broadcast_in_dim3A_42 = vector.shape_cast %reduce_sum3A_41 : vector<2000xf32> to vector<2000x1xf32>
    %slice3A_43 = vector.extract_strided_slice %dot_general3A_5 {offsets = [0, 32], sizes = [2000, 16], strides = [1, 1]} : vector<2000x64xf32> to vector<2000x16xf32>
    %slice3A_44 = vector.extract_strided_slice %get3A_11 {offsets = [0, 32], sizes = [1, 16], strides = [1, 1]} : vector<1x64xf32> to vector<1x16xf32>
    %mul3A_45 = vector.broadcast %slice3A_44 : vector<1x16xf32> to vector<2000x16xf32>
    %mul3A_46 = arith.mulf %slice3A_43, %mul3A_45 : vector<2000x16xf32>
    %reduce_sum3A_47 = arith.constant dense<0.000000e+00> : vector<2000xf32>
    %reduce_sum3A_48 = vector.multi_reduction <add>, %mul3A_46, %reduce_sum3A_47 [1] : vector<2000x16xf32> to vector<2000xf32>
    %broadcast_in_dim3A_49 = vector.shape_cast %reduce_sum3A_48 : vector<2000xf32> to vector<2000x1xf32>
    %slice3A_50 = vector.extract_strided_slice %dot_general3A_5 {offsets = [0, 48], sizes = [2000, 16], strides = [1, 1]} : vector<2000x64xf32> to vector<2000x16xf32>
    %slice3A_51 = vector.extract_strided_slice %get3A_8 {offsets = [0, 48], sizes = [1, 16], strides = [1, 1]} : vector<1x64xf32> to vector<1x16xf32>
    %mul3A_52 = vector.broadcast %slice3A_51 : vector<1x16xf32> to vector<2000x16xf32>
    %mul3A_53 = arith.mulf %slice3A_50, %mul3A_52 : vector<2000x16xf32>
    %reduce_sum3A_54 = arith.constant dense<0.000000e+00> : vector<2000xf32>
    %reduce_sum3A_55 = vector.multi_reduction <add>, %mul3A_53, %reduce_sum3A_54 [1] : vector<2000x16xf32> to vector<2000xf32>
    %broadcast_in_dim3A_56 = vector.shape_cast %reduce_sum3A_55 : vector<2000xf32> to vector<2000x1xf32>
    %slice3A_57 = vector.extract_strided_slice %dot_general3A_5 {offsets = [0, 48], sizes = [2000, 16], strides = [1, 1]} : vector<2000x64xf32> to vector<2000x16xf32>
    %slice3A_58 = vector.extract_strided_slice %get3A_11 {offsets = [0, 48], sizes = [1, 16], strides = [1, 1]} : vector<1x64xf32> to vector<1x16xf32>
    %mul3A_59 = vector.broadcast %slice3A_58 : vector<1x16xf32> to vector<2000x16xf32>
    %mul3A_60 = arith.mulf %slice3A_57, %mul3A_59 : vector<2000x16xf32>
    %reduce_sum3A_61 = arith.constant dense<0.000000e+00> : vector<2000xf32>
    %reduce_sum3A_62 = vector.multi_reduction <add>, %mul3A_60, %reduce_sum3A_61 [1] : vector<2000x16xf32> to vector<2000xf32>
    %broadcast_in_dim3A_63 = vector.shape_cast %reduce_sum3A_62 : vector<2000xf32> to vector<2000x1xf32>
    %broadcast_in_dim3A_64 = arith.constant 0.000000e+00 : f32
    %broadcast_in_dim3A_65 = vector.broadcast %broadcast_in_dim3A_64 : f32 to vector<2000x12xf32>
    %concatenate3A = tpu.concatenate %dot_general3A_5, %broadcast_in_dim3A, %broadcast_in_dim3A_28, %broadcast_in_dim3A_42, %broadcast_in_dim3A_56, %broadcast_in_dim3A_65 in 1 : vector<2000x64xf32>, vector<2000x1xf32>, vector<2000x1xf32>, vector<2000x1xf32>, vector<2000x1xf32>, vector<2000x12xf32> -> vector<2000x80xf32>
    %swap3A = arith.constant 0 : index
    %swap3A_66 = arith.constant 0 : index
    %swap3A_67 = vector.load %arg5[%swap3A, %swap3A_66] : memref<2000x80xf32, #tpu.memory_space<vmem>>, vector<2000x80xf32>
    tpu.vector_store %arg5[%swap3A, %swap3A_66], %concatenate3A {strides = array<i32>} : memref<2000x80xf32, #tpu.memory_space<vmem>>, vector<2000x80xf32>,
    %concatenate3A_68 = tpu.concatenate %broadcast_in_dim3A_21, %broadcast_in_dim3A_35, %broadcast_in_dim3A_49, %broadcast_in_dim3A_63, %broadcast_in_dim3A_65 in 1 : vector<2000x1xf32>, vector<2000x1xf32>, vector<2000x1xf32>, vector<2000x1xf32>, vector<2000x12xf32> -> vector<2000x16xf32>
    %swap3A_69 = arith.constant 0 : index
    %swap3A_70 = arith.constant 0 : index
    %swap3A_71 = vector.load %arg6[%swap3A_69, %swap3A_70] : memref<2000x16xf32, #tpu.memory_space<vmem>>, vector<2000x16xf32>
    tpu.vector_store %arg6[%swap3A_69, %swap3A_70], %concatenate3A_68 {strides = array<i32>} : memref<2000x16xf32, #tpu.memory_space<vmem>>, vector<2000x16xf32>,
    return
  }
  func.func @transform_0(%arg0: i32) -> (i32, i32) {
    %c0_i32 = arith.constant 0 : i32
    %c0_i32_0 = arith.constant 0 : i32
    return %arg0, %c0_i32 : i32, i32
  }
  func.func @transform_1(%arg0: i32) -> (i32, i32) {
    %c0_i32 = arith.constant 0 : i32
    %c0_i32_0 = arith.constant 0 : i32
    %c0_i32_1 = arith.constant 0 : i32
    return %c0_i32, %c0_i32_0 : i32, i32
  }
  func.func @transform_2(%arg0: i32) -> (i32, i32) {
    %c0_i32 = arith.constant 0 : i32
    %c0_i32_0 = arith.constant 0 : i32
    %c0_i32_1 = arith.constant 0 : i32
    return %c0_i32, %c0_i32_0 : i32, i32
  }
  func.func @transform_3(%arg0: i32) -> (i32, i32) {
    %c0_i32 = arith.constant 0 : i32
    %c0_i32_0 = arith.constant 0 : i32
    %c0_i32_1 = arith.constant 0 : i32
    return %c0_i32, %c0_i32_0 : i32, i32
  }
  func.func @transform_4(%arg0: i32) -> (i32, i32) {
    %c0_i32 = arith.constant 0 : i32
    %c0_i32_0 = arith.constant 0 : i32
    return %arg0, %c0_i32 : i32, i32
  }
  func.func @transform_5(%arg0: i32) -> (i32, i32) {
    %c0_i32 = arith.constant 0 : i32
    %c0_i32_0 = arith.constant 0 : i32
    return %arg0, %c0_i32 : i32, i32
  }
}

module attributes {stable_mosaic.version = 14 : i64} {
  func.func @_dense2_body(%arg0: i32, %arg1: memref<2000x64xf32, #tpu.memory_space<vmem>>, %arg2: memref<2000x4xf32, #tpu.memory_space<vmem>>, %arg3: memref<8x64xf32, #tpu.memory_space<vmem>>, %arg4: memref<64x16xf32, #tpu.memory_space<vmem>>, %arg5: memref<8x16xf32, #tpu.memory_space<vmem>>, %arg6: memref<8x16xf32, #tpu.memory_space<vmem>>, %arg7: memref<2000x16xf32, #tpu.memory_space<vmem>>, %arg8: memref<2000x16xf32, #tpu.memory_space<vmem>>) attributes {dimension_semantics = [#tpu.dimension_semantics<arbitrary>], iteration_bounds = array<i64: 25>, scalar_prefetch = 0 : i64, scratch_operands = 0 : i64, tpu.core_type = #tpu.core_type<tc>, window_params = [{transform_indices = @transform_0, window_bounds = array<i64: 2000, 64>}, {transform_indices = @transform_1, window_bounds = array<i64: 2000, 4>}, {pipeline_mode = #tpu.pipeline_mode<synchronous>, transform_indices = @transform_2, window_bounds = array<i64: 8, 64>}, {pipeline_mode = #tpu.pipeline_mode<synchronous>, transform_indices = @transform_3, window_bounds = array<i64: 64, 16>}, {pipeline_mode = #tpu.pipeline_mode<synchronous>, transform_indices = @transform_4, window_bounds = array<i64: 8, 16>}, {pipeline_mode = #tpu.pipeline_mode<synchronous>, transform_indices = @transform_5, window_bounds = array<i64: 8, 16>}, {transform_indices = @transform_6, window_bounds = array<i64: 2000, 16>}, {transform_indices = @transform_7, window_bounds = array<i64: 2000, 16>}]} {
    %get3A = arith.constant 0 : index
    %get3A_0 = arith.constant 0 : index
    %get3A_1 = vector.load %arg2[%get3A, %get3A_0] : memref<2000x4xf32, #tpu.memory_space<vmem>>, vector<2000x4xf32>
    %slice3A = vector.extract_strided_slice %get3A_1 {offsets = [0, 0], sizes = [2000, 1], strides = [1, 1]} : vector<2000x4xf32> to vector<2000x1xf32>
    %broadcast_in_dim3A = vector.shape_cast %slice3A : vector<2000x1xf32> to vector<2000x1xf32>
    %broadcast_in_dim3A_2 = vector.broadcast %broadcast_in_dim3A : vector<2000x1xf32> to vector<2000x16xf32>
    %slice3A_3 = vector.extract_strided_slice %get3A_1 {offsets = [0, 1], sizes = [2000, 1], strides = [1, 1]} : vector<2000x4xf32> to vector<2000x1xf32>
    %broadcast_in_dim3A_4 = vector.shape_cast %slice3A_3 : vector<2000x1xf32> to vector<2000x1xf32>
    %broadcast_in_dim3A_5 = vector.broadcast %broadcast_in_dim3A_4 : vector<2000x1xf32> to vector<2000x16xf32>
    %slice3A_6 = vector.extract_strided_slice %get3A_1 {offsets = [0, 2], sizes = [2000, 1], strides = [1, 1]} : vector<2000x4xf32> to vector<2000x1xf32>
    %broadcast_in_dim3A_7 = vector.shape_cast %slice3A_6 : vector<2000x1xf32> to vector<2000x1xf32>
    %broadcast_in_dim3A_8 = vector.broadcast %broadcast_in_dim3A_7 : vector<2000x1xf32> to vector<2000x16xf32>
    %slice3A_9 = vector.extract_strided_slice %get3A_1 {offsets = [0, 3], sizes = [2000, 1], strides = [1, 1]} : vector<2000x4xf32> to vector<2000x1xf32>
    %broadcast_in_dim3A_10 = vector.shape_cast %slice3A_9 : vector<2000x1xf32> to vector<2000x1xf32>
    %broadcast_in_dim3A_11 = vector.broadcast %broadcast_in_dim3A_10 : vector<2000x1xf32> to vector<2000x16xf32>
    %concatenate3A = tpu.concatenate %broadcast_in_dim3A_2, %broadcast_in_dim3A_5, %broadcast_in_dim3A_8, %broadcast_in_dim3A_11 in 1 : vector<2000x16xf32>, vector<2000x16xf32>, vector<2000x16xf32>, vector<2000x16xf32> -> vector<2000x64xf32>
    %get3A_12 = arith.constant 0 : index
    %get3A_13 = arith.constant 0 : index
    %get3A_14 = vector.load %arg1[%get3A_12, %get3A_13] : memref<2000x64xf32, #tpu.memory_space<vmem>>, vector<2000x64xf32>
    %div3A = arith.divf %get3A_14, %concatenate3A : vector<2000x64xf32>
    %get3A_15 = arith.constant 0 : index
    %get3A_16 = arith.constant 0 : index
    %get3A_17 = vector.load %arg3[%get3A_15, %get3A_16] : memref<8x64xf32, #tpu.memory_space<vmem>>, vector<1x64xf32>
    %add3A = vector.broadcast %get3A_17 : vector<1x64xf32> to vector<2000x64xf32>
    %add3A_18 = arith.addf %div3A, %add3A : vector<2000x64xf32>
    %gt3A = arith.constant 0.000000e+00 : f32
    %gt3A_19 = vector.broadcast %gt3A : f32 to vector<2000x64xf32>
    %gt3A_20 = arith.cmpf ogt, %add3A_18, %gt3A_19 : vector<2000x64xf32>
    %min3A = arith.constant 0.000000e+00 : f32
    %min3A_21 = vector.broadcast %min3A : f32 to vector<2000x64xf32>
    %min3A_22 = arith.minimumf %add3A_18, %min3A_21 : vector<2000x64xf32>
    %exp3A = math.exp %min3A_22 : vector<2000x64xf32>
    %sub3A = arith.constant 1.000000e+00 : f32
    %sub3A_23 = vector.broadcast %sub3A : f32 to vector<2000x64xf32>
    %sub3A_24 = arith.subf %exp3A, %sub3A_23 : vector<2000x64xf32>
    %select_n3A = arith.select %gt3A_20, %add3A_18, %sub3A_24 : vector<2000x64xi1>, vector<2000x64xf32>
    %get3A_25 = arith.constant 0 : index
    %get3A_26 = arith.constant 0 : index
    %get3A_27 = vector.load %arg4[%get3A_25, %get3A_26] : memref<64x16xf32, #tpu.memory_space<vmem>>, vector<64x16xf32>
    %dot_general3A = arith.constant dense<0.000000e+00> : vector<2000x16xf32>
    %dot_general3A_28 = tpu.matmul %select_n3A, %get3A_27, %dot_general3A {dimension_numbers = #tpu.dot_dimension_numbers<[1], [0], [0], [1], [0, 0, 1, 1], [], []>, transpose_lhs_hint = false} : vector<2000x64xf32>, vector<64x16xf32>, vector<2000x16xf32> -> vector<2000x16xf32>
    %get3A_29 = arith.constant 0 : index
    %get3A_30 = arith.constant 0 : index
    %get3A_31 = vector.load %arg5[%get3A_29, %get3A_30] : memref<8x16xf32, #tpu.memory_space<vmem>>, vector<1x16xf32>
    %mul3A = vector.broadcast %get3A_31 : vector<1x16xf32> to vector<2000x16xf32>
    %mul3A_32 = arith.mulf %dot_general3A_28, %mul3A : vector<2000x16xf32>
    %reduce_sum3A = arith.constant dense<0.000000e+00> : vector<2000xf32>
    %reduce_sum3A_33 = vector.multi_reduction <add>, %mul3A_32, %reduce_sum3A [1] : vector<2000x16xf32> to vector<2000xf32>
    %broadcast_in_dim3A_34 = vector.shape_cast %reduce_sum3A_33 : vector<2000xf32> to vector<2000x1xf32>
    %get3A_35 = arith.constant 0 : index
    %get3A_36 = arith.constant 0 : index
    %get3A_37 = vector.load %arg6[%get3A_35, %get3A_36] : memref<8x16xf32, #tpu.memory_space<vmem>>, vector<1x16xf32>
    %mul3A_38 = vector.broadcast %get3A_37 : vector<1x16xf32> to vector<2000x16xf32>
    %mul3A_39 = arith.mulf %dot_general3A_28, %mul3A_38 : vector<2000x16xf32>
    %reduce_sum3A_40 = arith.constant dense<0.000000e+00> : vector<2000xf32>
    %reduce_sum3A_41 = vector.multi_reduction <add>, %mul3A_39, %reduce_sum3A_40 [1] : vector<2000x16xf32> to vector<2000xf32>
    %broadcast_in_dim3A_42 = vector.shape_cast %reduce_sum3A_41 : vector<2000xf32> to vector<2000x1xf32>
    %broadcast_in_dim3A_43 = arith.constant 1.000000e+00 : f32
    %broadcast_in_dim3A_44 = vector.broadcast %broadcast_in_dim3A_43 : f32 to vector<2000x1xf32>
    %slice3A_45 = vector.extract_strided_slice %dot_general3A_28 {offsets = [0, 0], sizes = [2000, 6], strides = [1, 1]} : vector<2000x16xf32> to vector<2000x6xf32>
    %broadcast_in_dim3A_46 = arith.constant 0.000000e+00 : f32
    %broadcast_in_dim3A_47 = vector.broadcast %broadcast_in_dim3A_46 : f32 to vector<2000x8xf32>
    %concatenate3A_48 = tpu.concatenate %slice3A_45, %broadcast_in_dim3A_44, %broadcast_in_dim3A_34, %broadcast_in_dim3A_47 in 1 : vector<2000x6xf32>, vector<2000x1xf32>, vector<2000x1xf32>, vector<2000x8xf32> -> vector<2000x16xf32>
    %swap3A = arith.constant 0 : index
    %swap3A_49 = arith.constant 0 : index
    %swap3A_50 = vector.load %arg7[%swap3A, %swap3A_49] : memref<2000x16xf32, #tpu.memory_space<vmem>>, vector<2000x16xf32>
    tpu.vector_store %arg7[%swap3A, %swap3A_49], %concatenate3A_48 {strides = array<i32>} : memref<2000x16xf32, #tpu.memory_space<vmem>>, vector<2000x16xf32>,
    %broadcast_in_dim3A_51 = arith.constant 0.000000e+00 : f32
    %broadcast_in_dim3A_52 = vector.broadcast %broadcast_in_dim3A_51 : f32 to vector<2000x15xf32>
    %concatenate3A_53 = tpu.concatenate %broadcast_in_dim3A_42, %broadcast_in_dim3A_52 in 1 : vector<2000x1xf32>, vector<2000x15xf32> -> vector<2000x16xf32>
    %swap3A_54 = arith.constant 0 : index
    %swap3A_55 = arith.constant 0 : index
    %swap3A_56 = vector.load %arg8[%swap3A_54, %swap3A_55] : memref<2000x16xf32, #tpu.memory_space<vmem>>, vector<2000x16xf32>
    tpu.vector_store %arg8[%swap3A_54, %swap3A_55], %concatenate3A_53 {strides = array<i32>} : memref<2000x16xf32, #tpu.memory_space<vmem>>, vector<2000x16xf32>,
    return
  }
  func.func @transform_0(%arg0: i32) -> (i32, i32) {
    %c0_i32 = arith.constant 0 : i32
    %c0_i32_0 = arith.constant 0 : i32
    return %arg0, %c0_i32 : i32, i32
  }
  func.func @transform_1(%arg0: i32) -> (i32, i32) {
    %c0_i32 = arith.constant 0 : i32
    %c0_i32_0 = arith.constant 0 : i32
    return %arg0, %c0_i32 : i32, i32
  }
  func.func @transform_2(%arg0: i32) -> (i32, i32) {
    %c0_i32 = arith.constant 0 : i32
    %c0_i32_0 = arith.constant 0 : i32
    %c0_i32_1 = arith.constant 0 : i32
    return %c0_i32, %c0_i32_0 : i32, i32
  }
  func.func @transform_3(%arg0: i32) -> (i32, i32) {
    %c0_i32 = arith.constant 0 : i32
    %c0_i32_0 = arith.constant 0 : i32
    %c0_i32_1 = arith.constant 0 : i32
    return %c0_i32, %c0_i32_0 : i32, i32
  }
  func.func @transform_4(%arg0: i32) -> (i32, i32) {
    %c0_i32 = arith.constant 0 : i32
    %c0_i32_0 = arith.constant 0 : i32
    %c0_i32_1 = arith.constant 0 : i32
    return %c0_i32, %c0_i32_0 : i32, i32
  }
  func.func @transform_5(%arg0: i32) -> (i32, i32) {
    %c0_i32 = arith.constant 0 : i32
    %c0_i32_0 = arith.constant 0 : i32
    %c0_i32_1 = arith.constant 0 : i32
    return %c0_i32, %c0_i32_0 : i32, i32
  }
  func.func @transform_6(%arg0: i32) -> (i32, i32) {
    %c0_i32 = arith.constant 0 : i32
    %c0_i32_0 = arith.constant 0 : i32
    return %arg0, %c0_i32 : i32, i32
  }
  func.func @transform_7(%arg0: i32) -> (i32, i32) {
    %c0_i32 = arith.constant 0 : i32
    %c0_i32_0 = arith.constant 0 : i32
    return %arg0, %c0_i32 : i32, i32
  }
}

module attributes {stable_mosaic.version = 14 : i64} {
  func.func @_final_body(%arg0: i32, %arg1: memref<2000x16xf32, #tpu.memory_space<vmem>>, %arg2: memref<8x16xf32, #tpu.memory_space<vmem>>, %arg3: memref<2000x6xf32, #tpu.memory_space<vmem>>) attributes {dimension_semantics = [#tpu.dimension_semantics<arbitrary>], iteration_bounds = array<i64: 25>, scalar_prefetch = 0 : i64, scratch_operands = 0 : i64, tpu.core_type = #tpu.core_type<tc>, window_params = [{transform_indices = @transform_0, window_bounds = array<i64: 2000, 16>}, {pipeline_mode = #tpu.pipeline_mode<synchronous>, transform_indices = @transform_1, window_bounds = array<i64: 8, 16>}, {transform_indices = @transform_2, window_bounds = array<i64: 2000, 6>}]} {
    %get3A = arith.constant 0 : index
    %get3A_0 = arith.constant 0 : index
    %get3A_1 = vector.load %arg1[%get3A, %get3A_0] : memref<2000x16xf32, #tpu.memory_space<vmem>>, vector<2000x16xf32>
    %slice3A = vector.extract_strided_slice %get3A_1 {offsets = [0, 6], sizes = [2000, 1], strides = [1, 1]} : vector<2000x16xf32> to vector<2000x1xf32>
    %broadcast_in_dim3A = vector.shape_cast %slice3A : vector<2000x1xf32> to vector<2000x1xf32>
    %broadcast_in_dim3A_2 = vector.broadcast %broadcast_in_dim3A : vector<2000x1xf32> to vector<2000x6xf32>
    %slice3A_3 = vector.extract_strided_slice %get3A_1 {offsets = [0, 0], sizes = [2000, 6], strides = [1, 1]} : vector<2000x16xf32> to vector<2000x6xf32>
    %div3A = arith.divf %slice3A_3, %broadcast_in_dim3A_2 : vector<2000x6xf32>
    %get3A_4 = arith.constant 0 : index
    %get3A_5 = arith.constant 0 : index
    %get3A_6 = vector.load %arg2[%get3A_4, %get3A_5] : memref<8x16xf32, #tpu.memory_space<vmem>>, vector<1x6xf32>
    %add3A = vector.broadcast %get3A_6 : vector<1x6xf32> to vector<2000x6xf32>
    %add3A_7 = arith.addf %div3A, %add3A : vector<2000x6xf32>
    %neg3A = arith.constant 0.000000e+00 : f32
    %neg3A_8 = vector.broadcast %neg3A : f32 to vector<2000x6xf32>
    %neg3A_9 = arith.subf %neg3A_8, %add3A_7 : vector<2000x6xf32>
    %exp3A = math.exp %neg3A_9 : vector<2000x6xf32>
    %add3A_10 = arith.constant 1.000000e+00 : f32
    %add3A_11 = vector.broadcast %add3A_10 : f32 to vector<2000x6xf32>
    %add3A_12 = arith.addf %add3A_11, %exp3A : vector<2000x6xf32>
    %div3A_13 = arith.constant 1.000000e+00 : f32
    %div3A_14 = vector.broadcast %div3A_13 : f32 to vector<2000x6xf32>
    %div3A_15 = arith.divf %div3A_14, %add3A_12 : vector<2000x6xf32>
    %swap3A = arith.constant 0 : index
    %swap3A_16 = arith.constant 0 : index
    %swap3A_17 = vector.load %arg3[%swap3A, %swap3A_16] : memref<2000x6xf32, #tpu.memory_space<vmem>>, vector<2000x6xf32>
    tpu.vector_store %arg3[%swap3A, %swap3A_16], %div3A_15 {strides = array<i32>} : memref<2000x6xf32, #tpu.memory_space<vmem>>, vector<2000x6xf32>,
    return
  }
  func.func @transform_0(%arg0: i32) -> (i32, i32) {
    %c0_i32 = arith.constant 0 : i32
    %c0_i32_0 = arith.constant 0 : i32
    return %arg0, %c0_i32 : i32, i32
  }
  func.func @transform_1(%arg0: i32) -> (i32, i32) {
    %c0_i32 = arith.constant 0 : i32
    %c0_i32_0 = arith.constant 0 : i32
    %c0_i32_1 = arith.constant 0 : i32
    return %c0_i32, %c0_i32_0 : i32, i32
  }
  func.func @transform_2(%arg0: i32) -> (i32, i32) {
    %c0_i32 = arith.constant 0 : i32
    %c0_i32_0 = arith.constant 0 : i32
    return %arg0, %c0_i32 : i32, i32
  }
}

</mosaic_0001>

<sc_bundles>
// kernel: kernel.10.cloned.1.call-start
scs
__scs_entry_jumppad:
0x0: {  	(pc) =	sbr.rel $0x88, $3  }
0x1: {  	(tag) =	ssettag $0x0;
	lr =	simm.s32 $0x1  }
0x2: {  	[smem:$0x3F97] =	sst lr;
	_ =	strace $0xD0000000  }
0x3: {  	_ = 	snop  }
0x4: {  	_ = 	snop  }
0x5: {  	_ = 	snop  }
0x6: {  	_ = 	snop  }
0x7: {  	_ = 	snop  }
__scs_overlays_trampoline_lowered:
0x8: {  	[smem:$0x3FA6] =	sst s0  }
0x9: {  	[smem:$0x3FA7] =	sst s1  }
0xa: {  	[smem:$0x3FA8] =	sst s2  }
0xb: {  	[smem:$0x3FA9] =	sst s3  }
0xc: {  	[smem:$0x3FAA] =	sst s4  }
0xd: {  	[smem:$0x3FAB] =	sst s5  }
0xe: {  	[smem:$0x3FAC] =	sst s6  }
0xf: {  	[smem:$0x3FAD] =	sst s7  }
0x10: {  	[smem:$0x3FAE] =	sst s8  }
0x11: {  	[smem:$0x3FAF] =	sst s9;
	s0 =	simm.s32 @!p0 $0x0  }
0x12: {  	s1 =	sld [smem:$0x3F95];
	s0 =	simm.s32 @p0 $0x1  }
0x13: {  	[smem:$0x3FB0] =	sst s0;
	s0 =	simm.s32 @!p1 $0x0  }
0x14: {  	s2 =	sld [smem:$0x3F94];
	s0 =	simm.s32 @p1 $0x1  }
0x15: {  	[smem:$0x3FB1] =	sst s0;
	s0 =	simm.s32 @!p2 $0x0  }
0x16: {  	s3 =	sld [smem:$0x3FDB];
	s0 =	simm.s32 @p2 $0x1  }
0x17: {  	s4 =	simm.s32 $0x1BF5;
	[smem:$0x3FB3] =	sst s0  }
0x18: {  	s0 =	sld [smem:$0x3F96];
	_ =	swait.ge [sflag:s4], $0x0  }
0x19: {  	s7 =	sld [smem:$0x3F97]  }
0x1a: {  	s8 =	sadd.s32 $0xFFFFE003, lr  }
0x1b: {  	s9 =	sadd.s32 $0xFFFFFEF7, lr;
	s5 =	simm.s32 $0xFFFFFFFF;
	p2 =	slt.u32 s8, $0xFFFFF086  }
0x1c: {  	p1 =	slt.u32 s9, $0xF7A;
	s5 =	simm.s32 @!p2 $0x0  }
0x1d: {  	s5 =	simm.s32 @p1 $0x1;
	p0 =	seq.s32 s7, s2  }
0x1e: {  	s7 =	smul.u32 @!p0 $0xF7A, s2;
	p2 =	seq.s32 @!p0 s5, $0x0  }
0x1f: {  	s9 =	smul.u32 $0xF7A, s1;
	s8 =	simm.s32 @!p0 $0x1BF5;
	p2 =	por !p2, p0  }
0x20: {  	[sflag:s8] =	ssyncset.s32 @!p0 $0xFFFFF086;
	s6 =	sadd.s32 @!p0 s3, s7;
	s7 =	simm.s32 @!p0 $0x108  }
0x21: {  	s3 =	sadd.s32 s3, s9;
	s6 =	sadd.s32 @!p0 $0x88, s6;
	s7 =	simm.s32 @p2 $0x1082  }
0x22: {  	[simem:s7], [sflag:s8] =	dma.local @!p0 [hbm:s6], $0xF7A  }
0x23: {  	s9 =	sor.u32 $0xD0000000, s2;
	s6 =	simm.s32 $0x108;
	_ =	swait.ge @!p0 [sflag:s8], $0x0  }
0x24: {  	s3 =	sadd.s32 $0x88, s3;
	s6 =	simm.s32 @!p1 $0x1082;
	[sflag:s4] =	ssyncset.s32 $0xFFFFF086  }
0x25: {  	[simem:s6], [sflag:s4] =	dma.local [hbm:s3], $0xF7A  }
0x26: {  	[smem:$0x3F97] =	sst s1;
	(tag) =	ssettag s2;
	_ =	strace s9  }
0x27: {  	s1 =	sld [smem:$0x3FA7]  }
0x28: {  	s2 =	sld [smem:$0x3FA8]  }
0x29: {  	s4 =	sld [smem:$0x3FAA]  }
0x2a: {  	p0 =	seq.s32 s5, $0x0;
	s5 =	sld [smem:$0x3FAB]  }
0x2b: {  	s6 =	sld [smem:$0x3FAC]  }
0x2c: {  	s7 =	sld [smem:$0x3FAD]  }
0x2d: {  	s3 =	simm.s32 $0x108;
	s8 =	sld [smem:$0x3FAE]  }
0x2e: {  	s3 =	simm.s32 @!p0 $0x1082;
	s9 =	sld [smem:$0x3FAF]  }
0x2f: {  	lr =	sadd.s32 s0, s3;
	s0 =	sld [smem:$0x3FA6]  }
0x30: {  	s3 =	sld [smem:$0x3FA9]  }
0x31: {  	[smem:$0x3FB2] =	sst s10  }
0x32: {  	s10 =	sld [smem:$0x3FB0];
	_ =	sdelay $0x3  }
0x33: {  	p0 =	seq.s32 s10, $0x1;
	s10 =	sld [smem:$0x3FB2];
	_ =	sdelay $0x3  }
0x34: {  	[smem:$0x3FB2] =	sst s10  }
0x35: {  	s10 =	sld [smem:$0x3FB1];
	_ =	sdelay $0x3  }
0x36: {  	p1 =	seq.s32 s10, $0x1;
	s10 =	sld [smem:$0x3FB2];
	_ =	sdelay $0x3  }
0x37: {  	[smem:$0x3FB2] =	sst s10  }
0x38: {  	s10 =	sld [smem:$0x3FB3]  }
0x39: {  	_ = 	snop;
	(pc) =	sbr.ind lr, $3  }
0x3a: {  	_ = 	snop  }
0x3b: {  	_ = 	snop  }
0x3c: {  	p2 =	seq.s32 s10, $0x1;
	s10 =	sld [smem:$0x3FB2]  }
0x3d: {  	_ =	shalt  }
0x3e: {  	_ =	shalt  }
0x3f: {  	_ =	shalt  }
0x40: {  	_ =	shalt  }
0x41: {  	_ =	shalt  }
0x42: {  	_ =	shalt  }
0x43: {  	_ =	shalt  }
0x44: {  	_ =	shalt  }
0x45: {  	_ =	shalt  }
0x46: {  	_ =	shalt  }
0x47: {  	_ =	shalt  }
0x48: {  	_ =	shalt  }
0x49: {  	_ =	shalt  }
0x4a: {  	_ =	shalt  }
0x4b: {  	_ =	shalt  }
0x4c: {  	_ =	shalt  }
0x4d: {  	_ =	shalt  }
0x4e: {  	_ =	shalt  }
0x4f: {  	_ =	shalt  }
0x50: {  	_ =	shalt  }
0x51: {  	_ =	shalt  }
0x52: {  	_ =	shalt  }
0x53: {  	_ =	shalt  }
0x54: {  	_ =	shalt  }
0x55: {  	_ =	shalt  }
0x56: {  	_ =	shalt  }
0x57: {  	_ =	shalt  }
0x58: {  	_ =	shalt  }
0x59: {  	_ =	shalt  }
0x5a: {  	_ =	shalt  }
0x5b: {  	_ =	shalt  }
0x5c: {  	_ =	shalt  }
0x5d: {  	_ =	shalt  }
0x5e: {  	_ =	shalt  }
0x5f: {  	_ =	shalt  }
0x60: {  	_ =	shalt  }
0x61: {  	_ =	shalt  }
0x62: {  	_ =	shalt  }
0x63: {  	_ =	shalt  }
0x64: {  	_ =	shalt  }
0x65: {  	_ =	shalt  }
0x66: {  	_ =	shalt  }
0x67: {  	_ =	shalt  }
0x68: {  	_ =	shalt  }
0x69: {  	_ =	shalt  }
0x6a: {  	_ =	shalt  }
0x6b: {  	_ =	shalt  }
0x6c: {  	_ =	shalt  }
0x6d: {  	_ =	shalt  }
0x6e: {  	_ =	shalt  }
0x6f: {  	_ =	shalt  }
0x70: {  	_ =	shalt  }
0x71: {  	_ =	shalt  }
0x72: {  	_ =	shalt  }
0x73: {  	_ =	shalt  }
0x74: {  	_ =	shalt  }
0x75: {  	_ =	shalt  }
0x76: {  	_ =	shalt  }
0x77: {  	_ =	shalt  }
0x78: {  	_ =	shalt  }
0x79: {  	_ =	shalt  }
0x7a: {  	_ =	shalt  }
0x7b: {  	_ =	shalt  }
0x7c: {  	_ =	shalt  }
0x7d: {  	_ =	shalt  }
0x7e: {  	_ =	shalt  }
0x7f: {  	_ =	shalt  }
0x80: {  	_ =	shalt  }
0x81: {  	_ =	shalt  }
0x82: {  	_ =	shalt  }
0x83: {  	_ =	shalt  }
0x84: {  	_ =	shalt  }
0x85: {  	_ =	shalt  }
0x86: {  	_ =	shalt  }
0x87: {  	_ =	shalt  }
.Lfunc_end0:
.L_simem_size_0:
called_computation.1_lowered:
.L_overlay_start_0:
0x88: {  	s2 =	sld [smem:$0x3FD9]  }
0x89: {  	s3 =	sld [smem:$0x3FFE];
	_ =	sdelay $0x1  }
0x8a: {  	s1 =	srdreg.scid  }
0x8b: {  	s0 =	sand.u32 $0x1, s1  }
0x8c: {  	s16 =	sshll.u32 s0, $0xA;
	s2 =	sadd.s32 s3, s2  }
0x8d: {  	s2 =	sadd.s32 s2, s16  }
0x8e: {  	[smem:$0x3FBE] =	sst s2  }
0x8f: {  	_ = 	snop  }
0x90: {  	(tm) =	ssettm $0x1  }
0x91: {  	s17 =	sld [smem:$0x3FFB];
	_ =	sdelay $0x3  }
0x92: {  	_ =	strace s17  }
0x93: {  	s2 =	sld [smem:$0x3FFC];
	_ =	sdelay $0x3  }
0x94: {  	_ =	strace s2  }
0x95: {  	s2 =	sld [smem:$0x3FFD];
	_ =	sdelay $0x3  }
0x96: {  	_ =	strace s2  }
0x97: {  	_ =	strace $0x8FFFFFFF  }
0x98: {  	s18 =	sld [smem:$0x3FDB];
	_ =	sdelay $0x1  }
0x99: {  	s19 =	simm.s32 $_scs_section_size  }
0x9a: {  	s4 =	simm.s32 $_size__tile_overlayer_lowered;
	s5 =	simm.s32 $_tile_overlayer_lowered  }
0x9b: {  	s22 =	simm.s32 $0x1BFF;
	s21 =	sshll.u32 s5, $0x1;
	s2 =	sadd.s32 s19, s18  }
0x9c: {  	s6 =	simm.s32 $0x0;
	s20 =	sshll.u32 s4, $0x1;
	s4 =	sadd.s32 s21, s2  }
0x9d: {  	[timem:s6], [sflag:s22] =	dma.local [hbm:s4], s20  }
0x9e: {  	_ =	swait.ge [sflag:s22], s20  }
0x9f: {  	s3 =	ssub.s32 $0x0, s20;
	[sflag:s22] =	ssyncset.done $0x0  }
0xa0: {  	[sflag:s22] =	ssyncadd.s32 s3;
	_ =	sdelay $0x1  }
0xa1: {  	s23 =	simm.s32 $0x1B8B  }
0xa2: {  	_ =	swait.ge [sflag:s23], $0x1  }
0xa3: {  	[sflag:s23] =	ssyncset.done $0x0  }
0xa4: {  	s25 =	simm.s32 $0x1B8E;
	s24 =	sld [smem:$0x3FFE];
	[sflag:s23] =	ssyncadd.s32 $0xFFFFFFFF  }
0xa5: {  	s26 =	simm.s32 $execute0_lowered;
	[smem:$0x3FD2] =	sst s25  }
0xa6: {  	s4 =	sshll.u32 s26, $0x1;
	_ =	strace $0x80000049;
	[dreg:$0x1] =	wrdreg $0xFFFFFFFF  }
0xa7: {  	s28 =	simm.s32 $_size_execute0_lowered;
	s2 =	sadd.s32 s2, s4;
	[dreg:$0x0] =	wrdreg $0x0  }
0xa8: {  	s4 =	sshll.u32 s28, $0x1;
	[dreg:$0x2] =	wrdreg s2  }
0xa9: {  	[dreg:$0x3] =	wrdreg s4  }
0xaa: {  	[dreg:$0x4] =	wrdreg $0xC0  }
0xab: {  	_ =	task [dreg:s6], $0x5FFFF  }
0xac: {  	[dreg:$0x1] =	wrdreg $0xFFFFFFFF  }
0xad: {  	[dreg:$0x0] =	wrdreg $0x60  }
0xae: {  	[dreg:$0x2] =	wrdreg s24  }
0xaf: {  	[dreg:$0x3] =	wrdreg $0x34000  }
0xb0: {  	[dreg:$0x4] =	wrdreg $0x9  }
0xb1: {  	_ =	task.clear_ibuf [dreg:s6], $0x5FFFF;
	_ =	strace $0x90000049  }
0xb2: {  	s29 =	simm.s32 $0x9;
	_ =	strace $0x8000004B  }
0xb3: {  	_ =	swait.ge [sflag:s29], $0x1  }
0xb4: {  	[sflag:s29] =	ssyncadd.s32 $0xFFFFFFFF  }
0xb5: {  	_ =	strace $0x9000004B  }
0xb6: {  	_ =	sfence  }
0xb7: {  	s30 =	sld [smem:$0x0];
	_ =	sdelay $0x2  }
0xb8: {  	s31 =	sshll.u32 s1, $0xD;
	s1 =	sshrl.u32 s1, $0x2  }
0xb9: {  	s3 =	sand.u32 $0x4000, s31;
	s1 =	sadd.s32 s1, s30  }
0xba: {  	s0 =	sor.u32 s3, s0;
	s1 =	sshll.u32 s1, $0x11  }
0xbb: {  	s0 =	sor.u32 s1, s0  }
0xbc: {  	s0 =	sadd.s32 $0x8F2B, s0  }
0xbd: {  	[sflag:s0] =	ssyncadd.remote.s32 $0x1  }
0xbe: {  	_ =	sfence.sel $0xFFFF  }
0xbf: {  	[dreg:$0x0] =	wrdreg $0xFFFFFFFF;
	(pc) =	sbr.abs _section_cstart, $3  }
0xc0: {  	[dreg:$0x1] =	wrdreg $0xFFFFFFFF  }
0xc1: {  	_ =	task.clear_ibuf [dreg:s6], $0x2FFFF;
	_ =	strace $0x9FFFFFFF  }
0xc2: {  	(tm) =	ssettm $0x7FFFFFFF  }
0xc3: {  	_ =	shalt  }
tec
execute0_lowered:
.L_overlay_start_1:
0x0: {  	(tag) =	ssettag $0x1  }
0x1: {  	s0 =	rddreg [dreg:$0x0]  }
0x2: {  	s1 =	rddreg [dreg:$0x1];
	s18 =	simm.s32 $0x0  }
0x3: {  	s6 =	stileid.u32;
	s2 =	srdreg.scid;
	s16 =	simm.s32 $0x5  }
0x4: {  	s17 =	simm.s32 $0x80;
	s20 =	simm.s32 $0x1980;
	s21 =	simm.s32 $0x1A00  }
0x5: {  	s29 =	simm.s32 $0x3;
	s30 =	simm.s32 $0x4;
	[smem:$0x7FF] =	sst s18  }
0x6: {  	s4 =	sadd.s32 $0x1A200, s0;
	s5 =	sadd.s32 $0x1A00, s0;
	s15 =	smul.u32 $0xD000, s6  }
0x7: {  	s7 =	sadd.s32 $0xAE400, s0;
	s2 =	sand.u32 $0x1, s2;
	s3 =	smul.u32 $0xC400, s6  }
0x8: {  	s8 =	sadd.s32 $0x94400, s0;
	s11 =	smul.u32 $0x3100, s6;
	s0 =	sadd.s32 $0x32A00, s0  }
0x9: {  	s6 =	smov.u32 s1;
	_ =	strace $0x8000004A;
	s12 =	smul.u32 $0x62000, s2  }
0xa: {  	s9 =	ssub.s32 $0x2, s2;
	s13 =	sshllo.u32 s2, $0x1;
	s2 =	smul.u32 $0x61A8, s2  }
0xb: {  	s10 =	sshrl.u32 s9, $0x1;
	s22 =	smul.u32 $0x31000, s13;
	s3 =	sshrl.u32 s3, $0x2  }
0xc: {  	s25 =	sor.u32 $0x80, s15;
	s28 =	smul.u32 $0x30D4, s13;
	s14 =	ssub.s32 s9, s10  }
0xd: {  	s12 =	sadd.s32 s11, s12;
	s9 =	sadd.s32 s3, s1;
	s10 =	smov.u32 s15  }
0xe: {  	[dreg:$0x4] =	wrdreg s25;
	s1 =	sadd.s32 s11, s1;
	s23 =	sshrl.u32 s12, $0x3  }
0xf: {  	s24 =	sadd.s32 s11, s22;
	[dreg:$0x6] =	wrdreg s1;
	s31 =	smax.u32 s14, $0x1  }
0x10: {  	s3 =	sadd.s32 s0, s23;
	s26 =	sshrl.u32 s24, $0x3;
	[dreg:$0x8] =	wrdreg s31  }
0x11: {  	s15 =	simm.s32 $0x3300;
	[dreg:$0x5] =	wrdreg s3;
	s0 =	sadd.s32 s0, s26  }
0x12: {  	v2 =	vimm.f32 $0.0e+00;
	s25 =	simm.s32 $0x2;
	v0 =	vmov s2;
	v1 =	vmov s28;
	s24 =	simm.s32 $0x1;
	[dreg:$0x7] =	wrdreg s0  }
.LBB2_1:
0x13: {  	[tilespmem:$0x3300] =	vst v2  }
0x14: {  	[tilespmem:$0x3310] =	vst v2  }
0x15: {  	[tilespmem:$0x3320] =	vst v2  }
0x16: {  	[tilespmem:$0x3330] =	vst v2  }
0x17: {  	[tilespmem:$0x3340] =	vst v2  }
0x18: {  	[tilespmem:$0x3350] =	vst v2  }
0x19: {  	[tilespmem:$0x3360] =	vst v2  }
0x1a: {  	[tilespmem:$0x3370] =	vst v2  }
0x1b: {  	[tilespmem:$0x3380] =	vst v2  }
0x1c: {  	[tilespmem:$0x3390] =	vst v2  }
0x1d: {  	[tilespmem:$0x33A0] =	vst v2  }
0x1e: {  	[tilespmem:$0x33B0] =	vst v2  }
0x1f: {  	[tilespmem:$0x33C0] =	vst v2  }
0x20: {  	[tilespmem:$0x33D0] =	vst v2  }
0x21: {  	[tilespmem:$0x33E0] =	vst v2  }
0x22: {  	[tilespmem:$0x33F0] =	vst v2;
	s2 =	sadd.s32 $0x0, s9  }
0x23: {  	[spmem:s2] =	stream.linear.scatter [tilespmem:s15], [sflag:$0x5], $0x100, $0x38;
	[tilespmem:$0x6500] =	vst v63  }
0x24: {  	s2 =	simm.s32 $0x400;
	_ =	swait.ge [sflag:s16], $0x100  }
.LBB2_2:
0x25: {  	s3 =	sshra.s32 s2, $0x2;
	[sflag:s16] =	ssyncset.done $0x0;
	p0 =	sne.s32 s2, $0xC000  }
.Ltmp0:
0x26: {  	s3 =	sadd.s32 s3, s9;
	[sflag:s16] =	ssyncadd.s32 $0xFFFFFF00;
	(pc) =	sbr.rel @p0 .LBB2_2-.Ltmp0, $3  }
0x27: {  	[spmem:s3] =	stream.linear.scatter [tilespmem:s15], [sflag:$0x5], $0x100, $0x38;
	[tilespmem:$0x6500] =	vst v63  }
0x28: {  	s2 =	sadd.s32 $0x400, s2;
	_ =	sdelay $0x1  }
0x29: {  	_ =	swait.ge [sflag:s16], $0x100  }
0x2a: {  	[sflag:s16] =	ssyncset.done $0x0  }
0x2b: {  	[dreg:$0x3] =	wrdreg s18;
	[sflag:s16] =	ssyncadd.s32 $0xFFFFFF00  }
0x2c: {  	s2 =	simm.s32 $0x0;
	s11 =	simm.s32 $0x0;
	[bflag:$0x0] =	sbarrier.arrive $0xFFFF  }
.LBB2_4:
0x2d: {  	s3 =	sshll.u32 s11, $0x8  }
0x2e: {  	s12 =	sadd.s32 s10, s3  }
0x2f: {  	s12 =	sshrl.u32 s12, $0x3  }
0x30: {  	s13 =	sadd.s32 s7, s12  }
0x31: {  	[tilespmem:s2], [sflag:$0x5] =	stream.linear.gather [hbm4b:s13+s2], $0x80, $0x38;
	[tilespmem:$0x6500] =	vst v63  }
0x32: {  	_ =	swait.ge [sflag:s16], $0x80  }
0x33: {  	[sflag:s16] =	ssyncset.done $0x0  }
0x34: {  	s12 =	sadd.s32 s8, s12;
	[sflag:s16] =	ssyncadd.s32 $0xFFFFFF80  }
0x35: {  	[tilespmem:s17], [sflag:$0x5] =	stream.linear.gather [hbm4b:s12+s2], $0x80, $0x38;
	[tilespmem:$0x6500] =	vst v63  }
0x36: {  	_ =	swait.ge [sflag:s16], $0x80  }
0x37: {  	[sflag:s16] =	ssyncset.done $0x0  }
0x38: {  	s0 =	simm.s32 $0x180;
	[sflag:s16] =	ssyncadd.s32 $0xFFFFFF80  }
0x39: {  	[tilespmem:s0], [sflag:$0x1] =	stream.indirect.gather [hbm4b:s4+s17], $0x10, s2, s17, $0xb8;
	[tilespmem:$0x6500] =	vst v63  }
0x3a: {  	s19 =	simm.s32 $0x980  }
0x3b: {  	[tilespmem:s19], [sflag:$0x2] =	stream.indirect.gather [hbm4b:s5+s17], $0x10, s17, s17, $0xb8;
	[tilespmem:$0x6500] =	vst v63  }
0x3c: {  	v3 =	vld [tilespmem:$0x80]  }
0x3d: {  	v4 =	vld [tilespmem:$0x90]  }
0x3e: {  	v5 =	vld [tilespmem:$0xA0]  }
0x3f: {  	v6 =	vld [tilespmem:$0xB0]  }
0x40: {  	v7 =	vld [tilespmem:$0xC0]  }
0x41: {  	v8 =	vld [tilespmem:$0xD0];
	v3 =	vsub.s32 v3, v0  }
0x42: {  	v9 =	vld [tilespmem:$0xE0];
	v4 =	vsub.s32 v4, v0;
	v3 =	vmin.u32 v3, $0x30D4  }
0x43: {  	[tilespmem:$0x100] =	vst v3;
	v3 =	vmin.u32 v4, $0x30D4;
	v4 =	vsub.s32 v5, v0;
	v5 =	vld [tilespmem:$0xF0]  }
0x44: {  	[tilespmem:$0x110] =	vst v3;
	v3 =	vmin.u32 v4, $0x30D4;
	v4 =	vsub.s32 v6, v0  }
0x45: {  	[tilespmem:$0x120] =	vst v3;
	v3 =	vmin.u32 v4, $0x30D4;
	v4 =	vsub.s32 v7, v0  }
0x46: {  	[tilespmem:$0x130] =	vst v3;
	v3 =	vmin.u32 v4, $0x30D4;
	v4 =	vsub.s32 v8, v0  }
0x47: {  	s22 =	rddreg [dreg:$0x4];
	[tilespmem:$0x140] =	vst v3;
	v3 =	vmin.u32 v4, $0x30D4;
	v4 =	vsub.s32 v9, v0  }
0x48: {  	s3 =	sadd.s32 s3, s22;
	[tilespmem:$0x150] =	vst v3;
	v3 =	vmin.u32 v4, $0x30D4;
	v4 =	vsub.s32 v5, v0  }
0x49: {  	s3 =	sshrl.u32 s3, $0x3;
	[tilespmem:$0x160] =	vst v3;
	v3 =	vmin.u32 v4, $0x30D4  }
0x4a: {  	s23 =	sadd.s32 s7, s3;
	[tilespmem:$0x170] =	vst v3  }
0x4b: {  	[tilespmem:s20], [sflag:$0x5] =	stream.linear.gather [hbm4b:s23+s2], $0x80, $0x38;
	[tilespmem:$0x6500] =	vst v63  }
0x4c: {  	_ =	swait.ge [sflag:s16], $0x80  }
0x4d: {  	[sflag:s16] =	ssyncset.done $0x0  }
0x4e: {  	s3 =	sadd.s32 s8, s3;
	[sflag:s16] =	ssyncadd.s32 $0xFFFFFF80  }
0x4f: {  	[tilespmem:s21], [sflag:$0x5] =	stream.linear.gather [hbm4b:s3+s2], $0x80, $0x38;
	[tilespmem:$0x6500] =	vst v63  }
0x50: {  	_ =	swait.ge [sflag:s16], $0x80  }
0x51: {  	[sflag:s16] =	ssyncset.done $0x0  }
0x52: {  	s26 =	simm.s32 $0x1B00;
	[sflag:s16] =	ssyncadd.s32 $0xFFFFFF80  }
0x53: {  	[tilespmem:s26], [sflag:$0x3] =	stream.indirect.gather [hbm4b:s4+s17], $0x10, s20, s17, $0xb8;
	[tilespmem:$0x6500] =	vst v63  }
0x54: {  	s28 =	simm.s32 $0x2300  }
0x55: {  	[tilespmem:s28], [sflag:$0x4] =	stream.indirect.gather [hbm4b:s5+s17], $0x10, s21, s17, $0xb8;
	[tilespmem:$0x6500] =	vst v63  }
0x56: {  	v3 =	vld [tilespmem:$0x1A00]  }
0x57: {  	v4 =	vld [tilespmem:$0x1A10]  }
0x58: {  	v5 =	vld [tilespmem:$0x1A20]  }
0x59: {  	v6 =	vld [tilespmem:$0x1A30]  }
0x5a: {  	v7 =	vld [tilespmem:$0x1A40]  }
0x5b: {  	v8 =	vld [tilespmem:$0x1A50];
	v3 =	vsub.s32 v3, v0  }
0x5c: {  	v9 =	vld [tilespmem:$0x1A60];
	v4 =	vsub.s32 v4, v0;
	v3 =	vmin.u32 v3, $0x30D4  }
0x5d: {  	[tilespmem:$0x1A80] =	vst v3;
	v3 =	vmin.u32 v4, $0x30D4;
	v4 =	vsub.s32 v5, v0;
	v5 =	vld [tilespmem:$0x1A70]  }
0x5e: {  	[tilespmem:$0x1A90] =	vst v3;
	v3 =	vmin.u32 v4, $0x30D4;
	v4 =	vsub.s32 v6, v0  }
0x5f: {  	[tilespmem:$0x1AA0] =	vst v3;
	v3 =	vmin.u32 v4, $0x30D4;
	v4 =	vsub.s32 v7, v0  }
0x60: {  	[tilespmem:$0x1AB0] =	vst v3;
	v3 =	vmin.u32 v4, $0x30D4;
	v4 =	vsub.s32 v8, v0  }
0x61: {  	[tilespmem:$0x1AC0] =	vst v3;
	v3 =	vmin.u32 v4, $0x30D4;
	v4 =	vsub.s32 v9, v0  }
0x62: {  	[tilespmem:$0x1AD0] =	vst v3;
	v3 =	vmin.u32 v4, $0x30D4;
	v4 =	vsub.s32 v5, v0  }
0x63: {  	[tilespmem:$0x1AE0] =	vst v3;
	v3 =	vmin.u32 v4, $0x30D4  }
0x64: {  	[tilespmem:$0x1AF0] =	vst v3  }
0x65: {  	_ =	swait.ge [sflag:s24], $0x800  }
0x66: {  	[sflag:s24] =	ssyncset.done $0x0  }
0x67: {  	[sflag:s24] =	ssyncadd.s32 $0xFFFFF800  }
0x68: {  	_ =	swait.ge [sflag:s25], $0x800  }
0x69: {  	[sflag:s25] =	ssyncset.done $0x0  }
0x6a: {  	s12 =	simm.s32 $0x0;
	[sflag:s25] =	ssyncadd.s32 $0xFFFFF800  }
0x6b: {  	v3 =	vld [tilespmem:s12+$0x180]  }
0x6c: {  	v5 =	vld [tilespmem:s12+$0x980];
	_ =	sdelay $0x3  }
0x6d: {  	(v2sf) =	vpush v3, $0x7  }
0x6e: {  	s13 =	simm.s32 $0x10;
	(v2sf) =	vpush v5, $0x0  }
0x6f: {  	v4 =	vld [tilespmem:s13+$0x180]  }
0x70: {  	v6 =	vld [tilespmem:s13+$0x980];
	_ =	sdelay $0x3  }
0x71: {  	(v2sf) =	vpush v4, $0x7  }
0x72: {  	s14 =	simm.s32 $0x20;
	(v2sf) =	vpush v6, $0x0  }
0x73: {  	v5 =	vld [tilespmem:s14+$0x180]  }
0x74: {  	v7 =	vld [tilespmem:s14+$0x980];
	_ =	sdelay $0x2  }
0x75: {  	s3 =	simm.s32 $0x30  }
0x76: {  	v6 =	vld [tilespmem:s3+$0x180];
	(v2sf) =	vpush v5, $0x7  }
0x77: {  	(v2sf) =	vpush v7, $0x0;
	v7 =	vld [tilespmem:s3+$0x980];
	s18 =	spop (v2sf)  }
0x78: {  	s19 =	spop (v2sf)  }
0x79: {  	s19 =	sadd.f32 s19, s18;
	_ =	sdelay $0x1  }
0x7a: {  	(v2sf) =	vpush v6, $0x7;
	s18 =	simm.s32 $0x40;
	p0 =	sgt.f32 s19, $0.0e+00;
	s23 =	smul.f32 $2.000000030e-01, s19  }
0x7b: {  	(v2sf) =	vpush v7, $0x0;
	v7 =	vld [tilespmem:s18+$0x180]  }
0x7c: {  	v9 =	vld [tilespmem:s18+$0x980];
	s23 =	smov.u32 @p0 s19;
	s19 =	simm.s32 $0x50  }
0x7d: {  	s22 =	spop (v2sf);
	v8 =	vld [tilespmem:s19+$0x180]  }
0x7e: {  	s31 =	spop (v2sf);
	v11 =	vld [tilespmem:s19+$0x980]  }
0x7f: {  	s22 =	sadd.f32 s31, s22  }
0x80: {  	v10 =	vmov s23;
	(v2sf) =	vpush v7, $0x7  }
0x81: {  	p1 =	sgt.f32 s22, $0.0e+00;
	s26 =	smul.f32 $2.000000030e-01, s22;
	v10 =	vmul.f32 $1.442695020e+00, v10;
	(v2sf) =	vpush v9, $0x0  }
0x82: {  	(v2sf) =	vpush v8, $0x7  }
0x83: {  	s26 =	smov.u32 @p1 s22;
	v10 =	vbroadcast v10, $0x0;
	(v2sf) =	vpush v11, $0x0  }
0x84: {  	s28 =	spop (v2sf);
	v12 =	vmov s26  }
0x85: {  	s0 =	spop (v2sf);
	v12 =	vmul.f32 $1.442695020e+00, v12;
	(erf) = vpow2.f32 v10  }
0x86: {  	s23 =	sadd.f32 s0, s28  }
0x87: {  	s22 =	simm.s32 $0x60;
	v12 =	vbroadcast v12, $0x0  }
0x88: {  	v9 =	vld [tilespmem:s22+$0x180];
	p0 =	sgt.f32 s23, $0.0e+00;
	s26 =	smul.f32 $2.000000030e-01, s23  }
0x89: {  	s1 =	spop (v2sf);
	v10 =	vld [tilespmem:s22+$0x980];
	(erf) = vpow2.f32 v12  }
0x8a: {  	s26 =	smov.u32 @p0 s23;
	s31 =	spop (v2sf)  }
0x8b: {  	s23 =	sadd.f32 s31, s1;
	v11 =	vmov s26;
	s26 =	simm.s32 $0x1C0  }
.LBB2_5:
0x8c: {  	s28 =	sshra.s32 s26, $0x2  }
0x8d: {  	(v2sf) =	vpush v9, $0x7;
	v11 =	vmul.f32 $1.442695020e+00, v11;
	v12 =	vmov v9;
	s31 =	smov.u32 s3;
	s3 =	smov.u32 s18;
	p0 =	sne.s32 s26, $0x1FC0  }
.Ltmp1:
0x8e: {  	s18 =	smov.u32 s19;
	v9 =	vld [tilespmem:s28+$0x180];
	(v2sf) =	vpush v10, $0x0;
	p1 =	sgt.f32 s23, $0.0e+00;
	v13 =	vpop (erf);
	(pc) =	sbr.rel @p0 .LBB2_5-.Ltmp1, $4  }
0x8f: {  	s26 =	sadd.s32 $0x40, s26;
	s0 =	smul.f32 $2.000000030e-01, s23;
	v10 =	vld [tilespmem:s28+$0x980];
	v11 =	vbroadcast v11, $0x0;
	v13 =	vmul.f32 v13, v3;
	v3 =	vmovc v4;
	v4 =	vmovc v5;
	v5 =	vmov v6  }
0x90: {  	s19 =	smov.u32 s22;
	s22 =	smov.u32 s28;
	v6 =	vmov v7;
	v7 =	vmov v8;
	v8 =	vmov v12;
	s1 =	spop (v2sf)  }
0x91: {  	s0 =	smov.u32 @p1 s23;
	s28 =	spop (v2sf);
	(erf) = vpow2.f32 v11;
	[tilespmem:s12+$0x1180] =	vst v13;
	s12 =	smov.u32 s13  }
0x92: {  	v11 =	vmov s0;
	s13 =	smov.u32 s14;
	s14 =	smov.u32 s31;
	s23 =	sadd.f32 s28, s1  }
0x93: {  	(v2sf) =	vpush v9, $0x7  }
0x94: {  	(v2sf) =	vpush v10, $0x0;
	_ =	sdelay $0x8  }
0x95: {  	s0 =	spop (v2sf);
	p0 =	sgt.f32 s23, $0.0e+00  }
0x96: {  	s1 =	smul.f32 $2.000000030e-01, s23;
	s26 =	spop (v2sf)  }
0x97: {  	s0 =	sadd.f32 s26, s0  }
0x98: {  	s1 =	smov.u32 @p0 s23;
	s23 =	spop (v2sf)  }
0x99: {  	p0 =	sgt.f32 s0, $0.0e+00;
	s26 =	spop (v2sf)  }
0x9a: {  	s28 =	smul.f32 $2.000000030e-01, s0;
	s31 =	spop (v2sf)  }
0x9b: {  	s23 =	sadd.f32 s26, s23;
	s26 =	spop (v2sf)  }
0x9c: {  	v10 =	vmul.f32 $1.442695020e+00, v11;
	s28 =	smov.u32 @p0 s0;
	s0 =	sadd.f32 s26, s31  }
0x9d: {  	p0 =	sgt.f32 s23, $0.0e+00;
	s26 =	smul.f32 $2.000000030e-01, s23  }
0x9e: {  	v10 =	vbroadcast v10, $0x0;
	v11 =	vmov s1;
	p1 =	sgt.f32 s0, $0.0e+00;
	s1 =	smul.f32 $2.000000030e-01, s0  }
0x9f: {  	v11 =	vmul.f32 $1.442695020e+00, v11;
	v12 =	vmov s28;
	s26 =	smov.u32 @p0 s23  }
0xa0: {  	(erf) = vpow2.f32 v10;
	v10 =	vmul.f32 $1.442695020e+00, v12;
	v62 =	vmov s26;
	s1 =	smov.u32 @p1 s0  }
0xa1: {  	v11 =	vbroadcast v11, $0x0;
	v12 =	vmul.f32 $1.442695020e+00, v62;
	v13 =	vmov s1  }
0xa2: {  	v10 =	vbroadcast v10, $0x0;
	v13 =	vmul.f32 $1.442695020e+00, v13  }
0xa3: {  	(erf) = vpow2.f32 v11;
	v11 =	vbroadcast v12, $0x0  }
0xa4: {  	(erf) = vpow2.f32 v10;
	v10 =	vbroadcast v13, $0x0  }
0xa5: {  	(erf) = vpow2.f32 v11  }
0xa6: {  	(erf) = vpow2.f32 v10;
	_ =	sdelay $0x2  }
0xa7: {  	v10 =	vpop (erf)  }
0xa8: {  	v11 =	vpop (erf);
	v3 =	vmul.f32 v10, v3  }
0xa9: {  	v10 =	vpop (erf);
	v4 =	vmul.f32 v11, v4  }
0xaa: {  	v11 =	vpop (erf);
	[tilespmem:s12+$0x1180] =	vst v3;
	v3 =	vmul.f32 v10, v5  }
0xab: {  	v5 =	vpop (erf);
	[tilespmem:s13+$0x1180] =	vst v4;
	v4 =	vmul.f32 v11, v6  }
0xac: {  	[tilespmem:s14+$0x1180] =	vst v3;
	v3 =	vmul.f32 v5, v7;
	v5 =	vpop (erf)  }
0xad: {  	[tilespmem:s3+$0x1180] =	vst v4;
	v4 =	vmul.f32 v5, v8;
	v5 =	vpop (erf)  }
0xae: {  	[tilespmem:s18+$0x1180] =	vst v3;
	v3 =	vmul.f32 v5, v9  }
0xaf: {  	[tilespmem:s19+$0x1180] =	vst v4  }
0xb0: {  	s13 =	simm.s32 $0x100;
	s14 =	simm.s32 $0x1180;
	[tilespmem:s22+$0x1180] =	vst v3  }
0xb1: {  	[spmem:s6] =	stream.indirect.scatter.add.f32 [tilespmem:s14], [sflag:$0x5], $0x10, s13, s17, $0xb8;
	[tilespmem:$0x6500] =	vst v63  }
0xb2: {  	_ =	swait.ge [sflag:s16], $0x800  }
0xb3: {  	[sflag:s16] =	ssyncset.done $0x0  }
0xb4: {  	[sflag:s16] =	ssyncadd.s32 $0xFFFFF800  }
0xb5: {  	_ =	swait.ge [sflag:s29], $0x800  }
0xb6: {  	[sflag:s29] =	ssyncset.done $0x0  }
0xb7: {  	[sflag:s29] =	ssyncadd.s32 $0xFFFFF800  }
0xb8: {  	_ =	swait.ge [sflag:s30], $0x800  }
0xb9: {  	[sflag:s30] =	ssyncset.done $0x0  }
0xba: {  	s12 =	simm.s32 $0x0;
	[sflag:s30] =	ssyncadd.s32 $0xFFFFF800  }
0xbb: {  	v3 =	vld [tilespmem:s12+$0x1B00]  }
0xbc: {  	s13 =	simm.s32 $0x10;
	v5 =	vld [tilespmem:s12+$0x2300]  }
0xbd: {  	v4 =	vld [tilespmem:s13+$0x1B00]  }
0xbe: {  	v6 =	vld [tilespmem:s13+$0x2300];
	_ =	sdelay $0x1  }
0xbf: {  	(v2sf) =	vpush v3, $0x7  }
0xc0: {  	(v2sf) =	vpush v5, $0x0  }
0xc1: {  	(v2sf) =	vpush v4, $0x7  }
0xc2: {  	(v2sf) =	vpush v6, $0x0;
	_ =	sdelay $0x2  }
0xc3: {  	s14 =	simm.s32 $0x20  }
0xc4: {  	v5 =	vld [tilespmem:s14+$0x1B00]  }
0xc5: {  	v7 =	vld [tilespmem:s14+$0x2300];
	_ =	sdelay $0x2  }
0xc6: {  	s3 =	simm.s32 $0x30  }
0xc7: {  	v6 =	vld [tilespmem:s3+$0x1B00];
	(v2sf) =	vpush v5, $0x7  }
0xc8: {  	(v2sf) =	vpush v7, $0x0;
	v7 =	vld [tilespmem:s3+$0x2300];
	_ =	sdelay $0x1  }
0xc9: {  	s18 =	spop (v2sf)  }
0xca: {  	s19 =	spop (v2sf)  }
0xcb: {  	(v2sf) =	vpush v6, $0x7;
	s22 =	spop (v2sf);
	s0 =	sadd.f32 s19, s18;
	s18 =	simm.s32 $0x40  }
0xcc: {  	(v2sf) =	vpush v7, $0x0;
	s23 =	spop (v2sf);
	v7 =	vld [tilespmem:s18+$0x1B00]  }
0xcd: {  	s19 =	simm.s32 $0x50;
	v9 =	vld [tilespmem:s18+$0x2300];
	s1 =	sadd.f32 s23, s22  }
0xce: {  	v8 =	vld [tilespmem:s19+$0x1B00];
	p0 =	sgt.f32 s0, $0.0e+00;
	s22 =	smul.f32 $2.000000030e-01, s0  }
0xcf: {  	v11 =	vld [tilespmem:s19+$0x2300]  }
0xd0: {  	s22 =	smov.u32 @p0 s0  }
0xd1: {  	v10 =	vmov s22;
	(v2sf) =	vpush v7, $0x7  }
0xd2: {  	p1 =	sgt.f32 s1, $0.0e+00;
	s23 =	smul.f32 $2.000000030e-01, s1;
	v10 =	vmul.f32 $1.442695020e+00, v10;
	(v2sf) =	vpush v9, $0x0  }
0xd3: {  	(v2sf) =	vpush v8, $0x7  }
0xd4: {  	s23 =	smov.u32 @p1 s1;
	v10 =	vbroadcast v10, $0x0;
	(v2sf) =	vpush v11, $0x0  }
0xd5: {  	s26 =	spop (v2sf);
	v63 =	vmov s23  }
0xd6: {  	s28 =	spop (v2sf);
	v12 =	vmul.f32 $1.442695020e+00, v63;
	(erf) = vpow2.f32 v10  }
0xd7: {  	s0 =	sadd.f32 s28, s26  }
0xd8: {  	s22 =	simm.s32 $0x60;
	v12 =	vbroadcast v12, $0x0  }
0xd9: {  	v9 =	vld [tilespmem:s22+$0x1B00];
	p0 =	sgt.f32 s0, $0.0e+00;
	s1 =	smul.f32 $2.000000030e-01, s0  }
0xda: {  	s23 =	spop (v2sf);
	v10 =	vld [tilespmem:s22+$0x2300];
	(erf) = vpow2.f32 v12  }
0xdb: {  	s31 =	spop (v2sf);
	s1 =	smov.u32 @p0 s0  }
0xdc: {  	s26 =	simm.s32 $0x1C0;
	s23 =	sadd.f32 s31, s23;
	v11 =	vmov s1  }
.LBB2_7:
0xdd: {  	s0 =	sshra.s32 s26, $0x2  }
0xde: {  	(v2sf) =	vpush v9, $0x7;
	v11 =	vmul.f32 $1.442695020e+00, v11;
	v12 =	vmov v9;
	s1 =	smov.u32 s3;
	s3 =	smov.u32 s18;
	p0 =	sne.s32 s26, $0x1FC0  }
.Ltmp2:
0xdf: {  	s18 =	smov.u32 s19;
	v9 =	vld [tilespmem:s0+$0x1B00];
	(v2sf) =	vpush v10, $0x0;
	p1 =	sgt.f32 s23, $0.0e+00;
	v13 =	vpop (erf);
	(pc) =	sbr.rel @p0 .LBB2_7-.Ltmp2, $4  }
0xe0: {  	s26 =	sadd.s32 $0x40, s26;
	s28 =	smul.f32 $2.000000030e-01, s23;
	v10 =	vld [tilespmem:s0+$0x2300];
	v11 =	vbroadcast v11, $0x0;
	v13 =	vmul.f32 v13, v3;
	v3 =	vmovc v4;
	v4 =	vmovc v5;
	v5 =	vmov v6  }
0xe1: {  	s19 =	smov.u32 s22;
	s22 =	smov.u32 s0;
	v6 =	vmov v7;
	v7 =	vmov v8;
	v8 =	vmov v12;
	s31 =	spop (v2sf)  }
0xe2: {  	s28 =	smov.u32 @p1 s23;
	s0 =	spop (v2sf);
	(erf) = vpow2.f32 v11;
	[tilespmem:s12+$0x2B00] =	vst v13;
	s12 =	smov.u32 s13  }
0xe3: {  	v11 =	vmov s28;
	s13 =	smov.u32 s14;
	s14 =	smov.u32 s1;
	s23 =	sadd.f32 s0, s31  }
0xe4: {  	(v2sf) =	vpush v9, $0x7  }
0xe5: {  	(v2sf) =	vpush v10, $0x0;
	_ =	sdelay $0x8  }
0xe6: {  	s0 =	spop (v2sf);
	p0 =	sgt.f32 s23, $0.0e+00  }
0xe7: {  	s1 =	smul.f32 $2.000000030e-01, s23;
	s26 =	spop (v2sf)  }
0xe8: {  	s0 =	sadd.f32 s26, s0  }
0xe9: {  	s1 =	smov.u32 @p0 s23;
	s23 =	spop (v2sf)  }
0xea: {  	p0 =	sgt.f32 s0, $0.0e+00;
	s26 =	spop (v2sf)  }
0xeb: {  	s28 =	smul.f32 $2.000000030e-01, s0;
	s31 =	spop (v2sf)  }
0xec: {  	s23 =	sadd.f32 s26, s23;
	s26 =	spop (v2sf)  }
0xed: {  	v49 =	vmul.f32 $1.442695020e+00, v11;
	s28 =	smov.u32 @p0 s0;
	s0 =	sadd.f32 s26, s31  }
0xee: {  	p0 =	sgt.f32 s23, $0.0e+00;
	s26 =	smul.f32 $2.000000030e-01, s23  }
0xef: {  	v10 =	vbroadcast v49, $0x0;
	v50 =	vmov s1;
	p1 =	sgt.f32 s0, $0.0e+00;
	s1 =	smul.f32 $2.000000030e-01, s0  }
0xf0: {  	v11 =	vmul.f32 $1.442695020e+00, v50;
	v12 =	vmov s28;
	s26 =	smov.u32 @p0 s23  }
0xf1: {  	(erf) = vpow2.f32 v10;
	v51 =	vmul.f32 $1.442695020e+00, v12;
	v52 =	vmov s26;
	s1 =	smov.u32 @p1 s0  }
0xf2: {  	v11 =	vbroadcast v11, $0x0;
	v12 =	vmul.f32 $1.442695020e+00, v52;
	v13 =	vmov s1  }
0xf3: {  	v10 =	vbroadcast v51, $0x0;
	v13 =	vmul.f32 $1.442695020e+00, v13  }
0xf4: {  	(erf) = vpow2.f32 v11;
	v53 =	vbroadcast v12, $0x0  }
0xf5: {  	(erf) = vpow2.f32 v10;
	v54 =	vbroadcast v13, $0x0  }
0xf6: {  	(erf) = vpow2.f32 v53  }
0xf7: {  	(erf) = vpow2.f32 v54;
	_ =	sdelay $0x2  }
0xf8: {  	v55 =	vpop (erf)  }
0xf9: {  	v3 =	vmul.f32 v55, v3;
	v56 =	vpop (erf)  }
0xfa: {  	v4 =	vmul.f32 v56, v4;
	v57 =	vpop (erf)  }
0xfb: {  	[tilespmem:s12+$0x2B00] =	vst v3;
	v3 =	vmul.f32 v57, v5;
	v58 =	vpop (erf)  }
0xfc: {  	[tilespmem:s13+$0x2B00] =	vst v4;
	v60 =	vmul.f32 v58, v6;
	v59 =	vpop (erf)  }
0xfd: {  	[tilespmem:s14+$0x2B00] =	vst v3;
	v3 =	vmul.f32 v59, v7;
	v61 =	vpop (erf)  }
0xfe: {  	[tilespmem:s3+$0x2B00] =	vst v60;
	v62 =	vmul.f32 v61, v8;
	v63 =	vpop (erf)  }
0xff: {  	s11 =	sadd.s32 $0x1, s11;
	[tilespmem:s18+$0x2B00] =	vst v3;
	v3 =	vmul.f32 v63, v9  }
0x100: {  	p0 =	sne.s32 s11, $0xD0;
	[tilespmem:s19+$0x2B00] =	vst v62  }
.Ltmp3:
0x101: {  	s28 =	simm.s32 $0x1A80;
	s31 =	simm.s32 $0x2B00;
	[tilespmem:s22+$0x2B00] =	vst v3;
	(pc) =	sbr.rel @p0 .LBB2_4-.Ltmp3, $4  }
0x102: {  	[spmem:s6] =	stream.indirect.scatter.add.f32 [tilespmem:s31], [sflag:$0x5], $0x10, s28, s17, $0xb8;
	[tilespmem:$0x6500] =	vst v63  }
0x103: {  	_ =	swait.ge [sflag:s16], $0x800  }
0x104: {  	[sflag:s16] =	ssyncset.done $0x0  }
0x105: {  	[sflag:s16] =	ssyncadd.s32 $0xFFFFF800  }
0x106: {  	s0 =	stileid.u32;
	[bflag:$0x0] =	sbarrier.arrive $0xFFFF  }
0x107: {  	s0 =	sshll.u32 s0, $0x6;
	s26 =	rddreg [dreg:$0x6]  }
0x108: {  	s28 =	rddreg [dreg:$0x5];
	s1 =	sor.u32 $0x1C05, s0  }
0x109: {  	s2 =	sshrl.u32 s26, $0x3;
	[dreg:$0x9] =	wrdreg s1  }
0x10a: {  	[dreg:$0xa] =	wrdreg s2  }
0x10b: {  	[hbm:s28], [sflag:s1] =	dma.local [spmem:s2], $0x620  }
0x10c: {  	_ =	swait.ge [sflag:s16], $0x620  }
0x10d: {  	[sflag:s16] =	ssyncset.done $0x0  }
0x10e: {  	s31 =	sadd.s32 $0x0, s9;
	[sflag:s16] =	ssyncadd.s32 $0xFFFFF9E0  }
0x10f: {  	[spmem:s31] =	stream.linear.scatter [tilespmem:s15], [sflag:$0x5], $0x100, $0x38;
	[tilespmem:$0x6500] =	vst v63  }
0x110: {  	s2 =	simm.s32 $0x400;
	_ =	swait.ge [sflag:s16], $0x100  }
.LBB2_10:
0x111: {  	s0 =	sshra.s32 s2, $0x2;
	[sflag:s16] =	ssyncset.done $0x0;
	p0 =	sne.s32 s2, $0xC000  }
.Ltmp4:
0x112: {  	s0 =	sadd.s32 s0, s9;
	[sflag:s16] =	ssyncadd.s32 $0xFFFFFF00;
	(pc) =	sbr.rel @p0 .LBB2_10-.Ltmp4, $3  }
0x113: {  	[spmem:s0] =	stream.linear.scatter [tilespmem:s15], [sflag:$0x5], $0x100, $0x38;
	[tilespmem:$0x6500] =	vst v63  }
0x114: {  	s2 =	sadd.s32 $0x400, s2;
	_ =	sdelay $0x1  }
0x115: {  	_ =	swait.ge [sflag:s16], $0x100  }
0x116: {  	[sflag:s16] =	ssyncset.done $0x0  }
0x117: {  	[sflag:s16] =	ssyncadd.s32 $0xFFFFFF00  }
0x118: {  	s12 =	simm.s32 $0x0;
	s13 =	simm.s32 $0x0;
	[bflag:$0x0] =	sbarrier.arrive $0xFFFF  }
.LBB2_12:
0x119: {  	s0 =	sshll.u32 s13, $0x8  }
0x11a: {  	s1 =	sadd.s32 s10, s0  }
0x11b: {  	s1 =	sshrl.u32 s1, $0x3  }
0x11c: {  	s2 =	sadd.s32 s7, s1  }
0x11d: {  	[tilespmem:s12], [sflag:$0x5] =	stream.linear.gather [hbm4b:s2+s12], $0x80, $0x38;
	[tilespmem:$0x6500] =	vst v63  }
0x11e: {  	_ =	swait.ge [sflag:s16], $0x80  }
0x11f: {  	[sflag:s16] =	ssyncset.done $0x0  }
0x120: {  	s1 =	sadd.s32 s8, s1;
	[sflag:s16] =	ssyncadd.s32 $0xFFFFFF80  }
0x121: {  	[tilespmem:s17], [sflag:$0x5] =	stream.linear.gather [hbm4b:s1+s12], $0x80, $0x38;
	[tilespmem:$0x6500] =	vst v63  }
0x122: {  	_ =	swait.ge [sflag:s16], $0x80  }
0x123: {  	[sflag:s16] =	ssyncset.done $0x0  }
0x124: {  	s3 =	simm.s32 $0x180;
	[sflag:s16] =	ssyncadd.s32 $0xFFFFFF80  }
0x125: {  	[tilespmem:s3], [sflag:$0x1] =	stream.indirect.gather [hbm4b:s4+s17], $0x10, s12, s17, $0xb8;
	[tilespmem:$0x6500] =	vst v63  }
0x126: {  	s11 =	simm.s32 $0x980  }
0x127: {  	[tilespmem:s11], [sflag:$0x2] =	stream.indirect.gather [hbm4b:s5+s17], $0x10, s17, s17, $0xb8;
	[tilespmem:$0x6500] =	vst v63  }
0x128: {  	v3 =	vld [tilespmem:$0x80]  }
0x129: {  	v4 =	vld [tilespmem:$0x90]  }
0x12a: {  	v5 =	vld [tilespmem:$0xA0]  }
0x12b: {  	v6 =	vld [tilespmem:$0xB0]  }
0x12c: {  	v7 =	vld [tilespmem:$0xC0]  }
0x12d: {  	v8 =	vld [tilespmem:$0xD0];
	v3 =	vsub.s32 v3, v1  }
0x12e: {  	v9 =	vld [tilespmem:$0xE0];
	v4 =	vsub.s32 v4, v1;
	v3 =	vmin.u32 v3, $0x30D4  }
0x12f: {  	[tilespmem:$0x100] =	vst v3;
	v3 =	vmin.u32 v4, $0x30D4;
	v4 =	vsub.s32 v5, v1;
	v5 =	vld [tilespmem:$0xF0]  }
0x130: {  	[tilespmem:$0x110] =	vst v3;
	v3 =	vmin.u32 v4, $0x30D4;
	v4 =	vsub.s32 v6, v1  }
0x131: {  	[tilespmem:$0x120] =	vst v3;
	v3 =	vmin.u32 v4, $0x30D4;
	v4 =	vsub.s32 v7, v1  }
0x132: {  	[tilespmem:$0x130] =	vst v3;
	v3 =	vmin.u32 v4, $0x30D4;
	v4 =	vsub.s32 v8, v1  }
0x133: {  	s14 =	rddreg [dreg:$0x4];
	[tilespmem:$0x140] =	vst v3;
	v3 =	vmin.u32 v4, $0x30D4;
	v4 =	vsub.s32 v9, v1  }
0x134: {  	s0 =	sadd.s32 s0, s14;
	[tilespmem:$0x150] =	vst v3;
	v3 =	vmin.u32 v4, $0x30D4;
	v4 =	vsub.s32 v5, v1  }
0x135: {  	s0 =	sshrl.u32 s0, $0x3;
	[tilespmem:$0x160] =	vst v3;
	v3 =	vmin.u32 v4, $0x30D4  }
0x136: {  	s18 =	sadd.s32 s7, s0;
	[tilespmem:$0x170] =	vst v3  }
0x137: {  	[tilespmem:s20], [sflag:$0x5] =	stream.linear.gather [hbm4b:s18+s12], $0x80, $0x38;
	[tilespmem:$0x6500] =	vst v63  }
0x138: {  	_ =	swait.ge [sflag:s16], $0x80  }
0x139: {  	[sflag:s16] =	ssyncset.done $0x0  }
0x13a: {  	s0 =	sadd.s32 s8, s0;
	[sflag:s16] =	ssyncadd.s32 $0xFFFFFF80  }
0x13b: {  	[tilespmem:s21], [sflag:$0x5] =	stream.linear.gather [hbm4b:s0+s12], $0x80, $0x38;
	[tilespmem:$0x6500] =	vst v63  }
0x13c: {  	_ =	swait.ge [sflag:s16], $0x80  }
0x13d: {  	[sflag:s16] =	ssyncset.done $0x0  }
0x13e: {  	s19 =	simm.s32 $0x1B00;
	[sflag:s16] =	ssyncadd.s32 $0xFFFFFF80  }
0x13f: {  	[tilespmem:s19], [sflag:$0x3] =	stream.indirect.gather [hbm4b:s4+s17], $0x10, s20, s17, $0xb8;
	[tilespmem:$0x6500] =	vst v63  }
0x140: {  	s22 =	simm.s32 $0x2300  }
0x141: {  	[tilespmem:s22], [sflag:$0x4] =	stream.indirect.gather [hbm4b:s5+s17], $0x10, s21, s17, $0xb8;
	[tilespmem:$0x6500] =	vst v63  }
0x142: {  	v3 =	vld [tilespmem:$0x1A00]  }
0x143: {  	v4 =	vld [tilespmem:$0x1A10]  }
0x144: {  	v5 =	vld [tilespmem:$0x1A20]  }
0x145: {  	v6 =	vld [tilespmem:$0x1A30]  }
0x146: {  	v7 =	vld [tilespmem:$0x1A40]  }
0x147: {  	v8 =	vld [tilespmem:$0x1A50];
	v3 =	vsub.s32 v3, v1  }
0x148: {  	v9 =	vld [tilespmem:$0x1A60];
	v4 =	vsub.s32 v4, v1;
	v3 =	vmin.u32 v3, $0x30D4  }
0x149: {  	[tilespmem:$0x1A80] =	vst v3;
	v3 =	vmin.u32 v4, $0x30D4;
	v4 =	vsub.s32 v5, v1;
	v5 =	vld [tilespmem:$0x1A70]  }
0x14a: {  	[tilespmem:$0x1A90] =	vst v3;
	v3 =	vmin.u32 v4, $0x30D4;
	v4 =	vsub.s32 v6, v1  }
0x14b: {  	[tilespmem:$0x1AA0] =	vst v3;
	v3 =	vmin.u32 v4, $0x30D4;
	v4 =	vsub.s32 v7, v1  }
0x14c: {  	[tilespmem:$0x1AB0] =	vst v3;
	v3 =	vmin.u32 v4, $0x30D4;
	v4 =	vsub.s32 v8, v1  }
0x14d: {  	[tilespmem:$0x1AC0] =	vst v3;
	v3 =	vmin.u32 v4, $0x30D4;
	v4 =	vsub.s32 v9, v1  }
0x14e: {  	[tilespmem:$0x1AD0] =	vst v3;
	v3 =	vmin.u32 v4, $0x30D4;
	v4 =	vsub.s32 v5, v1  }
0x14f: {  	[tilespmem:$0x1AE0] =	vst v3;
	v3 =	vmin.u32 v4, $0x30D4  }
0x150: {  	[tilespmem:$0x1AF0] =	vst v3  }
0x151: {  	_ =	swait.ge [sflag:s24], $0x800  }
0x152: {  	[sflag:s24] =	ssyncset.done $0x0  }
0x153: {  	[sflag:s24] =	ssyncadd.s32 $0xFFFFF800  }
0x154: {  	_ =	swait.ge [sflag:s25], $0x800  }
0x155: {  	[sflag:s25] =	ssyncset.done $0x0  }
0x156: {  	s14 =	simm.s32 $0x0;
	[sflag:s25] =	ssyncadd.s32 $0xFFFFF800  }
0x157: {  	v3 =	vld [tilespmem:s14+$0x180]  }
0x158: {  	s2 =	simm.s32 $0x10;
	v5 =	vld [tilespmem:s14+$0x980]  }
0x159: {  	v4 =	vld [tilespmem:s2+$0x180]  }
0x15a: {  	v6 =	vld [tilespmem:s2+$0x980];
	_ =	sdelay $0x1  }
0x15b: {  	(v2sf) =	vpush v3, $0x7  }
0x15c: {  	(v2sf) =	vpush v5, $0x0  }
0x15d: {  	(v2sf) =	vpush v4, $0x7  }
0x15e: {  	(v2sf) =	vpush v6, $0x0;
	_ =	sdelay $0x4  }
0x15f: {  	s11 =	simm.s32 $0x20  }
0x160: {  	v5 =	vld [tilespmem:s11+$0x180]  }
0x161: {  	v7 =	vld [tilespmem:s11+$0x980];
	_ =	sdelay $0x2  }
0x162: {  	s3 =	simm.s32 $0x30  }
0x163: {  	v6 =	vld [tilespmem:s3+$0x180];
	(v2sf) =	vpush v5, $0x7  }
0x164: {  	(v2sf) =	vpush v7, $0x0;
	v7 =	vld [tilespmem:s3+$0x980];
	s23 =	spop (v2sf)  }
0x165: {  	s26 =	spop (v2sf)  }
0x166: {  	s18 =	spop (v2sf)  }
0x167: {  	s28 =	spop (v2sf)  }
0x168: {  	(v2sf) =	vpush v6, $0x7;
	s1 =	sadd.f32 s28, s18;
	s18 =	simm.s32 $0x40  }
0x169: {  	(v2sf) =	vpush v7, $0x0;
	s0 =	sadd.f32 s26, s23;
	v7 =	vld [tilespmem:s18+$0x180]  }
0x16a: {  	s19 =	simm.s32 $0x50;
	v9 =	vld [tilespmem:s18+$0x980]  }
0x16b: {  	v8 =	vld [tilespmem:s19+$0x180];
	p0 =	sgt.f32 s0, $0.0e+00;
	s22 =	smul.f32 $2.000000030e-01, s0  }
0x16c: {  	v11 =	vld [tilespmem:s19+$0x980]  }
0x16d: {  	s22 =	smov.u32 @p0 s0  }
0x16e: {  	v10 =	vmov s22;
	(v2sf) =	vpush v7, $0x7  }
0x16f: {  	p1 =	sgt.f32 s1, $0.0e+00;
	s23 =	smul.f32 $2.000000030e-01, s1;
	v10 =	vmul.f32 $1.442695020e+00, v10;
	(v2sf) =	vpush v9, $0x0  }
0x170: {  	(v2sf) =	vpush v8, $0x7  }
0x171: {  	s23 =	smov.u32 @p1 s1;
	v10 =	vbroadcast v10, $0x0;
	(v2sf) =	vpush v11, $0x0  }
0x172: {  	s31 =	spop (v2sf);
	v12 =	vmov s23  }
0x173: {  	s26 =	spop (v2sf);
	v12 =	vmul.f32 $1.442695020e+00, v12;
	(erf) = vpow2.f32 v10  }
0x174: {  	s0 =	sadd.f32 s26, s31  }
0x175: {  	s22 =	simm.s32 $0x60;
	v12 =	vbroadcast v12, $0x0  }
0x176: {  	p0 =	sgt.f32 s0, $0.0e+00;
	s1 =	smul.f32 $2.000000030e-01, s0;
	v9 =	vld [tilespmem:s22+$0x180]  }
0x177: {  	s28 =	spop (v2sf);
	v10 =	vld [tilespmem:s22+$0x980];
	(erf) = vpow2.f32 v12  }
0x178: {  	s1 =	smov.u32 @p0 s0;
	s31 =	spop (v2sf)  }
0x179: {  	s26 =	simm.s32 $0x1C0;
	s23 =	sadd.f32 s31, s28;
	v11 =	vmov s1  }
.LBB2_13:
0x17a: {  	s0 =	sshra.s32 s26, $0x2  }
0x17b: {  	(v2sf) =	vpush v9, $0x7;
	v11 =	vmul.f32 $1.442695020e+00, v11;
	v12 =	vmov v9;
	s1 =	smov.u32 s3;
	s3 =	smov.u32 s18;
	p0 =	sne.s32 s26, $0x1FC0  }
.Ltmp5:
0x17c: {  	s18 =	smov.u32 s19;
	v9 =	vld [tilespmem:s0+$0x180];
	(v2sf) =	vpush v10, $0x0;
	p1 =	sgt.f32 s23, $0.0e+00;
	v13 =	vpop (erf);
	(pc) =	sbr.rel @p0 .LBB2_13-.Ltmp5, $4  }
0x17d: {  	s26 =	sadd.s32 $0x40, s26;
	s28 =	smul.f32 $2.000000030e-01, s23;
	v10 =	vld [tilespmem:s0+$0x980];
	v11 =	vbroadcast v11, $0x0;
	v13 =	vmul.f32 v13, v3;
	v3 =	vmovc v4;
	v4 =	vmovc v5;
	v5 =	vmov v6  }
0x17e: {  	s19 =	smov.u32 s22;
	s22 =	smov.u32 s0;
	v6 =	vmov v7;
	v7 =	vmov v8;
	v8 =	vmov v12;
	s31 =	spop (v2sf)  }
0x17f: {  	s28 =	smov.u32 @p1 s23;
	s0 =	spop (v2sf);
	(erf) = vpow2.f32 v11;
	[tilespmem:s14+$0x1180] =	vst v13;
	s14 =	smov.u32 s2  }
0x180: {  	v11 =	vmov s28;
	s2 =	smov.u32 s11;
	s11 =	smov.u32 s1;
	s23 =	sadd.f32 s0, s31  }
0x181: {  	(v2sf) =	vpush v9, $0x7  }
0x182: {  	(v2sf) =	vpush v10, $0x0;
	_ =	sdelay $0x8  }
0x183: {  	s0 =	spop (v2sf);
	p0 =	sgt.f32 s23, $0.0e+00  }
0x184: {  	s1 =	smul.f32 $2.000000030e-01, s23;
	s26 =	spop (v2sf)  }
0x185: {  	s0 =	sadd.f32 s26, s0  }
0x186: {  	s1 =	smov.u32 @p0 s23;
	s23 =	spop (v2sf)  }
0x187: {  	p0 =	sgt.f32 s0, $0.0e+00;
	s26 =	spop (v2sf)  }
0x188: {  	s28 =	smul.f32 $2.000000030e-01, s0;
	s31 =	spop (v2sf)  }
0x189: {  	s23 =	sadd.f32 s26, s23;
	s26 =	spop (v2sf)  }
0x18a: {  	v10 =	vmul.f32 $1.442695020e+00, v11;
	s28 =	smov.u32 @p0 s0;
	s0 =	sadd.f32 s26, s31  }
0x18b: {  	p0 =	sgt.f32 s23, $0.0e+00;
	s26 =	smul.f32 $2.000000030e-01, s23  }
0x18c: {  	v10 =	vbroadcast v10, $0x0;
	v11 =	vmov s1;
	p1 =	sgt.f32 s0, $0.0e+00;
	s1 =	smul.f32 $2.000000030e-01, s0  }
0x18d: {  	v11 =	vmul.f32 $1.442695020e+00, v11;
	v12 =	vmov s28;
	s26 =	smov.u32 @p0 s23  }
0x18e: {  	(erf) = vpow2.f32 v10;
	v10 =	vmul.f32 $1.442695020e+00, v12;
	v62 =	vmov s26;
	s1 =	smov.u32 @p1 s0  }
0x18f: {  	v11 =	vbroadcast v11, $0x0;
	v12 =	vmul.f32 $1.442695020e+00, v62;
	v13 =	vmov s1  }
0x190: {  	v10 =	vbroadcast v10, $0x0;
	v13 =	vmul.f32 $1.442695020e+00, v13  }
0x191: {  	(erf) = vpow2.f32 v11;
	v11 =	vbroadcast v12, $0x0  }
0x192: {  	(erf) = vpow2.f32 v10;
	v10 =	vbroadcast v13, $0x0  }
0x193: {  	(erf) = vpow2.f32 v11  }
0x194: {  	(erf) = vpow2.f32 v10;
	_ =	sdelay $0x2  }
0x195: {  	v10 =	vpop (erf)  }
0x196: {  	v11 =	vpop (erf);
	v3 =	vmul.f32 v10, v3  }
0x197: {  	v10 =	vpop (erf);
	v4 =	vmul.f32 v11, v4  }
0x198: {  	v11 =	vpop (erf);
	[tilespmem:s14+$0x1180] =	vst v3;
	v3 =	vmul.f32 v10, v5  }
0x199: {  	v5 =	vpop (erf);
	[tilespmem:s2+$0x1180] =	vst v4;
	v4 =	vmul.f32 v11, v6  }
0x19a: {  	[tilespmem:s11+$0x1180] =	vst v3;
	v3 =	vmul.f32 v5, v7;
	v5 =	vpop (erf)  }
0x19b: {  	[tilespmem:s3+$0x1180] =	vst v4;
	v4 =	vmul.f32 v5, v8;
	v5 =	vpop (erf)  }
0x19c: {  	[tilespmem:s18+$0x1180] =	vst v3;
	v3 =	vmul.f32 v5, v9  }
0x19d: {  	[tilespmem:s19+$0x1180] =	vst v4  }
0x19e: {  	s14 =	simm.s32 $0x1180;
	s11 =	simm.s32 $0x100;
	[tilespmem:s22+$0x1180] =	vst v3  }
0x19f: {  	[spmem:s6] =	stream.indirect.scatter.add.f32 [tilespmem:s14], [sflag:$0x5], $0x10, s11, s17, $0xb8;
	[tilespmem:$0x6500] =	vst v63  }
0x1a0: {  	_ =	swait.ge [sflag:s16], $0x800  }
0x1a1: {  	[sflag:s16] =	ssyncset.done $0x0  }
0x1a2: {  	[sflag:s16] =	ssyncadd.s32 $0xFFFFF800  }
0x1a3: {  	_ =	swait.ge [sflag:s29], $0x800  }
0x1a4: {  	[sflag:s29] =	ssyncset.done $0x0  }
0x1a5: {  	[sflag:s29] =	ssyncadd.s32 $0xFFFFF800  }
0x1a6: {  	_ =	swait.ge [sflag:s30], $0x800  }
0x1a7: {  	[sflag:s30] =	ssyncset.done $0x0  }
0x1a8: {  	s14 =	simm.s32 $0x0;
	[sflag:s30] =	ssyncadd.s32 $0xFFFFF800  }
0x1a9: {  	v3 =	vld [tilespmem:s14+$0x1B00]  }
0x1aa: {  	s2 =	simm.s32 $0x10;
	v5 =	vld [tilespmem:s14+$0x2300]  }
0x1ab: {  	v4 =	vld [tilespmem:s2+$0x1B00]  }
0x1ac: {  	v6 =	vld [tilespmem:s2+$0x2300];
	_ =	sdelay $0x1  }
0x1ad: {  	(v2sf) =	vpush v3, $0x7  }
0x1ae: {  	(v2sf) =	vpush v5, $0x0  }
0x1af: {  	(v2sf) =	vpush v4, $0x7  }
0x1b0: {  	(v2sf) =	vpush v6, $0x0;
	_ =	sdelay $0x2  }
0x1b1: {  	s11 =	simm.s32 $0x20  }
0x1b2: {  	v5 =	vld [tilespmem:s11+$0x1B00]  }
0x1b3: {  	v7 =	vld [tilespmem:s11+$0x2300];
	_ =	sdelay $0x2  }
0x1b4: {  	s3 =	simm.s32 $0x30  }
0x1b5: {  	v6 =	vld [tilespmem:s3+$0x1B00];
	(v2sf) =	vpush v5, $0x7  }
0x1b6: {  	(v2sf) =	vpush v7, $0x0;
	v7 =	vld [tilespmem:s3+$0x2300];
	_ =	sdelay $0x1  }
0x1b7: {  	s18 =	spop (v2sf)  }
0x1b8: {  	s19 =	spop (v2sf)  }
0x1b9: {  	(v2sf) =	vpush v6, $0x7;
	s22 =	spop (v2sf);
	s0 =	sadd.f32 s19, s18;
	s18 =	simm.s32 $0x40  }
0x1ba: {  	(v2sf) =	vpush v7, $0x0;
	s23 =	spop (v2sf);
	v7 =	vld [tilespmem:s18+$0x1B00]  }
0x1bb: {  	s19 =	simm.s32 $0x50;
	v9 =	vld [tilespmem:s18+$0x2300];
	s1 =	sadd.f32 s23, s22  }
0x1bc: {  	v8 =	vld [tilespmem:s19+$0x1B00];
	p0 =	sgt.f32 s0, $0.0e+00;
	s22 =	smul.f32 $2.000000030e-01, s0  }
0x1bd: {  	v11 =	vld [tilespmem:s19+$0x2300]  }
0x1be: {  	s22 =	smov.u32 @p0 s0  }
0x1bf: {  	v10 =	vmov s22;
	(v2sf) =	vpush v7, $0x7  }
0x1c0: {  	p1 =	sgt.f32 s1, $0.0e+00;
	s23 =	smul.f32 $2.000000030e-01, s1;
	v10 =	vmul.f32 $1.442695020e+00, v10;
	(v2sf) =	vpush v9, $0x0  }
0x1c1: {  	(v2sf) =	vpush v8, $0x7  }
0x1c2: {  	s23 =	smov.u32 @p1 s1;
	v10 =	vbroadcast v10, $0x0;
	(v2sf) =	vpush v11, $0x0  }
0x1c3: {  	s26 =	spop (v2sf);
	v63 =	vmov s23  }
0x1c4: {  	s28 =	spop (v2sf);
	v12 =	vmul.f32 $1.442695020e+00, v63;
	(erf) = vpow2.f32 v10  }
0x1c5: {  	s0 =	sadd.f32 s28, s26  }
0x1c6: {  	s22 =	simm.s32 $0x60;
	v12 =	vbroadcast v12, $0x0  }
0x1c7: {  	v9 =	vld [tilespmem:s22+$0x1B00];
	p0 =	sgt.f32 s0, $0.0e+00;
	s1 =	smul.f32 $2.000000030e-01, s0  }
0x1c8: {  	s23 =	spop (v2sf);
	v10 =	vld [tilespmem:s22+$0x2300];
	(erf) = vpow2.f32 v12  }
0x1c9: {  	s31 =	spop (v2sf);
	s1 =	smov.u32 @p0 s0  }
0x1ca: {  	s26 =	simm.s32 $0x1C0;
	s23 =	sadd.f32 s31, s23;
	v11 =	vmov s1  }
.LBB2_15:
0x1cb: {  	s0 =	sshra.s32 s26, $0x2  }
0x1cc: {  	(v2sf) =	vpush v9, $0x7;
	v11 =	vmul.f32 $1.442695020e+00, v11;
	v12 =	vmov v9;
	s1 =	smov.u32 s3;
	s3 =	smov.u32 s18;
	p0 =	sne.s32 s26, $0x1FC0  }
.Ltmp6:
0x1cd: {  	s18 =	smov.u32 s19;
	v9 =	vld [tilespmem:s0+$0x1B00];
	(v2sf) =	vpush v10, $0x0;
	p1 =	sgt.f32 s23, $0.0e+00;
	v13 =	vpop (erf);
	(pc) =	sbr.rel @p0 .LBB2_15-.Ltmp6, $4  }
0x1ce: {  	s26 =	sadd.s32 $0x40, s26;
	s28 =	smul.f32 $2.000000030e-01, s23;
	v10 =	vld [tilespmem:s0+$0x2300];
	v11 =	vbroadcast v11, $0x0;
	v13 =	vmul.f32 v13, v3;
	v3 =	vmovc v4;
	v4 =	vmovc v5;
	v5 =	vmov v6  }
0x1cf: {  	s19 =	smov.u32 s22;
	s22 =	smov.u32 s0;
	v6 =	vmov v7;
	v7 =	vmov v8;
	v8 =	vmov v12;
	s31 =	spop (v2sf)  }
0x1d0: {  	s28 =	smov.u32 @p1 s23;
	s0 =	spop (v2sf);
	(erf) = vpow2.f32 v11;
	[tilespmem:s14+$0x2B00] =	vst v13;
	s14 =	smov.u32 s2  }
0x1d1: {  	v11 =	vmov s28;
	s2 =	smov.u32 s11;
	s11 =	smov.u32 s1;
	s23 =	sadd.f32 s0, s31  }
0x1d2: {  	(v2sf) =	vpush v9, $0x7  }
0x1d3: {  	(v2sf) =	vpush v10, $0x0;
	_ =	sdelay $0x8  }
0x1d4: {  	s0 =	spop (v2sf);
	p0 =	sgt.f32 s23, $0.0e+00  }
0x1d5: {  	s1 =	smul.f32 $2.000000030e-01, s23;
	s26 =	spop (v2sf)  }
0x1d6: {  	s0 =	sadd.f32 s26, s0  }
0x1d7: {  	s1 =	smov.u32 @p0 s23;
	s23 =	spop (v2sf)  }
0x1d8: {  	p0 =	sgt.f32 s0, $0.0e+00;
	s26 =	spop (v2sf)  }
0x1d9: {  	s28 =	smul.f32 $2.000000030e-01, s0;
	s31 =	spop (v2sf)  }
0x1da: {  	s23 =	sadd.f32 s26, s23;
	s26 =	spop (v2sf)  }
0x1db: {  	v49 =	vmul.f32 $1.442695020e+00, v11;
	s28 =	smov.u32 @p0 s0;
	s0 =	sadd.f32 s26, s31  }
0x1dc: {  	p0 =	sgt.f32 s23, $0.0e+00;
	s26 =	smul.f32 $2.000000030e-01, s23  }
0x1dd: {  	v10 =	vbroadcast v49, $0x0;
	v50 =	vmov s1;
	p1 =	sgt.f32 s0, $0.0e+00;
	s1 =	smul.f32 $2.000000030e-01, s0  }
0x1de: {  	v11 =	vmul.f32 $1.442695020e+00, v50;
	v12 =	vmov s28;
	s26 =	smov.u32 @p0 s23  }
0x1df: {  	(erf) = vpow2.f32 v10;
	v51 =	vmul.f32 $1.442695020e+00, v12;
	v52 =	vmov s26;
	s1 =	smov.u32 @p1 s0  }
0x1e0: {  	v11 =	vbroadcast v11, $0x0;
	v12 =	vmul.f32 $1.442695020e+00, v52;
	v13 =	vmov s1  }
0x1e1: {  	v10 =	vbroadcast v51, $0x0;
	v13 =	vmul.f32 $1.442695020e+00, v13  }
0x1e2: {  	(erf) = vpow2.f32 v11;
	v53 =	vbroadcast v12, $0x0  }
0x1e3: {  	(erf) = vpow2.f32 v10;
	v54 =	vbroadcast v13, $0x0  }
0x1e4: {  	(erf) = vpow2.f32 v53  }
0x1e5: {  	(erf) = vpow2.f32 v54;
	_ =	sdelay $0x2  }
0x1e6: {  	v55 =	vpop (erf)  }
0x1e7: {  	v3 =	vmul.f32 v55, v3;
	v56 =	vpop (erf)  }
0x1e8: {  	v4 =	vmul.f32 v56, v4;
	v57 =	vpop (erf)  }
0x1e9: {  	[tilespmem:s14+$0x2B00] =	vst v3;
	v3 =	vmul.f32 v57, v5;
	v58 =	vpop (erf)  }
0x1ea: {  	[tilespmem:s2+$0x2B00] =	vst v4;
	v60 =	vmul.f32 v58, v6;
	v59 =	vpop (erf)  }
0x1eb: {  	[tilespmem:s11+$0x2B00] =	vst v3;
	v3 =	vmul.f32 v59, v7;
	v61 =	vpop (erf)  }
0x1ec: {  	[tilespmem:s3+$0x2B00] =	vst v60;
	v62 =	vmul.f32 v61, v8;
	v63 =	vpop (erf)  }
0x1ed: {  	s13 =	sadd.s32 $0x1, s13;
	[tilespmem:s18+$0x2B00] =	vst v3;
	v3 =	vmul.f32 v63, v9  }
0x1ee: {  	p0 =	sne.s32 s13, $0xD0;
	[tilespmem:s19+$0x2B00] =	vst v62  }
.Ltmp7:
0x1ef: {  	s28 =	simm.s32 $0x1A80;
	s31 =	simm.s32 $0x2B00;
	[tilespmem:s22+$0x2B00] =	vst v3;
	(pc) =	sbr.rel @p0 .LBB2_12-.Ltmp7, $4  }
0x1f0: {  	[spmem:s6] =	stream.indirect.scatter.add.f32 [tilespmem:s31], [sflag:$0x5], $0x10, s28, s17, $0xb8;
	[tilespmem:$0x6500] =	vst v63  }
0x1f1: {  	_ =	swait.ge [sflag:s16], $0x800  }
0x1f2: {  	[sflag:s16] =	ssyncset.done $0x0  }
0x1f3: {  	[sflag:s16] =	ssyncadd.s32 $0xFFFFF800  }
0x1f4: {  	[bflag:$0x0] =	sbarrier.arrive $0xFFFF  }
0x1f5: {  	s0 =	rddreg [dreg:$0x7]  }
0x1f6: {  	s1 =	rddreg [dreg:$0x9]  }
0x1f7: {  	s2 =	rddreg [dreg:$0xa]  }
0x1f8: {  	[hbm:s0], [sflag:s1] =	dma.local [spmem:s2], $0x620  }
0x1f9: {  	_ =	swait.ge [sflag:s16], $0x620  }
0x1fa: {  	s18 =	rddreg [dreg:$0x3]  }
0x1fb: {  	s31 =	rddreg [dreg:$0x8];
	s18 =	sadd.s32 $0x1, s18  }
0x1fc: {  	p0 =	sne.s32 s18, s31  }
.Ltmp8:
0x1fd: {  	_ = 	snop;
	(pc) =	sbr.rel @p0 .LBB2_1-.Ltmp8, $3  }
0x1fe: {  	_ =	sdelay $0x1  }
0x1ff: {  	[sflag:s16] =	ssyncset.done $0x0  }
0x200: {  	[sflag:s16] =	ssyncadd.s32 $0xFFFFF9E0  }
0x201: {  	_ =	sfence.sel $0x180000  }
0x202: {  	[bflag:$0x0] =	sbarrier.arrive $0xFFFF  }
0x203: {  	_ =	strace $0x9000004A  }
0x204: {  	s0 =	stileid.u32;
	[bflag:$0x2] =	sbarrier.arrive $0xFFFF  }
0x205: {  	p0 =	sne.s32 s0, $0x0;
	s0 =	rddreg [dreg:$0x2]  }
0x206: {  	s0 =	sadd.s32 @!p0 $0x100000, s0  }
0x207: {  	[sflag:s0] =	ssyncadd.tile.s32 @!p0 $0x1;
	_ =	shalt  }
.Lfunc_end2:
_tile_overlayer_lowered:
.L_overlay_start_2:
0x208: {  	(tag) =	ssettag $0x2  }
0x209: {  	s0 =	rddreg [dreg:$0x0];
	s2 =	stileid.u32  }
0x20a: {  	s1 =	rddreg [dreg:$0x1];
	p0 =	sne.s32 s2, $0x0  }
0x20b: {  	s3 =	rddreg [dreg:$0x2];
	[bflag:$0x3] =	sbarrier.arrive $0xFFFF;
	s2 =	simm.s32 @!p0 $0x1C05  }
0x20c: {  	[timem:s3], [sflag:s2] =	dma.local @!p0 [hbm:s0], s1  }
0x20d: {  	s0 =	simm.s32 @!p0 $0x5  }
0x20e: {  	_ =	swait.ge @!p0 [sflag:s0], s1  }
0x20f: {  	s1 =	ssub.s32 @!p0 $0x0, s1;
	[sflag:s0] =	ssyncset.done @!p0 $0x0  }
0x210: {  	[sflag:s0] =	ssyncadd.s32 @!p0 s1  }
0x211: {  	[bflag:$0x3] =	sbarrier.arrive $0xFFFF  }
0x212: {  	_ =	shalt  }

// kernel: kernel.7.cloned.1.call-start
scs
__scs_entry_jumppad:
0x0: {  	(pc) =	sbr.rel $0x88, $3  }
0x1: {  	(tag) =	ssettag $0x0;
	lr =	simm.s32 $0x1  }
0x2: {  	[smem:$0x3F97] =	sst lr;
	_ =	strace $0xD0000000  }
0x3: {  	_ = 	snop  }
0x4: {  	_ = 	snop  }
0x5: {  	_ = 	snop  }
0x6: {  	_ = 	snop  }
0x7: {  	_ = 	snop  }
__scs_overlays_trampoline_lowered:
0x8: {  	[smem:$0x3FA6] =	sst s0  }
0x9: {  	[smem:$0x3FA7] =	sst s1  }
0xa: {  	[smem:$0x3FA8] =	sst s2  }
0xb: {  	[smem:$0x3FA9] =	sst s3  }
0xc: {  	[smem:$0x3FAA] =	sst s4  }
0xd: {  	[smem:$0x3FAB] =	sst s5  }
0xe: {  	[smem:$0x3FAC] =	sst s6  }
0xf: {  	[smem:$0x3FAD] =	sst s7  }
0x10: {  	[smem:$0x3FAE] =	sst s8  }
0x11: {  	[smem:$0x3FAF] =	sst s9;
	s0 =	simm.s32 @!p0 $0x0  }
0x12: {  	s1 =	sld [smem:$0x3F95];
	s0 =	simm.s32 @p0 $0x1  }
0x13: {  	[smem:$0x3FB0] =	sst s0;
	s0 =	simm.s32 @!p1 $0x0  }
0x14: {  	s2 =	sld [smem:$0x3F94];
	s0 =	simm.s32 @p1 $0x1  }
0x15: {  	[smem:$0x3FB1] =	sst s0;
	s0 =	simm.s32 @!p2 $0x0  }
0x16: {  	s3 =	sld [smem:$0x3FDB];
	s0 =	simm.s32 @p2 $0x1  }
0x17: {  	s4 =	simm.s32 $0x1BF5;
	[smem:$0x3FB3] =	sst s0  }
0x18: {  	s0 =	sld [smem:$0x3F96];
	_ =	swait.ge [sflag:s4], $0x0  }
0x19: {  	s7 =	sld [smem:$0x3F97]  }
0x1a: {  	s8 =	sadd.s32 $0xFFFFE003, lr  }
0x1b: {  	s9 =	sadd.s32 $0xFFFFFEF7, lr;
	s5 =	simm.s32 $0xFFFFFFFF;
	p2 =	slt.u32 s8, $0xFFFFF086  }
0x1c: {  	p1 =	slt.u32 s9, $0xF7A;
	s5 =	simm.s32 @!p2 $0x0  }
0x1d: {  	s5 =	simm.s32 @p1 $0x1;
	p0 =	seq.s32 s7, s2  }
0x1e: {  	s7 =	smul.u32 @!p0 $0xF7A, s2;
	p2 =	seq.s32 @!p0 s5, $0x0  }
0x1f: {  	s9 =	smul.u32 $0xF7A, s1;
	s8 =	simm.s32 @!p0 $0x1BF5;
	p2 =	por !p2, p0  }
0x20: {  	[sflag:s8] =	ssyncset.s32 @!p0 $0xFFFFF086;
	s6 =	sadd.s32 @!p0 s3, s7;
	s7 =	simm.s32 @!p0 $0x108  }
0x21: {  	s3 =	sadd.s32 s3, s9;
	s6 =	sadd.s32 @!p0 $0x88, s6;
	s7 =	simm.s32 @p2 $0x1082  }
0x22: {  	[simem:s7], [sflag:s8] =	dma.local @!p0 [hbm:s6], $0xF7A  }
0x23: {  	s9 =	sor.u32 $0xD0000000, s2;
	s6 =	simm.s32 $0x108;
	_ =	swait.ge @!p0 [sflag:s8], $0x0  }
0x24: {  	s3 =	sadd.s32 $0x88, s3;
	s6 =	simm.s32 @!p1 $0x1082;
	[sflag:s4] =	ssyncset.s32 $0xFFFFF086  }
0x25: {  	[simem:s6], [sflag:s4] =	dma.local [hbm:s3], $0xF7A  }
0x26: {  	[smem:$0x3F97] =	sst s1;
	(tag) =	ssettag s2;
	_ =	strace s9  }
0x27: {  	s1 =	sld [smem:$0x3FA7]  }
0x28: {  	s2 =	sld [smem:$0x3FA8]  }
0x29: {  	s4 =	sld [smem:$0x3FAA]  }
0x2a: {  	p0 =	seq.s32 s5, $0x0;
	s5 =	sld [smem:$0x3FAB]  }
0x2b: {  	s6 =	sld [smem:$0x3FAC]  }
0x2c: {  	s7 =	sld [smem:$0x3FAD]  }
0x2d: {  	s3 =	simm.s32 $0x108;
	s8 =	sld [smem:$0x3FAE]  }
0x2e: {  	s3 =	simm.s32 @!p0 $0x1082;
	s9 =	sld [smem:$0x3FAF]  }
0x2f: {  	lr =	sadd.s32 s0, s3;
	s0 =	sld [smem:$0x3FA6]  }
0x30: {  	s3 =	sld [smem:$0x3FA9]  }
0x31: {  	[smem:$0x3FB2] =	sst s10  }
0x32: {  	s10 =	sld [smem:$0x3FB0];
	_ =	sdelay $0x3  }
0x33: {  	p0 =	seq.s32 s10, $0x1;
	s10 =	sld [smem:$0x3FB2];
	_ =	sdelay $0x3  }
0x34: {  	[smem:$0x3FB2] =	sst s10  }
0x35: {  	s10 =	sld [smem:$0x3FB1];
	_ =	sdelay $0x3  }
0x36: {  	p1 =	seq.s32 s10, $0x1;
	s10 =	sld [smem:$0x3FB2];
	_ =	sdelay $0x3  }
0x37: {  	[smem:$0x3FB2] =	sst s10  }
0x38: {  	s10 =	sld [smem:$0x3FB3]  }
0x39: {  	_ = 	snop;
	(pc) =	sbr.ind lr, $3  }
0x3a: {  	_ = 	snop  }
0x3b: {  	_ = 	snop  }
0x3c: {  	p2 =	seq.s32 s10, $0x1;
	s10 =	sld [smem:$0x3FB2]  }
0x3d: {  	_ =	shalt  }
0x3e: {  	_ =	shalt  }
0x3f: {  	_ =	shalt  }
0x40: {  	_ =	shalt  }
0x41: {  	_ =	shalt  }
0x42: {  	_ =	shalt  }
0x43: {  	_ =	shalt  }
0x44: {  	_ =	shalt  }
0x45: {  	_ =	shalt  }
0x46: {  	_ =	shalt  }
0x47: {  	_ =	shalt  }
0x48: {  	_ =	shalt  }
0x49: {  	_ =	shalt  }
0x4a: {  	_ =	shalt  }
0x4b: {  	_ =	shalt  }
0x4c: {  	_ =	shalt  }
0x4d: {  	_ =	shalt  }
0x4e: {  	_ =	shalt  }
0x4f: {  	_ =	shalt  }
0x50: {  	_ =	shalt  }
0x51: {  	_ =	shalt  }
0x52: {  	_ =	shalt  }
0x53: {  	_ =	shalt  }
0x54: {  	_ =	shalt  }
0x55: {  	_ =	shalt  }
0x56: {  	_ =	shalt  }
0x57: {  	_ =	shalt  }
0x58: {  	_ =	shalt  }
0x59: {  	_ =	shalt  }
0x5a: {  	_ =	shalt  }
0x5b: {  	_ =	shalt  }
0x5c: {  	_ =	shalt  }
0x5d: {  	_ =	shalt  }
0x5e: {  	_ =	shalt  }
0x5f: {  	_ =	shalt  }
0x60: {  	_ =	shalt  }
0x61: {  	_ =	shalt  }
0x62: {  	_ =	shalt  }
0x63: {  	_ =	shalt  }
0x64: {  	_ =	shalt  }
0x65: {  	_ =	shalt  }
0x66: {  	_ =	shalt  }
0x67: {  	_ =	shalt  }
0x68: {  	_ =	shalt  }
0x69: {  	_ =	shalt  }
0x6a: {  	_ =	shalt  }
0x6b: {  	_ =	shalt  }
0x6c: {  	_ =	shalt  }
0x6d: {  	_ =	shalt  }
0x6e: {  	_ =	shalt  }
0x6f: {  	_ =	shalt  }
0x70: {  	_ =	shalt  }
0x71: {  	_ =	shalt  }
0x72: {  	_ =	shalt  }
0x73: {  	_ =	shalt  }
0x74: {  	_ =	shalt  }
0x75: {  	_ =	shalt  }
0x76: {  	_ =	shalt  }
0x77: {  	_ =	shalt  }
0x78: {  	_ =	shalt  }
0x79: {  	_ =	shalt  }
0x7a: {  	_ =	shalt  }
0x7b: {  	_ =	shalt  }
0x7c: {  	_ =	shalt  }
0x7d: {  	_ =	shalt  }
0x7e: {  	_ =	shalt  }
0x7f: {  	_ =	shalt  }
0x80: {  	_ =	shalt  }
0x81: {  	_ =	shalt  }
0x82: {  	_ =	shalt  }
0x83: {  	_ =	shalt  }
0x84: {  	_ =	shalt  }
0x85: {  	_ =	shalt  }
0x86: {  	_ =	shalt  }
0x87: {  	_ =	shalt  }
.Lfunc_end0:
.L_simem_size_0:
called_computation_lowered:
.L_overlay_start_0:
0x88: {  	s2 =	sld [smem:$0x3FD9]  }
0x89: {  	s3 =	sld [smem:$0x3FFE];
	_ =	sdelay $0x1  }
0x8a: {  	s1 =	srdreg.scid  }
0x8b: {  	s0 =	sand.u32 $0x1, s1  }
0x8c: {  	s16 =	sshll.u32 s0, $0xA;
	s2 =	sadd.s32 s3, s2  }
0x8d: {  	s2 =	sadd.s32 s2, s16  }
0x8e: {  	[smem:$0x3FBE] =	sst s2  }
0x8f: {  	_ = 	snop  }
0x90: {  	(tm) =	ssettm $0x1  }
0x91: {  	s17 =	sld [smem:$0x3FFB];
	_ =	sdelay $0x3  }
0x92: {  	_ =	strace s17  }
0x93: {  	s2 =	sld [smem:$0x3FFC];
	_ =	sdelay $0x3  }
0x94: {  	_ =	strace s2  }
0x95: {  	s2 =	sld [smem:$0x3FFD];
	_ =	sdelay $0x3  }
0x96: {  	_ =	strace s2  }
0x97: {  	_ =	strace $0x8FFFFFFF  }
0x98: {  	s18 =	sld [smem:$0x3FDB];
	_ =	sdelay $0x1  }
0x99: {  	s19 =	simm.s32 $_scs_section_size  }
0x9a: {  	s4 =	simm.s32 $_size__tile_overlayer_lowered;
	s5 =	simm.s32 $_tile_overlayer_lowered  }
0x9b: {  	s22 =	simm.s32 $0x1BFF;
	s21 =	sshll.u32 s5, $0x1;
	s2 =	sadd.s32 s19, s18  }
0x9c: {  	s6 =	simm.s32 $0x0;
	s20 =	sshll.u32 s4, $0x1;
	s4 =	sadd.s32 s21, s2  }
0x9d: {  	[timem:s6], [sflag:s22] =	dma.local [hbm:s4], s20  }
0x9e: {  	_ =	swait.ge [sflag:s22], s20  }
0x9f: {  	s3 =	ssub.s32 $0x0, s20;
	[sflag:s22] =	ssyncset.done $0x0  }
0xa0: {  	[sflag:s22] =	ssyncadd.s32 s3;
	_ =	sdelay $0x1  }
0xa1: {  	s23 =	simm.s32 $0x1B8B  }
0xa2: {  	_ =	swait.ge [sflag:s23], $0x1  }
0xa3: {  	[sflag:s23] =	ssyncset.done $0x0  }
0xa4: {  	s25 =	simm.s32 $0x1B8E;
	s24 =	sld [smem:$0x3FFE];
	[sflag:s23] =	ssyncadd.s32 $0xFFFFFFFF  }
0xa5: {  	s26 =	simm.s32 $execute0_lowered;
	[smem:$0x3FD2] =	sst s25  }
0xa6: {  	s4 =	sshll.u32 s26, $0x1;
	_ =	strace $0x80000046;
	[dreg:$0x1] =	wrdreg $0xFFFFFFFF  }
0xa7: {  	s28 =	simm.s32 $_size_execute0_lowered;
	s2 =	sadd.s32 s2, s4;
	[dreg:$0x0] =	wrdreg $0x0  }
0xa8: {  	s4 =	sshll.u32 s28, $0x1;
	[dreg:$0x2] =	wrdreg s2  }
0xa9: {  	[dreg:$0x3] =	wrdreg s4  }
0xaa: {  	[dreg:$0x4] =	wrdreg $0xC0  }
0xab: {  	_ =	task [dreg:s6], $0x5FFFF  }
0xac: {  	[dreg:$0x1] =	wrdreg $0xFFFFFFFF  }
0xad: {  	[dreg:$0x0] =	wrdreg $0x60  }
0xae: {  	[dreg:$0x2] =	wrdreg s24  }
0xaf: {  	[dreg:$0x3] =	wrdreg $0xB8000  }
0xb0: {  	[dreg:$0x4] =	wrdreg $0x9  }
0xb1: {  	_ =	task.clear_ibuf [dreg:s6], $0x5FFFF;
	_ =	strace $0x90000046  }
0xb2: {  	s29 =	simm.s32 $0x9;
	_ =	strace $0x80000048  }
0xb3: {  	_ =	swait.ge [sflag:s29], $0x1  }
0xb4: {  	[sflag:s29] =	ssyncadd.s32 $0xFFFFFFFF  }
0xb5: {  	_ =	strace $0x90000048  }
0xb6: {  	_ =	sfence  }
0xb7: {  	s30 =	sld [smem:$0x0];
	_ =	sdelay $0x2  }
0xb8: {  	s31 =	sshll.u32 s1, $0xD;
	s1 =	sshrl.u32 s1, $0x2  }
0xb9: {  	s3 =	sand.u32 $0x4000, s31;
	s1 =	sadd.s32 s1, s30  }
0xba: {  	s0 =	sor.u32 s3, s0;
	s1 =	sshll.u32 s1, $0x11  }
0xbb: {  	s0 =	sor.u32 s1, s0  }
0xbc: {  	s0 =	sadd.s32 $0x8F2B, s0  }
0xbd: {  	[sflag:s0] =	ssyncadd.remote.s32 $0x1  }
0xbe: {  	_ =	sfence.sel $0xFFFF  }
0xbf: {  	[dreg:$0x0] =	wrdreg $0xFFFFFFFF;
	(pc) =	sbr.abs _section_cstart, $3  }
0xc0: {  	[dreg:$0x1] =	wrdreg $0xFFFFFFFF  }
0xc1: {  	_ =	task.clear_ibuf [dreg:s6], $0x2FFFF;
	_ =	strace $0x9FFFFFFF  }
0xc2: {  	(tm) =	ssettm $0x7FFFFFFF  }
0xc3: {  	_ =	shalt  }
tec
execute0_lowered:
.L_overlay_start_1:
0x0: {  	(tag) =	ssettag $0x1  }
0x1: {  	s0 =	rddreg [dreg:$0x0]  }
0x2: {  	s1 =	rddreg [dreg:$0x1];
	s2 =	simm.s32 $0x0;
	s3 =	srdreg.scid  }
0x3: {  	s15 =	stileid.u32;
	s16 =	simm.s32 $0x5;
	s17 =	simm.s32 $0x80  }
0x4: {  	s18 =	simm.s32 $0x180;
	s19 =	simm.s32 $0x5980;
	s20 =	simm.s32 $0x5A00  }
0x5: {  	s21 =	simm.s32 $0x5B00;
	s22 =	simm.s32 $0x8300;
	s23 =	simm.s32 $0x1  }
0x6: {  	s24 =	simm.s32 $0x2;
	s28 =	simm.s32 $0x3;
	s29 =	simm.s32 $0x4  }
0x7: {  	s30 =	simm.s32 $0x5A80;
	s31 =	simm.s32 $0x8B00;
	s7 =	smul.u32 $0xD000, s15  }
0x8: {  	[smem:$0x7FF] =	sst s2;
	s4 =	sadd.s32 $0x1A200, s0;
	s10 =	smul.u32 $0xF500, s15  }
0x9: {  	s5 =	sadd.s32 $0x1A00, s0;
	s3 =	sand.u32 $0x1, s3;
	s15 =	smul.u32 $0x3D400, s15  }
0xa: {  	s6 =	sadd.s32 $0xAE400, s0;
	s8 =	sadd.s32 $0x94400, s0;
	s12 =	smul.u32 $0x1EA000, s3  }
0xb: {  	s9 =	ssub.s32 $0x2, s3;
	s13 =	sshllo.u32 s3, $0x1;
	s3 =	smul.u32 $0x61A8, s3  }
0xc: {  	s0 =	sadd.s32 $0xC8400, s0;
	_ =	strace $0x80000047;
	s14 =	smul.u32 $0xF5000, s13  }
0xd: {  	s11 =	sshrl.u32 s9, $0x1;
	s13 =	smul.u32 $0x30D4, s13;
	s25 =	sshrl.u32 s15, $0x2  }
0xe: {  	s15 =	simm.s32 $0xB300;
	s11 =	ssub.s32 s9, s11;
	s12 =	sadd.s32 s10, s12  }
0xf: {  	s12 =	sshrl.u32 s12, $0x3;
	s14 =	sadd.s32 s10, s14;
	s10 =	sadd.s32 s10, s1  }
0x10: {  	s9 =	sor.u32 $0x80, s7;
	s12 =	sadd.s32 s0, s12;
	[dreg:$0x4] =	wrdreg s10  }
0x11: {  	s26 =	smax.u32 s11, $0x1;
	[dreg:$0x3] =	wrdreg s12;
	s12 =	sshrl.u32 s14, $0x3  }
0x12: {  	v2 =	vimm.f32 $0.0e+00;
	[dreg:$0x6] =	wrdreg s26;
	s26 =	simm.s32 $0x3180;
	s0 =	sadd.s32 s0, s12  }
0x13: {  	vm0 =	vmmov $0xf;
	v0 =	vmov s3;
	v1 =	vmov s13;
	s14 =	sadd.s32 s25, s1;
	s25 =	simm.s32 $0x100;
	[dreg:$0x5] =	wrdreg s0  }
.LBB2_1:
0x14: {  	[tilespmem:$0xB300] =	vst v2  }
0x15: {  	[tilespmem:$0xB310] =	vst v2  }
0x16: {  	[tilespmem:$0xB320] =	vst v2  }
0x17: {  	[tilespmem:$0xB330] =	vst v2  }
0x18: {  	[tilespmem:$0xB340] =	vst v2  }
0x19: {  	[tilespmem:$0xB350] =	vst v2  }
0x1a: {  	[tilespmem:$0xB360] =	vst v2  }
0x1b: {  	[tilespmem:$0xB370] =	vst v2  }
0x1c: {  	[tilespmem:$0xB380] =	vst v2  }
0x1d: {  	[tilespmem:$0xB390] =	vst v2  }
0x1e: {  	[tilespmem:$0xB3A0] =	vst v2  }
0x1f: {  	[tilespmem:$0xB3B0] =	vst v2  }
0x20: {  	[tilespmem:$0xB3C0] =	vst v2  }
0x21: {  	[tilespmem:$0xB3D0] =	vst v2  }
0x22: {  	[tilespmem:$0xB3E0] =	vst v2  }
0x23: {  	[tilespmem:$0xB3F0] =	vst v2  }
0x24: {  	[tilespmem:$0xB400] =	vst v2  }
0x25: {  	[tilespmem:$0xB410] =	vst v2  }
0x26: {  	[tilespmem:$0xB420] =	vst v2  }
0x27: {  	[tilespmem:$0xB430] =	vst v2  }
0x28: {  	[tilespmem:$0xB440] =	vst v2  }
0x29: {  	[tilespmem:$0xB450] =	vst v2  }
0x2a: {  	[tilespmem:$0xB460] =	vst v2  }
0x2b: {  	[tilespmem:$0xB470] =	vst v2  }
0x2c: {  	[tilespmem:$0xB480] =	vst v2  }
0x2d: {  	[tilespmem:$0xB490] =	vst v2  }
0x2e: {  	[tilespmem:$0xB4A0] =	vst v2  }
0x2f: {  	[tilespmem:$0xB4B0] =	vst v2  }
0x30: {  	[tilespmem:$0xB4C0] =	vst v2  }
0x31: {  	[tilespmem:$0xB4D0] =	vst v2  }
0x32: {  	[tilespmem:$0xB4E0] =	vst v2  }
0x33: {  	[tilespmem:$0xB4F0] =	vst v2  }
0x34: {  	[tilespmem:$0xB500] =	vst v2  }
0x35: {  	[tilespmem:$0xB510] =	vst v2  }
0x36: {  	[tilespmem:$0xB520] =	vst v2  }
0x37: {  	[tilespmem:$0xB530] =	vst v2  }
0x38: {  	[tilespmem:$0xB540] =	vst v2  }
0x39: {  	[tilespmem:$0xB550] =	vst v2  }
0x3a: {  	[tilespmem:$0xB560] =	vst v2  }
0x3b: {  	[tilespmem:$0xB570] =	vst v2  }
0x3c: {  	[tilespmem:$0xB580] =	vst v2  }
0x3d: {  	[tilespmem:$0xB590] =	vst v2  }
0x3e: {  	[tilespmem:$0xB5A0] =	vst v2  }
0x3f: {  	[tilespmem:$0xB5B0] =	vst v2  }
0x40: {  	[tilespmem:$0xB5C0] =	vst v2  }
0x41: {  	[tilespmem:$0xB5D0] =	vst v2  }
0x42: {  	[tilespmem:$0xB5E0] =	vst v2  }
0x43: {  	[tilespmem:$0xB5F0] =	vst v2  }
0x44: {  	[tilespmem:$0xB600] =	vst v2  }
0x45: {  	[tilespmem:$0xB610] =	vst v2  }
0x46: {  	[tilespmem:$0xB620] =	vst v2  }
0x47: {  	[tilespmem:$0xB630] =	vst v2  }
0x48: {  	[tilespmem:$0xB640] =	vst v2  }
0x49: {  	[tilespmem:$0xB650] =	vst v2  }
0x4a: {  	[tilespmem:$0xB660] =	vst v2  }
0x4b: {  	[tilespmem:$0xB670] =	vst v2  }
0x4c: {  	[tilespmem:$0xB680] =	vst v2  }
0x4d: {  	[tilespmem:$0xB690] =	vst v2  }
0x4e: {  	[tilespmem:$0xB6A0] =	vst v2  }
0x4f: {  	[tilespmem:$0xB6B0] =	vst v2  }
0x50: {  	[tilespmem:$0xB6C0] =	vst v2  }
0x51: {  	[tilespmem:$0xB6D0] =	vst v2  }
0x52: {  	[tilespmem:$0xB6E0] =	vst v2  }
0x53: {  	[tilespmem:$0xB6F0] =	vst v2  }
0x54: {  	[tilespmem:$0xB700] =	vst v2  }
0x55: {  	[tilespmem:$0xB710] =	vst v2  }
0x56: {  	[tilespmem:$0xB720] =	vst v2  }
0x57: {  	[tilespmem:$0xB730] =	vst v2  }
0x58: {  	[tilespmem:$0xB740] =	vst v2  }
0x59: {  	[tilespmem:$0xB750] =	vst v2  }
0x5a: {  	[tilespmem:$0xB760] =	vst v2  }
0x5b: {  	[tilespmem:$0xB770] =	vst v2  }
0x5c: {  	[tilespmem:$0xB780] =	vst v2  }
0x5d: {  	[tilespmem:$0xB790] =	vst v2  }
0x5e: {  	[tilespmem:$0xB7A0] =	vst v2  }
0x5f: {  	[tilespmem:$0xB7B0] =	vst v2  }
0x60: {  	[tilespmem:$0xB7C0] =	vst v2  }
0x61: {  	[tilespmem:$0xB7D0] =	vst v2  }
0x62: {  	[tilespmem:$0xB7E0] =	vst v2  }
0x63: {  	[tilespmem:$0xB7F0] =	vst v2;
	s0 =	sadd.s32 $0x0, s14  }
0x64: {  	[spmem:s0] =	stream.linear.scatter [tilespmem:s15], [sflag:$0x5], $0x500, $0x38;
	[tilespmem:$0x1AD00] =	vst v63  }
0x65: {  	s0 =	simm.s32 $0x1400;
	_ =	swait.ge [sflag:s16], $0x500  }
.LBB2_2:
0x66: {  	s3 =	sshra.s32 s0, $0x2;
	[sflag:s16] =	ssyncset.done $0x0;
	p0 =	sne.s32 s0, $0x3C000  }
.Ltmp0:
0x67: {  	s3 =	sadd.s32 s3, s14;
	[sflag:s16] =	ssyncadd.s32 $0xFFFFFB00;
	(pc) =	sbr.rel @p0 .LBB2_2-.Ltmp0, $3  }
0x68: {  	[spmem:s3] =	stream.linear.scatter [tilespmem:s15], [sflag:$0x5], $0x500, $0x38;
	[tilespmem:$0x1AD00] =	vst v63  }
0x69: {  	s0 =	sadd.s32 $0x1400, s0;
	_ =	sdelay $0x1  }
0x6a: {  	_ =	swait.ge [sflag:s16], $0x500  }
0x6b: {  	[sflag:s16] =	ssyncset.done $0x0  }
0x6c: {  	[sflag:s16] =	ssyncadd.s32 $0xFFFFFB00  }
0x6d: {  	s0 =	simm.s32 $0x0;
	s3 =	simm.s32 $0x0;
	[bflag:$0x0] =	sbarrier.arrive $0xFFFF  }
.LBB2_4:
0x6e: {  	s11 =	sshll.u32 s3, $0x8  }
0x6f: {  	s10 =	sadd.s32 s7, s11  }
0x70: {  	s10 =	sshrl.u32 s10, $0x3  }
0x71: {  	s12 =	sadd.s32 s6, s10  }
0x72: {  	[tilespmem:s0], [sflag:$0x5] =	stream.linear.gather [hbm4b:s12+s0], $0x80, $0x38;
	[tilespmem:$0x1AD00] =	vst v63  }
0x73: {  	_ =	swait.ge [sflag:s16], $0x80  }
0x74: {  	[sflag:s16] =	ssyncset.done $0x0  }
0x75: {  	s10 =	sadd.s32 s8, s10;
	[sflag:s16] =	ssyncadd.s32 $0xFFFFFF80  }
0x76: {  	[tilespmem:s17], [sflag:$0x5] =	stream.linear.gather [hbm4b:s10+s0], $0x80, $0x38;
	[tilespmem:$0x1AD00] =	vst v63  }
0x77: {  	_ =	swait.ge [sflag:s16], $0x80  }
0x78: {  	[sflag:s16] =	ssyncset.done $0x0  }
0x79: {  	[sflag:s16] =	ssyncadd.s32 $0xFFFFFF80  }
0x7a: {  	[tilespmem:s18], [sflag:$0x1] =	stream.indirect.gather [hbm4b:s4+s17], $0x50, s0, s17, $0xb8;
	[tilespmem:$0x1AD00] =	vst v63  }
0x7b: {  	s10 =	simm.s32 $0x2980  }
0x7c: {  	[tilespmem:s10], [sflag:$0x2] =	stream.indirect.gather [hbm4b:s5+s17], $0x10, s17, s17, $0xb8;
	[tilespmem:$0x1AD00] =	vst v63  }
0x7d: {  	v3 =	vld [tilespmem:$0x80]  }
0x7e: {  	v4 =	vld [tilespmem:$0x90]  }
0x7f: {  	v5 =	vld [tilespmem:$0xA0]  }
0x80: {  	v6 =	vld [tilespmem:$0xB0]  }
0x81: {  	v7 =	vld [tilespmem:$0xC0]  }
0x82: {  	v8 =	vld [tilespmem:$0xD0];
	v3 =	vsub.s32 v3, v0  }
0x83: {  	v9 =	vld [tilespmem:$0xE0];
	v4 =	vsub.s32 v4, v0;
	v3 =	vmin.u32 v3, $0x30D4  }
0x84: {  	[tilespmem:$0x100] =	vst v3;
	v3 =	vmin.u32 v4, $0x30D4;
	v4 =	vsub.s32 v5, v0;
	v5 =	vld [tilespmem:$0xF0]  }
0x85: {  	[tilespmem:$0x110] =	vst v3;
	v3 =	vmin.u32 v4, $0x30D4;
	v4 =	vsub.s32 v6, v0  }
0x86: {  	[tilespmem:$0x120] =	vst v3;
	v3 =	vmin.u32 v4, $0x30D4;
	v4 =	vsub.s32 v7, v0  }
0x87: {  	[tilespmem:$0x130] =	vst v3;
	v3 =	vmin.u32 v4, $0x30D4;
	v4 =	vsub.s32 v8, v0  }
0x88: {  	[tilespmem:$0x140] =	vst v3;
	v3 =	vmin.u32 v4, $0x30D4;
	v4 =	vsub.s32 v9, v0  }
0x89: {  	s11 =	sadd.s32 s11, s9;
	[tilespmem:$0x150] =	vst v3;
	v3 =	vmin.u32 v4, $0x30D4;
	v4 =	vsub.s32 v5, v0  }
0x8a: {  	s11 =	sshrl.u32 s11, $0x3;
	[tilespmem:$0x160] =	vst v3;
	v3 =	vmin.u32 v4, $0x30D4  }
0x8b: {  	s13 =	sadd.s32 s6, s11;
	[tilespmem:$0x170] =	vst v3  }
0x8c: {  	[tilespmem:s19], [sflag:$0x5] =	stream.linear.gather [hbm4b:s13+s0], $0x80, $0x38;
	[tilespmem:$0x1AD00] =	vst v63  }
0x8d: {  	_ =	swait.ge [sflag:s16], $0x80  }
0x8e: {  	[sflag:s16] =	ssyncset.done $0x0  }
0x8f: {  	s11 =	sadd.s32 s8, s11;
	[sflag:s16] =	ssyncadd.s32 $0xFFFFFF80  }
0x90: {  	[tilespmem:s20], [sflag:$0x5] =	stream.linear.gather [hbm4b:s11+s0], $0x80, $0x38;
	[tilespmem:$0x1AD00] =	vst v63  }
0x91: {  	_ =	swait.ge [sflag:s16], $0x80  }
0x92: {  	[sflag:s16] =	ssyncset.done $0x0  }
0x93: {  	[sflag:s16] =	ssyncadd.s32 $0xFFFFFF80  }
0x94: {  	[tilespmem:s21], [sflag:$0x3] =	stream.indirect.gather [hbm4b:s4+s17], $0x50, s19, s17, $0xb8;
	[tilespmem:$0x1AD00] =	vst v63  }
0x95: {  	_ = 	snop  }
0x96: {  	[tilespmem:s22], [sflag:$0x4] =	stream.indirect.gather [hbm4b:s5+s17], $0x10, s20, s17, $0xb8;
	[tilespmem:$0x1AD00] =	vst v63  }
0x97: {  	v3 =	vld [tilespmem:$0x5A00]  }
0x98: {  	v4 =	vld [tilespmem:$0x5A10]  }
0x99: {  	v5 =	vld [tilespmem:$0x5A20]  }
0x9a: {  	v60 =	vld [tilespmem:$0x5A30]  }
0x9b: {  	v61 =	vld [tilespmem:$0x5A40]  }
0x9c: {  	v62 =	vld [tilespmem:$0x5A50];
	v3 =	vsub.s32 v3, v0  }
0x9d: {  	v63 =	vld [tilespmem:$0x5A60];
	v4 =	vsub.s32 v4, v0;
	v3 =	vmin.u32 v3, $0x30D4  }
0x9e: {  	[tilespmem:$0x5A80] =	vst v3;
	v3 =	vmin.u32 v4, $0x30D4;
	v4 =	vsub.s32 v5, v0;
	v5 =	vld [tilespmem:$0x5A70]  }
0x9f: {  	[tilespmem:$0x5A90] =	vst v3;
	v3 =	vmin.u32 v4, $0x30D4;
	v4 =	vsub.s32 v60, v0  }
0xa0: {  	[tilespmem:$0x5AA0] =	vst v3;
	v3 =	vmin.u32 v4, $0x30D4;
	v4 =	vsub.s32 v61, v0  }
0xa1: {  	[tilespmem:$0x5AB0] =	vst v3;
	v3 =	vmin.u32 v4, $0x30D4;
	v4 =	vsub.s32 v62, v0  }
0xa2: {  	[tilespmem:$0x5AC0] =	vst v3;
	v3 =	vmin.u32 v4, $0x30D4;
	v4 =	vsub.s32 v63, v0  }
0xa3: {  	[tilespmem:$0x5AD0] =	vst v3;
	v3 =	vmin.u32 v4, $0x30D4;
	v4 =	vsub.s32 v5, v0  }
0xa4: {  	[tilespmem:$0x5AE0] =	vst v3;
	v3 =	vmin.u32 v4, $0x30D4  }
0xa5: {  	[tilespmem:$0x5AF0] =	vst v3  }
0xa6: {  	_ =	swait.ge [sflag:s23], $0x2800  }
0xa7: {  	[sflag:s23] =	ssyncset.done $0x0  }
0xa8: {  	[sflag:s23] =	ssyncadd.s32 $0xFFFFD800  }
0xa9: {  	_ =	swait.ge [sflag:s24], $0x800  }
0xaa: {  	[sflag:s24] =	ssyncset.done $0x0  }
0xab: {  	s11 =	simm.s32 $0x0;
	[sflag:s24] =	ssyncadd.s32 $0xFFFFF800  }
0xac: {  	s12 =	simm.s32 $0x140;
	v3 =	vld [tilespmem:s11+$0x1C0]  }
.LBB2_5:
0xad: {  	p0 =	sne.s32 s12, $0x9EC0;
	v4 =	vld [tilespmem:s10+$0x0];
	_ =	sdelay $0x4  }
0xae: {  	v3 =	vadd.f32 v4, v3;
	_ =	sdelay $0x1  }
0xaf: {  	v4 =	vmul.f32 $2.000000030e-01, v3  }
0xb0: {  	vm1 =	vgt.f32 v3, $0.0e+00  }
0xb1: {  	v3 =	vsel vm1, v3, v4  }
0xb2: {  	v3 =	vmul.f32 $1.442695020e+00, v3;
	_ =	sdelay $0x1  }
0xb3: {  	(erf) = vpow2.f32 v3;
	_ =	sdelay $0x4  }
0xb4: {  	v3 =	vld [tilespmem:s11+$0x180]  }
0xb5: {  	v4 =	vld [tilespmem:s11+$0x190]  }
0xb6: {  	v5 =	vld [tilespmem:s11+$0x1A0]  }
0xb7: {  	v6 =	vld [tilespmem:s11+$0x1B0]  }
0xb8: {  	v7 =	vpop (erf)  }
0xb9: {  	v8 =	vnsel vm0, $0x0, v7;
	v9 =	vbroadcast v7, $0x0;
	v10 =	vbroadcast v7, $0x1  }
0xba: {  	[tilespmem:s11+$0x31C0] =	vst v8;
	v8 =	vbroadcast v7, $0x2;
	v7 =	vbroadcast v7, $0x3  }
0xbb: {  	v3 =	vmul.f32 v9, v3;
	v4 =	vmul.f32 v10, v4  }
.Ltmp1:
0xbc: {  	v5 =	vmul.f32 v8, v5;
	v6 =	vmul.f32 v6, v7;
	(pc) =	sbr.rel @p0 .LBB2_5-.Ltmp1, $4  }
0xbd: {  	[tilespmem:s11+$0x3180] =	vst v3  }
0xbe: {  	[tilespmem:s11+$0x3190] =	vst v4  }
0xbf: {  	s13 =	sshra.s32 s12, $0x2;
	[tilespmem:s11+$0x31A0] =	vst v5  }
0xc0: {  	s12 =	sadd.s32 $0x140, s12;
	s10 =	sadd.s32 $0x10, s10;
	v3 =	vld [tilespmem:s13+$0x1C0];
	[tilespmem:s11+$0x31B0] =	vst v6;
	s11 =	smov.u32 s13  }
0xc1: {  	v4 =	vld [tilespmem:s10+$0x0];
	_ =	sdelay $0x4  }
0xc2: {  	v3 =	vadd.f32 v4, v3;
	_ =	sdelay $0x1  }
0xc3: {  	v4 =	vmul.f32 $2.000000030e-01, v3  }
0xc4: {  	vm1 =	vgt.f32 v3, $0.0e+00  }
0xc5: {  	v3 =	vsel vm1, v3, v4  }
0xc6: {  	v3 =	vmul.f32 $1.442695020e+00, v3;
	_ =	sdelay $0x1  }
0xc7: {  	(erf) = vpow2.f32 v3;
	_ =	sdelay $0x6  }
0xc8: {  	v3 =	vld [tilespmem:s11+$0x180]  }
0xc9: {  	v4 =	vld [tilespmem:s11+$0x190]  }
0xca: {  	v5 =	vld [tilespmem:s11+$0x1A0];
	v6 =	vpop (erf)  }
0xcb: {  	v7 =	vld [tilespmem:s11+$0x1B0];
	v8 =	vbroadcast v6, $0x0  }
0xcc: {  	v9 =	vbroadcast v6, $0x1  }
0xcd: {  	v10 =	vnsel vm0, $0x0, v6;
	v63 =	vbroadcast v6, $0x2;
	v3 =	vmul.f32 v8, v3  }
0xce: {  	v6 =	vbroadcast v6, $0x3;
	[tilespmem:s11+$0x31C0] =	vst v10;
	v4 =	vmul.f32 v9, v4  }
0xcf: {  	v5 =	vmul.f32 v63, v5;
	[tilespmem:s11+$0x3180] =	vst v3  }
0xd0: {  	v3 =	vmul.f32 v7, v6;
	[tilespmem:s11+$0x3190] =	vst v4  }
0xd1: {  	[tilespmem:s11+$0x31A0] =	vst v5  }
0xd2: {  	[tilespmem:s11+$0x31B0] =	vst v3  }
0xd3: {  	[spmem:s1] =	stream.indirect.scatter.add.f32 [tilespmem:s26], [sflag:$0x5], $0x50, s25, s17, $0xb8;
	[tilespmem:$0x1AD00] =	vst v63  }
0xd4: {  	_ =	swait.ge [sflag:s16], $0x2800  }
0xd5: {  	[sflag:s16] =	ssyncset.done $0x0  }
0xd6: {  	[sflag:s16] =	ssyncadd.s32 $0xFFFFD800  }
0xd7: {  	_ =	swait.ge [sflag:s28], $0x2800  }
0xd8: {  	[sflag:s28] =	ssyncset.done $0x0  }
0xd9: {  	[sflag:s28] =	ssyncadd.s32 $0xFFFFD800  }
0xda: {  	_ =	swait.ge [sflag:s29], $0x800  }
0xdb: {  	[sflag:s29] =	ssyncset.done $0x0  }
0xdc: {  	s10 =	simm.s32 $0x0;
	[sflag:s29] =	ssyncadd.s32 $0xFFFFF800  }
0xdd: {  	s12 =	simm.s32 $0x140;
	s11 =	simm.s32 $0x8300;
	v3 =	vld [tilespmem:s10+$0x5B40]  }
.LBB2_7:
0xde: {  	p0 =	sne.s32 s12, $0x9EC0;
	v4 =	vld [tilespmem:s11+$0x0];
	_ =	sdelay $0x4  }
0xdf: {  	v3 =	vadd.f32 v4, v3;
	_ =	sdelay $0x1  }
0xe0: {  	v4 =	vmul.f32 $2.000000030e-01, v3  }
0xe1: {  	vm1 =	vgt.f32 v3, $0.0e+00  }
0xe2: {  	v3 =	vsel vm1, v3, v4  }
0xe3: {  	v3 =	vmul.f32 $1.442695020e+00, v3;
	_ =	sdelay $0x1  }
0xe4: {  	(erf) = vpow2.f32 v3;
	_ =	sdelay $0x4  }
0xe5: {  	v3 =	vld [tilespmem:s10+$0x5B00]  }
0xe6: {  	v4 =	vld [tilespmem:s10+$0x5B10]  }
0xe7: {  	v5 =	vld [tilespmem:s10+$0x5B20]  }
0xe8: {  	v6 =	vld [tilespmem:s10+$0x5B30]  }
0xe9: {  	v7 =	vpop (erf)  }
0xea: {  	v8 =	vnsel vm0, $0x0, v7;
	v9 =	vbroadcast v7, $0x0;
	v10 =	vbroadcast v7, $0x1  }
0xeb: {  	[tilespmem:s10+$0x8B40] =	vst v8;
	v8 =	vbroadcast v7, $0x2;
	v7 =	vbroadcast v7, $0x3  }
0xec: {  	v3 =	vmul.f32 v9, v3;
	v4 =	vmul.f32 v10, v4  }
.Ltmp2:
0xed: {  	v5 =	vmul.f32 v8, v5;
	v6 =	vmul.f32 v6, v7;
	(pc) =	sbr.rel @p0 .LBB2_7-.Ltmp2, $4  }
0xee: {  	[tilespmem:s10+$0x8B00] =	vst v3  }
0xef: {  	[tilespmem:s10+$0x8B10] =	vst v4  }
0xf0: {  	s13 =	sshra.s32 s12, $0x2;
	[tilespmem:s10+$0x8B20] =	vst v5  }
0xf1: {  	s12 =	sadd.s32 $0x140, s12;
	s11 =	sadd.s32 $0x10, s11;
	v3 =	vld [tilespmem:s13+$0x5B40];
	[tilespmem:s10+$0x8B30] =	vst v6;
	s10 =	smov.u32 s13  }
0xf2: {  	v4 =	vld [tilespmem:s11+$0x0];
	_ =	sdelay $0x4  }
0xf3: {  	v3 =	vadd.f32 v4, v3;
	_ =	sdelay $0x1  }
0xf4: {  	v4 =	vmul.f32 $2.000000030e-01, v3  }
0xf5: {  	vm1 =	vgt.f32 v3, $0.0e+00  }
0xf6: {  	v3 =	vsel vm1, v3, v4  }
0xf7: {  	v3 =	vmul.f32 $1.442695020e+00, v3;
	_ =	sdelay $0x1  }
0xf8: {  	(erf) = vpow2.f32 v3;
	_ =	sdelay $0x6  }
0xf9: {  	v3 =	vld [tilespmem:s10+$0x5B00]  }
0xfa: {  	v62 =	vld [tilespmem:s10+$0x5B10]  }
0xfb: {  	v5 =	vld [tilespmem:s10+$0x5B20];
	v6 =	vpop (erf)  }
0xfc: {  	v7 =	vld [tilespmem:s10+$0x5B30];
	v8 =	vbroadcast v6, $0x0  }
0xfd: {  	v9 =	vbroadcast v6, $0x1  }
0xfe: {  	v10 =	vnsel vm0, $0x0, v6;
	v63 =	vbroadcast v6, $0x2;
	v3 =	vmul.f32 v8, v3  }
0xff: {  	v6 =	vbroadcast v6, $0x3;
	[tilespmem:s10+$0x8B40] =	vst v10;
	v4 =	vmul.f32 v9, v62  }
0x100: {  	v5 =	vmul.f32 v63, v5;
	[tilespmem:s10+$0x8B00] =	vst v3  }
0x101: {  	s3 =	sadd.s32 $0x1, s3;
	v3 =	vmul.f32 v7, v6;
	[tilespmem:s10+$0x8B10] =	vst v4  }
0x102: {  	p0 =	sne.s32 s3, $0xD0;
	[tilespmem:s10+$0x8B20] =	vst v5  }
.Ltmp3:
0x103: {  	[tilespmem:s10+$0x8B30] =	vst v3;
	(pc) =	sbr.rel @p0 .LBB2_4-.Ltmp3, $4  }
0x104: {  	[spmem:s1] =	stream.indirect.scatter.add.f32 [tilespmem:s31], [sflag:$0x5], $0x50, s30, s17, $0xb8;
	[tilespmem:$0x1AD00] =	vst v63  }
0x105: {  	_ =	swait.ge [sflag:s16], $0x2800  }
0x106: {  	[sflag:s16] =	ssyncset.done $0x0  }
0x107: {  	[sflag:s16] =	ssyncadd.s32 $0xFFFFD800  }
0x108: {  	s0 =	stileid.u32;
	[bflag:$0x0] =	sbarrier.arrive $0xFFFF  }
0x109: {  	s0 =	sshll.u32 s0, $0x6;
	s11 =	rddreg [dreg:$0x4]  }
0x10a: {  	s12 =	rddreg [dreg:$0x3];
	s3 =	sor.u32 $0x1C05, s0  }
0x10b: {  	s10 =	sshrl.u32 s11, $0x3;
	[dreg:$0x7] =	wrdreg s3  }
0x10c: {  	[dreg:$0x8] =	wrdreg s10  }
0x10d: {  	[hbm:s12], [sflag:s3] =	dma.local [spmem:s10], $0x1EA0  }
0x10e: {  	_ =	swait.ge [sflag:s16], $0x1EA0  }
0x10f: {  	[sflag:s16] =	ssyncset.done $0x0  }
0x110: {  	s13 =	sadd.s32 $0x0, s14;
	[sflag:s16] =	ssyncadd.s32 $0xFFFFE160  }
0x111: {  	[spmem:s13] =	stream.linear.scatter [tilespmem:s15], [sflag:$0x5], $0x500, $0x38;
	[tilespmem:$0x1AD00] =	vst v63  }
0x112: {  	s0 =	simm.s32 $0x1400;
	_ =	swait.ge [sflag:s16], $0x500  }
.LBB2_10:
0x113: {  	s10 =	sshra.s32 s0, $0x2;
	[sflag:s16] =	ssyncset.done $0x0;
	p0 =	sne.s32 s0, $0x3C000  }
.Ltmp4:
0x114: {  	s10 =	sadd.s32 s10, s14;
	[sflag:s16] =	ssyncadd.s32 $0xFFFFFB00;
	(pc) =	sbr.rel @p0 .LBB2_10-.Ltmp4, $3  }
0x115: {  	[spmem:s10] =	stream.linear.scatter [tilespmem:s15], [sflag:$0x5], $0x500, $0x38;
	[tilespmem:$0x1AD00] =	vst v63  }
0x116: {  	s0 =	sadd.s32 $0x1400, s0;
	_ =	sdelay $0x1  }
0x117: {  	_ =	swait.ge [sflag:s16], $0x500  }
0x118: {  	[sflag:s16] =	ssyncset.done $0x0  }
0x119: {  	[sflag:s16] =	ssyncadd.s32 $0xFFFFFB00  }
0x11a: {  	s10 =	simm.s32 $0x0;
	s11 =	simm.s32 $0x0;
	[bflag:$0x0] =	sbarrier.arrive $0xFFFF  }
.LBB2_12:
0x11b: {  	s0 =	sshll.u32 s11, $0x8  }
0x11c: {  	s12 =	sadd.s32 s7, s0  }
0x11d: {  	s12 =	sshrl.u32 s12, $0x3  }
0x11e: {  	s13 =	sadd.s32 s6, s12  }
0x11f: {  	[tilespmem:s10], [sflag:$0x5] =	stream.linear.gather [hbm4b:s13+s10], $0x80, $0x38;
	[tilespmem:$0x1AD00] =	vst v63  }
0x120: {  	_ =	swait.ge [sflag:s16], $0x80  }
0x121: {  	[sflag:s16] =	ssyncset.done $0x0  }
0x122: {  	s12 =	sadd.s32 s8, s12;
	[sflag:s16] =	ssyncadd.s32 $0xFFFFFF80  }
0x123: {  	[tilespmem:s17], [sflag:$0x5] =	stream.linear.gather [hbm4b:s12+s10], $0x80, $0x38;
	[tilespmem:$0x1AD00] =	vst v63  }
0x124: {  	_ =	swait.ge [sflag:s16], $0x80  }
0x125: {  	[sflag:s16] =	ssyncset.done $0x0  }
0x126: {  	[sflag:s16] =	ssyncadd.s32 $0xFFFFFF80  }
0x127: {  	[tilespmem:s18], [sflag:$0x1] =	stream.indirect.gather [hbm4b:s4+s17], $0x50, s10, s17, $0xb8;
	[tilespmem:$0x1AD00] =	vst v63  }
0x128: {  	s12 =	simm.s32 $0x2980  }
0x129: {  	[tilespmem:s12], [sflag:$0x2] =	stream.indirect.gather [hbm4b:s5+s17], $0x10, s17, s17, $0xb8;
	[tilespmem:$0x1AD00] =	vst v63  }
0x12a: {  	v3 =	vld [tilespmem:$0x80]  }
0x12b: {  	v4 =	vld [tilespmem:$0x90]  }
0x12c: {  	v5 =	vld [tilespmem:$0xA0]  }
0x12d: {  	v6 =	vld [tilespmem:$0xB0]  }
0x12e: {  	v7 =	vld [tilespmem:$0xC0]  }
0x12f: {  	v8 =	vld [tilespmem:$0xD0];
	v3 =	vsub.s32 v3, v1  }
0x130: {  	v9 =	vld [tilespmem:$0xE0];
	v4 =	vsub.s32 v4, v1;
	v3 =	vmin.u32 v3, $0x30D4  }
0x131: {  	[tilespmem:$0x100] =	vst v3;
	v3 =	vmin.u32 v4, $0x30D4;
	v4 =	vsub.s32 v5, v1;
	v5 =	vld [tilespmem:$0xF0]  }
0x132: {  	[tilespmem:$0x110] =	vst v3;
	v3 =	vmin.u32 v4, $0x30D4;
	v4 =	vsub.s32 v6, v1  }
0x133: {  	[tilespmem:$0x120] =	vst v3;
	v3 =	vmin.u32 v4, $0x30D4;
	v4 =	vsub.s32 v7, v1  }
0x134: {  	[tilespmem:$0x130] =	vst v3;
	v3 =	vmin.u32 v4, $0x30D4;
	v4 =	vsub.s32 v8, v1  }
0x135: {  	[tilespmem:$0x140] =	vst v3;
	v3 =	vmin.u32 v4, $0x30D4;
	v4 =	vsub.s32 v9, v1  }
0x136: {  	s0 =	sadd.s32 s0, s9;
	[tilespmem:$0x150] =	vst v3;
	v3 =	vmin.u32 v4, $0x30D4;
	v4 =	vsub.s32 v5, v1  }
0x137: {  	s0 =	sshrl.u32 s0, $0x3;
	[tilespmem:$0x160] =	vst v3;
	v3 =	vmin.u32 v4, $0x30D4  }
0x138: {  	s3 =	sadd.s32 s6, s0;
	[tilespmem:$0x170] =	vst v3  }
0x139: {  	[tilespmem:s19], [sflag:$0x5] =	stream.linear.gather [hbm4b:s3+s10], $0x80, $0x38;
	[tilespmem:$0x1AD00] =	vst v63  }
0x13a: {  	_ =	swait.ge [sflag:s16], $0x80  }
0x13b: {  	[sflag:s16] =	ssyncset.done $0x0  }
0x13c: {  	s0 =	sadd.s32 s8, s0;
	[sflag:s16] =	ssyncadd.s32 $0xFFFFFF80  }
0x13d: {  	[tilespmem:s20], [sflag:$0x5] =	stream.linear.gather [hbm4b:s0+s10], $0x80, $0x38;
	[tilespmem:$0x1AD00] =	vst v63  }
0x13e: {  	_ =	swait.ge [sflag:s16], $0x80  }
0x13f: {  	[sflag:s16] =	ssyncset.done $0x0  }
0x140: {  	[sflag:s16] =	ssyncadd.s32 $0xFFFFFF80  }
0x141: {  	[tilespmem:s21], [sflag:$0x3] =	stream.indirect.gather [hbm4b:s4+s17], $0x50, s19, s17, $0xb8;
	[tilespmem:$0x1AD00] =	vst v63  }
0x142: {  	_ = 	snop  }
0x143: {  	[tilespmem:s22], [sflag:$0x4] =	stream.indirect.gather [hbm4b:s5+s17], $0x10, s20, s17, $0xb8;
	[tilespmem:$0x1AD00] =	vst v63  }
0x144: {  	v3 =	vld [tilespmem:$0x5A00]  }
0x145: {  	v4 =	vld [tilespmem:$0x5A10]  }
0x146: {  	v5 =	vld [tilespmem:$0x5A20]  }
0x147: {  	v60 =	vld [tilespmem:$0x5A30]  }
0x148: {  	v61 =	vld [tilespmem:$0x5A40]  }
0x149: {  	v62 =	vld [tilespmem:$0x5A50];
	v3 =	vsub.s32 v3, v1  }
0x14a: {  	v63 =	vld [tilespmem:$0x5A60];
	v4 =	vsub.s32 v4, v1;
	v3 =	vmin.u32 v3, $0x30D4  }
0x14b: {  	[tilespmem:$0x5A80] =	vst v3;
	v3 =	vmin.u32 v4, $0x30D4;
	v4 =	vsub.s32 v5, v1;
	v5 =	vld [tilespmem:$0x5A70]  }
0x14c: {  	[tilespmem:$0x5A90] =	vst v3;
	v3 =	vmin.u32 v4, $0x30D4;
	v4 =	vsub.s32 v60, v1  }
0x14d: {  	[tilespmem:$0x5AA0] =	vst v3;
	v3 =	vmin.u32 v4, $0x30D4;
	v4 =	vsub.s32 v61, v1  }
0x14e: {  	[tilespmem:$0x5AB0] =	vst v3;
	v3 =	vmin.u32 v4, $0x30D4;
	v4 =	vsub.s32 v62, v1  }
0x14f: {  	[tilespmem:$0x5AC0] =	vst v3;
	v3 =	vmin.u32 v4, $0x30D4;
	v4 =	vsub.s32 v63, v1  }
0x150: {  	[tilespmem:$0x5AD0] =	vst v3;
	v3 =	vmin.u32 v4, $0x30D4;
	v4 =	vsub.s32 v5, v1  }
0x151: {  	[tilespmem:$0x5AE0] =	vst v3;
	v3 =	vmin.u32 v4, $0x30D4  }
0x152: {  	[tilespmem:$0x5AF0] =	vst v3  }
0x153: {  	_ =	swait.ge [sflag:s23], $0x2800  }
0x154: {  	[sflag:s23] =	ssyncset.done $0x0  }
0x155: {  	[sflag:s23] =	ssyncadd.s32 $0xFFFFD800  }
0x156: {  	_ =	swait.ge [sflag:s24], $0x800  }
0x157: {  	[sflag:s24] =	ssyncset.done $0x0  }
0x158: {  	s13 =	simm.s32 $0x0;
	[sflag:s24] =	ssyncadd.s32 $0xFFFFF800  }
0x159: {  	s0 =	simm.s32 $0x140;
	v3 =	vld [tilespmem:s13+$0x1C0]  }
.LBB2_13:
0x15a: {  	p0 =	sne.s32 s0, $0x9EC0;
	v4 =	vld [tilespmem:s12+$0x0];
	_ =	sdelay $0x4  }
0x15b: {  	v3 =	vadd.f32 v4, v3;
	_ =	sdelay $0x1  }
0x15c: {  	v4 =	vmul.f32 $2.000000030e-01, v3  }
0x15d: {  	vm1 =	vgt.f32 v3, $0.0e+00  }
0x15e: {  	v3 =	vsel vm1, v3, v4  }
0x15f: {  	v3 =	vmul.f32 $1.442695020e+00, v3;
	_ =	sdelay $0x1  }
0x160: {  	(erf) = vpow2.f32 v3;
	_ =	sdelay $0x4  }
0x161: {  	v3 =	vld [tilespmem:s13+$0x180]  }
0x162: {  	v4 =	vld [tilespmem:s13+$0x190]  }
0x163: {  	v5 =	vld [tilespmem:s13+$0x1A0]  }
0x164: {  	v6 =	vld [tilespmem:s13+$0x1B0]  }
0x165: {  	v7 =	vpop (erf)  }
0x166: {  	v8 =	vnsel vm0, $0x0, v7;
	v9 =	vbroadcast v7, $0x0;
	v10 =	vbroadcast v7, $0x1  }
0x167: {  	[tilespmem:s13+$0x31C0] =	vst v8;
	v8 =	vbroadcast v7, $0x2;
	v7 =	vbroadcast v7, $0x3  }
0x168: {  	v3 =	vmul.f32 v9, v3;
	v4 =	vmul.f32 v10, v4  }
.Ltmp5:
0x169: {  	v5 =	vmul.f32 v8, v5;
	v6 =	vmul.f32 v6, v7;
	(pc) =	sbr.rel @p0 .LBB2_13-.Ltmp5, $4  }
0x16a: {  	[tilespmem:s13+$0x3180] =	vst v3  }
0x16b: {  	[tilespmem:s13+$0x3190] =	vst v4  }
0x16c: {  	s3 =	sshra.s32 s0, $0x2;
	[tilespmem:s13+$0x31A0] =	vst v5  }
0x16d: {  	s0 =	sadd.s32 $0x140, s0;
	s12 =	sadd.s32 $0x10, s12;
	v3 =	vld [tilespmem:s3+$0x1C0];
	[tilespmem:s13+$0x31B0] =	vst v6;
	s13 =	smov.u32 s3  }
0x16e: {  	v4 =	vld [tilespmem:s12+$0x0];
	_ =	sdelay $0x4  }
0x16f: {  	v3 =	vadd.f32 v4, v3;
	_ =	sdelay $0x1  }
0x170: {  	v4 =	vmul.f32 $2.000000030e-01, v3  }
0x171: {  	vm1 =	vgt.f32 v3, $0.0e+00  }
0x172: {  	v3 =	vsel vm1, v3, v4  }
0x173: {  	v3 =	vmul.f32 $1.442695020e+00, v3;
	_ =	sdelay $0x1  }
0x174: {  	(erf) = vpow2.f32 v3;
	_ =	sdelay $0x6  }
0x175: {  	v3 =	vld [tilespmem:s13+$0x180]  }
0x176: {  	v4 =	vld [tilespmem:s13+$0x190]  }
0x177: {  	v5 =	vld [tilespmem:s13+$0x1A0];
	v6 =	vpop (erf)  }
0x178: {  	v7 =	vld [tilespmem:s13+$0x1B0];
	v8 =	vbroadcast v6, $0x0  }
0x179: {  	v9 =	vbroadcast v6, $0x1  }
0x17a: {  	v10 =	vnsel vm0, $0x0, v6;
	v63 =	vbroadcast v6, $0x2;
	v3 =	vmul.f32 v8, v3  }
0x17b: {  	v6 =	vbroadcast v6, $0x3;
	[tilespmem:s13+$0x31C0] =	vst v10;
	v4 =	vmul.f32 v9, v4  }
0x17c: {  	v5 =	vmul.f32 v63, v5;
	[tilespmem:s13+$0x3180] =	vst v3  }
0x17d: {  	v3 =	vmul.f32 v7, v6;
	[tilespmem:s13+$0x3190] =	vst v4  }
0x17e: {  	[tilespmem:s13+$0x31A0] =	vst v5  }
0x17f: {  	[tilespmem:s13+$0x31B0] =	vst v3  }
0x180: {  	[spmem:s1] =	stream.indirect.scatter.add.f32 [tilespmem:s26], [sflag:$0x5], $0x50, s25, s17, $0xb8;
	[tilespmem:$0x1AD00] =	vst v63  }
0x181: {  	_ =	swait.ge [sflag:s16], $0x2800  }
0x182: {  	[sflag:s16] =	ssyncset.done $0x0  }
0x183: {  	[sflag:s16] =	ssyncadd.s32 $0xFFFFD800  }
0x184: {  	_ =	swait.ge [sflag:s28], $0x2800  }
0x185: {  	[sflag:s28] =	ssyncset.done $0x0  }
0x186: {  	[sflag:s28] =	ssyncadd.s32 $0xFFFFD800  }
0x187: {  	_ =	swait.ge [sflag:s29], $0x800  }
0x188: {  	[sflag:s29] =	ssyncset.done $0x0  }
0x189: {  	s12 =	simm.s32 $0x0;
	[sflag:s29] =	ssyncadd.s32 $0xFFFFF800  }
0x18a: {  	s0 =	simm.s32 $0x140;
	s13 =	simm.s32 $0x8300;
	v3 =	vld [tilespmem:s12+$0x5B40]  }
.LBB2_15:
0x18b: {  	p0 =	sne.s32 s0, $0x9EC0;
	v4 =	vld [tilespmem:s13+$0x0];
	_ =	sdelay $0x4  }
0x18c: {  	v3 =	vadd.f32 v4, v3;
	_ =	sdelay $0x1  }
0x18d: {  	v4 =	vmul.f32 $2.000000030e-01, v3  }
0x18e: {  	vm1 =	vgt.f32 v3, $0.0e+00  }
0x18f: {  	v3 =	vsel vm1, v3, v4  }
0x190: {  	v3 =	vmul.f32 $1.442695020e+00, v3;
	_ =	sdelay $0x1  }
0x191: {  	(erf) = vpow2.f32 v3;
	_ =	sdelay $0x4  }
0x192: {  	v3 =	vld [tilespmem:s12+$0x5B00]  }
0x193: {  	v4 =	vld [tilespmem:s12+$0x5B10]  }
0x194: {  	v5 =	vld [tilespmem:s12+$0x5B20]  }
0x195: {  	v6 =	vld [tilespmem:s12+$0x5B30]  }
0x196: {  	v7 =	vpop (erf)  }
0x197: {  	v8 =	vnsel vm0, $0x0, v7;
	v9 =	vbroadcast v7, $0x0;
	v10 =	vbroadcast v7, $0x1  }
0x198: {  	[tilespmem:s12+$0x8B40] =	vst v8;
	v8 =	vbroadcast v7, $0x2;
	v7 =	vbroadcast v7, $0x3  }
0x199: {  	v3 =	vmul.f32 v9, v3;
	v4 =	vmul.f32 v10, v4  }
.Ltmp6:
0x19a: {  	v5 =	vmul.f32 v8, v5;
	v6 =	vmul.f32 v6, v7;
	(pc) =	sbr.rel @p0 .LBB2_15-.Ltmp6, $4  }
0x19b: {  	[tilespmem:s12+$0x8B00] =	vst v3  }
0x19c: {  	[tilespmem:s12+$0x8B10] =	vst v4  }
0x19d: {  	s3 =	sshra.s32 s0, $0x2;
	[tilespmem:s12+$0x8B20] =	vst v5  }
0x19e: {  	s0 =	sadd.s32 $0x140, s0;
	s13 =	sadd.s32 $0x10, s13;
	v3 =	vld [tilespmem:s3+$0x5B40];
	[tilespmem:s12+$0x8B30] =	vst v6;
	s12 =	smov.u32 s3  }
0x19f: {  	v4 =	vld [tilespmem:s13+$0x0];
	_ =	sdelay $0x4  }
0x1a0: {  	v3 =	vadd.f32 v4, v3;
	_ =	sdelay $0x1  }
0x1a1: {  	v4 =	vmul.f32 $2.000000030e-01, v3  }
0x1a2: {  	vm1 =	vgt.f32 v3, $0.0e+00  }
0x1a3: {  	v3 =	vsel vm1, v3, v4  }
0x1a4: {  	v3 =	vmul.f32 $1.442695020e+00, v3;
	_ =	sdelay $0x1  }
0x1a5: {  	(erf) = vpow2.f32 v3;
	_ =	sdelay $0x6  }
0x1a6: {  	v3 =	vld [tilespmem:s12+$0x5B00]  }
0x1a7: {  	v62 =	vld [tilespmem:s12+$0x5B10]  }
0x1a8: {  	v5 =	vld [tilespmem:s12+$0x5B20];
	v6 =	vpop (erf)  }
0x1a9: {  	v7 =	vld [tilespmem:s12+$0x5B30];
	v8 =	vbroadcast v6, $0x0  }
0x1aa: {  	v9 =	vbroadcast v6, $0x1  }
0x1ab: {  	v10 =	vnsel vm0, $0x0, v6;
	v63 =	vbroadcast v6, $0x2;
	v3 =	vmul.f32 v8, v3  }
0x1ac: {  	v6 =	vbroadcast v6, $0x3;
	[tilespmem:s12+$0x8B40] =	vst v10;
	v4 =	vmul.f32 v9, v62  }
0x1ad: {  	v5 =	vmul.f32 v63, v5;
	[tilespmem:s12+$0x8B00] =	vst v3  }
0x1ae: {  	s11 =	sadd.s32 $0x1, s11;
	v3 =	vmul.f32 v7, v6;
	[tilespmem:s12+$0x8B10] =	vst v4  }
0x1af: {  	p0 =	sne.s32 s11, $0xD0;
	[tilespmem:s12+$0x8B20] =	vst v5  }
.Ltmp7:
0x1b0: {  	[tilespmem:s12+$0x8B30] =	vst v3;
	(pc) =	sbr.rel @p0 .LBB2_12-.Ltmp7, $4  }
0x1b1: {  	[spmem:s1] =	stream.indirect.scatter.add.f32 [tilespmem:s31], [sflag:$0x5], $0x50, s30, s17, $0xb8;
	[tilespmem:$0x1AD00] =	vst v63  }
0x1b2: {  	_ =	swait.ge [sflag:s16], $0x2800  }
0x1b3: {  	[sflag:s16] =	ssyncset.done $0x0  }
0x1b4: {  	[sflag:s16] =	ssyncadd.s32 $0xFFFFD800  }
0x1b5: {  	[bflag:$0x0] =	sbarrier.arrive $0xFFFF  }
0x1b6: {  	s0 =	rddreg [dreg:$0x5]  }
0x1b7: {  	s3 =	rddreg [dreg:$0x7]  }
0x1b8: {  	s10 =	rddreg [dreg:$0x8]  }
0x1b9: {  	[hbm:s0], [sflag:s3] =	dma.local [spmem:s10], $0x1EA0  }
0x1ba: {  	_ =	swait.ge [sflag:s16], $0x1EA0  }
0x1bb: {  	s2 =	sadd.s32 $0x1, s2;
	s13 =	rddreg [dreg:$0x6]  }
0x1bc: {  	p0 =	sne.s32 s2, s13  }
.Ltmp8:
0x1bd: {  	_ = 	snop;
	(pc) =	sbr.rel @p0 .LBB2_1-.Ltmp8, $3  }
0x1be: {  	_ =	sdelay $0x1  }
0x1bf: {  	[sflag:s16] =	ssyncset.done $0x0  }
0x1c0: {  	[sflag:s16] =	ssyncadd.s32 $0xFFFFE160  }
0x1c1: {  	_ =	sfence.sel $0x180000  }
0x1c2: {  	[bflag:$0x0] =	sbarrier.arrive $0xFFFF  }
0x1c3: {  	_ =	strace $0x90000047  }
0x1c4: {  	s0 =	stileid.u32;
	[bflag:$0x2] =	sbarrier.arrive $0xFFFF  }
0x1c5: {  	p0 =	sne.s32 s0, $0x0;
	s0 =	rddreg [dreg:$0x2]  }
0x1c6: {  	s0 =	sadd.s32 @!p0 $0x100000, s0  }
0x1c7: {  	[sflag:s0] =	ssyncadd.tile.s32 @!p0 $0x1;
	_ =	shalt  }
.Lfunc_end2:
_tile_overlayer_lowered:
.L_overlay_start_2:
0x1c8: {  	(tag) =	ssettag $0x2  }
0x1c9: {  	s0 =	rddreg [dreg:$0x0];
	s2 =	stileid.u32  }
0x1ca: {  	s1 =	rddreg [dreg:$0x1];
	p0 =	sne.s32 s2, $0x0  }
0x1cb: {  	s3 =	rddreg [dreg:$0x2];
	[bflag:$0x3] =	sbarrier.arrive $0xFFFF;
	s2 =	simm.s32 @!p0 $0x1C05  }
0x1cc: {  	[timem:s3], [sflag:s2] =	dma.local @!p0 [hbm:s0], s1  }
0x1cd: {  	s0 =	simm.s32 @!p0 $0x5  }
0x1ce: {  	_ =	swait.ge @!p0 [sflag:s0], s1  }
0x1cf: {  	s1 =	ssub.s32 @!p0 $0x0, s1;
	[sflag:s0] =	ssyncset.done @!p0 $0x0  }
0x1d0: {  	[sflag:s0] =	ssyncadd.s32 @!p0 s1  }
0x1d1: {  	[bflag:$0x3] =	sbarrier.arrive $0xFFFF  }
0x1d2: {  	_ =	shalt  }

</sc_bundles>
